<compile_context>
chip_gen: v7x
topology: tpu7x:2x2x1
jax: 0.10.2.dev20260603
libtpu: 0.0.44.dev20260713+nightly
codegen_flags: <defaults>
</compile_context>

<pallas_src>
import functools

import jax
import jax.numpy as jnp
from jax import lax
from jax.experimental import pallas as pl
from jax.experimental.pallas import tpu as pltpu
from jax.experimental.pallas import tpu_sc as plsc

B = 16384
NC, NS = 2, 16
NW = NC * NS
BPW = B // NW
L = 16
NF_G = 32
NF_M = 16
N_ROWS = 1000000
N_MAIN = 999936
N_TAIL = N_ROWS - N_MAIN
T_MAX = N_MAIN // 128 - 1
RING = 4
RING_M = 4


def _iota16():
    return lax.iota(jnp.int32, L)


def _scalar_at(vec, b):
    return jnp.sum(jnp.where(_iota16() == b, vec, 0))


def _sc_gather_body(uids, iids, gut2, git2, mut2, mit2,
                    gu_o, gi_o, mu_o, mi_o,
                    uix, iix, gu_b, gi_b, mu_b, mi_b,
                    guv, giv, muv, miv, sems, msems, osem):
    wid = lax.axis_index("s") * NC + lax.axis_index("c")
    base = wid * BPW
    pltpu.sync_copy(uids.at[pl.ds(base, BPW)], uix.at[pl.ds(0, BPW)])
    pltpu.sync_copy(iids.at[pl.ds(base, BPW)], iix.at[pl.ds(0, BPW)])

    def fire_g(u, i, b):
        tu = jnp.minimum(lax.shift_right_logical(u, 7), T_MAX) * 128
        ti = jnp.minimum(lax.shift_right_logical(i, 7), T_MAX) * 128
        pltpu.async_copy(gut2.at[:, pl.ds(tu, 128)], gu_b.at[b], sems[b])
        pltpu.async_copy(git2.at[:, pl.ds(ti, 128)], gi_b.at[b], sems[b])

    def fire_m(u, i, m):
        tu = jnp.minimum(lax.shift_right_logical(u, 7), T_MAX) * 128
        ti = jnp.minimum(lax.shift_right_logical(i, 7), T_MAX) * 128
        pltpu.async_copy(mut2.at[:, pl.ds(tu, 128)], mu_b.at[m], msems[m])
        pltpu.async_copy(mit2.at[:, pl.ds(ti, 128)], mi_b.at[m], msems[m])

    def drain_g(b):
        pltpu.make_async_copy(gut2.at[:, pl.ds(0, 128)], gu_b.at[b], sems[b]).wait()
        pltpu.make_async_copy(git2.at[:, pl.ds(0, 128)], gi_b.at[b], sems[b]).wait()

    def drain_m(m):
        pltpu.make_async_copy(mut2.at[:, pl.ds(0, 128)], mu_b.at[m], msems[m]).wait()
        pltpu.make_async_copy(mit2.at[:, pl.ds(0, 128)], mi_b.at[m], msems[m]).wait()

    def extract(u, i, j, b, m):
        lu = jnp.minimum(u - jnp.minimum(lax.shift_right_logical(u, 7), T_MAX) * 128, 127)
        li = jnp.minimum(i - jnp.minimum(lax.shift_right_logical(i, 7), T_MAX) * 128, 127)
        rows = _iota16()
        jcol = jnp.full((L,), j, jnp.int32)
        lus = jnp.full((L,), lu, jnp.int32)
        lis = jnp.full((L,), li, jnp.int32)
        for h in range(2):
            v = plsc.load_gather(gu_b.at[b], [rows + h * L, lus])
            plsc.store_scatter(guv, [rows + h * L, jcol], v)
            v = plsc.load_gather(gi_b.at[b], [rows + h * L, lis])
            plsc.store_scatter(giv, [rows + h * L, jcol], v)
        v = plsc.load_gather(mu_b.at[m], [rows, lus])
        plsc.store_scatter(muv, [rows, jcol], v)
        v = plsc.load_gather(mi_b.at[m], [rows, lis])
        plsc.store_scatter(miv, [rows, jcol], v)

    uv0 = uix[pl.ds(0, L)]
    iv0 = iix[pl.ds(0, L)]
    for b in range(RING):
        fire_g(_scalar_at(uv0, b), _scalar_at(iv0, b), b)
    for m in range(RING_M):
        fire_m(_scalar_at(uv0, m), _scalar_at(iv0, m), m)

    def body(g, carry):
        uvc = uix[pl.ds(8 * g, L)]
        ivc = iix[pl.ds(8 * g, L)]
        for b in range(8):
            j = 8 * g + b
            sg = b % RING
            m = b % RING_M
            drain_g(sg)
            drain_m(m)
            extract(_scalar_at(uvc, b), _scalar_at(ivc, b), j, sg, m)

            @pl.when(j + RING < BPW)
            def _refire_g():
                fire_g(_scalar_at(uvc, b + RING), _scalar_at(ivc, b + RING), sg)

            @pl.when(j + RING_M < BPW)
            def _refire_m():
                fire_m(_scalar_at(uvc, b + RING_M), _scalar_at(ivc, b + RING_M), m)
        return carry

    lax.fori_loop(0, BPW // 8, body, 0)

    out_copies = [
        pltpu.async_copy(guv, gu_o.at[:, pl.ds(base, BPW)], osem),
        pltpu.async_copy(giv, gi_o.at[:, pl.ds(base, BPW)], osem),
        pltpu.async_copy(muv, mu_o.at[:, pl.ds(base, BPW)], osem),
        pltpu.async_copy(miv, mi_o.at[:, pl.ds(base, BPW)], osem),
    ]
    for cp in out_copies:
        cp.wait()


_sc_gather = functools.partial(
    pl.kernel,
    out_type=(
        jax.ShapeDtypeStruct((NF_G, B), jnp.float32),
        jax.ShapeDtypeStruct((NF_G, B), jnp.float32),
        jax.ShapeDtypeStruct((NF_M, B), jnp.float32),
        jax.ShapeDtypeStruct((NF_M, B), jnp.float32),
    ),
    mesh=plsc.VectorSubcoreMesh(core_axis_name="c", subcore_axis_name="s"),
    scratch_types=[
        pltpu.VMEM((BPW + L,), jnp.int32),
        pltpu.VMEM((BPW + L,), jnp.int32),
        pltpu.VMEM((RING, NF_G, 128), jnp.float32),
        pltpu.VMEM((RING, NF_G, 128), jnp.float32),
        pltpu.VMEM((RING_M, NF_M, 128), jnp.float32),
        pltpu.VMEM((RING_M, NF_M, 128), jnp.float32),
        pltpu.VMEM((NF_G, BPW), jnp.float32),
        pltpu.VMEM((NF_G, BPW), jnp.float32),
        pltpu.VMEM((NF_M, BPW), jnp.float32),
        pltpu.VMEM((NF_M, BPW), jnp.float32),
        [pltpu.SemaphoreType.DMA] * RING,
        [pltpu.SemaphoreType.DMA] * RING_M,
        pltpu.SemaphoreType.DMA,
    ],
    compiler_params=pltpu.CompilerParams(needs_layout_passes=False),
)(_sc_gather_body)


def _dense_body(gu, gi, mu, mi, uq, iq, gut_tl, git_tl, mut_tl, mit_tl,
                w1at, w1bt, b1, w2t, b2, w3t, b3,
                wpg, wph, bp, out):
    blk = uq.shape[1]
    iota = lax.broadcasted_iota(jnp.int32, (N_TAIL, blk), 0)
    oh_u = jnp.where(iota == (uq[...] - N_MAIN), 1.0, 0.0)
    oh_i = jnp.where(iota == (iq[...] - N_MAIN), 1.0, 0.0)
    m_u = uq[...] >= N_MAIN
    m_i = iq[...] >= N_MAIN
    gu = jnp.where(m_u, jnp.dot(gut_tl[...], oh_u, preferred_element_type=jnp.float32), gu[...])
    gi = jnp.where(m_i, jnp.dot(git_tl[...], oh_i, preferred_element_type=jnp.float32), gi[...])
    mu = jnp.where(m_u, jnp.dot(mut_tl[...], oh_u, preferred_element_type=jnp.float32), mu[...])
    mi = jnp.where(m_i, jnp.dot(mit_tl[...], oh_i, preferred_element_type=jnp.float32), mi[...])
    h = jnp.dot(w1at[...], mu[...], preferred_element_type=jnp.float32)
    h += jnp.dot(w1bt[...], mi[...], preferred_element_type=jnp.float32)
    h = jnp.maximum(h + b1[...], 0.0)
    h = jnp.maximum(jnp.dot(w2t[...], h, preferred_element_type=jnp.float32) + b2[...], 0.0)
    h = jnp.maximum(jnp.dot(w3t[...], h, preferred_element_type=jnp.float32) + b3[...], 0.0)
    g = gu[...] * gi[...]
    logit = jnp.dot(wpg[...], g, preferred_element_type=jnp.float32)
    logit += jnp.dot(wph[...], h, preferred_element_type=jnp.float32)
    logit += bp[...]
    out[...] = 1.0 / (1.0 + jnp.exp(-logit))


def kernel(user_ids, item_ids, gmf_user_table, gmf_item_table,
           mlp_user_table, mlp_item_table, W1, b1, W2, b2, W3, b3, Wp, bp):
    gu_t, gi_t, mu_t, mi_t = _sc_gather(
        user_ids.astype(jnp.int32), item_ids.astype(jnp.int32),
        gmf_user_table.T, gmf_item_table.T,
        mlp_user_table.T, mlp_item_table.T,
    )
    w1at = W1[:16, :].T
    w1bt = W1[16:, :].T
    uq = user_ids.astype(jnp.int32).reshape(1, B)
    iq = item_ids.astype(jnp.int32).reshape(1, B)
    gut_tl = gmf_user_table[N_MAIN:, :].T
    git_tl = gmf_item_table[N_MAIN:, :].T
    mut_tl = mlp_user_table[N_MAIN:, :].T
    mit_tl = mlp_item_table[N_MAIN:, :].T
    BLK = 4096
    full = lambda shape: pl.BlockSpec(shape, lambda i: (0, 0))
    col = lambda r: pl.BlockSpec((r, BLK), lambda i: (0, i))
    out_t = pl.pallas_call(
        _dense_body,
        grid=(B // BLK,),
        in_specs=[
            col(NF_G), col(NF_G), col(NF_M), col(NF_M),
            col(1), col(1),
            full((NF_G, N_TAIL)), full((NF_G, N_TAIL)),
            full((NF_M, N_TAIL)), full((NF_M, N_TAIL)),
            full((32, 16)), full((32, 16)), full((32, 1)),
            full((16, 32)), full((16, 1)),
            full((8, 16)), full((8, 1)),
            full((1, 32)), full((1, 8)), full((1, 1)),
        ],
        out_specs=col(1),
        out_shape=jax.ShapeDtypeStruct((1, B), jnp.float32),
    )(gu_t, gi_t, mu_t, mi_t, uq, iq, gut_tl, git_tl, mut_tl, mit_tl,
      w1at, w1bt, b1.reshape(32, 1), W2.T,
      b2.reshape(16, 1), W3.T, b3.reshape(8, 1), Wp[:32, 0].reshape(1, 32),
      Wp[32:, 0].reshape(1, 8), bp.reshape(1, 1))
    return out_t.reshape(B, 1)

# --- scband reference (transcript-rebuilt; emitter-appended) ---
"""Pipeline reference for scband-neural-matrix-factorization-28750511079510 (READ-ONLY COPY).

The authoritative reference and input builder live on the scoring server;
editing this copy changes nothing except your own understanding.
"""

import jax, jax.numpy as jnp
import numpy as np

N_USERS = 1000000
N_ITEMS = 1000000
FACTORS = 32
LAYERS = (32, 16, 8)
MLP_EMB = LAYERS[0] // 2  # 16
B = 16384


def setup_inputs(seed: int = 0) -> dict:
    key = jax.random.key(seed)
    ks = jax.random.split(key, 16)
    user_ids = jax.random.randint(ks[0], (B,), 0, N_USERS, dtype=jnp.int64 if jax.config.jax_enable_x64 else jnp.int32)
    item_ids = jax.random.randint(ks[1], (B,), 0, N_ITEMS, dtype=jnp.int64 if jax.config.jax_enable_x64 else jnp.int32)
    gmf_user_table = jax.random.normal(ks[2], (N_USERS, FACTORS), dtype=jnp.float32) * 0.05
    gmf_item_table = jax.random.normal(ks[3], (N_ITEMS, FACTORS), dtype=jnp.float32) * 0.05
    mlp_user_table = jax.random.normal(ks[4], (N_USERS, MLP_EMB), dtype=jnp.float32) * 0.05
    mlp_item_table = jax.random.normal(ks[5], (N_ITEMS, MLP_EMB), dtype=jnp.float32) * 0.05
    dims = [LAYERS[0]] + list(LAYERS)  # input 32 -> 32 -> 16 -> 8
    W1 = jax.random.normal(ks[6], (dims[0], dims[1]), dtype=jnp.float32) * (1.0 / np.sqrt(dims[0]))
    b1 = jnp.zeros((dims[1],), dtype=jnp.float32)
    W2 = jax.random.normal(ks[7], (dims[1], dims[2]), dtype=jnp.float32) * (1.0 / np.sqrt(dims[1]))
    b2 = jnp.zeros((dims[2],), dtype=jnp.float32)
    W3 = jax.random.normal(ks[8], (dims[2], dims[3]), dtype=jnp.float32) * (1.0 / np.sqrt(dims[2]))
    b3 = jnp.zeros((dims[3],), dtype=jnp.float32)
    Wp = jax.random.normal(ks[9], (FACTORS + LAYERS[-1], 1), dtype=jnp.float32) * (1.0 / np.sqrt(FACTORS + LAYERS[-1]))
    bp = jnp.zeros((1,), dtype=jnp.float32)
    return {
        "user_ids": user_ids,
        "item_ids": item_ids,
        "gmf_user_table": gmf_user_table,
        "gmf_item_table": gmf_item_table,
        "mlp_user_table": mlp_user_table,
        "mlp_item_table": mlp_item_table,
        "W1": W1, "b1": b1, "W2": W2, "b2": b2, "W3": W3, "b3": b3,
        "Wp": Wp, "bp": bp,
    }


def reference(user_ids, item_ids, gmf_user_table, gmf_item_table,
              mlp_user_table, mlp_item_table, W1, b1, W2, b2, W3, b3, Wp, bp):
    # MLP tower
    mlp_user_z = jnp.take(mlp_user_table, user_ids, axis=0)  # [B, 16]
    mlp_item_z = jnp.take(mlp_item_table, item_ids, axis=0)  # [B, 16]
    mlp_z = jnp.concatenate([mlp_user_z, mlp_item_z], axis=-1)  # [B, 32]
    mlp_z = jax.nn.relu(mlp_z @ W1 + b1)
    mlp_z = jax.nn.relu(mlp_z @ W2 + b2)
    mlp_z = jax.nn.relu(mlp_z @ W3 + b3)  # [B, 8]
    # GMF tower
    gmf_user_z = jnp.take(gmf_user_table, user_ids, axis=0)  # [B, 32]
    gmf_item_z = jnp.take(gmf_item_table, item_ids, axis=0)  # [B, 32]
    gmf_z = gmf_user_z * gmf_item_z  # [B, 32]
    # Fusion + prediction
    z = jnp.concatenate([gmf_z, mlp_z], axis=-1)  # [B, 40]
    out = jax.nn.sigmoid(z @ Wp + bp)  # [B, 1]
    return out

if __name__ == "__main__":
    import jax
    _d = setup_inputs()
    print(jax.jit(kernel)(*tuple(_d.values())))

</pallas_src>

<mosaic_0001>
#map = affine_map<(d0, d1) -> (0)>
#map1 = affine_map<(d0, d1) -> (0, 0)>
module attributes {stable_mosaic.version = 14 : i64} {
  func.func @_sc_gather_body(%arg0: i32, %arg1: i32, %arg2: memref<16384xi32, #tpu.memory_space<hbm>>, %arg3: memref<16384xi32, #tpu.memory_space<hbm>>, %arg4: memref<32x1000000xf32, #tpu.memory_space<hbm>>, %arg5: memref<32x1000000xf32, #tpu.memory_space<hbm>>, %arg6: memref<16x1000000xf32, #tpu.memory_space<hbm>>, %arg7: memref<16x1000000xf32, #tpu.memory_space<hbm>>, %arg8: memref<32x16384xf32, #tpu.memory_space<hbm>>, %arg9: memref<32x16384xf32, #tpu.memory_space<hbm>>, %arg10: memref<16x16384xf32, #tpu.memory_space<hbm>>, %arg11: memref<16x16384xf32, #tpu.memory_space<hbm>>, %arg12: memref<528xi32, #tpu.memory_space<vmem>>, %arg13: memref<528xi32, #tpu.memory_space<vmem>>, %arg14: memref<4x32x128xf32, #tpu.memory_space<vmem>>, %arg15: memref<4x32x128xf32, #tpu.memory_space<vmem>>, %arg16: memref<4x16x128xf32, #tpu.memory_space<vmem>>, %arg17: memref<4x16x128xf32, #tpu.memory_space<vmem>>, %arg18: memref<32x512xf32, #tpu.memory_space<vmem>>, %arg19: memref<32x512xf32, #tpu.memory_space<vmem>>, %arg20: memref<16x512xf32, #tpu.memory_space<vmem>>, %arg21: memref<16x512xf32, #tpu.memory_space<vmem>>, %arg22: memref<!tpu.dma_semaphore, #tpu.memory_space<semaphore_mem>>, %arg23: memref<!tpu.dma_semaphore, #tpu.memory_space<semaphore_mem>>, %arg24: memref<!tpu.dma_semaphore, #tpu.memory_space<semaphore_mem>>, %arg25: memref<!tpu.dma_semaphore, #tpu.memory_space<semaphore_mem>>, %arg26: memref<!tpu.dma_semaphore, #tpu.memory_space<semaphore_mem>>, %arg27: memref<!tpu.dma_semaphore, #tpu.memory_space<semaphore_mem>>, %arg28: memref<!tpu.dma_semaphore, #tpu.memory_space<semaphore_mem>>, %arg29: memref<!tpu.dma_semaphore, #tpu.memory_space<semaphore_mem>>, %arg30: memref<!tpu.dma_semaphore, #tpu.memory_space<semaphore_mem>>) attributes {dimension_semantics = [#tpu.dimension_semantics<core_parallel>, #tpu.dimension_semantics<subcore_parallel>], iteration_bounds = array<i64: 2, 16>, scalar_prefetch = 0 : i64, scratch_operands = 19 : i64, tpu.core_type = #tpu.core_type<sc_vector_subcore>, window_params = [{transform_indices = #map}, {transform_indices = #map}, {transform_indices = #map1}, {transform_indices = #map1}, {transform_indices = #map1}, {transform_indices = #map1}, {transform_indices = #map1}, {transform_indices = #map1}, {transform_indices = #map1}, {transform_indices = #map1}]} {
    %mul3A = arith.constant 2 : i32
    %mul3A_0 = arith.muli %arg1, %mul3A : i32
    %add3A = arith.addi %mul3A_0, %arg0 : i32
    %mul3A_1 = arith.constant 512 : i32
    %mul3A_2 = arith.muli %add3A, %mul3A_1 : i32
    "tpu.region"() ({
      %run_scoped3A = tpu.sem_alloc : memref<!tpu.dma_semaphore, #tpu.memory_space<semaphore_mem>>
      %dma_start3A_513 = arith.constant 0 : i32
      %dma_start3A_514 = tpu.memref_slice %arg12[%dma_start3A_513] : memref<528xi32, #tpu.memory_space<vmem>> -> memref<512xi32, #tpu.memory_space<vmem>>
      %dma_start3A_515 = tpu.memref_slice %arg2[%mul3A_2] : memref<16384xi32, #tpu.memory_space<hbm>> -> memref<512xi32, #tpu.memory_space<hbm>>
      %dma_start3A_516 = arith.constant 0 : i32
      %dma_start3A_517 = tpu.memref_slice %arg12[%dma_start3A_516] : memref<528xi32, #tpu.memory_space<vmem>> -> memref<512xi32, #tpu.memory_space<vmem>>
      %dma_start3A_518 = tpu.memref_slice %arg2[%mul3A_2] : memref<16384xi32, #tpu.memory_space<hbm>> -> memref<512xi32, #tpu.memory_space<hbm>>
      tpu.enqueue_dma source(%dma_start3A_518 : memref<512xi32, #tpu.memory_space<hbm>>) target(%dma_start3A_517 : memref<512xi32, #tpu.memory_space<vmem>>) target_semaphore(%run_scoped3A : memref<!tpu.dma_semaphore, #tpu.memory_space<semaphore_mem>>)
      %dma_wait3A_519 = arith.constant 0 : i32
      %dma_wait3A_520 = tpu.memref_slice %arg12[%dma_wait3A_519] : memref<528xi32, #tpu.memory_space<vmem>> -> memref<512xi32, #tpu.memory_space<vmem>>
      %dma_wait3A_521 = tpu.memref_slice %arg2[%mul3A_2] : memref<16384xi32, #tpu.memory_space<hbm>> -> memref<512xi32, #tpu.memory_space<hbm>>
      %dma_wait3A_522 = arith.constant 0 : i32
      %dma_wait3A_523 = tpu.memref_slice %arg12[%dma_wait3A_522] : memref<528xi32, #tpu.memory_space<vmem>> -> memref<512xi32, #tpu.memory_space<vmem>>
      %dma_wait3A_524 = tpu.memref_slice %arg2[%mul3A_2] : memref<16384xi32, #tpu.memory_space<hbm>> -> memref<512xi32, #tpu.memory_space<hbm>>
      tpu.wait_dma2 semaphore(%run_scoped3A : memref<!tpu.dma_semaphore, #tpu.memory_space<semaphore_mem>>) src(%dma_wait3A_524 : memref<512xi32, #tpu.memory_space<hbm>>) dst(%dma_wait3A_523 : memref<512xi32, #tpu.memory_space<vmem>>)
      tpu.yield
    }) : () -> ()
    "tpu.region"() ({
      %run_scoped3A = tpu.sem_alloc : memref<!tpu.dma_semaphore, #tpu.memory_space<semaphore_mem>>
      %dma_start3A_513 = arith.constant 0 : i32
      %dma_start3A_514 = tpu.memref_slice %arg13[%dma_start3A_513] : memref<528xi32, #tpu.memory_space<vmem>> -> memref<512xi32, #tpu.memory_space<vmem>>
      %dma_start3A_515 = tpu.memref_slice %arg3[%mul3A_2] : memref<16384xi32, #tpu.memory_space<hbm>> -> memref<512xi32, #tpu.memory_space<hbm>>
      %dma_start3A_516 = arith.constant 0 : i32
      %dma_start3A_517 = tpu.memref_slice %arg13[%dma_start3A_516] : memref<528xi32, #tpu.memory_space<vmem>> -> memref<512xi32, #tpu.memory_space<vmem>>
      %dma_start3A_518 = tpu.memref_slice %arg3[%mul3A_2] : memref<16384xi32, #tpu.memory_space<hbm>> -> memref<512xi32, #tpu.memory_space<hbm>>
      tpu.enqueue_dma source(%dma_start3A_518 : memref<512xi32, #tpu.memory_space<hbm>>) target(%dma_start3A_517 : memref<512xi32, #tpu.memory_space<vmem>>) target_semaphore(%run_scoped3A : memref<!tpu.dma_semaphore, #tpu.memory_space<semaphore_mem>>)
      %dma_wait3A_519 = arith.constant 0 : i32
      %dma_wait3A_520 = tpu.memref_slice %arg13[%dma_wait3A_519] : memref<528xi32, #tpu.memory_space<vmem>> -> memref<512xi32, #tpu.memory_space<vmem>>
      %dma_wait3A_521 = tpu.memref_slice %arg3[%mul3A_2] : memref<16384xi32, #tpu.memory_space<hbm>> -> memref<512xi32, #tpu.memory_space<hbm>>
      %dma_wait3A_522 = arith.constant 0 : i32
      %dma_wait3A_523 = tpu.memref_slice %arg13[%dma_wait3A_522] : memref<528xi32, #tpu.memory_space<vmem>> -> memref<512xi32, #tpu.memory_space<vmem>>
      %dma_wait3A_524 = tpu.memref_slice %arg3[%mul3A_2] : memref<16384xi32, #tpu.memory_space<hbm>> -> memref<512xi32, #tpu.memory_space<hbm>>
      tpu.wait_dma2 semaphore(%run_scoped3A : memref<!tpu.dma_semaphore, #tpu.memory_space<semaphore_mem>>) src(%dma_wait3A_524 : memref<512xi32, #tpu.memory_space<hbm>>) dst(%dma_wait3A_523 : memref<512xi32, #tpu.memory_space<vmem>>)
      tpu.yield
    }) : () -> ()
    %get3A = arith.constant 0 : index
    %get3A_3 = tpu.vector_load %arg12[%get3A] {strides = array<i32>} : memref<528xi32, #tpu.memory_space<vmem>>, vector<16xi32>,
    %get3A_4 = arith.constant 0 : index
    %get3A_5 = tpu.vector_load %arg13[%get3A_4] {strides = array<i32>} : memref<528xi32, #tpu.memory_space<vmem>>, vector<16xi32>,
    %iota3A = tpu.iota {dimensions = array<i32: 0>} : vector<16xi32>
    %eq3A = arith.constant 0 : i32
    %eq3A_6 = vector.broadcast %eq3A : i32 to vector<16xi32>
    %eq3A_7 = arith.cmpi eq, %iota3A, %eq3A_6 : vector<16xi32>
    %jit3A = arith.constant 0 : i32
    %broadcast_in_dim3A = vector.broadcast %jit3A : i32 to vector<16xi32>
    %select_n3A = arith.select %eq3A_7, %get3A_3, %broadcast_in_dim3A : vector<16xi1>, vector<16xi32>
    %reduce_sum3A = arith.constant true
    %reduce_sum3A_8 = vector.broadcast %reduce_sum3A : i1 to vector<16xi1>
    %reduce_sum3A_9 = tpu.scan <sum>, %select_n3A masked %reduce_sum3A_8 : vector<16xi32>, vector<16xi1> -> vector<16xi32>
    %reduce_sum3A_10 = vector.extract %reduce_sum3A_9[15] : i32 from vector<16xi32>
    %iota3A_11 = tpu.iota {dimensions = array<i32: 0>} : vector<16xi32>
    %eq3A_12 = arith.constant 0 : i32
    %eq3A_13 = vector.broadcast %eq3A_12 : i32 to vector<16xi32>
    %eq3A_14 = arith.cmpi eq, %iota3A_11, %eq3A_13 : vector<16xi32>
    %jit3A_15 = arith.constant 0 : i32
    %broadcast_in_dim3A_16 = vector.broadcast %jit3A_15 : i32 to vector<16xi32>
    %select_n3A_17 = arith.select %eq3A_14, %get3A_5, %broadcast_in_dim3A_16 : vector<16xi1>, vector<16xi32>
    %reduce_sum3A_18 = arith.constant true
    %reduce_sum3A_19 = vector.broadcast %reduce_sum3A_18 : i1 to vector<16xi1>
    %reduce_sum3A_20 = tpu.scan <sum>, %select_n3A_17 masked %reduce_sum3A_19 : vector<16xi32>, vector<16xi1> -> vector<16xi32>
    %reduce_sum3A_21 = vector.extract %reduce_sum3A_20[15] : i32 from vector<16xi32>
    %shift_right_logical3A = arith.constant 7 : i32
    %shift_right_logical3A_22 = arith.shrui %reduce_sum3A_10, %shift_right_logical3A : i32
    %min3A = arith.constant 7811 : i32
    %min3A_23 = arith.minsi %shift_right_logical3A_22, %min3A : i32
    %mul3A_24 = arith.constant 128 : i32
    %mul3A_25 = arith.muli %min3A_23, %mul3A_24 : i32
    %shift_right_logical3A_26 = arith.constant 7 : i32
    %shift_right_logical3A_27 = arith.shrui %reduce_sum3A_21, %shift_right_logical3A_26 : i32
    %min3A_28 = arith.constant 7811 : i32
    %min3A_29 = arith.minsi %shift_right_logical3A_27, %min3A_28 : i32
    %mul3A_30 = arith.constant 128 : i32
    %mul3A_31 = arith.muli %min3A_29, %mul3A_30 : i32
    %dma_start3A = arith.constant 0 : i32
    %dma_start3A_32 = arith.constant 0 : i32
    %dma_start3A_33 = arith.constant 0 : i32
    %dma_start3A_34 = tpu.memref_slice %arg14[%dma_start3A, %dma_start3A_32, %dma_start3A_33] : memref<4x32x128xf32, #tpu.memory_space<vmem>> -> memref<1x32x128xf32, #tpu.memory_space<vmem>>
    %dma_start3A_35 = tpu.memref_squeeze %dma_start3A_34 : memref<1x32x128xf32, #tpu.memory_space<vmem>> -> memref<32x128xf32, #tpu.memory_space<vmem>>
    %dma_start3A_36 = arith.constant 0 : i32
    %dma_start3A_37 = tpu.memref_slice %arg4[%dma_start3A_36, %mul3A_25] : memref<32x1000000xf32, #tpu.memory_space<hbm>> -> memref<32x128xf32, #tpu.memory_space<hbm>>
    %dma_start3A_38 = arith.constant 0 : i32
    %dma_start3A_39 = arith.constant 0 : i32
    %dma_start3A_40 = tpu.memref_slice %arg14[%dma_start3A, %dma_start3A_38, %dma_start3A_39] : memref<4x32x128xf32, #tpu.memory_space<vmem>> -> memref<1x32x128xf32, #tpu.memory_space<vmem>>
    %dma_start3A_41 = tpu.memref_squeeze %dma_start3A_40 : memref<1x32x128xf32, #tpu.memory_space<vmem>> -> memref<32x128xf32, #tpu.memory_space<vmem>>
    %dma_start3A_42 = arith.constant 0 : i32
    %dma_start3A_43 = tpu.memref_slice %arg4[%dma_start3A_42, %mul3A_25] : memref<32x1000000xf32, #tpu.memory_space<hbm>> -> memref<32x128xf32, #tpu.memory_space<hbm>>
    tpu.enqueue_dma source(%dma_start3A_43 : memref<32x128xf32, #tpu.memory_space<hbm>>) target(%dma_start3A_41 : memref<32x128xf32, #tpu.memory_space<vmem>>) target_semaphore(%arg22 : memref<!tpu.dma_semaphore, #tpu.memory_space<semaphore_mem>>)
    %dma_start3A_44 = arith.constant 0 : i32
    %dma_start3A_45 = arith.constant 0 : i32
    %dma_start3A_46 = arith.constant 0 : i32
    %dma_start3A_47 = tpu.memref_slice %arg15[%dma_start3A_44, %dma_start3A_45, %dma_start3A_46] : memref<4x32x128xf32, #tpu.memory_space<vmem>> -> memref<1x32x128xf32, #tpu.memory_space<vmem>>
    %dma_start3A_48 = tpu.memref_squeeze %dma_start3A_47 : memref<1x32x128xf32, #tpu.memory_space<vmem>> -> memref<32x128xf32, #tpu.memory_space<vmem>>
    %dma_start3A_49 = arith.constant 0 : i32
    %dma_start3A_50 = tpu.memref_slice %arg5[%dma_start3A_49, %mul3A_31] : memref<32x1000000xf32, #tpu.memory_space<hbm>> -> memref<32x128xf32, #tpu.memory_space<hbm>>
    %dma_start3A_51 = arith.constant 0 : i32
    %dma_start3A_52 = arith.constant 0 : i32
    %dma_start3A_53 = tpu.memref_slice %arg15[%dma_start3A_44, %dma_start3A_51, %dma_start3A_52] : memref<4x32x128xf32, #tpu.memory_space<vmem>> -> memref<1x32x128xf32, #tpu.memory_space<vmem>>
    %dma_start3A_54 = tpu.memref_squeeze %dma_start3A_53 : memref<1x32x128xf32, #tpu.memory_space<vmem>> -> memref<32x128xf32, #tpu.memory_space<vmem>>
    %dma_start3A_55 = arith.constant 0 : i32
    %dma_start3A_56 = tpu.memref_slice %arg5[%dma_start3A_55, %mul3A_31] : memref<32x1000000xf32, #tpu.memory_space<hbm>> -> memref<32x128xf32, #tpu.memory_space<hbm>>
    tpu.enqueue_dma source(%dma_start3A_56 : memref<32x128xf32, #tpu.memory_space<hbm>>) target(%dma_start3A_54 : memref<32x128xf32, #tpu.memory_space<vmem>>) target_semaphore(%arg22 : memref<!tpu.dma_semaphore, #tpu.memory_space<semaphore_mem>>)
    %iota3A_57 = tpu.iota {dimensions = array<i32: 0>} : vector<16xi32>
    %eq3A_58 = arith.constant 1 : i32
    %eq3A_59 = vector.broadcast %eq3A_58 : i32 to vector<16xi32>
    %eq3A_60 = arith.cmpi eq, %iota3A_57, %eq3A_59 : vector<16xi32>
    %jit3A_61 = arith.constant 0 : i32
    %broadcast_in_dim3A_62 = vector.broadcast %jit3A_61 : i32 to vector<16xi32>
    %select_n3A_63 = arith.select %eq3A_60, %get3A_3, %broadcast_in_dim3A_62 : vector<16xi1>, vector<16xi32>
    %reduce_sum3A_64 = arith.constant true
    %reduce_sum3A_65 = vector.broadcast %reduce_sum3A_64 : i1 to vector<16xi1>
    %reduce_sum3A_66 = tpu.scan <sum>, %select_n3A_63 masked %reduce_sum3A_65 : vector<16xi32>, vector<16xi1> -> vector<16xi32>
    %reduce_sum3A_67 = vector.extract %reduce_sum3A_66[15] : i32 from vector<16xi32>
    %iota3A_68 = tpu.iota {dimensions = array<i32: 0>} : vector<16xi32>
    %eq3A_69 = arith.constant 1 : i32
    %eq3A_70 = vector.broadcast %eq3A_69 : i32 to vector<16xi32>
    %eq3A_71 = arith.cmpi eq, %iota3A_68, %eq3A_70 : vector<16xi32>
    %jit3A_72 = arith.constant 0 : i32
    %broadcast_in_dim3A_73 = vector.broadcast %jit3A_72 : i32 to vector<16xi32>
    %select_n3A_74 = arith.select %eq3A_71, %get3A_5, %broadcast_in_dim3A_73 : vector<16xi1>, vector<16xi32>
    %reduce_sum3A_75 = arith.constant true
    %reduce_sum3A_76 = vector.broadcast %reduce_sum3A_75 : i1 to vector<16xi1>
    %reduce_sum3A_77 = tpu.scan <sum>, %select_n3A_74 masked %reduce_sum3A_76 : vector<16xi32>, vector<16xi1> -> vector<16xi32>
    %reduce_sum3A_78 = vector.extract %reduce_sum3A_77[15] : i32 from vector<16xi32>
    %shift_right_logical3A_79 = arith.constant 7 : i32
    %shift_right_logical3A_80 = arith.shrui %reduce_sum3A_67, %shift_right_logical3A_79 : i32
    %min3A_81 = arith.constant 7811 : i32
    %min3A_82 = arith.minsi %shift_right_logical3A_80, %min3A_81 : i32
    %mul3A_83 = arith.constant 128 : i32
    %mul3A_84 = arith.muli %min3A_82, %mul3A_83 : i32
    %shift_right_logical3A_85 = arith.constant 7 : i32
    %shift_right_logical3A_86 = arith.shrui %reduce_sum3A_78, %shift_right_logical3A_85 : i32
    %min3A_87 = arith.constant 7811 : i32
    %min3A_88 = arith.minsi %shift_right_logical3A_86, %min3A_87 : i32
    %mul3A_89 = arith.constant 128 : i32
    %mul3A_90 = arith.muli %min3A_88, %mul3A_89 : i32
    %dma_start3A_91 = arith.constant 1 : i32
    %dma_start3A_92 = arith.constant 0 : i32
    %dma_start3A_93 = arith.constant 0 : i32
    %dma_start3A_94 = tpu.memref_slice %arg14[%dma_start3A_91, %dma_start3A_92, %dma_start3A_93] : memref<4x32x128xf32, #tpu.memory_space<vmem>> -> memref<1x32x128xf32, #tpu.memory_space<vmem>>
    %dma_start3A_95 = tpu.memref_squeeze %dma_start3A_94 : memref<1x32x128xf32, #tpu.memory_space<vmem>> -> memref<32x128xf32, #tpu.memory_space<vmem>>
    %dma_start3A_96 = arith.constant 0 : i32
    %dma_start3A_97 = tpu.memref_slice %arg4[%dma_start3A_96, %mul3A_84] : memref<32x1000000xf32, #tpu.memory_space<hbm>> -> memref<32x128xf32, #tpu.memory_space<hbm>>
    %dma_start3A_98 = arith.constant 0 : i32
    %dma_start3A_99 = arith.constant 0 : i32
    %dma_start3A_100 = tpu.memref_slice %arg14[%dma_start3A_91, %dma_start3A_98, %dma_start3A_99] : memref<4x32x128xf32, #tpu.memory_space<vmem>> -> memref<1x32x128xf32, #tpu.memory_space<vmem>>
    %dma_start3A_101 = tpu.memref_squeeze %dma_start3A_100 : memref<1x32x128xf32, #tpu.memory_space<vmem>> -> memref<32x128xf32, #tpu.memory_space<vmem>>
    %dma_start3A_102 = arith.constant 0 : i32
    %dma_start3A_103 = tpu.memref_slice %arg4[%dma_start3A_102, %mul3A_84] : memref<32x1000000xf32, #tpu.memory_space<hbm>> -> memref<32x128xf32, #tpu.memory_space<hbm>>
    tpu.enqueue_dma source(%dma_start3A_103 : memref<32x128xf32, #tpu.memory_space<hbm>>) target(%dma_start3A_101 : memref<32x128xf32, #tpu.memory_space<vmem>>) target_semaphore(%arg23 : memref<!tpu.dma_semaphore, #tpu.memory_space<semaphore_mem>>)
    %dma_start3A_104 = arith.constant 1 : i32
    %dma_start3A_105 = arith.constant 0 : i32
    %dma_start3A_106 = arith.constant 0 : i32
    %dma_start3A_107 = tpu.memref_slice %arg15[%dma_start3A_104, %dma_start3A_105, %dma_start3A_106] : memref<4x32x128xf32, #tpu.memory_space<vmem>> -> memref<1x32x128xf32, #tpu.memory_space<vmem>>
    %dma_start3A_108 = tpu.memref_squeeze %dma_start3A_107 : memref<1x32x128xf32, #tpu.memory_space<vmem>> -> memref<32x128xf32, #tpu.memory_space<vmem>>
    %dma_start3A_109 = arith.constant 0 : i32
    %dma_start3A_110 = tpu.memref_slice %arg5[%dma_start3A_109, %mul3A_90] : memref<32x1000000xf32, #tpu.memory_space<hbm>> -> memref<32x128xf32, #tpu.memory_space<hbm>>
    %dma_start3A_111 = arith.constant 0 : i32
    %dma_start3A_112 = arith.constant 0 : i32
    %dma_start3A_113 = tpu.memref_slice %arg15[%dma_start3A_104, %dma_start3A_111, %dma_start3A_112] : memref<4x32x128xf32, #tpu.memory_space<vmem>> -> memref<1x32x128xf32, #tpu.memory_space<vmem>>
    %dma_start3A_114 = tpu.memref_squeeze %dma_start3A_113 : memref<1x32x128xf32, #tpu.memory_space<vmem>> -> memref<32x128xf32, #tpu.memory_space<vmem>>
    %dma_start3A_115 = arith.constant 0 : i32
    %dma_start3A_116 = tpu.memref_slice %arg5[%dma_start3A_115, %mul3A_90] : memref<32x1000000xf32, #tpu.memory_space<hbm>> -> memref<32x128xf32, #tpu.memory_space<hbm>>
    tpu.enqueue_dma source(%dma_start3A_116 : memref<32x128xf32, #tpu.memory_space<hbm>>) target(%dma_start3A_114 : memref<32x128xf32, #tpu.memory_space<vmem>>) target_semaphore(%arg23 : memref<!tpu.dma_semaphore, #tpu.memory_space<semaphore_mem>>)
    %iota3A_117 = tpu.iota {dimensions = array<i32: 0>} : vector<16xi32>
    %eq3A_118 = arith.constant 2 : i32
    %eq3A_119 = vector.broadcast %eq3A_118 : i32 to vector<16xi32>
    %eq3A_120 = arith.cmpi eq, %iota3A_117, %eq3A_119 : vector<16xi32>
    %jit3A_121 = arith.constant 0 : i32
    %broadcast_in_dim3A_122 = vector.broadcast %jit3A_121 : i32 to vector<16xi32>
    %select_n3A_123 = arith.select %eq3A_120, %get3A_3, %broadcast_in_dim3A_122 : vector<16xi1>, vector<16xi32>
    %reduce_sum3A_124 = arith.constant true
    %reduce_sum3A_125 = vector.broadcast %reduce_sum3A_124 : i1 to vector<16xi1>
    %reduce_sum3A_126 = tpu.scan <sum>, %select_n3A_123 masked %reduce_sum3A_125 : vector<16xi32>, vector<16xi1> -> vector<16xi32>
    %reduce_sum3A_127 = vector.extract %reduce_sum3A_126[15] : i32 from vector<16xi32>
    %iota3A_128 = tpu.iota {dimensions = array<i32: 0>} : vector<16xi32>
    %eq3A_129 = arith.constant 2 : i32
    %eq3A_130 = vector.broadcast %eq3A_129 : i32 to vector<16xi32>
    %eq3A_131 = arith.cmpi eq, %iota3A_128, %eq3A_130 : vector<16xi32>
    %jit3A_132 = arith.constant 0 : i32
    %broadcast_in_dim3A_133 = vector.broadcast %jit3A_132 : i32 to vector<16xi32>
    %select_n3A_134 = arith.select %eq3A_131, %get3A_5, %broadcast_in_dim3A_133 : vector<16xi1>, vector<16xi32>
    %reduce_sum3A_135 = arith.constant true
    %reduce_sum3A_136 = vector.broadcast %reduce_sum3A_135 : i1 to vector<16xi1>
    %reduce_sum3A_137 = tpu.scan <sum>, %select_n3A_134 masked %reduce_sum3A_136 : vector<16xi32>, vector<16xi1> -> vector<16xi32>
    %reduce_sum3A_138 = vector.extract %reduce_sum3A_137[15] : i32 from vector<16xi32>
    %shift_right_logical3A_139 = arith.constant 7 : i32
    %shift_right_logical3A_140 = arith.shrui %reduce_sum3A_127, %shift_right_logical3A_139 : i32
    %min3A_141 = arith.constant 7811 : i32
    %min3A_142 = arith.minsi %shift_right_logical3A_140, %min3A_141 : i32
    %mul3A_143 = arith.constant 128 : i32
    %mul3A_144 = arith.muli %min3A_142, %mul3A_143 : i32
    %shift_right_logical3A_145 = arith.constant 7 : i32
    %shift_right_logical3A_146 = arith.shrui %reduce_sum3A_138, %shift_right_logical3A_145 : i32
    %min3A_147 = arith.constant 7811 : i32
    %min3A_148 = arith.minsi %shift_right_logical3A_146, %min3A_147 : i32
    %mul3A_149 = arith.constant 128 : i32
    %mul3A_150 = arith.muli %min3A_148, %mul3A_149 : i32
    %dma_start3A_151 = arith.constant 2 : i32
    %dma_start3A_152 = arith.constant 0 : i32
    %dma_start3A_153 = arith.constant 0 : i32
    %dma_start3A_154 = tpu.memref_slice %arg14[%dma_start3A_151, %dma_start3A_152, %dma_start3A_153] : memref<4x32x128xf32, #tpu.memory_space<vmem>> -> memref<1x32x128xf32, #tpu.memory_space<vmem>>
    %dma_start3A_155 = tpu.memref_squeeze %dma_start3A_154 : memref<1x32x128xf32, #tpu.memory_space<vmem>> -> memref<32x128xf32, #tpu.memory_space<vmem>>
    %dma_start3A_156 = arith.constant 0 : i32
    %dma_start3A_157 = tpu.memref_slice %arg4[%dma_start3A_156, %mul3A_144] : memref<32x1000000xf32, #tpu.memory_space<hbm>> -> memref<32x128xf32, #tpu.memory_space<hbm>>
    %dma_start3A_158 = arith.constant 0 : i32
    %dma_start3A_159 = arith.constant 0 : i32
    %dma_start3A_160 = tpu.memref_slice %arg14[%dma_start3A_151, %dma_start3A_158, %dma_start3A_159] : memref<4x32x128xf32, #tpu.memory_space<vmem>> -> memref<1x32x128xf32, #tpu.memory_space<vmem>>
    %dma_start3A_161 = tpu.memref_squeeze %dma_start3A_160 : memref<1x32x128xf32, #tpu.memory_space<vmem>> -> memref<32x128xf32, #tpu.memory_space<vmem>>
    %dma_start3A_162 = arith.constant 0 : i32
    %dma_start3A_163 = tpu.memref_slice %arg4[%dma_start3A_162, %mul3A_144] : memref<32x1000000xf32, #tpu.memory_space<hbm>> -> memref<32x128xf32, #tpu.memory_space<hbm>>
    tpu.enqueue_dma source(%dma_start3A_163 : memref<32x128xf32, #tpu.memory_space<hbm>>) target(%dma_start3A_161 : memref<32x128xf32, #tpu.memory_space<vmem>>) target_semaphore(%arg24 : memref<!tpu.dma_semaphore, #tpu.memory_space<semaphore_mem>>)
    %dma_start3A_164 = arith.constant 2 : i32
    %dma_start3A_165 = arith.constant 0 : i32
    %dma_start3A_166 = arith.constant 0 : i32
    %dma_start3A_167 = tpu.memref_slice %arg15[%dma_start3A_164, %dma_start3A_165, %dma_start3A_166] : memref<4x32x128xf32, #tpu.memory_space<vmem>> -> memref<1x32x128xf32, #tpu.memory_space<vmem>>
    %dma_start3A_168 = tpu.memref_squeeze %dma_start3A_167 : memref<1x32x128xf32, #tpu.memory_space<vmem>> -> memref<32x128xf32, #tpu.memory_space<vmem>>
    %dma_start3A_169 = arith.constant 0 : i32
    %dma_start3A_170 = tpu.memref_slice %arg5[%dma_start3A_169, %mul3A_150] : memref<32x1000000xf32, #tpu.memory_space<hbm>> -> memref<32x128xf32, #tpu.memory_space<hbm>>
    %dma_start3A_171 = arith.constant 0 : i32
    %dma_start3A_172 = arith.constant 0 : i32
    %dma_start3A_173 = tpu.memref_slice %arg15[%dma_start3A_164, %dma_start3A_171, %dma_start3A_172] : memref<4x32x128xf32, #tpu.memory_space<vmem>> -> memref<1x32x128xf32, #tpu.memory_space<vmem>>
    %dma_start3A_174 = tpu.memref_squeeze %dma_start3A_173 : memref<1x32x128xf32, #tpu.memory_space<vmem>> -> memref<32x128xf32, #tpu.memory_space<vmem>>
    %dma_start3A_175 = arith.constant 0 : i32
    %dma_start3A_176 = tpu.memref_slice %arg5[%dma_start3A_175, %mul3A_150] : memref<32x1000000xf32, #tpu.memory_space<hbm>> -> memref<32x128xf32, #tpu.memory_space<hbm>>
    tpu.enqueue_dma source(%dma_start3A_176 : memref<32x128xf32, #tpu.memory_space<hbm>>) target(%dma_start3A_174 : memref<32x128xf32, #tpu.memory_space<vmem>>) target_semaphore(%arg24 : memref<!tpu.dma_semaphore, #tpu.memory_space<semaphore_mem>>)
    %iota3A_177 = tpu.iota {dimensions = array<i32: 0>} : vector<16xi32>
    %eq3A_178 = arith.constant 3 : i32
    %eq3A_179 = vector.broadcast %eq3A_178 : i32 to vector<16xi32>
    %eq3A_180 = arith.cmpi eq, %iota3A_177, %eq3A_179 : vector<16xi32>
    %jit3A_181 = arith.constant 0 : i32
    %broadcast_in_dim3A_182 = vector.broadcast %jit3A_181 : i32 to vector<16xi32>
    %select_n3A_183 = arith.select %eq3A_180, %get3A_3, %broadcast_in_dim3A_182 : vector<16xi1>, vector<16xi32>
    %reduce_sum3A_184 = arith.constant true
    %reduce_sum3A_185 = vector.broadcast %reduce_sum3A_184 : i1 to vector<16xi1>
    %reduce_sum3A_186 = tpu.scan <sum>, %select_n3A_183 masked %reduce_sum3A_185 : vector<16xi32>, vector<16xi1> -> vector<16xi32>
    %reduce_sum3A_187 = vector.extract %reduce_sum3A_186[15] : i32 from vector<16xi32>
    %iota3A_188 = tpu.iota {dimensions = array<i32: 0>} : vector<16xi32>
    %eq3A_189 = arith.constant 3 : i32
    %eq3A_190 = vector.broadcast %eq3A_189 : i32 to vector<16xi32>
    %eq3A_191 = arith.cmpi eq, %iota3A_188, %eq3A_190 : vector<16xi32>
    %jit3A_192 = arith.constant 0 : i32
    %broadcast_in_dim3A_193 = vector.broadcast %jit3A_192 : i32 to vector<16xi32>
    %select_n3A_194 = arith.select %eq3A_191, %get3A_5, %broadcast_in_dim3A_193 : vector<16xi1>, vector<16xi32>
    %reduce_sum3A_195 = arith.constant true
    %reduce_sum3A_196 = vector.broadcast %reduce_sum3A_195 : i1 to vector<16xi1>
    %reduce_sum3A_197 = tpu.scan <sum>, %select_n3A_194 masked %reduce_sum3A_196 : vector<16xi32>, vector<16xi1> -> vector<16xi32>
    %reduce_sum3A_198 = vector.extract %reduce_sum3A_197[15] : i32 from vector<16xi32>
    %shift_right_logical3A_199 = arith.constant 7 : i32
    %shift_right_logical3A_200 = arith.shrui %reduce_sum3A_187, %shift_right_logical3A_199 : i32
    %min3A_201 = arith.constant 7811 : i32
    %min3A_202 = arith.minsi %shift_right_logical3A_200, %min3A_201 : i32
    %mul3A_203 = arith.constant 128 : i32
    %mul3A_204 = arith.muli %min3A_202, %mul3A_203 : i32
    %shift_right_logical3A_205 = arith.constant 7 : i32
    %shift_right_logical3A_206 = arith.shrui %reduce_sum3A_198, %shift_right_logical3A_205 : i32
    %min3A_207 = arith.constant 7811 : i32
    %min3A_208 = arith.minsi %shift_right_logical3A_206, %min3A_207 : i32
    %mul3A_209 = arith.constant 128 : i32
    %mul3A_210 = arith.muli %min3A_208, %mul3A_209 : i32
    %dma_start3A_211 = arith.constant 3 : i32
    %dma_start3A_212 = arith.constant 0 : i32
    %dma_start3A_213 = arith.constant 0 : i32
    %dma_start3A_214 = tpu.memref_slice %arg14[%dma_start3A_211, %dma_start3A_212, %dma_start3A_213] : memref<4x32x128xf32, #tpu.memory_space<vmem>> -> memref<1x32x128xf32, #tpu.memory_space<vmem>>
    %dma_start3A_215 = tpu.memref_squeeze %dma_start3A_214 : memref<1x32x128xf32, #tpu.memory_space<vmem>> -> memref<32x128xf32, #tpu.memory_space<vmem>>
    %dma_start3A_216 = arith.constant 0 : i32
    %dma_start3A_217 = tpu.memref_slice %arg4[%dma_start3A_216, %mul3A_204] : memref<32x1000000xf32, #tpu.memory_space<hbm>> -> memref<32x128xf32, #tpu.memory_space<hbm>>
    %dma_start3A_218 = arith.constant 0 : i32
    %dma_start3A_219 = arith.constant 0 : i32
    %dma_start3A_220 = tpu.memref_slice %arg14[%dma_start3A_211, %dma_start3A_218, %dma_start3A_219] : memref<4x32x128xf32, #tpu.memory_space<vmem>> -> memref<1x32x128xf32, #tpu.memory_space<vmem>>
    %dma_start3A_221 = tpu.memref_squeeze %dma_start3A_220 : memref<1x32x128xf32, #tpu.memory_space<vmem>> -> memref<32x128xf32, #tpu.memory_space<vmem>>
    %dma_start3A_222 = arith.constant 0 : i32
    %dma_start3A_223 = tpu.memref_slice %arg4[%dma_start3A_222, %mul3A_204] : memref<32x1000000xf32, #tpu.memory_space<hbm>> -> memref<32x128xf32, #tpu.memory_space<hbm>>
    tpu.enqueue_dma source(%dma_start3A_223 : memref<32x128xf32, #tpu.memory_space<hbm>>) target(%dma_start3A_221 : memref<32x128xf32, #tpu.memory_space<vmem>>) target_semaphore(%arg25 : memref<!tpu.dma_semaphore, #tpu.memory_space<semaphore_mem>>)
    %dma_start3A_224 = arith.constant 3 : i32
    %dma_start3A_225 = arith.constant 0 : i32
    %dma_start3A_226 = arith.constant 0 : i32
    %dma_start3A_227 = tpu.memref_slice %arg15[%dma_start3A_224, %dma_start3A_225, %dma_start3A_226] : memref<4x32x128xf32, #tpu.memory_space<vmem>> -> memref<1x32x128xf32, #tpu.memory_space<vmem>>
    %dma_start3A_228 = tpu.memref_squeeze %dma_start3A_227 : memref<1x32x128xf32, #tpu.memory_space<vmem>> -> memref<32x128xf32, #tpu.memory_space<vmem>>
    %dma_start3A_229 = arith.constant 0 : i32
    %dma_start3A_230 = tpu.memref_slice %arg5[%dma_start3A_229, %mul3A_210] : memref<32x1000000xf32, #tpu.memory_space<hbm>> -> memref<32x128xf32, #tpu.memory_space<hbm>>
    %dma_start3A_231 = arith.constant 0 : i32
    %dma_start3A_232 = arith.constant 0 : i32
    %dma_start3A_233 = tpu.memref_slice %arg15[%dma_start3A_224, %dma_start3A_231, %dma_start3A_232] : memref<4x32x128xf32, #tpu.memory_space<vmem>> -> memref<1x32x128xf32, #tpu.memory_space<vmem>>
    %dma_start3A_234 = tpu.memref_squeeze %dma_start3A_233 : memref<1x32x128xf32, #tpu.memory_space<vmem>> -> memref<32x128xf32, #tpu.memory_space<vmem>>
    %dma_start3A_235 = arith.constant 0 : i32
    %dma_start3A_236 = tpu.memref_slice %arg5[%dma_start3A_235, %mul3A_210] : memref<32x1000000xf32, #tpu.memory_space<hbm>> -> memref<32x128xf32, #tpu.memory_space<hbm>>
    tpu.enqueue_dma source(%dma_start3A_236 : memref<32x128xf32, #tpu.memory_space<hbm>>) target(%dma_start3A_234 : memref<32x128xf32, #tpu.memory_space<vmem>>) target_semaphore(%arg25 : memref<!tpu.dma_semaphore, #tpu.memory_space<semaphore_mem>>)
    %iota3A_237 = tpu.iota {dimensions = array<i32: 0>} : vector<16xi32>
    %eq3A_238 = arith.constant 0 : i32
    %eq3A_239 = vector.broadcast %eq3A_238 : i32 to vector<16xi32>
    %eq3A_240 = arith.cmpi eq, %iota3A_237, %eq3A_239 : vector<16xi32>
    %jit3A_241 = arith.constant 0 : i32
    %broadcast_in_dim3A_242 = vector.broadcast %jit3A_241 : i32 to vector<16xi32>
    %select_n3A_243 = arith.select %eq3A_240, %get3A_3, %broadcast_in_dim3A_242 : vector<16xi1>, vector<16xi32>
    %reduce_sum3A_244 = arith.constant true
    %reduce_sum3A_245 = vector.broadcast %reduce_sum3A_244 : i1 to vector<16xi1>
    %reduce_sum3A_246 = tpu.scan <sum>, %select_n3A_243 masked %reduce_sum3A_245 : vector<16xi32>, vector<16xi1> -> vector<16xi32>
    %reduce_sum3A_247 = vector.extract %reduce_sum3A_246[15] : i32 from vector<16xi32>
    %iota3A_248 = tpu.iota {dimensions = array<i32: 0>} : vector<16xi32>
    %eq3A_249 = arith.constant 0 : i32
    %eq3A_250 = vector.broadcast %eq3A_249 : i32 to vector<16xi32>
    %eq3A_251 = arith.cmpi eq, %iota3A_248, %eq3A_250 : vector<16xi32>
    %jit3A_252 = arith.constant 0 : i32
    %broadcast_in_dim3A_253 = vector.broadcast %jit3A_252 : i32 to vector<16xi32>
    %select_n3A_254 = arith.select %eq3A_251, %get3A_5, %broadcast_in_dim3A_253 : vector<16xi1>, vector<16xi32>
    %reduce_sum3A_255 = arith.constant true
    %reduce_sum3A_256 = vector.broadcast %reduce_sum3A_255 : i1 to vector<16xi1>
    %reduce_sum3A_257 = tpu.scan <sum>, %select_n3A_254 masked %reduce_sum3A_256 : vector<16xi32>, vector<16xi1> -> vector<16xi32>
    %reduce_sum3A_258 = vector.extract %reduce_sum3A_257[15] : i32 from vector<16xi32>
    %shift_right_logical3A_259 = arith.constant 7 : i32
    %shift_right_logical3A_260 = arith.shrui %reduce_sum3A_247, %shift_right_logical3A_259 : i32
    %min3A_261 = arith.constant 7811 : i32
    %min3A_262 = arith.minsi %shift_right_logical3A_260, %min3A_261 : i32
    %mul3A_263 = arith.constant 128 : i32
    %mul3A_264 = arith.muli %min3A_262, %mul3A_263 : i32
    %shift_right_logical3A_265 = arith.constant 7 : i32
    %shift_right_logical3A_266 = arith.shrui %reduce_sum3A_258, %shift_right_logical3A_265 : i32
    %min3A_267 = arith.constant 7811 : i32
    %min3A_268 = arith.minsi %shift_right_logical3A_266, %min3A_267 : i32
    %mul3A_269 = arith.constant 128 : i32
    %mul3A_270 = arith.muli %min3A_268, %mul3A_269 : i32
    %dma_start3A_271 = arith.constant 0 : i32
    %dma_start3A_272 = arith.constant 0 : i32
    %dma_start3A_273 = arith.constant 0 : i32
    %dma_start3A_274 = tpu.memref_slice %arg16[%dma_start3A_271, %dma_start3A_272, %dma_start3A_273] : memref<4x16x128xf32, #tpu.memory_space<vmem>> -> memref<1x16x128xf32, #tpu.memory_space<vmem>>
    %dma_start3A_275 = tpu.memref_squeeze %dma_start3A_274 : memref<1x16x128xf32, #tpu.memory_space<vmem>> -> memref<16x128xf32, #tpu.memory_space<vmem>>
    %dma_start3A_276 = arith.constant 0 : i32
    %dma_start3A_277 = tpu.memref_slice %arg6[%dma_start3A_276, %mul3A_264] : memref<16x1000000xf32, #tpu.memory_space<hbm>> -> memref<16x128xf32, #tpu.memory_space<hbm>>
    %dma_start3A_278 = arith.constant 0 : i32
    %dma_start3A_279 = arith.constant 0 : i32
    %dma_start3A_280 = tpu.memref_slice %arg16[%dma_start3A_271, %dma_start3A_278, %dma_start3A_279] : memref<4x16x128xf32, #tpu.memory_space<vmem>> -> memref<1x16x128xf32, #tpu.memory_space<vmem>>
    %dma_start3A_281 = tpu.memref_squeeze %dma_start3A_280 : memref<1x16x128xf32, #tpu.memory_space<vmem>> -> memref<16x128xf32, #tpu.memory_space<vmem>>
    %dma_start3A_282 = arith.constant 0 : i32
    %dma_start3A_283 = tpu.memref_slice %arg6[%dma_start3A_282, %mul3A_264] : memref<16x1000000xf32, #tpu.memory_space<hbm>> -> memref<16x128xf32, #tpu.memory_space<hbm>>
    tpu.enqueue_dma source(%dma_start3A_283 : memref<16x128xf32, #tpu.memory_space<hbm>>) target(%dma_start3A_281 : memref<16x128xf32, #tpu.memory_space<vmem>>) target_semaphore(%arg26 : memref<!tpu.dma_semaphore, #tpu.memory_space<semaphore_mem>>)
    %dma_start3A_284 = arith.constant 0 : i32
    %dma_start3A_285 = arith.constant 0 : i32
    %dma_start3A_286 = arith.constant 0 : i32
    %dma_start3A_287 = tpu.memref_slice %arg17[%dma_start3A_284, %dma_start3A_285, %dma_start3A_286] : memref<4x16x128xf32, #tpu.memory_space<vmem>> -> memref<1x16x128xf32, #tpu.memory_space<vmem>>
    %dma_start3A_288 = tpu.memref_squeeze %dma_start3A_287 : memref<1x16x128xf32, #tpu.memory_space<vmem>> -> memref<16x128xf32, #tpu.memory_space<vmem>>
    %dma_start3A_289 = arith.constant 0 : i32
    %dma_start3A_290 = tpu.memref_slice %arg7[%dma_start3A_289, %mul3A_270] : memref<16x1000000xf32, #tpu.memory_space<hbm>> -> memref<16x128xf32, #tpu.memory_space<hbm>>
    %dma_start3A_291 = arith.constant 0 : i32
    %dma_start3A_292 = arith.constant 0 : i32
    %dma_start3A_293 = tpu.memref_slice %arg17[%dma_start3A_284, %dma_start3A_291, %dma_start3A_292] : memref<4x16x128xf32, #tpu.memory_space<vmem>> -> memref<1x16x128xf32, #tpu.memory_space<vmem>>
    %dma_start3A_294 = tpu.memref_squeeze %dma_start3A_293 : memref<1x16x128xf32, #tpu.memory_space<vmem>> -> memref<16x128xf32, #tpu.memory_space<vmem>>
    %dma_start3A_295 = arith.constant 0 : i32
    %dma_start3A_296 = tpu.memref_slice %arg7[%dma_start3A_295, %mul3A_270] : memref<16x1000000xf32, #tpu.memory_space<hbm>> -> memref<16x128xf32, #tpu.memory_space<hbm>>
    tpu.enqueue_dma source(%dma_start3A_296 : memref<16x128xf32, #tpu.memory_space<hbm>>) target(%dma_start3A_294 : memref<16x128xf32, #tpu.memory_space<vmem>>) target_semaphore(%arg26 : memref<!tpu.dma_semaphore, #tpu.memory_space<semaphore_mem>>)
    %iota3A_297 = tpu.iota {dimensions = array<i32: 0>} : vector<16xi32>
    %eq3A_298 = arith.constant 1 : i32
    %eq3A_299 = vector.broadcast %eq3A_298 : i32 to vector<16xi32>
    %eq3A_300 = arith.cmpi eq, %iota3A_297, %eq3A_299 : vector<16xi32>
    %jit3A_301 = arith.constant 0 : i32
    %broadcast_in_dim3A_302 = vector.broadcast %jit3A_301 : i32 to vector<16xi32>
    %select_n3A_303 = arith.select %eq3A_300, %get3A_3, %broadcast_in_dim3A_302 : vector<16xi1>, vector<16xi32>
    %reduce_sum3A_304 = arith.constant true
    %reduce_sum3A_305 = vector.broadcast %reduce_sum3A_304 : i1 to vector<16xi1>
    %reduce_sum3A_306 = tpu.scan <sum>, %select_n3A_303 masked %reduce_sum3A_305 : vector<16xi32>, vector<16xi1> -> vector<16xi32>
    %reduce_sum3A_307 = vector.extract %reduce_sum3A_306[15] : i32 from vector<16xi32>
    %iota3A_308 = tpu.iota {dimensions = array<i32: 0>} : vector<16xi32>
    %eq3A_309 = arith.constant 1 : i32
    %eq3A_310 = vector.broadcast %eq3A_309 : i32 to vector<16xi32>
    %eq3A_311 = arith.cmpi eq, %iota3A_308, %eq3A_310 : vector<16xi32>
    %jit3A_312 = arith.constant 0 : i32
    %broadcast_in_dim3A_313 = vector.broadcast %jit3A_312 : i32 to vector<16xi32>
    %select_n3A_314 = arith.select %eq3A_311, %get3A_5, %broadcast_in_dim3A_313 : vector<16xi1>, vector<16xi32>
    %reduce_sum3A_315 = arith.constant true
    %reduce_sum3A_316 = vector.broadcast %reduce_sum3A_315 : i1 to vector<16xi1>
    %reduce_sum3A_317 = tpu.scan <sum>, %select_n3A_314 masked %reduce_sum3A_316 : vector<16xi32>, vector<16xi1> -> vector<16xi32>
    %reduce_sum3A_318 = vector.extract %reduce_sum3A_317[15] : i32 from vector<16xi32>
    %shift_right_logical3A_319 = arith.constant 7 : i32
    %shift_right_logical3A_320 = arith.shrui %reduce_sum3A_307, %shift_right_logical3A_319 : i32
    %min3A_321 = arith.constant 7811 : i32
    %min3A_322 = arith.minsi %shift_right_logical3A_320, %min3A_321 : i32
    %mul3A_323 = arith.constant 128 : i32
    %mul3A_324 = arith.muli %min3A_322, %mul3A_323 : i32
    %shift_right_logical3A_325 = arith.constant 7 : i32
    %shift_right_logical3A_326 = arith.shrui %reduce_sum3A_318, %shift_right_logical3A_325 : i32
    %min3A_327 = arith.constant 7811 : i32
    %min3A_328 = arith.minsi %shift_right_logical3A_326, %min3A_327 : i32
    %mul3A_329 = arith.constant 128 : i32
    %mul3A_330 = arith.muli %min3A_328, %mul3A_329 : i32
    %dma_start3A_331 = arith.constant 1 : i32
    %dma_start3A_332 = arith.constant 0 : i32
    %dma_start3A_333 = arith.constant 0 : i32
    %dma_start3A_334 = tpu.memref_slice %arg16[%dma_start3A_331, %dma_start3A_332, %dma_start3A_333] : memref<4x16x128xf32, #tpu.memory_space<vmem>> -> memref<1x16x128xf32, #tpu.memory_space<vmem>>
    %dma_start3A_335 = tpu.memref_squeeze %dma_start3A_334 : memref<1x16x128xf32, #tpu.memory_space<vmem>> -> memref<16x128xf32, #tpu.memory_space<vmem>>
    %dma_start3A_336 = arith.constant 0 : i32
    %dma_start3A_337 = tpu.memref_slice %arg6[%dma_start3A_336, %mul3A_324] : memref<16x1000000xf32, #tpu.memory_space<hbm>> -> memref<16x128xf32, #tpu.memory_space<hbm>>
    %dma_start3A_338 = arith.constant 0 : i32
    %dma_start3A_339 = arith.constant 0 : i32
    %dma_start3A_340 = tpu.memref_slice %arg16[%dma_start3A_331, %dma_start3A_338, %dma_start3A_339] : memref<4x16x128xf32, #tpu.memory_space<vmem>> -> memref<1x16x128xf32, #tpu.memory_space<vmem>>
    %dma_start3A_341 = tpu.memref_squeeze %dma_start3A_340 : memref<1x16x128xf32, #tpu.memory_space<vmem>> -> memref<16x128xf32, #tpu.memory_space<vmem>>
    %dma_start3A_342 = arith.constant 0 : i32
    %dma_start3A_343 = tpu.memref_slice %arg6[%dma_start3A_342, %mul3A_324] : memref<16x1000000xf32, #tpu.memory_space<hbm>> -> memref<16x128xf32, #tpu.memory_space<hbm>>
    tpu.enqueue_dma source(%dma_start3A_343 : memref<16x128xf32, #tpu.memory_space<hbm>>) target(%dma_start3A_341 : memref<16x128xf32, #tpu.memory_space<vmem>>) target_semaphore(%arg27 : memref<!tpu.dma_semaphore, #tpu.memory_space<semaphore_mem>>)
    %dma_start3A_344 = arith.constant 1 : i32
    %dma_start3A_345 = arith.constant 0 : i32
    %dma_start3A_346 = arith.constant 0 : i32
    %dma_start3A_347 = tpu.memref_slice %arg17[%dma_start3A_344, %dma_start3A_345, %dma_start3A_346] : memref<4x16x128xf32, #tpu.memory_space<vmem>> -> memref<1x16x128xf32, #tpu.memory_space<vmem>>
    %dma_start3A_348 = tpu.memref_squeeze %dma_start3A_347 : memref<1x16x128xf32, #tpu.memory_space<vmem>> -> memref<16x128xf32, #tpu.memory_space<vmem>>
    %dma_start3A_349 = arith.constant 0 : i32
    %dma_start3A_350 = tpu.memref_slice %arg7[%dma_start3A_349, %mul3A_330] : memref<16x1000000xf32, #tpu.memory_space<hbm>> -> memref<16x128xf32, #tpu.memory_space<hbm>>
    %dma_start3A_351 = arith.constant 0 : i32
    %dma_start3A_352 = arith.constant 0 : i32
    %dma_start3A_353 = tpu.memref_slice %arg17[%dma_start3A_344, %dma_start3A_351, %dma_start3A_352] : memref<4x16x128xf32, #tpu.memory_space<vmem>> -> memref<1x16x128xf32, #tpu.memory_space<vmem>>
    %dma_start3A_354 = tpu.memref_squeeze %dma_start3A_353 : memref<1x16x128xf32, #tpu.memory_space<vmem>> -> memref<16x128xf32, #tpu.memory_space<vmem>>
    %dma_start3A_355 = arith.constant 0 : i32
    %dma_start3A_356 = tpu.memref_slice %arg7[%dma_start3A_355, %mul3A_330] : memref<16x1000000xf32, #tpu.memory_space<hbm>> -> memref<16x128xf32, #tpu.memory_space<hbm>>
    tpu.enqueue_dma source(%dma_start3A_356 : memref<16x128xf32, #tpu.memory_space<hbm>>) target(%dma_start3A_354 : memref<16x128xf32, #tpu.memory_space<vmem>>) target_semaphore(%arg27 : memref<!tpu.dma_semaphore, #tpu.memory_space<semaphore_mem>>)
    %iota3A_357 = tpu.iota {dimensions = array<i32: 0>} : vector<16xi32>
    %eq3A_358 = arith.constant 2 : i32
    %eq3A_359 = vector.broadcast %eq3A_358 : i32 to vector<16xi32>
    %eq3A_360 = arith.cmpi eq, %iota3A_357, %eq3A_359 : vector<16xi32>
    %jit3A_361 = arith.constant 0 : i32
    %broadcast_in_dim3A_362 = vector.broadcast %jit3A_361 : i32 to vector<16xi32>
    %select_n3A_363 = arith.select %eq3A_360, %get3A_3, %broadcast_in_dim3A_362 : vector<16xi1>, vector<16xi32>
    %reduce_sum3A_364 = arith.constant true
    %reduce_sum3A_365 = vector.broadcast %reduce_sum3A_364 : i1 to vector<16xi1>
    %reduce_sum3A_366 = tpu.scan <sum>, %select_n3A_363 masked %reduce_sum3A_365 : vector<16xi32>, vector<16xi1> -> vector<16xi32>
    %reduce_sum3A_367 = vector.extract %reduce_sum3A_366[15] : i32 from vector<16xi32>
    %iota3A_368 = tpu.iota {dimensions = array<i32: 0>} : vector<16xi32>
    %eq3A_369 = arith.constant 2 : i32
    %eq3A_370 = vector.broadcast %eq3A_369 : i32 to vector<16xi32>
    %eq3A_371 = arith.cmpi eq, %iota3A_368, %eq3A_370 : vector<16xi32>
    %jit3A_372 = arith.constant 0 : i32
    %broadcast_in_dim3A_373 = vector.broadcast %jit3A_372 : i32 to vector<16xi32>
    %select_n3A_374 = arith.select %eq3A_371, %get3A_5, %broadcast_in_dim3A_373 : vector<16xi1>, vector<16xi32>
    %reduce_sum3A_375 = arith.constant true
    %reduce_sum3A_376 = vector.broadcast %reduce_sum3A_375 : i1 to vector<16xi1>
    %reduce_sum3A_377 = tpu.scan <sum>, %select_n3A_374 masked %reduce_sum3A_376 : vector<16xi32>, vector<16xi1> -> vector<16xi32>
    %reduce_sum3A_378 = vector.extract %reduce_sum3A_377[15] : i32 from vector<16xi32>
    %shift_right_logical3A_379 = arith.constant 7 : i32
    %shift_right_logical3A_380 = arith.shrui %reduce_sum3A_367, %shift_right_logical3A_379 : i32
    %min3A_381 = arith.constant 7811 : i32
    %min3A_382 = arith.minsi %shift_right_logical3A_380, %min3A_381 : i32
    %mul3A_383 = arith.constant 128 : i32
    %mul3A_384 = arith.muli %min3A_382, %mul3A_383 : i32
    %shift_right_logical3A_385 = arith.constant 7 : i32
    %shift_right_logical3A_386 = arith.shrui %reduce_sum3A_378, %shift_right_logical3A_385 : i32
    %min3A_387 = arith.constant 7811 : i32
    %min3A_388 = arith.minsi %shift_right_logical3A_386, %min3A_387 : i32
    %mul3A_389 = arith.constant 128 : i32
    %mul3A_390 = arith.muli %min3A_388, %mul3A_389 : i32
    %dma_start3A_391 = arith.constant 2 : i32
    %dma_start3A_392 = arith.constant 0 : i32
    %dma_start3A_393 = arith.constant 0 : i32
    %dma_start3A_394 = tpu.memref_slice %arg16[%dma_start3A_391, %dma_start3A_392, %dma_start3A_393] : memref<4x16x128xf32, #tpu.memory_space<vmem>> -> memref<1x16x128xf32, #tpu.memory_space<vmem>>
    %dma_start3A_395 = tpu.memref_squeeze %dma_start3A_394 : memref<1x16x128xf32, #tpu.memory_space<vmem>> -> memref<16x128xf32, #tpu.memory_space<vmem>>
    %dma_start3A_396 = arith.constant 0 : i32
    %dma_start3A_397 = tpu.memref_slice %arg6[%dma_start3A_396, %mul3A_384] : memref<16x1000000xf32, #tpu.memory_space<hbm>> -> memref<16x128xf32, #tpu.memory_space<hbm>>
    %dma_start3A_398 = arith.constant 0 : i32
    %dma_start3A_399 = arith.constant 0 : i32
    %dma_start3A_400 = tpu.memref_slice %arg16[%dma_start3A_391, %dma_start3A_398, %dma_start3A_399] : memref<4x16x128xf32, #tpu.memory_space<vmem>> -> memref<1x16x128xf32, #tpu.memory_space<vmem>>
    %dma_start3A_401 = tpu.memref_squeeze %dma_start3A_400 : memref<1x16x128xf32, #tpu.memory_space<vmem>> -> memref<16x128xf32, #tpu.memory_space<vmem>>
    %dma_start3A_402 = arith.constant 0 : i32
    %dma_start3A_403 = tpu.memref_slice %arg6[%dma_start3A_402, %mul3A_384] : memref<16x1000000xf32, #tpu.memory_space<hbm>> -> memref<16x128xf32, #tpu.memory_space<hbm>>
    tpu.enqueue_dma source(%dma_start3A_403 : memref<16x128xf32, #tpu.memory_space<hbm>>) target(%dma_start3A_401 : memref<16x128xf32, #tpu.memory_space<vmem>>) target_semaphore(%arg28 : memref<!tpu.dma_semaphore, #tpu.memory_space<semaphore_mem>>)
    %dma_start3A_404 = arith.constant 2 : i32
    %dma_start3A_405 = arith.constant 0 : i32
    %dma_start3A_406 = arith.constant 0 : i32
    %dma_start3A_407 = tpu.memref_slice %arg17[%dma_start3A_404, %dma_start3A_405, %dma_start3A_406] : memref<4x16x128xf32, #tpu.memory_space<vmem>> -> memref<1x16x128xf32, #tpu.memory_space<vmem>>
    %dma_start3A_408 = tpu.memref_squeeze %dma_start3A_407 : memref<1x16x128xf32, #tpu.memory_space<vmem>> -> memref<16x128xf32, #tpu.memory_space<vmem>>
    %dma_start3A_409 = arith.constant 0 : i32
    %dma_start3A_410 = tpu.memref_slice %arg7[%dma_start3A_409, %mul3A_390] : memref<16x1000000xf32, #tpu.memory_space<hbm>> -> memref<16x128xf32, #tpu.memory_space<hbm>>
    %dma_start3A_411 = arith.constant 0 : i32
    %dma_start3A_412 = arith.constant 0 : i32
    %dma_start3A_413 = tpu.memref_slice %arg17[%dma_start3A_404, %dma_start3A_411, %dma_start3A_412] : memref<4x16x128xf32, #tpu.memory_space<vmem>> -> memref<1x16x128xf32, #tpu.memory_space<vmem>>
    %dma_start3A_414 = tpu.memref_squeeze %dma_start3A_413 : memref<1x16x128xf32, #tpu.memory_space<vmem>> -> memref<16x128xf32, #tpu.memory_space<vmem>>
    %dma_start3A_415 = arith.constant 0 : i32
    %dma_start3A_416 = tpu.memref_slice %arg7[%dma_start3A_415, %mul3A_390] : memref<16x1000000xf32, #tpu.memory_space<hbm>> -> memref<16x128xf32, #tpu.memory_space<hbm>>
    tpu.enqueue_dma source(%dma_start3A_416 : memref<16x128xf32, #tpu.memory_space<hbm>>) target(%dma_start3A_414 : memref<16x128xf32, #tpu.memory_space<vmem>>) target_semaphore(%arg28 : memref<!tpu.dma_semaphore, #tpu.memory_space<semaphore_mem>>)
    %iota3A_417 = tpu.iota {dimensions = array<i32: 0>} : vector<16xi32>
    %eq3A_418 = arith.constant 3 : i32
    %eq3A_419 = vector.broadcast %eq3A_418 : i32 to vector<16xi32>
    %eq3A_420 = arith.cmpi eq, %iota3A_417, %eq3A_419 : vector<16xi32>
    %jit3A_421 = arith.constant 0 : i32
    %broadcast_in_dim3A_422 = vector.broadcast %jit3A_421 : i32 to vector<16xi32>
    %select_n3A_423 = arith.select %eq3A_420, %get3A_3, %broadcast_in_dim3A_422 : vector<16xi1>, vector<16xi32>
    %reduce_sum3A_424 = arith.constant true
    %reduce_sum3A_425 = vector.broadcast %reduce_sum3A_424 : i1 to vector<16xi1>
    %reduce_sum3A_426 = tpu.scan <sum>, %select_n3A_423 masked %reduce_sum3A_425 : vector<16xi32>, vector<16xi1> -> vector<16xi32>
    %reduce_sum3A_427 = vector.extract %reduce_sum3A_426[15] : i32 from vector<16xi32>
    %iota3A_428 = tpu.iota {dimensions = array<i32: 0>} : vector<16xi32>
    %eq3A_429 = arith.constant 3 : i32
    %eq3A_430 = vector.broadcast %eq3A_429 : i32 to vector<16xi32>
    %eq3A_431 = arith.cmpi eq, %iota3A_428, %eq3A_430 : vector<16xi32>
    %jit3A_432 = arith.constant 0 : i32
    %broadcast_in_dim3A_433 = vector.broadcast %jit3A_432 : i32 to vector<16xi32>
    %select_n3A_434 = arith.select %eq3A_431, %get3A_5, %broadcast_in_dim3A_433 : vector<16xi1>, vector<16xi32>
    %reduce_sum3A_435 = arith.constant true
    %reduce_sum3A_436 = vector.broadcast %reduce_sum3A_435 : i1 to vector<16xi1>
    %reduce_sum3A_437 = tpu.scan <sum>, %select_n3A_434 masked %reduce_sum3A_436 : vector<16xi32>, vector<16xi1> -> vector<16xi32>
    %reduce_sum3A_438 = vector.extract %reduce_sum3A_437[15] : i32 from vector<16xi32>
    %shift_right_logical3A_439 = arith.constant 7 : i32
    %shift_right_logical3A_440 = arith.shrui %reduce_sum3A_427, %shift_right_logical3A_439 : i32
    %min3A_441 = arith.constant 7811 : i32
    %min3A_442 = arith.minsi %shift_right_logical3A_440, %min3A_441 : i32
    %mul3A_443 = arith.constant 128 : i32
    %mul3A_444 = arith.muli %min3A_442, %mul3A_443 : i32
    %shift_right_logical3A_445 = arith.constant 7 : i32
    %shift_right_logical3A_446 = arith.shrui %reduce_sum3A_438, %shift_right_logical3A_445 : i32
    %min3A_447 = arith.constant 7811 : i32
    %min3A_448 = arith.minsi %shift_right_logical3A_446, %min3A_447 : i32
    %mul3A_449 = arith.constant 128 : i32
    %mul3A_450 = arith.muli %min3A_448, %mul3A_449 : i32
    %dma_start3A_451 = arith.constant 3 : i32
    %dma_start3A_452 = arith.constant 0 : i32
    %dma_start3A_453 = arith.constant 0 : i32
    %dma_start3A_454 = tpu.memref_slice %arg16[%dma_start3A_451, %dma_start3A_452, %dma_start3A_453] : memref<4x16x128xf32, #tpu.memory_space<vmem>> -> memref<1x16x128xf32, #tpu.memory_space<vmem>>
    %dma_start3A_455 = tpu.memref_squeeze %dma_start3A_454 : memref<1x16x128xf32, #tpu.memory_space<vmem>> -> memref<16x128xf32, #tpu.memory_space<vmem>>
    %dma_start3A_456 = arith.constant 0 : i32
    %dma_start3A_457 = tpu.memref_slice %arg6[%dma_start3A_456, %mul3A_444] : memref<16x1000000xf32, #tpu.memory_space<hbm>> -> memref<16x128xf32, #tpu.memory_space<hbm>>
    %dma_start3A_458 = arith.constant 0 : i32
    %dma_start3A_459 = arith.constant 0 : i32
    %dma_start3A_460 = tpu.memref_slice %arg16[%dma_start3A_451, %dma_start3A_458, %dma_start3A_459] : memref<4x16x128xf32, #tpu.memory_space<vmem>> -> memref<1x16x128xf32, #tpu.memory_space<vmem>>
    %dma_start3A_461 = tpu.memref_squeeze %dma_start3A_460 : memref<1x16x128xf32, #tpu.memory_space<vmem>> -> memref<16x128xf32, #tpu.memory_space<vmem>>
    %dma_start3A_462 = arith.constant 0 : i32
    %dma_start3A_463 = tpu.memref_slice %arg6[%dma_start3A_462, %mul3A_444] : memref<16x1000000xf32, #tpu.memory_space<hbm>> -> memref<16x128xf32, #tpu.memory_space<hbm>>
    tpu.enqueue_dma source(%dma_start3A_463 : memref<16x128xf32, #tpu.memory_space<hbm>>) target(%dma_start3A_461 : memref<16x128xf32, #tpu.memory_space<vmem>>) target_semaphore(%arg29 : memref<!tpu.dma_semaphore, #tpu.memory_space<semaphore_mem>>)
    %dma_start3A_464 = arith.constant 3 : i32
    %dma_start3A_465 = arith.constant 0 : i32
    %dma_start3A_466 = arith.constant 0 : i32
    %dma_start3A_467 = tpu.memref_slice %arg17[%dma_start3A_464, %dma_start3A_465, %dma_start3A_466] : memref<4x16x128xf32, #tpu.memory_space<vmem>> -> memref<1x16x128xf32, #tpu.memory_space<vmem>>
    %dma_start3A_468 = tpu.memref_squeeze %dma_start3A_467 : memref<1x16x128xf32, #tpu.memory_space<vmem>> -> memref<16x128xf32, #tpu.memory_space<vmem>>
    %dma_start3A_469 = arith.constant 0 : i32
    %dma_start3A_470 = tpu.memref_slice %arg7[%dma_start3A_469, %mul3A_450] : memref<16x1000000xf32, #tpu.memory_space<hbm>> -> memref<16x128xf32, #tpu.memory_space<hbm>>
    %dma_start3A_471 = arith.constant 0 : i32
    %dma_start3A_472 = arith.constant 0 : i32
    %dma_start3A_473 = tpu.memref_slice %arg17[%dma_start3A_464, %dma_start3A_471, %dma_start3A_472] : memref<4x16x128xf32, #tpu.memory_space<vmem>> -> memref<1x16x128xf32, #tpu.memory_space<vmem>>
    %dma_start3A_474 = tpu.memref_squeeze %dma_start3A_473 : memref<1x16x128xf32, #tpu.memory_space<vmem>> -> memref<16x128xf32, #tpu.memory_space<vmem>>
    %dma_start3A_475 = arith.constant 0 : i32
    %dma_start3A_476 = tpu.memref_slice %arg7[%dma_start3A_475, %mul3A_450] : memref<16x1000000xf32, #tpu.memory_space<hbm>> -> memref<16x128xf32, #tpu.memory_space<hbm>>
    tpu.enqueue_dma source(%dma_start3A_476 : memref<16x128xf32, #tpu.memory_space<hbm>>) target(%dma_start3A_474 : memref<16x128xf32, #tpu.memory_space<vmem>>) target_semaphore(%arg29 : memref<!tpu.dma_semaphore, #tpu.memory_space<semaphore_mem>>)
    %scan3A = arith.constant 0 : i32
    %scan3A_477 = arith.constant 0 : i32
    %scan3A_478 = arith.constant 64 : i32
    %scan3A_479 = arith.addi %scan3A_477, %scan3A_478 : i32
    %scan3A_480 = arith.constant 1 : i32
    scf.for %scan3A_513 = %scan3A_477 to %scan3A_479 step %scan3A_480  : i32 {
      %mul3A_514 = arith.constant 8 : i32
      %mul3A_515 = arith.muli %mul3A_514, %scan3A_513 : i32
      %get3A_516 = arith.index_cast %mul3A_515 : i32 to index
      %get3A_517 = tpu.vector_load %arg12[%get3A_516] {strides = array<i32>} : memref<528xi32, #tpu.memory_space<vmem>>, vector<16xi32>,
      %mul3A_518 = arith.constant 8 : i32
      %mul3A_519 = arith.muli %mul3A_518, %scan3A_513 : i32
      %get3A_520 = arith.index_cast %mul3A_519 : i32 to index
      %get3A_521 = tpu.vector_load %arg13[%get3A_520] {strides = array<i32>} : memref<528xi32, #tpu.memory_space<vmem>>, vector<16xi32>,
      %mul3A_522 = arith.constant 8 : i32
      %mul3A_523 = arith.muli %mul3A_522, %scan3A_513 : i32
      %add3A_524 = arith.constant 0 : i32
      %add3A_525 = arith.addi %mul3A_523, %add3A_524 : i32
      %dma_wait3A_526 = arith.constant 0 : i32
      %dma_wait3A_527 = arith.constant 0 : i32
      %dma_wait3A_528 = arith.constant 0 : i32
      %dma_wait3A_529 = tpu.memref_slice %arg14[%dma_wait3A_526, %dma_wait3A_527, %dma_wait3A_528] : memref<4x32x128xf32, #tpu.memory_space<vmem>> -> memref<1x32x128xf32, #tpu.memory_space<vmem>>
      %dma_wait3A_530 = tpu.memref_squeeze %dma_wait3A_529 : memref<1x32x128xf32, #tpu.memory_space<vmem>> -> memref<32x128xf32, #tpu.memory_space<vmem>>
      %dma_wait3A_531 = arith.constant 0 : i32
      %dma_wait3A_532 = arith.constant 0 : i32
      %dma_wait3A_533 = tpu.memref_slice %arg4[%dma_wait3A_531, %dma_wait3A_532] : memref<32x1000000xf32, #tpu.memory_space<hbm>> -> memref<32x128xf32, #tpu.memory_space<hbm>>
      %dma_wait3A_534 = arith.constant 0 : i32
      %dma_wait3A_535 = arith.constant 0 : i32
      %dma_wait3A_536 = tpu.memref_slice %arg14[%dma_wait3A_526, %dma_wait3A_534, %dma_wait3A_535] : memref<4x32x128xf32, #tpu.memory_space<vmem>> -> memref<1x32x128xf32, #tpu.memory_space<vmem>>
      %dma_wait3A_537 = tpu.memref_squeeze %dma_wait3A_536 : memref<1x32x128xf32, #tpu.memory_space<vmem>> -> memref<32x128xf32, #tpu.memory_space<vmem>>
      %dma_wait3A_538 = arith.constant 0 : i32
      %dma_wait3A_539 = arith.constant 0 : i32
      %dma_wait3A_540 = tpu.memref_slice %arg4[%dma_wait3A_538, %dma_wait3A_539] : memref<32x1000000xf32, #tpu.memory_space<hbm>> -> memref<32x128xf32, #tpu.memory_space<hbm>>
      tpu.wait_dma2 semaphore(%arg22 : memref<!tpu.dma_semaphore, #tpu.memory_space<semaphore_mem>>) src(%dma_wait3A_540 : memref<32x128xf32, #tpu.memory_space<hbm>>) dst(%dma_wait3A_537 : memref<32x128xf32, #tpu.memory_space<vmem>>)
      %dma_wait3A_541 = arith.constant 0 : i32
      %dma_wait3A_542 = arith.constant 0 : i32
      %dma_wait3A_543 = arith.constant 0 : i32
      %dma_wait3A_544 = tpu.memref_slice %arg15[%dma_wait3A_541, %dma_wait3A_542, %dma_wait3A_543] : memref<4x32x128xf32, #tpu.memory_space<vmem>> -> memref<1x32x128xf32, #tpu.memory_space<vmem>>
      %dma_wait3A_545 = tpu.memref_squeeze %dma_wait3A_544 : memref<1x32x128xf32, #tpu.memory_space<vmem>> -> memref<32x128xf32, #tpu.memory_space<vmem>>
      %dma_wait3A_546 = arith.constant 0 : i32
      %dma_wait3A_547 = arith.constant 0 : i32
      %dma_wait3A_548 = tpu.memref_slice %arg5[%dma_wait3A_546, %dma_wait3A_547] : memref<32x1000000xf32, #tpu.memory_space<hbm>> -> memref<32x128xf32, #tpu.memory_space<hbm>>
      %dma_wait3A_549 = arith.constant 0 : i32
      %dma_wait3A_550 = arith.constant 0 : i32
      %dma_wait3A_551 = tpu.memref_slice %arg15[%dma_wait3A_541, %dma_wait3A_549, %dma_wait3A_550] : memref<4x32x128xf32, #tpu.memory_space<vmem>> -> memref<1x32x128xf32, #tpu.memory_space<vmem>>
      %dma_wait3A_552 = tpu.memref_squeeze %dma_wait3A_551 : memref<1x32x128xf32, #tpu.memory_space<vmem>> -> memref<32x128xf32, #tpu.memory_space<vmem>>
      %dma_wait3A_553 = arith.constant 0 : i32
      %dma_wait3A_554 = arith.constant 0 : i32
      %dma_wait3A_555 = tpu.memref_slice %arg5[%dma_wait3A_553, %dma_wait3A_554] : memref<32x1000000xf32, #tpu.memory_space<hbm>> -> memref<32x128xf32, #tpu.memory_space<hbm>>
      tpu.wait_dma2 semaphore(%arg22 : memref<!tpu.dma_semaphore, #tpu.memory_space<semaphore_mem>>) src(%dma_wait3A_555 : memref<32x128xf32, #tpu.memory_space<hbm>>) dst(%dma_wait3A_552 : memref<32x128xf32, #tpu.memory_space<vmem>>)
      %dma_wait3A_556 = arith.constant 0 : i32
      %dma_wait3A_557 = arith.constant 0 : i32
      %dma_wait3A_558 = arith.constant 0 : i32
      %dma_wait3A_559 = tpu.memref_slice %arg16[%dma_wait3A_556, %dma_wait3A_557, %dma_wait3A_558] : memref<4x16x128xf32, #tpu.memory_space<vmem>> -> memref<1x16x128xf32, #tpu.memory_space<vmem>>
      %dma_wait3A_560 = tpu.memref_squeeze %dma_wait3A_559 : memref<1x16x128xf32, #tpu.memory_space<vmem>> -> memref<16x128xf32, #tpu.memory_space<vmem>>
      %dma_wait3A_561 = arith.constant 0 : i32
      %dma_wait3A_562 = arith.constant 0 : i32
      %dma_wait3A_563 = tpu.memref_slice %arg6[%dma_wait3A_561, %dma_wait3A_562] : memref<16x1000000xf32, #tpu.memory_space<hbm>> -> memref<16x128xf32, #tpu.memory_space<hbm>>
      %dma_wait3A_564 = arith.constant 0 : i32
      %dma_wait3A_565 = arith.constant 0 : i32
      %dma_wait3A_566 = tpu.memref_slice %arg16[%dma_wait3A_556, %dma_wait3A_564, %dma_wait3A_565] : memref<4x16x128xf32, #tpu.memory_space<vmem>> -> memref<1x16x128xf32, #tpu.memory_space<vmem>>
      %dma_wait3A_567 = tpu.memref_squeeze %dma_wait3A_566 : memref<1x16x128xf32, #tpu.memory_space<vmem>> -> memref<16x128xf32, #tpu.memory_space<vmem>>
      %dma_wait3A_568 = arith.constant 0 : i32
      %dma_wait3A_569 = arith.constant 0 : i32
      %dma_wait3A_570 = tpu.memref_slice %arg6[%dma_wait3A_568, %dma_wait3A_569] : memref<16x1000000xf32, #tpu.memory_space<hbm>> -> memref<16x128xf32, #tpu.memory_space<hbm>>
      tpu.wait_dma2 semaphore(%arg26 : memref<!tpu.dma_semaphore, #tpu.memory_space<semaphore_mem>>) src(%dma_wait3A_570 : memref<16x128xf32, #tpu.memory_space<hbm>>) dst(%dma_wait3A_567 : memref<16x128xf32, #tpu.memory_space<vmem>>)
      %dma_wait3A_571 = arith.constant 0 : i32
      %dma_wait3A_572 = arith.constant 0 : i32
      %dma_wait3A_573 = arith.constant 0 : i32
      %dma_wait3A_574 = tpu.memref_slice %arg17[%dma_wait3A_571, %dma_wait3A_572, %dma_wait3A_573] : memref<4x16x128xf32, #tpu.memory_space<vmem>> -> memref<1x16x128xf32, #tpu.memory_space<vmem>>
      %dma_wait3A_575 = tpu.memref_squeeze %dma_wait3A_574 : memref<1x16x128xf32, #tpu.memory_space<vmem>> -> memref<16x128xf32, #tpu.memory_space<vmem>>
      %dma_wait3A_576 = arith.constant 0 : i32
      %dma_wait3A_577 = arith.constant 0 : i32
      %dma_wait3A_578 = tpu.memref_slice %arg7[%dma_wait3A_576, %dma_wait3A_577] : memref<16x1000000xf32, #tpu.memory_space<hbm>> -> memref<16x128xf32, #tpu.memory_space<hbm>>
      %dma_wait3A_579 = arith.constant 0 : i32
      %dma_wait3A_580 = arith.constant 0 : i32
      %dma_wait3A_581 = tpu.memref_slice %arg17[%dma_wait3A_571, %dma_wait3A_579, %dma_wait3A_580] : memref<4x16x128xf32, #tpu.memory_space<vmem>> -> memref<1x16x128xf32, #tpu.memory_space<vmem>>
      %dma_wait3A_582 = tpu.memref_squeeze %dma_wait3A_581 : memref<1x16x128xf32, #tpu.memory_space<vmem>> -> memref<16x128xf32, #tpu.memory_space<vmem>>
      %dma_wait3A_583 = arith.constant 0 : i32
      %dma_wait3A_584 = arith.constant 0 : i32
      %dma_wait3A_585 = tpu.memref_slice %arg7[%dma_wait3A_583, %dma_wait3A_584] : memref<16x1000000xf32, #tpu.memory_space<hbm>> -> memref<16x128xf32, #tpu.memory_space<hbm>>
      tpu.wait_dma2 semaphore(%arg26 : memref<!tpu.dma_semaphore, #tpu.memory_space<semaphore_mem>>) src(%dma_wait3A_585 : memref<16x128xf32, #tpu.memory_space<hbm>>) dst(%dma_wait3A_582 : memref<16x128xf32, #tpu.memory_space<vmem>>)
      %iota3A_586 = tpu.iota {dimensions = array<i32: 0>} : vector<16xi32>
      %eq3A_587 = arith.constant 0 : i32
      %eq3A_588 = vector.broadcast %eq3A_587 : i32 to vector<16xi32>
      %eq3A_589 = arith.cmpi eq, %iota3A_586, %eq3A_588 : vector<16xi32>
      %jit3A_590 = arith.constant 0 : i32
      %broadcast_in_dim3A_591 = vector.broadcast %jit3A_590 : i32 to vector<16xi32>
      %select_n3A_592 = arith.select %eq3A_589, %get3A_517, %broadcast_in_dim3A_591 : vector<16xi1>, vector<16xi32>
      %reduce_sum3A_593 = arith.constant true
      %reduce_sum3A_594 = vector.broadcast %reduce_sum3A_593 : i1 to vector<16xi1>
      %reduce_sum3A_595 = tpu.scan <sum>, %select_n3A_592 masked %reduce_sum3A_594 : vector<16xi32>, vector<16xi1> -> vector<16xi32>
      %reduce_sum3A_596 = vector.extract %reduce_sum3A_595[15] : i32 from vector<16xi32>
      %iota3A_597 = tpu.iota {dimensions = array<i32: 0>} : vector<16xi32>
      %eq3A_598 = arith.constant 0 : i32
      %eq3A_599 = vector.broadcast %eq3A_598 : i32 to vector<16xi32>
      %eq3A_600 = arith.cmpi eq, %iota3A_597, %eq3A_599 : vector<16xi32>
      %jit3A_601 = arith.constant 0 : i32
      %broadcast_in_dim3A_602 = vector.broadcast %jit3A_601 : i32 to vector<16xi32>
      %select_n3A_603 = arith.select %eq3A_600, %get3A_521, %broadcast_in_dim3A_602 : vector<16xi1>, vector<16xi32>
      %reduce_sum3A_604 = arith.constant true
      %reduce_sum3A_605 = vector.broadcast %reduce_sum3A_604 : i1 to vector<16xi1>
      %reduce_sum3A_606 = tpu.scan <sum>, %select_n3A_603 masked %reduce_sum3A_605 : vector<16xi32>, vector<16xi1> -> vector<16xi32>
      %reduce_sum3A_607 = vector.extract %reduce_sum3A_606[15] : i32 from vector<16xi32>
      %shift_right_logical3A_608 = arith.constant 7 : i32
      %shift_right_logical3A_609 = arith.shrui %reduce_sum3A_596, %shift_right_logical3A_608 : i32
      %min3A_610 = arith.constant 7811 : i32
      %min3A_611 = arith.minsi %shift_right_logical3A_609, %min3A_610 : i32
      %mul3A_612 = arith.constant 128 : i32
      %mul3A_613 = arith.muli %min3A_611, %mul3A_612 : i32
      %sub3A = arith.subi %reduce_sum3A_596, %mul3A_613 : i32
      %min3A_614 = arith.constant 127 : i32
      %min3A_615 = arith.minsi %sub3A, %min3A_614 : i32
      %shift_right_logical3A_616 = arith.constant 7 : i32
      %shift_right_logical3A_617 = arith.shrui %reduce_sum3A_607, %shift_right_logical3A_616 : i32
      %min3A_618 = arith.constant 7811 : i32
      %min3A_619 = arith.minsi %shift_right_logical3A_617, %min3A_618 : i32
      %mul3A_620 = arith.constant 128 : i32
      %mul3A_621 = arith.muli %min3A_619, %mul3A_620 : i32
      %sub3A_622 = arith.subi %reduce_sum3A_607, %mul3A_621 : i32
      %min3A_623 = arith.constant 127 : i32
      %min3A_624 = arith.minsi %sub3A_622, %min3A_623 : i32
      %iota3A_625 = tpu.iota {dimensions = array<i32: 0>} : vector<16xi32>
      %broadcast_in_dim3A_626 = vector.broadcast %add3A_525 : i32 to vector<16xi32>
      %broadcast_in_dim3A_627 = vector.broadcast %min3A_615 : i32 to vector<16xi32>
      %broadcast_in_dim3A_628 = vector.broadcast %min3A_624 : i32 to vector<16xi32>
      %add3A_629 = arith.constant 0 : i32
      %add3A_630 = vector.broadcast %add3A_629 : i32 to vector<16xi32>
      %add3A_631 = arith.addi %iota3A_625, %add3A_630 : vector<16xi32>
      %gather3A = arith.constant 0 : i32
      %gather3A_632 = arith.constant 0 : i32
      %gather3A_633 = arith.constant 0 : i32
      %gather3A_634 = tpu.memref_slice %arg14[%gather3A, %gather3A_632, %gather3A_633] : memref<4x32x128xf32, #tpu.memory_space<vmem>> -> memref<1x32x128xf32, #tpu.memory_space<vmem>>
      %gather3A_635 = tpu.memref_squeeze %gather3A_634 : memref<1x32x128xf32, #tpu.memory_space<vmem>> -> memref<32x128xf32, #tpu.memory_space<vmem>>
      %gather3A_636 = tpu.vector_load_idx %gather3A_635[%add3A_631, %broadcast_in_dim3A_627] : memref<32x128xf32, #tpu.memory_space<vmem>>[vector<16xi32>, vector<16xi32>], vector<16xf32>,
      %add3A_637 = arith.constant 0 : i32
      %add3A_638 = vector.broadcast %add3A_637 : i32 to vector<16xi32>
      %add3A_639 = arith.addi %iota3A_625, %add3A_638 : vector<16xi32>
      tpu.vector_store_idx %arg18[%add3A_639, %broadcast_in_dim3A_626], %gather3A_636 : memref<32x512xf32, #tpu.memory_space<vmem>>[vector<16xi32>, vector<16xi32>], vector<16xf32>,
      %add3A_640 = arith.constant 0 : i32
      %add3A_641 = vector.broadcast %add3A_640 : i32 to vector<16xi32>
      %add3A_642 = arith.addi %iota3A_625, %add3A_641 : vector<16xi32>
      %gather3A_643 = arith.constant 0 : i32
      %gather3A_644 = arith.constant 0 : i32
      %gather3A_645 = arith.constant 0 : i32
      %gather3A_646 = tpu.memref_slice %arg15[%gather3A_643, %gather3A_644, %gather3A_645] : memref<4x32x128xf32, #tpu.memory_space<vmem>> -> memref<1x32x128xf32, #tpu.memory_space<vmem>>
      %gather3A_647 = tpu.memref_squeeze %gather3A_646 : memref<1x32x128xf32, #tpu.memory_space<vmem>> -> memref<32x128xf32, #tpu.memory_space<vmem>>
      %gather3A_648 = tpu.vector_load_idx %gather3A_647[%add3A_642, %broadcast_in_dim3A_628] : memref<32x128xf32, #tpu.memory_space<vmem>>[vector<16xi32>, vector<16xi32>], vector<16xf32>,
      %add3A_649 = arith.constant 0 : i32
      %add3A_650 = vector.broadcast %add3A_649 : i32 to vector<16xi32>
      %add3A_651 = arith.addi %iota3A_625, %add3A_650 : vector<16xi32>
      tpu.vector_store_idx %arg19[%add3A_651, %broadcast_in_dim3A_626], %gather3A_648 : memref<32x512xf32, #tpu.memory_space<vmem>>[vector<16xi32>, vector<16xi32>], vector<16xf32>,
      %add3A_652 = arith.constant 16 : i32
      %add3A_653 = vector.broadcast %add3A_652 : i32 to vector<16xi32>
      %add3A_654 = arith.addi %iota3A_625, %add3A_653 : vector<16xi32>
      %gather3A_655 = arith.constant 0 : i32
      %gather3A_656 = arith.constant 0 : i32
      %gather3A_657 = arith.constant 0 : i32
      %gather3A_658 = tpu.memref_slice %arg14[%gather3A_655, %gather3A_656, %gather3A_657] : memref<4x32x128xf32, #tpu.memory_space<vmem>> -> memref<1x32x128xf32, #tpu.memory_space<vmem>>
      %gather3A_659 = tpu.memref_squeeze %gather3A_658 : memref<1x32x128xf32, #tpu.memory_space<vmem>> -> memref<32x128xf32, #tpu.memory_space<vmem>>
      %gather3A_660 = tpu.vector_load_idx %gather3A_659[%add3A_654, %broadcast_in_dim3A_627] : memref<32x128xf32, #tpu.memory_space<vmem>>[vector<16xi32>, vector<16xi32>], vector<16xf32>,
      %add3A_661 = arith.constant 16 : i32
      %add3A_662 = vector.broadcast %add3A_661 : i32 to vector<16xi32>
      %add3A_663 = arith.addi %iota3A_625, %add3A_662 : vector<16xi32>
      tpu.vector_store_idx %arg18[%add3A_663, %broadcast_in_dim3A_626], %gather3A_660 : memref<32x512xf32, #tpu.memory_space<vmem>>[vector<16xi32>, vector<16xi32>], vector<16xf32>,
      %add3A_664 = arith.constant 16 : i32
      %add3A_665 = vector.broadcast %add3A_664 : i32 to vector<16xi32>
      %add3A_666 = arith.addi %iota3A_625, %add3A_665 : vector<16xi32>
      %gather3A_667 = arith.constant 0 : i32
      %gather3A_668 = arith.constant 0 : i32
      %gather3A_669 = arith.constant 0 : i32
      %gather3A_670 = tpu.memref_slice %arg15[%gather3A_667, %gather3A_668, %gather3A_669] : memref<4x32x128xf32, #tpu.memory_space<vmem>> -> memref<1x32x128xf32, #tpu.memory_space<vmem>>
      %gather3A_671 = tpu.memref_squeeze %gather3A_670 : memref<1x32x128xf32, #tpu.memory_space<vmem>> -> memref<32x128xf32, #tpu.memory_space<vmem>>
      %gather3A_672 = tpu.vector_load_idx %gather3A_671[%add3A_666, %broadcast_in_dim3A_628] : memref<32x128xf32, #tpu.memory_space<vmem>>[vector<16xi32>, vector<16xi32>], vector<16xf32>,
      %add3A_673 = arith.constant 16 : i32
      %add3A_674 = vector.broadcast %add3A_673 : i32 to vector<16xi32>
      %add3A_675 = arith.addi %iota3A_625, %add3A_674 : vector<16xi32>
      tpu.vector_store_idx %arg19[%add3A_675, %broadcast_in_dim3A_626], %gather3A_672 : memref<32x512xf32, #tpu.memory_space<vmem>>[vector<16xi32>, vector<16xi32>], vector<16xf32>,
      %gather3A_676 = arith.constant 0 : i32
      %gather3A_677 = arith.constant 0 : i32
      %gather3A_678 = arith.constant 0 : i32
      %gather3A_679 = tpu.memref_slice %arg16[%gather3A_676, %gather3A_677, %gather3A_678] : memref<4x16x128xf32, #tpu.memory_space<vmem>> -> memref<1x16x128xf32, #tpu.memory_space<vmem>>
      %gather3A_680 = tpu.memref_squeeze %gather3A_679 : memref<1x16x128xf32, #tpu.memory_space<vmem>> -> memref<16x128xf32, #tpu.memory_space<vmem>>
      %gather3A_681 = tpu.vector_load_idx %gather3A_680[%iota3A_625, %broadcast_in_dim3A_627] : memref<16x128xf32, #tpu.memory_space<vmem>>[vector<16xi32>, vector<16xi32>], vector<16xf32>,
      tpu.vector_store_idx %arg20[%iota3A_625, %broadcast_in_dim3A_626], %gather3A_681 : memref<16x512xf32, #tpu.memory_space<vmem>>[vector<16xi32>, vector<16xi32>], vector<16xf32>,
      %gather3A_682 = arith.constant 0 : i32
      %gather3A_683 = arith.constant 0 : i32
      %gather3A_684 = arith.constant 0 : i32
      %gather3A_685 = tpu.memref_slice %arg17[%gather3A_682, %gather3A_683, %gather3A_684] : memref<4x16x128xf32, #tpu.memory_space<vmem>> -> memref<1x16x128xf32, #tpu.memory_space<vmem>>
      %gather3A_686 = tpu.memref_squeeze %gather3A_685 : memref<1x16x128xf32, #tpu.memory_space<vmem>> -> memref<16x128xf32, #tpu.memory_space<vmem>>
      %gather3A_687 = tpu.vector_load_idx %gather3A_686[%iota3A_625, %broadcast_in_dim3A_628] : memref<16x128xf32, #tpu.memory_space<vmem>>[vector<16xi32>, vector<16xi32>], vector<16xf32>,
      tpu.vector_store_idx %arg21[%iota3A_625, %broadcast_in_dim3A_626], %gather3A_687 : memref<16x512xf32, #tpu.memory_space<vmem>>[vector<16xi32>, vector<16xi32>], vector<16xf32>,
      %add3A_688 = arith.constant 4 : i32
      %add3A_689 = arith.addi %add3A_525, %add3A_688 : i32
      %lt3A = arith.constant 512 : i32
      %lt3A_690 = arith.cmpi slt, %add3A_689, %lt3A : i32
      %convert_element_type3A = arith.extui %lt3A_690 : i1 to i32
      %cond3A = arith.constant 0 : i32
      %cond3A_691 = arith.cmpi ne, %convert_element_type3A, %cond3A : i32
      scf.if %cond3A_691 {
        %iota3A_1973 = tpu.iota {dimensions = array<i32: 0>} : vector<16xi32>
        %eq3A_1974 = arith.constant 4 : i32
        %eq3A_1975 = vector.broadcast %eq3A_1974 : i32 to vector<16xi32>
        %eq3A_1976 = arith.cmpi eq, %iota3A_1973, %eq3A_1975 : vector<16xi32>
        %jit3A_1977 = arith.constant 0 : i32
        %broadcast_in_dim3A_1978 = vector.broadcast %jit3A_1977 : i32 to vector<16xi32>
        %select_n3A_1979 = arith.select %eq3A_1976, %get3A_517, %broadcast_in_dim3A_1978 : vector<16xi1>, vector<16xi32>
        %reduce_sum3A_1980 = arith.constant true
        %reduce_sum3A_1981 = vector.broadcast %reduce_sum3A_1980 : i1 to vector<16xi1>
        %reduce_sum3A_1982 = tpu.scan <sum>, %select_n3A_1979 masked %reduce_sum3A_1981 : vector<16xi32>, vector<16xi1> -> vector<16xi32>
        %reduce_sum3A_1983 = vector.extract %reduce_sum3A_1982[15] : i32 from vector<16xi32>
        %iota3A_1984 = tpu.iota {dimensions = array<i32: 0>} : vector<16xi32>
        %eq3A_1985 = arith.constant 4 : i32
        %eq3A_1986 = vector.broadcast %eq3A_1985 : i32 to vector<16xi32>
        %eq3A_1987 = arith.cmpi eq, %iota3A_1984, %eq3A_1986 : vector<16xi32>
        %jit3A_1988 = arith.constant 0 : i32
        %broadcast_in_dim3A_1989 = vector.broadcast %jit3A_1988 : i32 to vector<16xi32>
        %select_n3A_1990 = arith.select %eq3A_1987, %get3A_521, %broadcast_in_dim3A_1989 : vector<16xi1>, vector<16xi32>
        %reduce_sum3A_1991 = arith.constant true
        %reduce_sum3A_1992 = vector.broadcast %reduce_sum3A_1991 : i1 to vector<16xi1>
        %reduce_sum3A_1993 = tpu.scan <sum>, %select_n3A_1990 masked %reduce_sum3A_1992 : vector<16xi32>, vector<16xi1> -> vector<16xi32>
        %reduce_sum3A_1994 = vector.extract %reduce_sum3A_1993[15] : i32 from vector<16xi32>
        %shift_right_logical3A_1995 = arith.constant 7 : i32
        %shift_right_logical3A_1996 = arith.shrui %reduce_sum3A_1983, %shift_right_logical3A_1995 : i32
        %min3A_1997 = arith.constant 7811 : i32
        %min3A_1998 = arith.minsi %shift_right_logical3A_1996, %min3A_1997 : i32
        %mul3A_1999 = arith.constant 128 : i32
        %mul3A_2000 = arith.muli %min3A_1998, %mul3A_1999 : i32
        %shift_right_logical3A_2001 = arith.constant 7 : i32
        %shift_right_logical3A_2002 = arith.shrui %reduce_sum3A_1994, %shift_right_logical3A_2001 : i32
        %min3A_2003 = arith.constant 7811 : i32
        %min3A_2004 = arith.minsi %shift_right_logical3A_2002, %min3A_2003 : i32
        %mul3A_2005 = arith.constant 128 : i32
        %mul3A_2006 = arith.muli %min3A_2004, %mul3A_2005 : i32
        %dma_start3A_2007 = arith.constant 0 : i32
        %dma_start3A_2008 = arith.constant 0 : i32
        %dma_start3A_2009 = arith.constant 0 : i32
        %dma_start3A_2010 = tpu.memref_slice %arg14[%dma_start3A_2007, %dma_start3A_2008, %dma_start3A_2009] : memref<4x32x128xf32, #tpu.memory_space<vmem>> -> memref<1x32x128xf32, #tpu.memory_space<vmem>>
        %dma_start3A_2011 = tpu.memref_squeeze %dma_start3A_2010 : memref<1x32x128xf32, #tpu.memory_space<vmem>> -> memref<32x128xf32, #tpu.memory_space<vmem>>
        %dma_start3A_2012 = arith.constant 0 : i32
        %dma_start3A_2013 = tpu.memref_slice %arg4[%dma_start3A_2012, %mul3A_2000] : memref<32x1000000xf32, #tpu.memory_space<hbm>> -> memref<32x128xf32, #tpu.memory_space<hbm>>
        %dma_start3A_2014 = arith.constant 0 : i32
        %dma_start3A_2015 = arith.constant 0 : i32
        %dma_start3A_2016 = tpu.memref_slice %arg14[%dma_start3A_2007, %dma_start3A_2014, %dma_start3A_2015] : memref<4x32x128xf32, #tpu.memory_space<vmem>> -> memref<1x32x128xf32, #tpu.memory_space<vmem>>
        %dma_start3A_2017 = tpu.memref_squeeze %dma_start3A_2016 : memref<1x32x128xf32, #tpu.memory_space<vmem>> -> memref<32x128xf32, #tpu.memory_space<vmem>>
        %dma_start3A_2018 = arith.constant 0 : i32
        %dma_start3A_2019 = tpu.memref_slice %arg4[%dma_start3A_2018, %mul3A_2000] : memref<32x1000000xf32, #tpu.memory_space<hbm>> -> memref<32x128xf32, #tpu.memory_space<hbm>>
        tpu.enqueue_dma source(%dma_start3A_2019 : memref<32x128xf32, #tpu.memory_space<hbm>>) target(%dma_start3A_2017 : memref<32x128xf32, #tpu.memory_space<vmem>>) target_semaphore(%arg22 : memref<!tpu.dma_semaphore, #tpu.memory_space<semaphore_mem>>)
        %dma_start3A_2020 = arith.constant 0 : i32
        %dma_start3A_2021 = arith.constant 0 : i32
        %dma_start3A_2022 = arith.constant 0 : i32
        %dma_start3A_2023 = tpu.memref_slice %arg15[%dma_start3A_2020, %dma_start3A_2021, %dma_start3A_2022] : memref<4x32x128xf32, #tpu.memory_space<vmem>> -> memref<1x32x128xf32, #tpu.memory_space<vmem>>
        %dma_start3A_2024 = tpu.memref_squeeze %dma_start3A_2023 : memref<1x32x128xf32, #tpu.memory_space<vmem>> -> memref<32x128xf32, #tpu.memory_space<vmem>>
        %dma_start3A_2025 = arith.constant 0 : i32
        %dma_start3A_2026 = tpu.memref_slice %arg5[%dma_start3A_2025, %mul3A_2006] : memref<32x1000000xf32, #tpu.memory_space<hbm>> -> memref<32x128xf32, #tpu.memory_space<hbm>>
        %dma_start3A_2027 = arith.constant 0 : i32
        %dma_start3A_2028 = arith.constant 0 : i32
        %dma_start3A_2029 = tpu.memref_slice %arg15[%dma_start3A_2020, %dma_start3A_2027, %dma_start3A_2028] : memref<4x32x128xf32, #tpu.memory_space<vmem>> -> memref<1x32x128xf32, #tpu.memory_space<vmem>>
        %dma_start3A_2030 = tpu.memref_squeeze %dma_start3A_2029 : memref<1x32x128xf32, #tpu.memory_space<vmem>> -> memref<32x128xf32, #tpu.memory_space<vmem>>
        %dma_start3A_2031 = arith.constant 0 : i32
        %dma_start3A_2032 = tpu.memref_slice %arg5[%dma_start3A_2031, %mul3A_2006] : memref<32x1000000xf32, #tpu.memory_space<hbm>> -> memref<32x128xf32, #tpu.memory_space<hbm>>
        tpu.enqueue_dma source(%dma_start3A_2032 : memref<32x128xf32, #tpu.memory_space<hbm>>) target(%dma_start3A_2030 : memref<32x128xf32, #tpu.memory_space<vmem>>) target_semaphore(%arg22 : memref<!tpu.dma_semaphore, #tpu.memory_space<semaphore_mem>>)
      } else {
      }
      %add3A_692 = arith.constant 4 : i32
      %add3A_693 = arith.addi %add3A_525, %add3A_692 : i32
      %lt3A_694 = arith.constant 512 : i32
      %lt3A_695 = arith.cmpi slt, %add3A_693, %lt3A_694 : i32
      %convert_element_type3A_696 = arith.extui %lt3A_695 : i1 to i32
      %cond3A_697 = arith.constant 0 : i32
      %cond3A_698 = arith.cmpi ne, %convert_element_type3A_696, %cond3A_697 : i32
      scf.if %cond3A_698 {
        %iota3A_1973 = tpu.iota {dimensions = array<i32: 0>} : vector<16xi32>
        %eq3A_1974 = arith.constant 4 : i32
        %eq3A_1975 = vector.broadcast %eq3A_1974 : i32 to vector<16xi32>
        %eq3A_1976 = arith.cmpi eq, %iota3A_1973, %eq3A_1975 : vector<16xi32>
        %jit3A_1977 = arith.constant 0 : i32
        %broadcast_in_dim3A_1978 = vector.broadcast %jit3A_1977 : i32 to vector<16xi32>
        %select_n3A_1979 = arith.select %eq3A_1976, %get3A_517, %broadcast_in_dim3A_1978 : vector<16xi1>, vector<16xi32>
        %reduce_sum3A_1980 = arith.constant true
        %reduce_sum3A_1981 = vector.broadcast %reduce_sum3A_1980 : i1 to vector<16xi1>
        %reduce_sum3A_1982 = tpu.scan <sum>, %select_n3A_1979 masked %reduce_sum3A_1981 : vector<16xi32>, vector<16xi1> -> vector<16xi32>
        %reduce_sum3A_1983 = vector.extract %reduce_sum3A_1982[15] : i32 from vector<16xi32>
        %iota3A_1984 = tpu.iota {dimensions = array<i32: 0>} : vector<16xi32>
        %eq3A_1985 = arith.constant 4 : i32
        %eq3A_1986 = vector.broadcast %eq3A_1985 : i32 to vector<16xi32>
        %eq3A_1987 = arith.cmpi eq, %iota3A_1984, %eq3A_1986 : vector<16xi32>
        %jit3A_1988 = arith.constant 0 : i32
        %broadcast_in_dim3A_1989 = vector.broadcast %jit3A_1988 : i32 to vector<16xi32>
        %select_n3A_1990 = arith.select %eq3A_1987, %get3A_521, %broadcast_in_dim3A_1989 : vector<16xi1>, vector<16xi32>
        %reduce_sum3A_1991 = arith.constant true
        %reduce_sum3A_1992 = vector.broadcast %reduce_sum3A_1991 : i1 to vector<16xi1>
        %reduce_sum3A_1993 = tpu.scan <sum>, %select_n3A_1990 masked %reduce_sum3A_1992 : vector<16xi32>, vector<16xi1> -> vector<16xi32>
        %reduce_sum3A_1994 = vector.extract %reduce_sum3A_1993[15] : i32 from vector<16xi32>
        %shift_right_logical3A_1995 = arith.constant 7 : i32
        %shift_right_logical3A_1996 = arith.shrui %reduce_sum3A_1983, %shift_right_logical3A_1995 : i32
        %min3A_1997 = arith.constant 7811 : i32
        %min3A_1998 = arith.minsi %shift_right_logical3A_1996, %min3A_1997 : i32
        %mul3A_1999 = arith.constant 128 : i32
        %mul3A_2000 = arith.muli %min3A_1998, %mul3A_1999 : i32
        %shift_right_logical3A_2001 = arith.constant 7 : i32
        %shift_right_logical3A_2002 = arith.shrui %reduce_sum3A_1994, %shift_right_logical3A_2001 : i32
        %min3A_2003 = arith.constant 7811 : i32
        %min3A_2004 = arith.minsi %shift_right_logical3A_2002, %min3A_2003 : i32
        %mul3A_2005 = arith.constant 128 : i32
        %mul3A_2006 = arith.muli %min3A_2004, %mul3A_2005 : i32
        %dma_start3A_2007 = arith.constant 0 : i32
        %dma_start3A_2008 = arith.constant 0 : i32
        %dma_start3A_2009 = arith.constant 0 : i32
        %dma_start3A_2010 = tpu.memref_slice %arg16[%dma_start3A_2007, %dma_start3A_2008, %dma_start3A_2009] : memref<4x16x128xf32, #tpu.memory_space<vmem>> -> memref<1x16x128xf32, #tpu.memory_space<vmem>>
        %dma_start3A_2011 = tpu.memref_squeeze %dma_start3A_2010 : memref<1x16x128xf32, #tpu.memory_space<vmem>> -> memref<16x128xf32, #tpu.memory_space<vmem>>
        %dma_start3A_2012 = arith.constant 0 : i32
        %dma_start3A_2013 = tpu.memref_slice %arg6[%dma_start3A_2012, %mul3A_2000] : memref<16x1000000xf32, #tpu.memory_space<hbm>> -> memref<16x128xf32, #tpu.memory_space<hbm>>
        %dma_start3A_2014 = arith.constant 0 : i32
        %dma_start3A_2015 = arith.constant 0 : i32
        %dma_start3A_2016 = tpu.memref_slice %arg16[%dma_start3A_2007, %dma_start3A_2014, %dma_start3A_2015] : memref<4x16x128xf32, #tpu.memory_space<vmem>> -> memref<1x16x128xf32, #tpu.memory_space<vmem>>
        %dma_start3A_2017 = tpu.memref_squeeze %dma_start3A_2016 : memref<1x16x128xf32, #tpu.memory_space<vmem>> -> memref<16x128xf32, #tpu.memory_space<vmem>>
        %dma_start3A_2018 = arith.constant 0 : i32
        %dma_start3A_2019 = tpu.memref_slice %arg6[%dma_start3A_2018, %mul3A_2000] : memref<16x1000000xf32, #tpu.memory_space<hbm>> -> memref<16x128xf32, #tpu.memory_space<hbm>>
        tpu.enqueue_dma source(%dma_start3A_2019 : memref<16x128xf32, #tpu.memory_space<hbm>>) target(%dma_start3A_2017 : memref<16x128xf32, #tpu.memory_space<vmem>>) target_semaphore(%arg26 : memref<!tpu.dma_semaphore, #tpu.memory_space<semaphore_mem>>)
        %dma_start3A_2020 = arith.constant 0 : i32
        %dma_start3A_2021 = arith.constant 0 : i32
        %dma_start3A_2022 = arith.constant 0 : i32
        %dma_start3A_2023 = tpu.memref_slice %arg17[%dma_start3A_2020, %dma_start3A_2021, %dma_start3A_2022] : memref<4x16x128xf32, #tpu.memory_space<vmem>> -> memref<1x16x128xf32, #tpu.memory_space<vmem>>
        %dma_start3A_2024 = tpu.memref_squeeze %dma_start3A_2023 : memref<1x16x128xf32, #tpu.memory_space<vmem>> -> memref<16x128xf32, #tpu.memory_space<vmem>>
        %dma_start3A_2025 = arith.constant 0 : i32
        %dma_start3A_2026 = tpu.memref_slice %arg7[%dma_start3A_2025, %mul3A_2006] : memref<16x1000000xf32, #tpu.memory_space<hbm>> -> memref<16x128xf32, #tpu.memory_space<hbm>>
        %dma_start3A_2027 = arith.constant 0 : i32
        %dma_start3A_2028 = arith.constant 0 : i32
        %dma_start3A_2029 = tpu.memref_slice %arg17[%dma_start3A_2020, %dma_start3A_2027, %dma_start3A_2028] : memref<4x16x128xf32, #tpu.memory_space<vmem>> -> memref<1x16x128xf32, #tpu.memory_space<vmem>>
        %dma_start3A_2030 = tpu.memref_squeeze %dma_start3A_2029 : memref<1x16x128xf32, #tpu.memory_space<vmem>> -> memref<16x128xf32, #tpu.memory_space<vmem>>
        %dma_start3A_2031 = arith.constant 0 : i32
        %dma_start3A_2032 = tpu.memref_slice %arg7[%dma_start3A_2031, %mul3A_2006] : memref<16x1000000xf32, #tpu.memory_space<hbm>> -> memref<16x128xf32, #tpu.memory_space<hbm>>
        tpu.enqueue_dma source(%dma_start3A_2032 : memref<16x128xf32, #tpu.memory_space<hbm>>) target(%dma_start3A_2030 : memref<16x128xf32, #tpu.memory_space<vmem>>) target_semaphore(%arg26 : memref<!tpu.dma_semaphore, #tpu.memory_space<semaphore_mem>>)
      } else {
      }
      %mul3A_699 = arith.constant 8 : i32
      %mul3A_700 = arith.muli %mul3A_699, %scan3A_513 : i32
      %add3A_701 = arith.constant 1 : i32
      %add3A_702 = arith.addi %mul3A_700, %add3A_701 : i32
      %dma_wait3A_703 = arith.constant 1 : i32
      %dma_wait3A_704 = arith.constant 0 : i32
      %dma_wait3A_705 = arith.constant 0 : i32
      %dma_wait3A_706 = tpu.memref_slice %arg14[%dma_wait3A_703, %dma_wait3A_704, %dma_wait3A_705] : memref<4x32x128xf32, #tpu.memory_space<vmem>> -> memref<1x32x128xf32, #tpu.memory_space<vmem>>
      %dma_wait3A_707 = tpu.memref_squeeze %dma_wait3A_706 : memref<1x32x128xf32, #tpu.memory_space<vmem>> -> memref<32x128xf32, #tpu.memory_space<vmem>>
      %dma_wait3A_708 = arith.constant 0 : i32
      %dma_wait3A_709 = arith.constant 0 : i32
      %dma_wait3A_710 = tpu.memref_slice %arg4[%dma_wait3A_708, %dma_wait3A_709] : memref<32x1000000xf32, #tpu.memory_space<hbm>> -> memref<32x128xf32, #tpu.memory_space<hbm>>
      %dma_wait3A_711 = arith.constant 0 : i32
      %dma_wait3A_712 = arith.constant 0 : i32
      %dma_wait3A_713 = tpu.memref_slice %arg14[%dma_wait3A_703, %dma_wait3A_711, %dma_wait3A_712] : memref<4x32x128xf32, #tpu.memory_space<vmem>> -> memref<1x32x128xf32, #tpu.memory_space<vmem>>
      %dma_wait3A_714 = tpu.memref_squeeze %dma_wait3A_713 : memref<1x32x128xf32, #tpu.memory_space<vmem>> -> memref<32x128xf32, #tpu.memory_space<vmem>>
      %dma_wait3A_715 = arith.constant 0 : i32
      %dma_wait3A_716 = arith.constant 0 : i32
      %dma_wait3A_717 = tpu.memref_slice %arg4[%dma_wait3A_715, %dma_wait3A_716] : memref<32x1000000xf32, #tpu.memory_space<hbm>> -> memref<32x128xf32, #tpu.memory_space<hbm>>
      tpu.wait_dma2 semaphore(%arg23 : memref<!tpu.dma_semaphore, #tpu.memory_space<semaphore_mem>>) src(%dma_wait3A_717 : memref<32x128xf32, #tpu.memory_space<hbm>>) dst(%dma_wait3A_714 : memref<32x128xf32, #tpu.memory_space<vmem>>)
      %dma_wait3A_718 = arith.constant 1 : i32
      %dma_wait3A_719 = arith.constant 0 : i32
      %dma_wait3A_720 = arith.constant 0 : i32
      %dma_wait3A_721 = tpu.memref_slice %arg15[%dma_wait3A_718, %dma_wait3A_719, %dma_wait3A_720] : memref<4x32x128xf32, #tpu.memory_space<vmem>> -> memref<1x32x128xf32, #tpu.memory_space<vmem>>
      %dma_wait3A_722 = tpu.memref_squeeze %dma_wait3A_721 : memref<1x32x128xf32, #tpu.memory_space<vmem>> -> memref<32x128xf32, #tpu.memory_space<vmem>>
      %dma_wait3A_723 = arith.constant 0 : i32
      %dma_wait3A_724 = arith.constant 0 : i32
      %dma_wait3A_725 = tpu.memref_slice %arg5[%dma_wait3A_723, %dma_wait3A_724] : memref<32x1000000xf32, #tpu.memory_space<hbm>> -> memref<32x128xf32, #tpu.memory_space<hbm>>
      %dma_wait3A_726 = arith.constant 0 : i32
      %dma_wait3A_727 = arith.constant 0 : i32
      %dma_wait3A_728 = tpu.memref_slice %arg15[%dma_wait3A_718, %dma_wait3A_726, %dma_wait3A_727] : memref<4x32x128xf32, #tpu.memory_space<vmem>> -> memref<1x32x128xf32, #tpu.memory_space<vmem>>
      %dma_wait3A_729 = tpu.memref_squeeze %dma_wait3A_728 : memref<1x32x128xf32, #tpu.memory_space<vmem>> -> memref<32x128xf32, #tpu.memory_space<vmem>>
      %dma_wait3A_730 = arith.constant 0 : i32
      %dma_wait3A_731 = arith.constant 0 : i32
      %dma_wait3A_732 = tpu.memref_slice %arg5[%dma_wait3A_730, %dma_wait3A_731] : memref<32x1000000xf32, #tpu.memory_space<hbm>> -> memref<32x128xf32, #tpu.memory_space<hbm>>
      tpu.wait_dma2 semaphore(%arg23 : memref<!tpu.dma_semaphore, #tpu.memory_space<semaphore_mem>>) src(%dma_wait3A_732 : memref<32x128xf32, #tpu.memory_space<hbm>>) dst(%dma_wait3A_729 : memref<32x128xf32, #tpu.memory_space<vmem>>)
      %dma_wait3A_733 = arith.constant 1 : i32
      %dma_wait3A_734 = arith.constant 0 : i32
      %dma_wait3A_735 = arith.constant 0 : i32
      %dma_wait3A_736 = tpu.memref_slice %arg16[%dma_wait3A_733, %dma_wait3A_734, %dma_wait3A_735] : memref<4x16x128xf32, #tpu.memory_space<vmem>> -> memref<1x16x128xf32, #tpu.memory_space<vmem>>
      %dma_wait3A_737 = tpu.memref_squeeze %dma_wait3A_736 : memref<1x16x128xf32, #tpu.memory_space<vmem>> -> memref<16x128xf32, #tpu.memory_space<vmem>>
      %dma_wait3A_738 = arith.constant 0 : i32
      %dma_wait3A_739 = arith.constant 0 : i32
      %dma_wait3A_740 = tpu.memref_slice %arg6[%dma_wait3A_738, %dma_wait3A_739] : memref<16x1000000xf32, #tpu.memory_space<hbm>> -> memref<16x128xf32, #tpu.memory_space<hbm>>
      %dma_wait3A_741 = arith.constant 0 : i32
      %dma_wait3A_742 = arith.constant 0 : i32
      %dma_wait3A_743 = tpu.memref_slice %arg16[%dma_wait3A_733, %dma_wait3A_741, %dma_wait3A_742] : memref<4x16x128xf32, #tpu.memory_space<vmem>> -> memref<1x16x128xf32, #tpu.memory_space<vmem>>
      %dma_wait3A_744 = tpu.memref_squeeze %dma_wait3A_743 : memref<1x16x128xf32, #tpu.memory_space<vmem>> -> memref<16x128xf32, #tpu.memory_space<vmem>>
      %dma_wait3A_745 = arith.constant 0 : i32
      %dma_wait3A_746 = arith.constant 0 : i32
      %dma_wait3A_747 = tpu.memref_slice %arg6[%dma_wait3A_745, %dma_wait3A_746] : memref<16x1000000xf32, #tpu.memory_space<hbm>> -> memref<16x128xf32, #tpu.memory_space<hbm>>
      tpu.wait_dma2 semaphore(%arg27 : memref<!tpu.dma_semaphore, #tpu.memory_space<semaphore_mem>>) src(%dma_wait3A_747 : memref<16x128xf32, #tpu.memory_space<hbm>>) dst(%dma_wait3A_744 : memref<16x128xf32, #tpu.memory_space<vmem>>)
      %dma_wait3A_748 = arith.constant 1 : i32
      %dma_wait3A_749 = arith.constant 0 : i32
      %dma_wait3A_750 = arith.constant 0 : i32
      %dma_wait3A_751 = tpu.memref_slice %arg17[%dma_wait3A_748, %dma_wait3A_749, %dma_wait3A_750] : memref<4x16x128xf32, #tpu.memory_space<vmem>> -> memref<1x16x128xf32, #tpu.memory_space<vmem>>
      %dma_wait3A_752 = tpu.memref_squeeze %dma_wait3A_751 : memref<1x16x128xf32, #tpu.memory_space<vmem>> -> memref<16x128xf32, #tpu.memory_space<vmem>>
      %dma_wait3A_753 = arith.constant 0 : i32
      %dma_wait3A_754 = arith.constant 0 : i32
      %dma_wait3A_755 = tpu.memref_slice %arg7[%dma_wait3A_753, %dma_wait3A_754] : memref<16x1000000xf32, #tpu.memory_space<hbm>> -> memref<16x128xf32, #tpu.memory_space<hbm>>
      %dma_wait3A_756 = arith.constant 0 : i32
      %dma_wait3A_757 = arith.constant 0 : i32
      %dma_wait3A_758 = tpu.memref_slice %arg17[%dma_wait3A_748, %dma_wait3A_756, %dma_wait3A_757] : memref<4x16x128xf32, #tpu.memory_space<vmem>> -> memref<1x16x128xf32, #tpu.memory_space<vmem>>
      %dma_wait3A_759 = tpu.memref_squeeze %dma_wait3A_758 : memref<1x16x128xf32, #tpu.memory_space<vmem>> -> memref<16x128xf32, #tpu.memory_space<vmem>>
      %dma_wait3A_760 = arith.constant 0 : i32
      %dma_wait3A_761 = arith.constant 0 : i32
      %dma_wait3A_762 = tpu.memref_slice %arg7[%dma_wait3A_760, %dma_wait3A_761] : memref<16x1000000xf32, #tpu.memory_space<hbm>> -> memref<16x128xf32, #tpu.memory_space<hbm>>
      tpu.wait_dma2 semaphore(%arg27 : memref<!tpu.dma_semaphore, #tpu.memory_space<semaphore_mem>>) src(%dma_wait3A_762 : memref<16x128xf32, #tpu.memory_space<hbm>>) dst(%dma_wait3A_759 : memref<16x128xf32, #tpu.memory_space<vmem>>)
      %iota3A_763 = tpu.iota {dimensions = array<i32: 0>} : vector<16xi32>
      %eq3A_764 = arith.constant 1 : i32
      %eq3A_765 = vector.broadcast %eq3A_764 : i32 to vector<16xi32>
      %eq3A_766 = arith.cmpi eq, %iota3A_763, %eq3A_765 : vector<16xi32>
      %jit3A_767 = arith.constant 0 : i32
      %broadcast_in_dim3A_768 = vector.broadcast %jit3A_767 : i32 to vector<16xi32>
      %select_n3A_769 = arith.select %eq3A_766, %get3A_517, %broadcast_in_dim3A_768 : vector<16xi1>, vector<16xi32>
      %reduce_sum3A_770 = arith.constant true
      %reduce_sum3A_771 = vector.broadcast %reduce_sum3A_770 : i1 to vector<16xi1>
      %reduce_sum3A_772 = tpu.scan <sum>, %select_n3A_769 masked %reduce_sum3A_771 : vector<16xi32>, vector<16xi1> -> vector<16xi32>
      %reduce_sum3A_773 = vector.extract %reduce_sum3A_772[15] : i32 from vector<16xi32>
      %iota3A_774 = tpu.iota {dimensions = array<i32: 0>} : vector<16xi32>
      %eq3A_775 = arith.constant 1 : i32
      %eq3A_776 = vector.broadcast %eq3A_775 : i32 to vector<16xi32>
      %eq3A_777 = arith.cmpi eq, %iota3A_774, %eq3A_776 : vector<16xi32>
      %jit3A_778 = arith.constant 0 : i32
      %broadcast_in_dim3A_779 = vector.broadcast %jit3A_778 : i32 to vector<16xi32>
      %select_n3A_780 = arith.select %eq3A_777, %get3A_521, %broadcast_in_dim3A_779 : vector<16xi1>, vector<16xi32>
      %reduce_sum3A_781 = arith.constant true
      %reduce_sum3A_782 = vector.broadcast %reduce_sum3A_781 : i1 to vector<16xi1>
      %reduce_sum3A_783 = tpu.scan <sum>, %select_n3A_780 masked %reduce_sum3A_782 : vector<16xi32>, vector<16xi1> -> vector<16xi32>
      %reduce_sum3A_784 = vector.extract %reduce_sum3A_783[15] : i32 from vector<16xi32>
      %shift_right_logical3A_785 = arith.constant 7 : i32
      %shift_right_logical3A_786 = arith.shrui %reduce_sum3A_773, %shift_right_logical3A_785 : i32
      %min3A_787 = arith.constant 7811 : i32
      %min3A_788 = arith.minsi %shift_right_logical3A_786, %min3A_787 : i32
      %mul3A_789 = arith.constant 128 : i32
      %mul3A_790 = arith.muli %min3A_788, %mul3A_789 : i32
      %sub3A_791 = arith.subi %reduce_sum3A_773, %mul3A_790 : i32
      %min3A_792 = arith.constant 127 : i32
      %min3A_793 = arith.minsi %sub3A_791, %min3A_792 : i32
      %shift_right_logical3A_794 = arith.constant 7 : i32
      %shift_right_logical3A_795 = arith.shrui %reduce_sum3A_784, %shift_right_logical3A_794 : i32
      %min3A_796 = arith.constant 7811 : i32
      %min3A_797 = arith.minsi %shift_right_logical3A_795, %min3A_796 : i32
      %mul3A_798 = arith.constant 128 : i32
      %mul3A_799 = arith.muli %min3A_797, %mul3A_798 : i32
      %sub3A_800 = arith.subi %reduce_sum3A_784, %mul3A_799 : i32
      %min3A_801 = arith.constant 127 : i32
      %min3A_802 = arith.minsi %sub3A_800, %min3A_801 : i32
      %iota3A_803 = tpu.iota {dimensions = array<i32: 0>} : vector<16xi32>
      %broadcast_in_dim3A_804 = vector.broadcast %add3A_702 : i32 to vector<16xi32>
      %broadcast_in_dim3A_805 = vector.broadcast %min3A_793 : i32 to vector<16xi32>
      %broadcast_in_dim3A_806 = vector.broadcast %min3A_802 : i32 to vector<16xi32>
      %add3A_807 = arith.constant 0 : i32
      %add3A_808 = vector.broadcast %add3A_807 : i32 to vector<16xi32>
      %add3A_809 = arith.addi %iota3A_803, %add3A_808 : vector<16xi32>
      %gather3A_810 = arith.constant 1 : i32
      %gather3A_811 = arith.constant 0 : i32
      %gather3A_812 = arith.constant 0 : i32
      %gather3A_813 = tpu.memref_slice %arg14[%gather3A_810, %gather3A_811, %gather3A_812] : memref<4x32x128xf32, #tpu.memory_space<vmem>> -> memref<1x32x128xf32, #tpu.memory_space<vmem>>
      %gather3A_814 = tpu.memref_squeeze %gather3A_813 : memref<1x32x128xf32, #tpu.memory_space<vmem>> -> memref<32x128xf32, #tpu.memory_space<vmem>>
      %gather3A_815 = tpu.vector_load_idx %gather3A_814[%add3A_809, %broadcast_in_dim3A_805] : memref<32x128xf32, #tpu.memory_space<vmem>>[vector<16xi32>, vector<16xi32>], vector<16xf32>,
      %add3A_816 = arith.constant 0 : i32
      %add3A_817 = vector.broadcast %add3A_816 : i32 to vector<16xi32>
      %add3A_818 = arith.addi %iota3A_803, %add3A_817 : vector<16xi32>
      tpu.vector_store_idx %arg18[%add3A_818, %broadcast_in_dim3A_804], %gather3A_815 : memref<32x512xf32, #tpu.memory_space<vmem>>[vector<16xi32>, vector<16xi32>], vector<16xf32>,
      %add3A_819 = arith.constant 0 : i32
      %add3A_820 = vector.broadcast %add3A_819 : i32 to vector<16xi32>
      %add3A_821 = arith.addi %iota3A_803, %add3A_820 : vector<16xi32>
      %gather3A_822 = arith.constant 1 : i32
      %gather3A_823 = arith.constant 0 : i32
      %gather3A_824 = arith.constant 0 : i32
      %gather3A_825 = tpu.memref_slice %arg15[%gather3A_822, %gather3A_823, %gather3A_824] : memref<4x32x128xf32, #tpu.memory_space<vmem>> -> memref<1x32x128xf32, #tpu.memory_space<vmem>>
      %gather3A_826 = tpu.memref_squeeze %gather3A_825 : memref<1x32x128xf32, #tpu.memory_space<vmem>> -> memref<32x128xf32, #tpu.memory_space<vmem>>
      %gather3A_827 = tpu.vector_load_idx %gather3A_826[%add3A_821, %broadcast_in_dim3A_806] : memref<32x128xf32, #tpu.memory_space<vmem>>[vector<16xi32>, vector<16xi32>], vector<16xf32>,
      %add3A_828 = arith.constant 0 : i32
      %add3A_829 = vector.broadcast %add3A_828 : i32 to vector<16xi32>
      %add3A_830 = arith.addi %iota3A_803, %add3A_829 : vector<16xi32>
      tpu.vector_store_idx %arg19[%add3A_830, %broadcast_in_dim3A_804], %gather3A_827 : memref<32x512xf32, #tpu.memory_space<vmem>>[vector<16xi32>, vector<16xi32>], vector<16xf32>,
      %add3A_831 = arith.constant 16 : i32
      %add3A_832 = vector.broadcast %add3A_831 : i32 to vector<16xi32>
      %add3A_833 = arith.addi %iota3A_803, %add3A_832 : vector<16xi32>
      %gather3A_834 = arith.constant 1 : i32
      %gather3A_835 = arith.constant 0 : i32
      %gather3A_836 = arith.constant 0 : i32
      %gather3A_837 = tpu.memref_slice %arg14[%gather3A_834, %gather3A_835, %gather3A_836] : memref<4x32x128xf32, #tpu.memory_space<vmem>> -> memref<1x32x128xf32, #tpu.memory_space<vmem>>
      %gather3A_838 = tpu.memref_squeeze %gather3A_837 : memref<1x32x128xf32, #tpu.memory_space<vmem>> -> memref<32x128xf32, #tpu.memory_space<vmem>>
      %gather3A_839 = tpu.vector_load_idx %gather3A_838[%add3A_833, %broadcast_in_dim3A_805] : memref<32x128xf32, #tpu.memory_space<vmem>>[vector<16xi32>, vector<16xi32>], vector<16xf32>,
      %add3A_840 = arith.constant 16 : i32
      %add3A_841 = vector.broadcast %add3A_840 : i32 to vector<16xi32>
      %add3A_842 = arith.addi %iota3A_803, %add3A_841 : vector<16xi32>
      tpu.vector_store_idx %arg18[%add3A_842, %broadcast_in_dim3A_804], %gather3A_839 : memref<32x512xf32, #tpu.memory_space<vmem>>[vector<16xi32>, vector<16xi32>], vector<16xf32>,
      %add3A_843 = arith.constant 16 : i32
      %add3A_844 = vector.broadcast %add3A_843 : i32 to vector<16xi32>
      %add3A_845 = arith.addi %iota3A_803, %add3A_844 : vector<16xi32>
      %gather3A_846 = arith.constant 1 : i32
      %gather3A_847 = arith.constant 0 : i32
      %gather3A_848 = arith.constant 0 : i32
      %gather3A_849 = tpu.memref_slice %arg15[%gather3A_846, %gather3A_847, %gather3A_848] : memref<4x32x128xf32, #tpu.memory_space<vmem>> -> memref<1x32x128xf32, #tpu.memory_space<vmem>>
      %gather3A_850 = tpu.memref_squeeze %gather3A_849 : memref<1x32x128xf32, #tpu.memory_space<vmem>> -> memref<32x128xf32, #tpu.memory_space<vmem>>
      %gather3A_851 = tpu.vector_load_idx %gather3A_850[%add3A_845, %broadcast_in_dim3A_806] : memref<32x128xf32, #tpu.memory_space<vmem>>[vector<16xi32>, vector<16xi32>], vector<16xf32>,
      %add3A_852 = arith.constant 16 : i32
      %add3A_853 = vector.broadcast %add3A_852 : i32 to vector<16xi32>
      %add3A_854 = arith.addi %iota3A_803, %add3A_853 : vector<16xi32>
      tpu.vector_store_idx %arg19[%add3A_854, %broadcast_in_dim3A_804], %gather3A_851 : memref<32x512xf32, #tpu.memory_space<vmem>>[vector<16xi32>, vector<16xi32>], vector<16xf32>,
      %gather3A_855 = arith.constant 1 : i32
      %gather3A_856 = arith.constant 0 : i32
      %gather3A_857 = arith.constant 0 : i32
      %gather3A_858 = tpu.memref_slice %arg16[%gather3A_855, %gather3A_856, %gather3A_857] : memref<4x16x128xf32, #tpu.memory_space<vmem>> -> memref<1x16x128xf32, #tpu.memory_space<vmem>>
      %gather3A_859 = tpu.memref_squeeze %gather3A_858 : memref<1x16x128xf32, #tpu.memory_space<vmem>> -> memref<16x128xf32, #tpu.memory_space<vmem>>
      %gather3A_860 = tpu.vector_load_idx %gather3A_859[%iota3A_803, %broadcast_in_dim3A_805] : memref<16x128xf32, #tpu.memory_space<vmem>>[vector<16xi32>, vector<16xi32>], vector<16xf32>,
      tpu.vector_store_idx %arg20[%iota3A_803, %broadcast_in_dim3A_804], %gather3A_860 : memref<16x512xf32, #tpu.memory_space<vmem>>[vector<16xi32>, vector<16xi32>], vector<16xf32>,
      %gather3A_861 = arith.constant 1 : i32
      %gather3A_862 = arith.constant 0 : i32
      %gather3A_863 = arith.constant 0 : i32
      %gather3A_864 = tpu.memref_slice %arg17[%gather3A_861, %gather3A_862, %gather3A_863] : memref<4x16x128xf32, #tpu.memory_space<vmem>> -> memref<1x16x128xf32, #tpu.memory_space<vmem>>
      %gather3A_865 = tpu.memref_squeeze %gather3A_864 : memref<1x16x128xf32, #tpu.memory_space<vmem>> -> memref<16x128xf32, #tpu.memory_space<vmem>>
      %gather3A_866 = tpu.vector_load_idx %gather3A_865[%iota3A_803, %broadcast_in_dim3A_806] : memref<16x128xf32, #tpu.memory_space<vmem>>[vector<16xi32>, vector<16xi32>], vector<16xf32>,
      tpu.vector_store_idx %arg21[%iota3A_803, %broadcast_in_dim3A_804], %gather3A_866 : memref<16x512xf32, #tpu.memory_space<vmem>>[vector<16xi32>, vector<16xi32>], vector<16xf32>,
      %add3A_867 = arith.constant 4 : i32
      %add3A_868 = arith.addi %add3A_702, %add3A_867 : i32
      %lt3A_869 = arith.constant 512 : i32
      %lt3A_870 = arith.cmpi slt, %add3A_868, %lt3A_869 : i32
      %convert_element_type3A_871 = arith.extui %lt3A_870 : i1 to i32
      %cond3A_872 = arith.constant 0 : i32
      %cond3A_873 = arith.cmpi ne, %convert_element_type3A_871, %cond3A_872 : i32
      scf.if %cond3A_873 {
        %iota3A_1973 = tpu.iota {dimensions = array<i32: 0>} : vector<16xi32>
        %eq3A_1974 = arith.constant 5 : i32
        %eq3A_1975 = vector.broadcast %eq3A_1974 : i32 to vector<16xi32>
        %eq3A_1976 = arith.cmpi eq, %iota3A_1973, %eq3A_1975 : vector<16xi32>
        %jit3A_1977 = arith.constant 0 : i32
        %broadcast_in_dim3A_1978 = vector.broadcast %jit3A_1977 : i32 to vector<16xi32>
        %select_n3A_1979 = arith.select %eq3A_1976, %get3A_517, %broadcast_in_dim3A_1978 : vector<16xi1>, vector<16xi32>
        %reduce_sum3A_1980 = arith.constant true
        %reduce_sum3A_1981 = vector.broadcast %reduce_sum3A_1980 : i1 to vector<16xi1>
        %reduce_sum3A_1982 = tpu.scan <sum>, %select_n3A_1979 masked %reduce_sum3A_1981 : vector<16xi32>, vector<16xi1> -> vector<16xi32>
        %reduce_sum3A_1983 = vector.extract %reduce_sum3A_1982[15] : i32 from vector<16xi32>
        %iota3A_1984 = tpu.iota {dimensions = array<i32: 0>} : vector<16xi32>
        %eq3A_1985 = arith.constant 5 : i32
        %eq3A_1986 = vector.broadcast %eq3A_1985 : i32 to vector<16xi32>
        %eq3A_1987 = arith.cmpi eq, %iota3A_1984, %eq3A_1986 : vector<16xi32>
        %jit3A_1988 = arith.constant 0 : i32
        %broadcast_in_dim3A_1989 = vector.broadcast %jit3A_1988 : i32 to vector<16xi32>
        %select_n3A_1990 = arith.select %eq3A_1987, %get3A_521, %broadcast_in_dim3A_1989 : vector<16xi1>, vector<16xi32>
        %reduce_sum3A_1991 = arith.constant true
        %reduce_sum3A_1992 = vector.broadcast %reduce_sum3A_1991 : i1 to vector<16xi1>
        %reduce_sum3A_1993 = tpu.scan <sum>, %select_n3A_1990 masked %reduce_sum3A_1992 : vector<16xi32>, vector<16xi1> -> vector<16xi32>
        %reduce_sum3A_1994 = vector.extract %reduce_sum3A_1993[15] : i32 from vector<16xi32>
        %shift_right_logical3A_1995 = arith.constant 7 : i32
        %shift_right_logical3A_1996 = arith.shrui %reduce_sum3A_1983, %shift_right_logical3A_1995 : i32
        %min3A_1997 = arith.constant 7811 : i32
        %min3A_1998 = arith.minsi %shift_right_logical3A_1996, %min3A_1997 : i32
        %mul3A_1999 = arith.constant 128 : i32
        %mul3A_2000 = arith.muli %min3A_1998, %mul3A_1999 : i32
        %shift_right_logical3A_2001 = arith.constant 7 : i32
        %shift_right_logical3A_2002 = arith.shrui %reduce_sum3A_1994, %shift_right_logical3A_2001 : i32
        %min3A_2003 = arith.constant 7811 : i32
        %min3A_2004 = arith.minsi %shift_right_logical3A_2002, %min3A_2003 : i32
        %mul3A_2005 = arith.constant 128 : i32
        %mul3A_2006 = arith.muli %min3A_2004, %mul3A_2005 : i32
        %dma_start3A_2007 = arith.constant 1 : i32
        %dma_start3A_2008 = arith.constant 0 : i32
        %dma_start3A_2009 = arith.constant 0 : i32
        %dma_start3A_2010 = tpu.memref_slice %arg14[%dma_start3A_2007, %dma_start3A_2008, %dma_start3A_2009] : memref<4x32x128xf32, #tpu.memory_space<vmem>> -> memref<1x32x128xf32, #tpu.memory_space<vmem>>
        %dma_start3A_2011 = tpu.memref_squeeze %dma_start3A_2010 : memref<1x32x128xf32, #tpu.memory_space<vmem>> -> memref<32x128xf32, #tpu.memory_space<vmem>>
        %dma_start3A_2012 = arith.constant 0 : i32
        %dma_start3A_2013 = tpu.memref_slice %arg4[%dma_start3A_2012, %mul3A_2000] : memref<32x1000000xf32, #tpu.memory_space<hbm>> -> memref<32x128xf32, #tpu.memory_space<hbm>>
        %dma_start3A_2014 = arith.constant 0 : i32
        %dma_start3A_2015 = arith.constant 0 : i32
        %dma_start3A_2016 = tpu.memref_slice %arg14[%dma_start3A_2007, %dma_start3A_2014, %dma_start3A_2015] : memref<4x32x128xf32, #tpu.memory_space<vmem>> -> memref<1x32x128xf32, #tpu.memory_space<vmem>>
        %dma_start3A_2017 = tpu.memref_squeeze %dma_start3A_2016 : memref<1x32x128xf32, #tpu.memory_space<vmem>> -> memref<32x128xf32, #tpu.memory_space<vmem>>
        %dma_start3A_2018 = arith.constant 0 : i32
        %dma_start3A_2019 = tpu.memref_slice %arg4[%dma_start3A_2018, %mul3A_2000] : memref<32x1000000xf32, #tpu.memory_space<hbm>> -> memref<32x128xf32, #tpu.memory_space<hbm>>
        tpu.enqueue_dma source(%dma_start3A_2019 : memref<32x128xf32, #tpu.memory_space<hbm>>) target(%dma_start3A_2017 : memref<32x128xf32, #tpu.memory_space<vmem>>) target_semaphore(%arg23 : memref<!tpu.dma_semaphore, #tpu.memory_space<semaphore_mem>>)
        %dma_start3A_2020 = arith.constant 1 : i32
        %dma_start3A_2021 = arith.constant 0 : i32
        %dma_start3A_2022 = arith.constant 0 : i32
        %dma_start3A_2023 = tpu.memref_slice %arg15[%dma_start3A_2020, %dma_start3A_2021, %dma_start3A_2022] : memref<4x32x128xf32, #tpu.memory_space<vmem>> -> memref<1x32x128xf32, #tpu.memory_space<vmem>>
        %dma_start3A_2024 = tpu.memref_squeeze %dma_start3A_2023 : memref<1x32x128xf32, #tpu.memory_space<vmem>> -> memref<32x128xf32, #tpu.memory_space<vmem>>
        %dma_start3A_2025 = arith.constant 0 : i32
        %dma_start3A_2026 = tpu.memref_slice %arg5[%dma_start3A_2025, %mul3A_2006] : memref<32x1000000xf32, #tpu.memory_space<hbm>> -> memref<32x128xf32, #tpu.memory_space<hbm>>
        %dma_start3A_2027 = arith.constant 0 : i32
        %dma_start3A_2028 = arith.constant 0 : i32
        %dma_start3A_2029 = tpu.memref_slice %arg15[%dma_start3A_2020, %dma_start3A_2027, %dma_start3A_2028] : memref<4x32x128xf32, #tpu.memory_space<vmem>> -> memref<1x32x128xf32, #tpu.memory_space<vmem>>
        %dma_start3A_2030 = tpu.memref_squeeze %dma_start3A_2029 : memref<1x32x128xf32, #tpu.memory_space<vmem>> -> memref<32x128xf32, #tpu.memory_space<vmem>>
        %dma_start3A_2031 = arith.constant 0 : i32
        %dma_start3A_2032 = tpu.memref_slice %arg5[%dma_start3A_2031, %mul3A_2006] : memref<32x1000000xf32, #tpu.memory_space<hbm>> -> memref<32x128xf32, #tpu.memory_space<hbm>>
        tpu.enqueue_dma source(%dma_start3A_2032 : memref<32x128xf32, #tpu.memory_space<hbm>>) target(%dma_start3A_2030 : memref<32x128xf32, #tpu.memory_space<vmem>>) target_semaphore(%arg23 : memref<!tpu.dma_semaphore, #tpu.memory_space<semaphore_mem>>)
      } else {
      }
      %add3A_874 = arith.constant 4 : i32
      %add3A_875 = arith.addi %add3A_702, %add3A_874 : i32
      %lt3A_876 = arith.constant 512 : i32
      %lt3A_877 = arith.cmpi slt, %add3A_875, %lt3A_876 : i32
      %convert_element_type3A_878 = arith.extui %lt3A_877 : i1 to i32
      %cond3A_879 = arith.constant 0 : i32
      %cond3A_880 = arith.cmpi ne, %convert_element_type3A_878, %cond3A_879 : i32
      scf.if %cond3A_880 {
        %iota3A_1973 = tpu.iota {dimensions = array<i32: 0>} : vector<16xi32>
        %eq3A_1974 = arith.constant 5 : i32
        %eq3A_1975 = vector.broadcast %eq3A_1974 : i32 to vector<16xi32>
        %eq3A_1976 = arith.cmpi eq, %iota3A_1973, %eq3A_1975 : vector<16xi32>
        %jit3A_1977 = arith.constant 0 : i32
        %broadcast_in_dim3A_1978 = vector.broadcast %jit3A_1977 : i32 to vector<16xi32>
        %select_n3A_1979 = arith.select %eq3A_1976, %get3A_517, %broadcast_in_dim3A_1978 : vector<16xi1>, vector<16xi32>
        %reduce_sum3A_1980 = arith.constant true
        %reduce_sum3A_1981 = vector.broadcast %reduce_sum3A_1980 : i1 to vector<16xi1>
        %reduce_sum3A_1982 = tpu.scan <sum>, %select_n3A_1979 masked %reduce_sum3A_1981 : vector<16xi32>, vector<16xi1> -> vector<16xi32>
        %reduce_sum3A_1983 = vector.extract %reduce_sum3A_1982[15] : i32 from vector<16xi32>
        %iota3A_1984 = tpu.iota {dimensions = array<i32: 0>} : vector<16xi32>
        %eq3A_1985 = arith.constant 5 : i32
        %eq3A_1986 = vector.broadcast %eq3A_1985 : i32 to vector<16xi32>
        %eq3A_1987 = arith.cmpi eq, %iota3A_1984, %eq3A_1986 : vector<16xi32>
        %jit3A_1988 = arith.constant 0 : i32
        %broadcast_in_dim3A_1989 = vector.broadcast %jit3A_1988 : i32 to vector<16xi32>
        %select_n3A_1990 = arith.select %eq3A_1987, %get3A_521, %broadcast_in_dim3A_1989 : vector<16xi1>, vector<16xi32>
        %reduce_sum3A_1991 = arith.constant true
        %reduce_sum3A_1992 = vector.broadcast %reduce_sum3A_1991 : i1 to vector<16xi1>
        %reduce_sum3A_1993 = tpu.scan <sum>, %select_n3A_1990 masked %reduce_sum3A_1992 : vector<16xi32>, vector<16xi1> -> vector<16xi32>
        %reduce_sum3A_1994 = vector.extract %reduce_sum3A_1993[15] : i32 from vector<16xi32>
        %shift_right_logical3A_1995 = arith.constant 7 : i32
        %shift_right_logical3A_1996 = arith.shrui %reduce_sum3A_1983, %shift_right_logical3A_1995 : i32
        %min3A_1997 = arith.constant 7811 : i32
        %min3A_1998 = arith.minsi %shift_right_logical3A_1996, %min3A_1997 : i32
        %mul3A_1999 = arith.constant 128 : i32
        %mul3A_2000 = arith.muli %min3A_1998, %mul3A_1999 : i32
        %shift_right_logical3A_2001 = arith.constant 7 : i32
        %shift_right_logical3A_2002 = arith.shrui %reduce_sum3A_1994, %shift_right_logical3A_2001 : i32
        %min3A_2003 = arith.constant 7811 : i32
        %min3A_2004 = arith.minsi %shift_right_logical3A_2002, %min3A_2003 : i32
        %mul3A_2005 = arith.constant 128 : i32
        %mul3A_2006 = arith.muli %min3A_2004, %mul3A_2005 : i32
        %dma_start3A_2007 = arith.constant 1 : i32
        %dma_start3A_2008 = arith.constant 0 : i32
        %dma_start3A_2009 = arith.constant 0 : i32
        %dma_start3A_2010 = tpu.memref_slice %arg16[%dma_start3A_2007, %dma_start3A_2008, %dma_start3A_2009] : memref<4x16x128xf32, #tpu.memory_space<vmem>> -> memref<1x16x128xf32, #tpu.memory_space<vmem>>
        %dma_start3A_2011 = tpu.memref_squeeze %dma_start3A_2010 : memref<1x16x128xf32, #tpu.memory_space<vmem>> -> memref<16x128xf32, #tpu.memory_space<vmem>>
        %dma_start3A_2012 = arith.constant 0 : i32
        %dma_start3A_2013 = tpu.memref_slice %arg6[%dma_start3A_2012, %mul3A_2000] : memref<16x1000000xf32, #tpu.memory_space<hbm>> -> memref<16x128xf32, #tpu.memory_space<hbm>>
        %dma_start3A_2014 = arith.constant 0 : i32
        %dma_start3A_2015 = arith.constant 0 : i32
        %dma_start3A_2016 = tpu.memref_slice %arg16[%dma_start3A_2007, %dma_start3A_2014, %dma_start3A_2015] : memref<4x16x128xf32, #tpu.memory_space<vmem>> -> memref<1x16x128xf32, #tpu.memory_space<vmem>>
        %dma_start3A_2017 = tpu.memref_squeeze %dma_start3A_2016 : memref<1x16x128xf32, #tpu.memory_space<vmem>> -> memref<16x128xf32, #tpu.memory_space<vmem>>
        %dma_start3A_2018 = arith.constant 0 : i32
        %dma_start3A_2019 = tpu.memref_slice %arg6[%dma_start3A_2018, %mul3A_2000] : memref<16x1000000xf32, #tpu.memory_space<hbm>> -> memref<16x128xf32, #tpu.memory_space<hbm>>
        tpu.enqueue_dma source(%dma_start3A_2019 : memref<16x128xf32, #tpu.memory_space<hbm>>) target(%dma_start3A_2017 : memref<16x128xf32, #tpu.memory_space<vmem>>) target_semaphore(%arg27 : memref<!tpu.dma_semaphore, #tpu.memory_space<semaphore_mem>>)
        %dma_start3A_2020 = arith.constant 1 : i32
        %dma_start3A_2021 = arith.constant 0 : i32
        %dma_start3A_2022 = arith.constant 0 : i32
        %dma_start3A_2023 = tpu.memref_slice %arg17[%dma_start3A_2020, %dma_start3A_2021, %dma_start3A_2022] : memref<4x16x128xf32, #tpu.memory_space<vmem>> -> memref<1x16x128xf32, #tpu.memory_space<vmem>>
        %dma_start3A_2024 = tpu.memref_squeeze %dma_start3A_2023 : memref<1x16x128xf32, #tpu.memory_space<vmem>> -> memref<16x128xf32, #tpu.memory_space<vmem>>
        %dma_start3A_2025 = arith.constant 0 : i32
        %dma_start3A_2026 = tpu.memref_slice %arg7[%dma_start3A_2025, %mul3A_2006] : memref<16x1000000xf32, #tpu.memory_space<hbm>> -> memref<16x128xf32, #tpu.memory_space<hbm>>
        %dma_start3A_2027 = arith.constant 0 : i32
        %dma_start3A_2028 = arith.constant 0 : i32
        %dma_start3A_2029 = tpu.memref_slice %arg17[%dma_start3A_2020, %dma_start3A_2027, %dma_start3A_2028] : memref<4x16x128xf32, #tpu.memory_space<vmem>> -> memref<1x16x128xf32, #tpu.memory_space<vmem>>
        %dma_start3A_2030 = tpu.memref_squeeze %dma_start3A_2029 : memref<1x16x128xf32, #tpu.memory_space<vmem>> -> memref<16x128xf32, #tpu.memory_space<vmem>>
        %dma_start3A_2031 = arith.constant 0 : i32
        %dma_start3A_2032 = tpu.memref_slice %arg7[%dma_start3A_2031, %mul3A_2006] : memref<16x1000000xf32, #tpu.memory_space<hbm>> -> memref<16x128xf32, #tpu.memory_space<hbm>>
        tpu.enqueue_dma source(%dma_start3A_2032 : memref<16x128xf32, #tpu.memory_space<hbm>>) target(%dma_start3A_2030 : memref<16x128xf32, #tpu.memory_space<vmem>>) target_semaphore(%arg27 : memref<!tpu.dma_semaphore, #tpu.memory_space<semaphore_mem>>)
      } else {
      }
      %mul3A_881 = arith.constant 8 : i32
      %mul3A_882 = arith.muli %mul3A_881, %scan3A_513 : i32
      %add3A_883 = arith.constant 2 : i32
      %add3A_884 = arith.addi %mul3A_882, %add3A_883 : i32
      %dma_wait3A_885 = arith.constant 2 : i32
      %dma_wait3A_886 = arith.constant 0 : i32
      %dma_wait3A_887 = arith.constant 0 : i32
      %dma_wait3A_888 = tpu.memref_slice %arg14[%dma_wait3A_885, %dma_wait3A_886, %dma_wait3A_887] : memref<4x32x128xf32, #tpu.memory_space<vmem>> -> memref<1x32x128xf32, #tpu.memory_space<vmem>>
      %dma_wait3A_889 = tpu.memref_squeeze %dma_wait3A_888 : memref<1x32x128xf32, #tpu.memory_space<vmem>> -> memref<32x128xf32, #tpu.memory_space<vmem>>
      %dma_wait3A_890 = arith.constant 0 : i32
      %dma_wait3A_891 = arith.constant 0 : i32
      %dma_wait3A_892 = tpu.memref_slice %arg4[%dma_wait3A_890, %dma_wait3A_891] : memref<32x1000000xf32, #tpu.memory_space<hbm>> -> memref<32x128xf32, #tpu.memory_space<hbm>>
      %dma_wait3A_893 = arith.constant 0 : i32
      %dma_wait3A_894 = arith.constant 0 : i32
      %dma_wait3A_895 = tpu.memref_slice %arg14[%dma_wait3A_885, %dma_wait3A_893, %dma_wait3A_894] : memref<4x32x128xf32, #tpu.memory_space<vmem>> -> memref<1x32x128xf32, #tpu.memory_space<vmem>>
      %dma_wait3A_896 = tpu.memref_squeeze %dma_wait3A_895 : memref<1x32x128xf32, #tpu.memory_space<vmem>> -> memref<32x128xf32, #tpu.memory_space<vmem>>
      %dma_wait3A_897 = arith.constant 0 : i32
      %dma_wait3A_898 = arith.constant 0 : i32
      %dma_wait3A_899 = tpu.memref_slice %arg4[%dma_wait3A_897, %dma_wait3A_898] : memref<32x1000000xf32, #tpu.memory_space<hbm>> -> memref<32x128xf32, #tpu.memory_space<hbm>>
      tpu.wait_dma2 semaphore(%arg24 : memref<!tpu.dma_semaphore, #tpu.memory_space<semaphore_mem>>) src(%dma_wait3A_899 : memref<32x128xf32, #tpu.memory_space<hbm>>) dst(%dma_wait3A_896 : memref<32x128xf32, #tpu.memory_space<vmem>>)
      %dma_wait3A_900 = arith.constant 2 : i32
      %dma_wait3A_901 = arith.constant 0 : i32
      %dma_wait3A_902 = arith.constant 0 : i32
      %dma_wait3A_903 = tpu.memref_slice %arg15[%dma_wait3A_900, %dma_wait3A_901, %dma_wait3A_902] : memref<4x32x128xf32, #tpu.memory_space<vmem>> -> memref<1x32x128xf32, #tpu.memory_space<vmem>>
      %dma_wait3A_904 = tpu.memref_squeeze %dma_wait3A_903 : memref<1x32x128xf32, #tpu.memory_space<vmem>> -> memref<32x128xf32, #tpu.memory_space<vmem>>
      %dma_wait3A_905 = arith.constant 0 : i32
      %dma_wait3A_906 = arith.constant 0 : i32
      %dma_wait3A_907 = tpu.memref_slice %arg5[%dma_wait3A_905, %dma_wait3A_906] : memref<32x1000000xf32, #tpu.memory_space<hbm>> -> memref<32x128xf32, #tpu.memory_space<hbm>>
      %dma_wait3A_908 = arith.constant 0 : i32
      %dma_wait3A_909 = arith.constant 0 : i32
      %dma_wait3A_910 = tpu.memref_slice %arg15[%dma_wait3A_900, %dma_wait3A_908, %dma_wait3A_909] : memref<4x32x128xf32, #tpu.memory_space<vmem>> -> memref<1x32x128xf32, #tpu.memory_space<vmem>>
      %dma_wait3A_911 = tpu.memref_squeeze %dma_wait3A_910 : memref<1x32x128xf32, #tpu.memory_space<vmem>> -> memref<32x128xf32, #tpu.memory_space<vmem>>
      %dma_wait3A_912 = arith.constant 0 : i32
      %dma_wait3A_913 = arith.constant 0 : i32
      %dma_wait3A_914 = tpu.memref_slice %arg5[%dma_wait3A_912, %dma_wait3A_913] : memref<32x1000000xf32, #tpu.memory_space<hbm>> -> memref<32x128xf32, #tpu.memory_space<hbm>>
      tpu.wait_dma2 semaphore(%arg24 : memref<!tpu.dma_semaphore, #tpu.memory_space<semaphore_mem>>) src(%dma_wait3A_914 : memref<32x128xf32, #tpu.memory_space<hbm>>) dst(%dma_wait3A_911 : memref<32x128xf32, #tpu.memory_space<vmem>>)
      %dma_wait3A_915 = arith.constant 2 : i32
      %dma_wait3A_916 = arith.constant 0 : i32
      %dma_wait3A_917 = arith.constant 0 : i32
      %dma_wait3A_918 = tpu.memref_slice %arg16[%dma_wait3A_915, %dma_wait3A_916, %dma_wait3A_917] : memref<4x16x128xf32, #tpu.memory_space<vmem>> -> memref<1x16x128xf32, #tpu.memory_space<vmem>>
      %dma_wait3A_919 = tpu.memref_squeeze %dma_wait3A_918 : memref<1x16x128xf32, #tpu.memory_space<vmem>> -> memref<16x128xf32, #tpu.memory_space<vmem>>
      %dma_wait3A_920 = arith.constant 0 : i32
      %dma_wait3A_921 = arith.constant 0 : i32
      %dma_wait3A_922 = tpu.memref_slice %arg6[%dma_wait3A_920, %dma_wait3A_921] : memref<16x1000000xf32, #tpu.memory_space<hbm>> -> memref<16x128xf32, #tpu.memory_space<hbm>>
      %dma_wait3A_923 = arith.constant 0 : i32
      %dma_wait3A_924 = arith.constant 0 : i32
      %dma_wait3A_925 = tpu.memref_slice %arg16[%dma_wait3A_915, %dma_wait3A_923, %dma_wait3A_924] : memref<4x16x128xf32, #tpu.memory_space<vmem>> -> memref<1x16x128xf32, #tpu.memory_space<vmem>>
      %dma_wait3A_926 = tpu.memref_squeeze %dma_wait3A_925 : memref<1x16x128xf32, #tpu.memory_space<vmem>> -> memref<16x128xf32, #tpu.memory_space<vmem>>
      %dma_wait3A_927 = arith.constant 0 : i32
      %dma_wait3A_928 = arith.constant 0 : i32
      %dma_wait3A_929 = tpu.memref_slice %arg6[%dma_wait3A_927, %dma_wait3A_928] : memref<16x1000000xf32, #tpu.memory_space<hbm>> -> memref<16x128xf32, #tpu.memory_space<hbm>>
      tpu.wait_dma2 semaphore(%arg28 : memref<!tpu.dma_semaphore, #tpu.memory_space<semaphore_mem>>) src(%dma_wait3A_929 : memref<16x128xf32, #tpu.memory_space<hbm>>) dst(%dma_wait3A_926 : memref<16x128xf32, #tpu.memory_space<vmem>>)
      %dma_wait3A_930 = arith.constant 2 : i32
      %dma_wait3A_931 = arith.constant 0 : i32
      %dma_wait3A_932 = arith.constant 0 : i32
      %dma_wait3A_933 = tpu.memref_slice %arg17[%dma_wait3A_930, %dma_wait3A_931, %dma_wait3A_932] : memref<4x16x128xf32, #tpu.memory_space<vmem>> -> memref<1x16x128xf32, #tpu.memory_space<vmem>>
      %dma_wait3A_934 = tpu.memref_squeeze %dma_wait3A_933 : memref<1x16x128xf32, #tpu.memory_space<vmem>> -> memref<16x128xf32, #tpu.memory_space<vmem>>
      %dma_wait3A_935 = arith.constant 0 : i32
      %dma_wait3A_936 = arith.constant 0 : i32
      %dma_wait3A_937 = tpu.memref_slice %arg7[%dma_wait3A_935, %dma_wait3A_936] : memref<16x1000000xf32, #tpu.memory_space<hbm>> -> memref<16x128xf32, #tpu.memory_space<hbm>>
      %dma_wait3A_938 = arith.constant 0 : i32
      %dma_wait3A_939 = arith.constant 0 : i32
      %dma_wait3A_940 = tpu.memref_slice %arg17[%dma_wait3A_930, %dma_wait3A_938, %dma_wait3A_939] : memref<4x16x128xf32, #tpu.memory_space<vmem>> -> memref<1x16x128xf32, #tpu.memory_space<vmem>>
      %dma_wait3A_941 = tpu.memref_squeeze %dma_wait3A_940 : memref<1x16x128xf32, #tpu.memory_space<vmem>> -> memref<16x128xf32, #tpu.memory_space<vmem>>
      %dma_wait3A_942 = arith.constant 0 : i32
      %dma_wait3A_943 = arith.constant 0 : i32
      %dma_wait3A_944 = tpu.memref_slice %arg7[%dma_wait3A_942, %dma_wait3A_943] : memref<16x1000000xf32, #tpu.memory_space<hbm>> -> memref<16x128xf32, #tpu.memory_space<hbm>>
      tpu.wait_dma2 semaphore(%arg28 : memref<!tpu.dma_semaphore, #tpu.memory_space<semaphore_mem>>) src(%dma_wait3A_944 : memref<16x128xf32, #tpu.memory_space<hbm>>) dst(%dma_wait3A_941 : memref<16x128xf32, #tpu.memory_space<vmem>>)
      %iota3A_945 = tpu.iota {dimensions = array<i32: 0>} : vector<16xi32>
      %eq3A_946 = arith.constant 2 : i32
      %eq3A_947 = vector.broadcast %eq3A_946 : i32 to vector<16xi32>
      %eq3A_948 = arith.cmpi eq, %iota3A_945, %eq3A_947 : vector<16xi32>
      %jit3A_949 = arith.constant 0 : i32
      %broadcast_in_dim3A_950 = vector.broadcast %jit3A_949 : i32 to vector<16xi32>
      %select_n3A_951 = arith.select %eq3A_948, %get3A_517, %broadcast_in_dim3A_950 : vector<16xi1>, vector<16xi32>
      %reduce_sum3A_952 = arith.constant true
      %reduce_sum3A_953 = vector.broadcast %reduce_sum3A_952 : i1 to vector<16xi1>
      %reduce_sum3A_954 = tpu.scan <sum>, %select_n3A_951 masked %reduce_sum3A_953 : vector<16xi32>, vector<16xi1> -> vector<16xi32>
      %reduce_sum3A_955 = vector.extract %reduce_sum3A_954[15] : i32 from vector<16xi32>
      %iota3A_956 = tpu.iota {dimensions = array<i32: 0>} : vector<16xi32>
      %eq3A_957 = arith.constant 2 : i32
      %eq3A_958 = vector.broadcast %eq3A_957 : i32 to vector<16xi32>
      %eq3A_959 = arith.cmpi eq, %iota3A_956, %eq3A_958 : vector<16xi32>
      %jit3A_960 = arith.constant 0 : i32
      %broadcast_in_dim3A_961 = vector.broadcast %jit3A_960 : i32 to vector<16xi32>
      %select_n3A_962 = arith.select %eq3A_959, %get3A_521, %broadcast_in_dim3A_961 : vector<16xi1>, vector<16xi32>
      %reduce_sum3A_963 = arith.constant true
      %reduce_sum3A_964 = vector.broadcast %reduce_sum3A_963 : i1 to vector<16xi1>
      %reduce_sum3A_965 = tpu.scan <sum>, %select_n3A_962 masked %reduce_sum3A_964 : vector<16xi32>, vector<16xi1> -> vector<16xi32>
      %reduce_sum3A_966 = vector.extract %reduce_sum3A_965[15] : i32 from vector<16xi32>
      %shift_right_logical3A_967 = arith.constant 7 : i32
      %shift_right_logical3A_968 = arith.shrui %reduce_sum3A_955, %shift_right_logical3A_967 : i32
      %min3A_969 = arith.constant 7811 : i32
      %min3A_970 = arith.minsi %shift_right_logical3A_968, %min3A_969 : i32
      %mul3A_971 = arith.constant 128 : i32
      %mul3A_972 = arith.muli %min3A_970, %mul3A_971 : i32
      %sub3A_973 = arith.subi %reduce_sum3A_955, %mul3A_972 : i32
      %min3A_974 = arith.constant 127 : i32
      %min3A_975 = arith.minsi %sub3A_973, %min3A_974 : i32
      %shift_right_logical3A_976 = arith.constant 7 : i32
      %shift_right_logical3A_977 = arith.shrui %reduce_sum3A_966, %shift_right_logical3A_976 : i32
      %min3A_978 = arith.constant 7811 : i32
      %min3A_979 = arith.minsi %shift_right_logical3A_977, %min3A_978 : i32
      %mul3A_980 = arith.constant 128 : i32
      %mul3A_981 = arith.muli %min3A_979, %mul3A_980 : i32
      %sub3A_982 = arith.subi %reduce_sum3A_966, %mul3A_981 : i32
      %min3A_983 = arith.constant 127 : i32
      %min3A_984 = arith.minsi %sub3A_982, %min3A_983 : i32
      %iota3A_985 = tpu.iota {dimensions = array<i32: 0>} : vector<16xi32>
      %broadcast_in_dim3A_986 = vector.broadcast %add3A_884 : i32 to vector<16xi32>
      %broadcast_in_dim3A_987 = vector.broadcast %min3A_975 : i32 to vector<16xi32>
      %broadcast_in_dim3A_988 = vector.broadcast %min3A_984 : i32 to vector<16xi32>
      %add3A_989 = arith.constant 0 : i32
      %add3A_990 = vector.broadcast %add3A_989 : i32 to vector<16xi32>
      %add3A_991 = arith.addi %iota3A_985, %add3A_990 : vector<16xi32>
      %gather3A_992 = arith.constant 2 : i32
      %gather3A_993 = arith.constant 0 : i32
      %gather3A_994 = arith.constant 0 : i32
      %gather3A_995 = tpu.memref_slice %arg14[%gather3A_992, %gather3A_993, %gather3A_994] : memref<4x32x128xf32, #tpu.memory_space<vmem>> -> memref<1x32x128xf32, #tpu.memory_space<vmem>>
      %gather3A_996 = tpu.memref_squeeze %gather3A_995 : memref<1x32x128xf32, #tpu.memory_space<vmem>> -> memref<32x128xf32, #tpu.memory_space<vmem>>
      %gather3A_997 = tpu.vector_load_idx %gather3A_996[%add3A_991, %broadcast_in_dim3A_987] : memref<32x128xf32, #tpu.memory_space<vmem>>[vector<16xi32>, vector<16xi32>], vector<16xf32>,
      %add3A_998 = arith.constant 0 : i32
      %add3A_999 = vector.broadcast %add3A_998 : i32 to vector<16xi32>
      %add3A_1000 = arith.addi %iota3A_985, %add3A_999 : vector<16xi32>
      tpu.vector_store_idx %arg18[%add3A_1000, %broadcast_in_dim3A_986], %gather3A_997 : memref<32x512xf32, #tpu.memory_space<vmem>>[vector<16xi32>, vector<16xi32>], vector<16xf32>,
      %add3A_1001 = arith.constant 0 : i32
      %add3A_1002 = vector.broadcast %add3A_1001 : i32 to vector<16xi32>
      %add3A_1003 = arith.addi %iota3A_985, %add3A_1002 : vector<16xi32>
      %gather3A_1004 = arith.constant 2 : i32
      %gather3A_1005 = arith.constant 0 : i32
      %gather3A_1006 = arith.constant 0 : i32
      %gather3A_1007 = tpu.memref_slice %arg15[%gather3A_1004, %gather3A_1005, %gather3A_1006] : memref<4x32x128xf32, #tpu.memory_space<vmem>> -> memref<1x32x128xf32, #tpu.memory_space<vmem>>
      %gather3A_1008 = tpu.memref_squeeze %gather3A_1007 : memref<1x32x128xf32, #tpu.memory_space<vmem>> -> memref<32x128xf32, #tpu.memory_space<vmem>>
      %gather3A_1009 = tpu.vector_load_idx %gather3A_1008[%add3A_1003, %broadcast_in_dim3A_988] : memref<32x128xf32, #tpu.memory_space<vmem>>[vector<16xi32>, vector<16xi32>], vector<16xf32>,
      %add3A_1010 = arith.constant 0 : i32
      %add3A_1011 = vector.broadcast %add3A_1010 : i32 to vector<16xi32>
      %add3A_1012 = arith.addi %iota3A_985, %add3A_1011 : vector<16xi32>
      tpu.vector_store_idx %arg19[%add3A_1012, %broadcast_in_dim3A_986], %gather3A_1009 : memref<32x512xf32, #tpu.memory_space<vmem>>[vector<16xi32>, vector<16xi32>], vector<16xf32>,
      %add3A_1013 = arith.constant 16 : i32
      %add3A_1014 = vector.broadcast %add3A_1013 : i32 to vector<16xi32>
      %add3A_1015 = arith.addi %iota3A_985, %add3A_1014 : vector<16xi32>
      %gather3A_1016 = arith.constant 2 : i32
      %gather3A_1017 = arith.constant 0 : i32
      %gather3A_1018 = arith.constant 0 : i32
      %gather3A_1019 = tpu.memref_slice %arg14[%gather3A_1016, %gather3A_1017, %gather3A_1018] : memref<4x32x128xf32, #tpu.memory_space<vmem>> -> memref<1x32x128xf32, #tpu.memory_space<vmem>>
      %gather3A_1020 = tpu.memref_squeeze %gather3A_1019 : memref<1x32x128xf32, #tpu.memory_space<vmem>> -> memref<32x128xf32, #tpu.memory_space<vmem>>
      %gather3A_1021 = tpu.vector_load_idx %gather3A_1020[%add3A_1015, %broadcast_in_dim3A_987] : memref<32x128xf32, #tpu.memory_space<vmem>>[vector<16xi32>, vector<16xi32>], vector<16xf32>,
      %add3A_1022 = arith.constant 16 : i32
      %add3A_1023 = vector.broadcast %add3A_1022 : i32 to vector<16xi32>
      %add3A_1024 = arith.addi %iota3A_985, %add3A_1023 : vector<16xi32>
      tpu.vector_store_idx %arg18[%add3A_1024, %broadcast_in_dim3A_986], %gather3A_1021 : memref<32x512xf32, #tpu.memory_space<vmem>>[vector<16xi32>, vector<16xi32>], vector<16xf32>,
      %add3A_1025 = arith.constant 16 : i32
      %add3A_1026 = vector.broadcast %add3A_1025 : i32 to vector<16xi32>
      %add3A_1027 = arith.addi %iota3A_985, %add3A_1026 : vector<16xi32>
      %gather3A_1028 = arith.constant 2 : i32
      %gather3A_1029 = arith.constant 0 : i32
      %gather3A_1030 = arith.constant 0 : i32
      %gather3A_1031 = tpu.memref_slice %arg15[%gather3A_1028, %gather3A_1029, %gather3A_1030] : memref<4x32x128xf32, #tpu.memory_space<vmem>> -> memref<1x32x128xf32, #tpu.memory_space<vmem>>
      %gather3A_1032 = tpu.memref_squeeze %gather3A_1031 : memref<1x32x128xf32, #tpu.memory_space<vmem>> -> memref<32x128xf32, #tpu.memory_space<vmem>>
      %gather3A_1033 = tpu.vector_load_idx %gather3A_1032[%add3A_1027, %broadcast_in_dim3A_988] : memref<32x128xf32, #tpu.memory_space<vmem>>[vector<16xi32>, vector<16xi32>], vector<16xf32>,
      %add3A_1034 = arith.constant 16 : i32
      %add3A_1035 = vector.broadcast %add3A_1034 : i32 to vector<16xi32>
      %add3A_1036 = arith.addi %iota3A_985, %add3A_1035 : vector<16xi32>
      tpu.vector_store_idx %arg19[%add3A_1036, %broadcast_in_dim3A_986], %gather3A_1033 : memref<32x512xf32, #tpu.memory_space<vmem>>[vector<16xi32>, vector<16xi32>], vector<16xf32>,
      %gather3A_1037 = arith.constant 2 : i32
      %gather3A_1038 = arith.constant 0 : i32
      %gather3A_1039 = arith.constant 0 : i32
      %gather3A_1040 = tpu.memref_slice %arg16[%gather3A_1037, %gather3A_1038, %gather3A_1039] : memref<4x16x128xf32, #tpu.memory_space<vmem>> -> memref<1x16x128xf32, #tpu.memory_space<vmem>>
      %gather3A_1041 = tpu.memref_squeeze %gather3A_1040 : memref<1x16x128xf32, #tpu.memory_space<vmem>> -> memref<16x128xf32, #tpu.memory_space<vmem>>
      %gather3A_1042 = tpu.vector_load_idx %gather3A_1041[%iota3A_985, %broadcast_in_dim3A_987] : memref<16x128xf32, #tpu.memory_space<vmem>>[vector<16xi32>, vector<16xi32>], vector<16xf32>,
      tpu.vector_store_idx %arg20[%iota3A_985, %broadcast_in_dim3A_986], %gather3A_1042 : memref<16x512xf32, #tpu.memory_space<vmem>>[vector<16xi32>, vector<16xi32>], vector<16xf32>,
      %gather3A_1043 = arith.constant 2 : i32
      %gather3A_1044 = arith.constant 0 : i32
      %gather3A_1045 = arith.constant 0 : i32
      %gather3A_1046 = tpu.memref_slice %arg17[%gather3A_1043, %gather3A_1044, %gather3A_1045] : memref<4x16x128xf32, #tpu.memory_space<vmem>> -> memref<1x16x128xf32, #tpu.memory_space<vmem>>
      %gather3A_1047 = tpu.memref_squeeze %gather3A_1046 : memref<1x16x128xf32, #tpu.memory_space<vmem>> -> memref<16x128xf32, #tpu.memory_space<vmem>>
      %gather3A_1048 = tpu.vector_load_idx %gather3A_1047[%iota3A_985, %broadcast_in_dim3A_988] : memref<16x128xf32, #tpu.memory_space<vmem>>[vector<16xi32>, vector<16xi32>], vector<16xf32>,
      tpu.vector_store_idx %arg21[%iota3A_985, %broadcast_in_dim3A_986], %gather3A_1048 : memref<16x512xf32, #tpu.memory_space<vmem>>[vector<16xi32>, vector<16xi32>], vector<16xf32>,
      %add3A_1049 = arith.constant 4 : i32
      %add3A_1050 = arith.addi %add3A_884, %add3A_1049 : i32
      %lt3A_1051 = arith.constant 512 : i32
      %lt3A_1052 = arith.cmpi slt, %add3A_1050, %lt3A_1051 : i32
      %convert_element_type3A_1053 = arith.extui %lt3A_1052 : i1 to i32
      %cond3A_1054 = arith.constant 0 : i32
      %cond3A_1055 = arith.cmpi ne, %convert_element_type3A_1053, %cond3A_1054 : i32
      scf.if %cond3A_1055 {
        %iota3A_1973 = tpu.iota {dimensions = array<i32: 0>} : vector<16xi32>
        %eq3A_1974 = arith.constant 6 : i32
        %eq3A_1975 = vector.broadcast %eq3A_1974 : i32 to vector<16xi32>
        %eq3A_1976 = arith.cmpi eq, %iota3A_1973, %eq3A_1975 : vector<16xi32>
        %jit3A_1977 = arith.constant 0 : i32
        %broadcast_in_dim3A_1978 = vector.broadcast %jit3A_1977 : i32 to vector<16xi32>
        %select_n3A_1979 = arith.select %eq3A_1976, %get3A_517, %broadcast_in_dim3A_1978 : vector<16xi1>, vector<16xi32>
        %reduce_sum3A_1980 = arith.constant true
        %reduce_sum3A_1981 = vector.broadcast %reduce_sum3A_1980 : i1 to vector<16xi1>
        %reduce_sum3A_1982 = tpu.scan <sum>, %select_n3A_1979 masked %reduce_sum3A_1981 : vector<16xi32>, vector<16xi1> -> vector<16xi32>
        %reduce_sum3A_1983 = vector.extract %reduce_sum3A_1982[15] : i32 from vector<16xi32>
        %iota3A_1984 = tpu.iota {dimensions = array<i32: 0>} : vector<16xi32>
        %eq3A_1985 = arith.constant 6 : i32
        %eq3A_1986 = vector.broadcast %eq3A_1985 : i32 to vector<16xi32>
        %eq3A_1987 = arith.cmpi eq, %iota3A_1984, %eq3A_1986 : vector<16xi32>
        %jit3A_1988 = arith.constant 0 : i32
        %broadcast_in_dim3A_1989 = vector.broadcast %jit3A_1988 : i32 to vector<16xi32>
        %select_n3A_1990 = arith.select %eq3A_1987, %get3A_521, %broadcast_in_dim3A_1989 : vector<16xi1>, vector<16xi32>
        %reduce_sum3A_1991 = arith.constant true
        %reduce_sum3A_1992 = vector.broadcast %reduce_sum3A_1991 : i1 to vector<16xi1>
        %reduce_sum3A_1993 = tpu.scan <sum>, %select_n3A_1990 masked %reduce_sum3A_1992 : vector<16xi32>, vector<16xi1> -> vector<16xi32>
        %reduce_sum3A_1994 = vector.extract %reduce_sum3A_1993[15] : i32 from vector<16xi32>
        %shift_right_logical3A_1995 = arith.constant 7 : i32
        %shift_right_logical3A_1996 = arith.shrui %reduce_sum3A_1983, %shift_right_logical3A_1995 : i32
        %min3A_1997 = arith.constant 7811 : i32
        %min3A_1998 = arith.minsi %shift_right_logical3A_1996, %min3A_1997 : i32
        %mul3A_1999 = arith.constant 128 : i32
        %mul3A_2000 = arith.muli %min3A_1998, %mul3A_1999 : i32
        %shift_right_logical3A_2001 = arith.constant 7 : i32
        %shift_right_logical3A_2002 = arith.shrui %reduce_sum3A_1994, %shift_right_logical3A_2001 : i32
        %min3A_2003 = arith.constant 7811 : i32
        %min3A_2004 = arith.minsi %shift_right_logical3A_2002, %min3A_2003 : i32
        %mul3A_2005 = arith.constant 128 : i32
        %mul3A_2006 = arith.muli %min3A_2004, %mul3A_2005 : i32
        %dma_start3A_2007 = arith.constant 2 : i32
        %dma_start3A_2008 = arith.constant 0 : i32
        %dma_start3A_2009 = arith.constant 0 : i32
        %dma_start3A_2010 = tpu.memref_slice %arg14[%dma_start3A_2007, %dma_start3A_2008, %dma_start3A_2009] : memref<4x32x128xf32, #tpu.memory_space<vmem>> -> memref<1x32x128xf32, #tpu.memory_space<vmem>>
        %dma_start3A_2011 = tpu.memref_squeeze %dma_start3A_2010 : memref<1x32x128xf32, #tpu.memory_space<vmem>> -> memref<32x128xf32, #tpu.memory_space<vmem>>
        %dma_start3A_2012 = arith.constant 0 : i32
        %dma_start3A_2013 = tpu.memref_slice %arg4[%dma_start3A_2012, %mul3A_2000] : memref<32x1000000xf32, #tpu.memory_space<hbm>> -> memref<32x128xf32, #tpu.memory_space<hbm>>
        %dma_start3A_2014 = arith.constant 0 : i32
        %dma_start3A_2015 = arith.constant 0 : i32
        %dma_start3A_2016 = tpu.memref_slice %arg14[%dma_start3A_2007, %dma_start3A_2014, %dma_start3A_2015] : memref<4x32x128xf32, #tpu.memory_space<vmem>> -> memref<1x32x128xf32, #tpu.memory_space<vmem>>
        %dma_start3A_2017 = tpu.memref_squeeze %dma_start3A_2016 : memref<1x32x128xf32, #tpu.memory_space<vmem>> -> memref<32x128xf32, #tpu.memory_space<vmem>>
        %dma_start3A_2018 = arith.constant 0 : i32
        %dma_start3A_2019 = tpu.memref_slice %arg4[%dma_start3A_2018, %mul3A_2000] : memref<32x1000000xf32, #tpu.memory_space<hbm>> -> memref<32x128xf32, #tpu.memory_space<hbm>>
        tpu.enqueue_dma source(%dma_start3A_2019 : memref<32x128xf32, #tpu.memory_space<hbm>>) target(%dma_start3A_2017 : memref<32x128xf32, #tpu.memory_space<vmem>>) target_semaphore(%arg24 : memref<!tpu.dma_semaphore, #tpu.memory_space<semaphore_mem>>)
        %dma_start3A_2020 = arith.constant 2 : i32
        %dma_start3A_2021 = arith.constant 0 : i32
        %dma_start3A_2022 = arith.constant 0 : i32
        %dma_start3A_2023 = tpu.memref_slice %arg15[%dma_start3A_2020, %dma_start3A_2021, %dma_start3A_2022] : memref<4x32x128xf32, #tpu.memory_space<vmem>> -> memref<1x32x128xf32, #tpu.memory_space<vmem>>
        %dma_start3A_2024 = tpu.memref_squeeze %dma_start3A_2023 : memref<1x32x128xf32, #tpu.memory_space<vmem>> -> memref<32x128xf32, #tpu.memory_space<vmem>>
        %dma_start3A_2025 = arith.constant 0 : i32
        %dma_start3A_2026 = tpu.memref_slice %arg5[%dma_start3A_2025, %mul3A_2006] : memref<32x1000000xf32, #tpu.memory_space<hbm>> -> memref<32x128xf32, #tpu.memory_space<hbm>>
        %dma_start3A_2027 = arith.constant 0 : i32
        %dma_start3A_2028 = arith.constant 0 : i32
        %dma_start3A_2029 = tpu.memref_slice %arg15[%dma_start3A_2020, %dma_start3A_2027, %dma_start3A_2028] : memref<4x32x128xf32, #tpu.memory_space<vmem>> -> memref<1x32x128xf32, #tpu.memory_space<vmem>>
        %dma_start3A_2030 = tpu.memref_squeeze %dma_start3A_2029 : memref<1x32x128xf32, #tpu.memory_space<vmem>> -> memref<32x128xf32, #tpu.memory_space<vmem>>
        %dma_start3A_2031 = arith.constant 0 : i32
        %dma_start3A_2032 = tpu.memref_slice %arg5[%dma_start3A_2031, %mul3A_2006] : memref<32x1000000xf32, #tpu.memory_space<hbm>> -> memref<32x128xf32, #tpu.memory_space<hbm>>
        tpu.enqueue_dma source(%dma_start3A_2032 : memref<32x128xf32, #tpu.memory_space<hbm>>) target(%dma_start3A_2030 : memref<32x128xf32, #tpu.memory_space<vmem>>) target_semaphore(%arg24 : memref<!tpu.dma_semaphore, #tpu.memory_space<semaphore_mem>>)
      } else {
      }
      %add3A_1056 = arith.constant 4 : i32
      %add3A_1057 = arith.addi %add3A_884, %add3A_1056 : i32
      %lt3A_1058 = arith.constant 512 : i32
      %lt3A_1059 = arith.cmpi slt, %add3A_1057, %lt3A_1058 : i32
      %convert_element_type3A_1060 = arith.extui %lt3A_1059 : i1 to i32
      %cond3A_1061 = arith.constant 0 : i32
      %cond3A_1062 = arith.cmpi ne, %convert_element_type3A_1060, %cond3A_1061 : i32
      scf.if %cond3A_1062 {
        %iota3A_1973 = tpu.iota {dimensions = array<i32: 0>} : vector<16xi32>
        %eq3A_1974 = arith.constant 6 : i32
        %eq3A_1975 = vector.broadcast %eq3A_1974 : i32 to vector<16xi32>
        %eq3A_1976 = arith.cmpi eq, %iota3A_1973, %eq3A_1975 : vector<16xi32>
        %jit3A_1977 = arith.constant 0 : i32
        %broadcast_in_dim3A_1978 = vector.broadcast %jit3A_1977 : i32 to vector<16xi32>
        %select_n3A_1979 = arith.select %eq3A_1976, %get3A_517, %broadcast_in_dim3A_1978 : vector<16xi1>, vector<16xi32>
        %reduce_sum3A_1980 = arith.constant true
        %reduce_sum3A_1981 = vector.broadcast %reduce_sum3A_1980 : i1 to vector<16xi1>
        %reduce_sum3A_1982 = tpu.scan <sum>, %select_n3A_1979 masked %reduce_sum3A_1981 : vector<16xi32>, vector<16xi1> -> vector<16xi32>
        %reduce_sum3A_1983 = vector.extract %reduce_sum3A_1982[15] : i32 from vector<16xi32>
        %iota3A_1984 = tpu.iota {dimensions = array<i32: 0>} : vector<16xi32>
        %eq3A_1985 = arith.constant 6 : i32
        %eq3A_1986 = vector.broadcast %eq3A_1985 : i32 to vector<16xi32>
        %eq3A_1987 = arith.cmpi eq, %iota3A_1984, %eq3A_1986 : vector<16xi32>
        %jit3A_1988 = arith.constant 0 : i32
        %broadcast_in_dim3A_1989 = vector.broadcast %jit3A_1988 : i32 to vector<16xi32>
        %select_n3A_1990 = arith.select %eq3A_1987, %get3A_521, %broadcast_in_dim3A_1989 : vector<16xi1>, vector<16xi32>
        %reduce_sum3A_1991 = arith.constant true
        %reduce_sum3A_1992 = vector.broadcast %reduce_sum3A_1991 : i1 to vector<16xi1>
        %reduce_sum3A_1993 = tpu.scan <sum>, %select_n3A_1990 masked %reduce_sum3A_1992 : vector<16xi32>, vector<16xi1> -> vector<16xi32>
        %reduce_sum3A_1994 = vector.extract %reduce_sum3A_1993[15] : i32 from vector<16xi32>
        %shift_right_logical3A_1995 = arith.constant 7 : i32
        %shift_right_logical3A_1996 = arith.shrui %reduce_sum3A_1983, %shift_right_logical3A_1995 : i32
        %min3A_1997 = arith.constant 7811 : i32
        %min3A_1998 = arith.minsi %shift_right_logical3A_1996, %min3A_1997 : i32
        %mul3A_1999 = arith.constant 128 : i32
        %mul3A_2000 = arith.muli %min3A_1998, %mul3A_1999 : i32
        %shift_right_logical3A_2001 = arith.constant 7 : i32
        %shift_right_logical3A_2002 = arith.shrui %reduce_sum3A_1994, %shift_right_logical3A_2001 : i32
        %min3A_2003 = arith.constant 7811 : i32
        %min3A_2004 = arith.minsi %shift_right_logical3A_2002, %min3A_2003 : i32
        %mul3A_2005 = arith.constant 128 : i32
        %mul3A_2006 = arith.muli %min3A_2004, %mul3A_2005 : i32
        %dma_start3A_2007 = arith.constant 2 : i32
        %dma_start3A_2008 = arith.constant 0 : i32
        %dma_start3A_2009 = arith.constant 0 : i32
        %dma_start3A_2010 = tpu.memref_slice %arg16[%dma_start3A_2007, %dma_start3A_2008, %dma_start3A_2009] : memref<4x16x128xf32, #tpu.memory_space<vmem>> -> memref<1x16x128xf32, #tpu.memory_space<vmem>>
        %dma_start3A_2011 = tpu.memref_squeeze %dma_start3A_2010 : memref<1x16x128xf32, #tpu.memory_space<vmem>> -> memref<16x128xf32, #tpu.memory_space<vmem>>
        %dma_start3A_2012 = arith.constant 0 : i32
        %dma_start3A_2013 = tpu.memref_slice %arg6[%dma_start3A_2012, %mul3A_2000] : memref<16x1000000xf32, #tpu.memory_space<hbm>> -> memref<16x128xf32, #tpu.memory_space<hbm>>
        %dma_start3A_2014 = arith.constant 0 : i32
        %dma_start3A_2015 = arith.constant 0 : i32
        %dma_start3A_2016 = tpu.memref_slice %arg16[%dma_start3A_2007, %dma_start3A_2014, %dma_start3A_2015] : memref<4x16x128xf32, #tpu.memory_space<vmem>> -> memref<1x16x128xf32, #tpu.memory_space<vmem>>
        %dma_start3A_2017 = tpu.memref_squeeze %dma_start3A_2016 : memref<1x16x128xf32, #tpu.memory_space<vmem>> -> memref<16x128xf32, #tpu.memory_space<vmem>>
        %dma_start3A_2018 = arith.constant 0 : i32
        %dma_start3A_2019 = tpu.memref_slice %arg6[%dma_start3A_2018, %mul3A_2000] : memref<16x1000000xf32, #tpu.memory_space<hbm>> -> memref<16x128xf32, #tpu.memory_space<hbm>>
        tpu.enqueue_dma source(%dma_start3A_2019 : memref<16x128xf32, #tpu.memory_space<hbm>>) target(%dma_start3A_2017 : memref<16x128xf32, #tpu.memory_space<vmem>>) target_semaphore(%arg28 : memref<!tpu.dma_semaphore, #tpu.memory_space<semaphore_mem>>)
        %dma_start3A_2020 = arith.constant 2 : i32
        %dma_start3A_2021 = arith.constant 0 : i32
        %dma_start3A_2022 = arith.constant 0 : i32
        %dma_start3A_2023 = tpu.memref_slice %arg17[%dma_start3A_2020, %dma_start3A_2021, %dma_start3A_2022] : memref<4x16x128xf32, #tpu.memory_space<vmem>> -> memref<1x16x128xf32, #tpu.memory_space<vmem>>
        %dma_start3A_2024 = tpu.memref_squeeze %dma_start3A_2023 : memref<1x16x128xf32, #tpu.memory_space<vmem>> -> memref<16x128xf32, #tpu.memory_space<vmem>>
        %dma_start3A_2025 = arith.constant 0 : i32
        %dma_start3A_2026 = tpu.memref_slice %arg7[%dma_start3A_2025, %mul3A_2006] : memref<16x1000000xf32, #tpu.memory_space<hbm>> -> memref<16x128xf32, #tpu.memory_space<hbm>>
        %dma_start3A_2027 = arith.constant 0 : i32
        %dma_start3A_2028 = arith.constant 0 : i32
        %dma_start3A_2029 = tpu.memref_slice %arg17[%dma_start3A_2020, %dma_start3A_2027, %dma_start3A_2028] : memref<4x16x128xf32, #tpu.memory_space<vmem>> -> memref<1x16x128xf32, #tpu.memory_space<vmem>>
        %dma_start3A_2030 = tpu.memref_squeeze %dma_start3A_2029 : memref<1x16x128xf32, #tpu.memory_space<vmem>> -> memref<16x128xf32, #tpu.memory_space<vmem>>
        %dma_start3A_2031 = arith.constant 0 : i32
        %dma_start3A_2032 = tpu.memref_slice %arg7[%dma_start3A_2031, %mul3A_2006] : memref<16x1000000xf32, #tpu.memory_space<hbm>> -> memref<16x128xf32, #tpu.memory_space<hbm>>
        tpu.enqueue_dma source(%dma_start3A_2032 : memref<16x128xf32, #tpu.memory_space<hbm>>) target(%dma_start3A_2030 : memref<16x128xf32, #tpu.memory_space<vmem>>) target_semaphore(%arg28 : memref<!tpu.dma_semaphore, #tpu.memory_space<semaphore_mem>>)
      } else {
      }
      %mul3A_1063 = arith.constant 8 : i32
      %mul3A_1064 = arith.muli %mul3A_1063, %scan3A_513 : i32
      %add3A_1065 = arith.constant 3 : i32
      %add3A_1066 = arith.addi %mul3A_1064, %add3A_1065 : i32
      %dma_wait3A_1067 = arith.constant 3 : i32
      %dma_wait3A_1068 = arith.constant 0 : i32
      %dma_wait3A_1069 = arith.constant 0 : i32
      %dma_wait3A_1070 = tpu.memref_slice %arg14[%dma_wait3A_1067, %dma_wait3A_1068, %dma_wait3A_1069] : memref<4x32x128xf32, #tpu.memory_space<vmem>> -> memref<1x32x128xf32, #tpu.memory_space<vmem>>
      %dma_wait3A_1071 = tpu.memref_squeeze %dma_wait3A_1070 : memref<1x32x128xf32, #tpu.memory_space<vmem>> -> memref<32x128xf32, #tpu.memory_space<vmem>>
      %dma_wait3A_1072 = arith.constant 0 : i32
      %dma_wait3A_1073 = arith.constant 0 : i32
      %dma_wait3A_1074 = tpu.memref_slice %arg4[%dma_wait3A_1072, %dma_wait3A_1073] : memref<32x1000000xf32, #tpu.memory_space<hbm>> -> memref<32x128xf32, #tpu.memory_space<hbm>>
      %dma_wait3A_1075 = arith.constant 0 : i32
      %dma_wait3A_1076 = arith.constant 0 : i32
      %dma_wait3A_1077 = tpu.memref_slice %arg14[%dma_wait3A_1067, %dma_wait3A_1075, %dma_wait3A_1076] : memref<4x32x128xf32, #tpu.memory_space<vmem>> -> memref<1x32x128xf32, #tpu.memory_space<vmem>>
      %dma_wait3A_1078 = tpu.memref_squeeze %dma_wait3A_1077 : memref<1x32x128xf32, #tpu.memory_space<vmem>> -> memref<32x128xf32, #tpu.memory_space<vmem>>
      %dma_wait3A_1079 = arith.constant 0 : i32
      %dma_wait3A_1080 = arith.constant 0 : i32
      %dma_wait3A_1081 = tpu.memref_slice %arg4[%dma_wait3A_1079, %dma_wait3A_1080] : memref<32x1000000xf32, #tpu.memory_space<hbm>> -> memref<32x128xf32, #tpu.memory_space<hbm>>
      tpu.wait_dma2 semaphore(%arg25 : memref<!tpu.dma_semaphore, #tpu.memory_space<semaphore_mem>>) src(%dma_wait3A_1081 : memref<32x128xf32, #tpu.memory_space<hbm>>) dst(%dma_wait3A_1078 : memref<32x128xf32, #tpu.memory_space<vmem>>)
      %dma_wait3A_1082 = arith.constant 3 : i32
      %dma_wait3A_1083 = arith.constant 0 : i32
      %dma_wait3A_1084 = arith.constant 0 : i32
      %dma_wait3A_1085 = tpu.memref_slice %arg15[%dma_wait3A_1082, %dma_wait3A_1083, %dma_wait3A_1084] : memref<4x32x128xf32, #tpu.memory_space<vmem>> -> memref<1x32x128xf32, #tpu.memory_space<vmem>>
      %dma_wait3A_1086 = tpu.memref_squeeze %dma_wait3A_1085 : memref<1x32x128xf32, #tpu.memory_space<vmem>> -> memref<32x128xf32, #tpu.memory_space<vmem>>
      %dma_wait3A_1087 = arith.constant 0 : i32
      %dma_wait3A_1088 = arith.constant 0 : i32
      %dma_wait3A_1089 = tpu.memref_slice %arg5[%dma_wait3A_1087, %dma_wait3A_1088] : memref<32x1000000xf32, #tpu.memory_space<hbm>> -> memref<32x128xf32, #tpu.memory_space<hbm>>
      %dma_wait3A_1090 = arith.constant 0 : i32
      %dma_wait3A_1091 = arith.constant 0 : i32
      %dma_wait3A_1092 = tpu.memref_slice %arg15[%dma_wait3A_1082, %dma_wait3A_1090, %dma_wait3A_1091] : memref<4x32x128xf32, #tpu.memory_space<vmem>> -> memref<1x32x128xf32, #tpu.memory_space<vmem>>
      %dma_wait3A_1093 = tpu.memref_squeeze %dma_wait3A_1092 : memref<1x32x128xf32, #tpu.memory_space<vmem>> -> memref<32x128xf32, #tpu.memory_space<vmem>>
      %dma_wait3A_1094 = arith.constant 0 : i32
      %dma_wait3A_1095 = arith.constant 0 : i32
      %dma_wait3A_1096 = tpu.memref_slice %arg5[%dma_wait3A_1094, %dma_wait3A_1095] : memref<32x1000000xf32, #tpu.memory_space<hbm>> -> memref<32x128xf32, #tpu.memory_space<hbm>>
      tpu.wait_dma2 semaphore(%arg25 : memref<!tpu.dma_semaphore, #tpu.memory_space<semaphore_mem>>) src(%dma_wait3A_1096 : memref<32x128xf32, #tpu.memory_space<hbm>>) dst(%dma_wait3A_1093 : memref<32x128xf32, #tpu.memory_space<vmem>>)
      %dma_wait3A_1097 = arith.constant 3 : i32
      %dma_wait3A_1098 = arith.constant 0 : i32
      %dma_wait3A_1099 = arith.constant 0 : i32
      %dma_wait3A_1100 = tpu.memref_slice %arg16[%dma_wait3A_1097, %dma_wait3A_1098, %dma_wait3A_1099] : memref<4x16x128xf32, #tpu.memory_space<vmem>> -> memref<1x16x128xf32, #tpu.memory_space<vmem>>
      %dma_wait3A_1101 = tpu.memref_squeeze %dma_wait3A_1100 : memref<1x16x128xf32, #tpu.memory_space<vmem>> -> memref<16x128xf32, #tpu.memory_space<vmem>>
      %dma_wait3A_1102 = arith.constant 0 : i32
      %dma_wait3A_1103 = arith.constant 0 : i32
      %dma_wait3A_1104 = tpu.memref_slice %arg6[%dma_wait3A_1102, %dma_wait3A_1103] : memref<16x1000000xf32, #tpu.memory_space<hbm>> -> memref<16x128xf32, #tpu.memory_space<hbm>>
      %dma_wait3A_1105 = arith.constant 0 : i32
      %dma_wait3A_1106 = arith.constant 0 : i32
      %dma_wait3A_1107 = tpu.memref_slice %arg16[%dma_wait3A_1097, %dma_wait3A_1105, %dma_wait3A_1106] : memref<4x16x128xf32, #tpu.memory_space<vmem>> -> memref<1x16x128xf32, #tpu.memory_space<vmem>>
      %dma_wait3A_1108 = tpu.memref_squeeze %dma_wait3A_1107 : memref<1x16x128xf32, #tpu.memory_space<vmem>> -> memref<16x128xf32, #tpu.memory_space<vmem>>
      %dma_wait3A_1109 = arith.constant 0 : i32
      %dma_wait3A_1110 = arith.constant 0 : i32
      %dma_wait3A_1111 = tpu.memref_slice %arg6[%dma_wait3A_1109, %dma_wait3A_1110] : memref<16x1000000xf32, #tpu.memory_space<hbm>> -> memref<16x128xf32, #tpu.memory_space<hbm>>
      tpu.wait_dma2 semaphore(%arg29 : memref<!tpu.dma_semaphore, #tpu.memory_space<semaphore_mem>>) src(%dma_wait3A_1111 : memref<16x128xf32, #tpu.memory_space<hbm>>) dst(%dma_wait3A_1108 : memref<16x128xf32, #tpu.memory_space<vmem>>)
      %dma_wait3A_1112 = arith.constant 3 : i32
      %dma_wait3A_1113 = arith.constant 0 : i32
      %dma_wait3A_1114 = arith.constant 0 : i32
      %dma_wait3A_1115 = tpu.memref_slice %arg17[%dma_wait3A_1112, %dma_wait3A_1113, %dma_wait3A_1114] : memref<4x16x128xf32, #tpu.memory_space<vmem>> -> memref<1x16x128xf32, #tpu.memory_space<vmem>>
      %dma_wait3A_1116 = tpu.memref_squeeze %dma_wait3A_1115 : memref<1x16x128xf32, #tpu.memory_space<vmem>> -> memref<16x128xf32, #tpu.memory_space<vmem>>
      %dma_wait3A_1117 = arith.constant 0 : i32
      %dma_wait3A_1118 = arith.constant 0 : i32
      %dma_wait3A_1119 = tpu.memref_slice %arg7[%dma_wait3A_1117, %dma_wait3A_1118] : memref<16x1000000xf32, #tpu.memory_space<hbm>> -> memref<16x128xf32, #tpu.memory_space<hbm>>
      %dma_wait3A_1120 = arith.constant 0 : i32
      %dma_wait3A_1121 = arith.constant 0 : i32
      %dma_wait3A_1122 = tpu.memref_slice %arg17[%dma_wait3A_1112, %dma_wait3A_1120, %dma_wait3A_1121] : memref<4x16x128xf32, #tpu.memory_space<vmem>> -> memref<1x16x128xf32, #tpu.memory_space<vmem>>
      %dma_wait3A_1123 = tpu.memref_squeeze %dma_wait3A_1122 : memref<1x16x128xf32, #tpu.memory_space<vmem>> -> memref<16x128xf32, #tpu.memory_space<vmem>>
      %dma_wait3A_1124 = arith.constant 0 : i32
      %dma_wait3A_1125 = arith.constant 0 : i32
      %dma_wait3A_1126 = tpu.memref_slice %arg7[%dma_wait3A_1124, %dma_wait3A_1125] : memref<16x1000000xf32, #tpu.memory_space<hbm>> -> memref<16x128xf32, #tpu.memory_space<hbm>>
      tpu.wait_dma2 semaphore(%arg29 : memref<!tpu.dma_semaphore, #tpu.memory_space<semaphore_mem>>) src(%dma_wait3A_1126 : memref<16x128xf32, #tpu.memory_space<hbm>>) dst(%dma_wait3A_1123 : memref<16x128xf32, #tpu.memory_space<vmem>>)
      %iota3A_1127 = tpu.iota {dimensions = array<i32: 0>} : vector<16xi32>
      %eq3A_1128 = arith.constant 3 : i32
      %eq3A_1129 = vector.broadcast %eq3A_1128 : i32 to vector<16xi32>
      %eq3A_1130 = arith.cmpi eq, %iota3A_1127, %eq3A_1129 : vector<16xi32>
      %jit3A_1131 = arith.constant 0 : i32
      %broadcast_in_dim3A_1132 = vector.broadcast %jit3A_1131 : i32 to vector<16xi32>
      %select_n3A_1133 = arith.select %eq3A_1130, %get3A_517, %broadcast_in_dim3A_1132 : vector<16xi1>, vector<16xi32>
      %reduce_sum3A_1134 = arith.constant true
      %reduce_sum3A_1135 = vector.broadcast %reduce_sum3A_1134 : i1 to vector<16xi1>
      %reduce_sum3A_1136 = tpu.scan <sum>, %select_n3A_1133 masked %reduce_sum3A_1135 : vector<16xi32>, vector<16xi1> -> vector<16xi32>
      %reduce_sum3A_1137 = vector.extract %reduce_sum3A_1136[15] : i32 from vector<16xi32>
      %iota3A_1138 = tpu.iota {dimensions = array<i32: 0>} : vector<16xi32>
      %eq3A_1139 = arith.constant 3 : i32
      %eq3A_1140 = vector.broadcast %eq3A_1139 : i32 to vector<16xi32>
      %eq3A_1141 = arith.cmpi eq, %iota3A_1138, %eq3A_1140 : vector<16xi32>
      %jit3A_1142 = arith.constant 0 : i32
      %broadcast_in_dim3A_1143 = vector.broadcast %jit3A_1142 : i32 to vector<16xi32>
      %select_n3A_1144 = arith.select %eq3A_1141, %get3A_521, %broadcast_in_dim3A_1143 : vector<16xi1>, vector<16xi32>
      %reduce_sum3A_1145 = arith.constant true
      %reduce_sum3A_1146 = vector.broadcast %reduce_sum3A_1145 : i1 to vector<16xi1>
      %reduce_sum3A_1147 = tpu.scan <sum>, %select_n3A_1144 masked %reduce_sum3A_1146 : vector<16xi32>, vector<16xi1> -> vector<16xi32>
      %reduce_sum3A_1148 = vector.extract %reduce_sum3A_1147[15] : i32 from vector<16xi32>
      %shift_right_logical3A_1149 = arith.constant 7 : i32
      %shift_right_logical3A_1150 = arith.shrui %reduce_sum3A_1137, %shift_right_logical3A_1149 : i32
      %min3A_1151 = arith.constant 7811 : i32
      %min3A_1152 = arith.minsi %shift_right_logical3A_1150, %min3A_1151 : i32
      %mul3A_1153 = arith.constant 128 : i32
      %mul3A_1154 = arith.muli %min3A_1152, %mul3A_1153 : i32
      %sub3A_1155 = arith.subi %reduce_sum3A_1137, %mul3A_1154 : i32
      %min3A_1156 = arith.constant 127 : i32
      %min3A_1157 = arith.minsi %sub3A_1155, %min3A_1156 : i32
      %shift_right_logical3A_1158 = arith.constant 7 : i32
      %shift_right_logical3A_1159 = arith.shrui %reduce_sum3A_1148, %shift_right_logical3A_1158 : i32
      %min3A_1160 = arith.constant 7811 : i32
      %min3A_1161 = arith.minsi %shift_right_logical3A_1159, %min3A_1160 : i32
      %mul3A_1162 = arith.constant 128 : i32
      %mul3A_1163 = arith.muli %min3A_1161, %mul3A_1162 : i32
      %sub3A_1164 = arith.subi %reduce_sum3A_1148, %mul3A_1163 : i32
      %min3A_1165 = arith.constant 127 : i32
      %min3A_1166 = arith.minsi %sub3A_1164, %min3A_1165 : i32
      %iota3A_1167 = tpu.iota {dimensions = array<i32: 0>} : vector<16xi32>
      %broadcast_in_dim3A_1168 = vector.broadcast %add3A_1066 : i32 to vector<16xi32>
      %broadcast_in_dim3A_1169 = vector.broadcast %min3A_1157 : i32 to vector<16xi32>
      %broadcast_in_dim3A_1170 = vector.broadcast %min3A_1166 : i32 to vector<16xi32>
      %add3A_1171 = arith.constant 0 : i32
      %add3A_1172 = vector.broadcast %add3A_1171 : i32 to vector<16xi32>
      %add3A_1173 = arith.addi %iota3A_1167, %add3A_1172 : vector<16xi32>
      %gather3A_1174 = arith.constant 3 : i32
      %gather3A_1175 = arith.constant 0 : i32
      %gather3A_1176 = arith.constant 0 : i32
      %gather3A_1177 = tpu.memref_slice %arg14[%gather3A_1174, %gather3A_1175, %gather3A_1176] : memref<4x32x128xf32, #tpu.memory_space<vmem>> -> memref<1x32x128xf32, #tpu.memory_space<vmem>>
      %gather3A_1178 = tpu.memref_squeeze %gather3A_1177 : memref<1x32x128xf32, #tpu.memory_space<vmem>> -> memref<32x128xf32, #tpu.memory_space<vmem>>
      %gather3A_1179 = tpu.vector_load_idx %gather3A_1178[%add3A_1173, %broadcast_in_dim3A_1169] : memref<32x128xf32, #tpu.memory_space<vmem>>[vector<16xi32>, vector<16xi32>], vector<16xf32>,
      %add3A_1180 = arith.constant 0 : i32
      %add3A_1181 = vector.broadcast %add3A_1180 : i32 to vector<16xi32>
      %add3A_1182 = arith.addi %iota3A_1167, %add3A_1181 : vector<16xi32>
      tpu.vector_store_idx %arg18[%add3A_1182, %broadcast_in_dim3A_1168], %gather3A_1179 : memref<32x512xf32, #tpu.memory_space<vmem>>[vector<16xi32>, vector<16xi32>], vector<16xf32>,
      %add3A_1183 = arith.constant 0 : i32
      %add3A_1184 = vector.broadcast %add3A_1183 : i32 to vector<16xi32>
      %add3A_1185 = arith.addi %iota3A_1167, %add3A_1184 : vector<16xi32>
      %gather3A_1186 = arith.constant 3 : i32
      %gather3A_1187 = arith.constant 0 : i32
      %gather3A_1188 = arith.constant 0 : i32
      %gather3A_1189 = tpu.memref_slice %arg15[%gather3A_1186, %gather3A_1187, %gather3A_1188] : memref<4x32x128xf32, #tpu.memory_space<vmem>> -> memref<1x32x128xf32, #tpu.memory_space<vmem>>
      %gather3A_1190 = tpu.memref_squeeze %gather3A_1189 : memref<1x32x128xf32, #tpu.memory_space<vmem>> -> memref<32x128xf32, #tpu.memory_space<vmem>>
      %gather3A_1191 = tpu.vector_load_idx %gather3A_1190[%add3A_1185, %broadcast_in_dim3A_1170] : memref<32x128xf32, #tpu.memory_space<vmem>>[vector<16xi32>, vector<16xi32>], vector<16xf32>,
      %add3A_1192 = arith.constant 0 : i32
      %add3A_1193 = vector.broadcast %add3A_1192 : i32 to vector<16xi32>
      %add3A_1194 = arith.addi %iota3A_1167, %add3A_1193 : vector<16xi32>
      tpu.vector_store_idx %arg19[%add3A_1194, %broadcast_in_dim3A_1168], %gather3A_1191 : memref<32x512xf32, #tpu.memory_space<vmem>>[vector<16xi32>, vector<16xi32>], vector<16xf32>,
      %add3A_1195 = arith.constant 16 : i32
      %add3A_1196 = vector.broadcast %add3A_1195 : i32 to vector<16xi32>
      %add3A_1197 = arith.addi %iota3A_1167, %add3A_1196 : vector<16xi32>
      %gather3A_1198 = arith.constant 3 : i32
      %gather3A_1199 = arith.constant 0 : i32
      %gather3A_1200 = arith.constant 0 : i32
      %gather3A_1201 = tpu.memref_slice %arg14[%gather3A_1198, %gather3A_1199, %gather3A_1200] : memref<4x32x128xf32, #tpu.memory_space<vmem>> -> memref<1x32x128xf32, #tpu.memory_space<vmem>>
      %gather3A_1202 = tpu.memref_squeeze %gather3A_1201 : memref<1x32x128xf32, #tpu.memory_space<vmem>> -> memref<32x128xf32, #tpu.memory_space<vmem>>
      %gather3A_1203 = tpu.vector_load_idx %gather3A_1202[%add3A_1197, %broadcast_in_dim3A_1169] : memref<32x128xf32, #tpu.memory_space<vmem>>[vector<16xi32>, vector<16xi32>], vector<16xf32>,
      %add3A_1204 = arith.constant 16 : i32
      %add3A_1205 = vector.broadcast %add3A_1204 : i32 to vector<16xi32>
      %add3A_1206 = arith.addi %iota3A_1167, %add3A_1205 : vector<16xi32>
      tpu.vector_store_idx %arg18[%add3A_1206, %broadcast_in_dim3A_1168], %gather3A_1203 : memref<32x512xf32, #tpu.memory_space<vmem>>[vector<16xi32>, vector<16xi32>], vector<16xf32>,
      %add3A_1207 = arith.constant 16 : i32
      %add3A_1208 = vector.broadcast %add3A_1207 : i32 to vector<16xi32>
      %add3A_1209 = arith.addi %iota3A_1167, %add3A_1208 : vector<16xi32>
      %gather3A_1210 = arith.constant 3 : i32
      %gather3A_1211 = arith.constant 0 : i32
      %gather3A_1212 = arith.constant 0 : i32
      %gather3A_1213 = tpu.memref_slice %arg15[%gather3A_1210, %gather3A_1211, %gather3A_1212] : memref<4x32x128xf32, #tpu.memory_space<vmem>> -> memref<1x32x128xf32, #tpu.memory_space<vmem>>
      %gather3A_1214 = tpu.memref_squeeze %gather3A_1213 : memref<1x32x128xf32, #tpu.memory_space<vmem>> -> memref<32x128xf32, #tpu.memory_space<vmem>>
      %gather3A_1215 = tpu.vector_load_idx %gather3A_1214[%add3A_1209, %broadcast_in_dim3A_1170] : memref<32x128xf32, #tpu.memory_space<vmem>>[vector<16xi32>, vector<16xi32>], vector<16xf32>,
      %add3A_1216 = arith.constant 16 : i32
      %add3A_1217 = vector.broadcast %add3A_1216 : i32 to vector<16xi32>
      %add3A_1218 = arith.addi %iota3A_1167, %add3A_1217 : vector<16xi32>
      tpu.vector_store_idx %arg19[%add3A_1218, %broadcast_in_dim3A_1168], %gather3A_1215 : memref<32x512xf32, #tpu.memory_space<vmem>>[vector<16xi32>, vector<16xi32>], vector<16xf32>,
      %gather3A_1219 = arith.constant 3 : i32
      %gather3A_1220 = arith.constant 0 : i32
      %gather3A_1221 = arith.constant 0 : i32
      %gather3A_1222 = tpu.memref_slice %arg16[%gather3A_1219, %gather3A_1220, %gather3A_1221] : memref<4x16x128xf32, #tpu.memory_space<vmem>> -> memref<1x16x128xf32, #tpu.memory_space<vmem>>
      %gather3A_1223 = tpu.memref_squeeze %gather3A_1222 : memref<1x16x128xf32, #tpu.memory_space<vmem>> -> memref<16x128xf32, #tpu.memory_space<vmem>>
      %gather3A_1224 = tpu.vector_load_idx %gather3A_1223[%iota3A_1167, %broadcast_in_dim3A_1169] : memref<16x128xf32, #tpu.memory_space<vmem>>[vector<16xi32>, vector<16xi32>], vector<16xf32>,
      tpu.vector_store_idx %arg20[%iota3A_1167, %broadcast_in_dim3A_1168], %gather3A_1224 : memref<16x512xf32, #tpu.memory_space<vmem>>[vector<16xi32>, vector<16xi32>], vector<16xf32>,
      %gather3A_1225 = arith.constant 3 : i32
      %gather3A_1226 = arith.constant 0 : i32
      %gather3A_1227 = arith.constant 0 : i32
      %gather3A_1228 = tpu.memref_slice %arg17[%gather3A_1225, %gather3A_1226, %gather3A_1227] : memref<4x16x128xf32, #tpu.memory_space<vmem>> -> memref<1x16x128xf32, #tpu.memory_space<vmem>>
      %gather3A_1229 = tpu.memref_squeeze %gather3A_1228 : memref<1x16x128xf32, #tpu.memory_space<vmem>> -> memref<16x128xf32, #tpu.memory_space<vmem>>
      %gather3A_1230 = tpu.vector_load_idx %gather3A_1229[%iota3A_1167, %broadcast_in_dim3A_1170] : memref<16x128xf32, #tpu.memory_space<vmem>>[vector<16xi32>, vector<16xi32>], vector<16xf32>,
      tpu.vector_store_idx %arg21[%iota3A_1167, %broadcast_in_dim3A_1168], %gather3A_1230 : memref<16x512xf32, #tpu.memory_space<vmem>>[vector<16xi32>, vector<16xi32>], vector<16xf32>,
      %add3A_1231 = arith.constant 4 : i32
      %add3A_1232 = arith.addi %add3A_1066, %add3A_1231 : i32
      %lt3A_1233 = arith.constant 512 : i32
      %lt3A_1234 = arith.cmpi slt, %add3A_1232, %lt3A_1233 : i32
      %convert_element_type3A_1235 = arith.extui %lt3A_1234 : i1 to i32
      %cond3A_1236 = arith.constant 0 : i32
      %cond3A_1237 = arith.cmpi ne, %convert_element_type3A_1235, %cond3A_1236 : i32
      scf.if %cond3A_1237 {
        %iota3A_1973 = tpu.iota {dimensions = array<i32: 0>} : vector<16xi32>
        %eq3A_1974 = arith.constant 7 : i32
        %eq3A_1975 = vector.broadcast %eq3A_1974 : i32 to vector<16xi32>
        %eq3A_1976 = arith.cmpi eq, %iota3A_1973, %eq3A_1975 : vector<16xi32>
        %jit3A_1977 = arith.constant 0 : i32
        %broadcast_in_dim3A_1978 = vector.broadcast %jit3A_1977 : i32 to vector<16xi32>
        %select_n3A_1979 = arith.select %eq3A_1976, %get3A_517, %broadcast_in_dim3A_1978 : vector<16xi1>, vector<16xi32>
        %reduce_sum3A_1980 = arith.constant true
        %reduce_sum3A_1981 = vector.broadcast %reduce_sum3A_1980 : i1 to vector<16xi1>
        %reduce_sum3A_1982 = tpu.scan <sum>, %select_n3A_1979 masked %reduce_sum3A_1981 : vector<16xi32>, vector<16xi1> -> vector<16xi32>
        %reduce_sum3A_1983 = vector.extract %reduce_sum3A_1982[15] : i32 from vector<16xi32>
        %iota3A_1984 = tpu.iota {dimensions = array<i32: 0>} : vector<16xi32>
        %eq3A_1985 = arith.constant 7 : i32
        %eq3A_1986 = vector.broadcast %eq3A_1985 : i32 to vector<16xi32>
        %eq3A_1987 = arith.cmpi eq, %iota3A_1984, %eq3A_1986 : vector<16xi32>
        %jit3A_1988 = arith.constant 0 : i32
        %broadcast_in_dim3A_1989 = vector.broadcast %jit3A_1988 : i32 to vector<16xi32>
        %select_n3A_1990 = arith.select %eq3A_1987, %get3A_521, %broadcast_in_dim3A_1989 : vector<16xi1>, vector<16xi32>
        %reduce_sum3A_1991 = arith.constant true
        %reduce_sum3A_1992 = vector.broadcast %reduce_sum3A_1991 : i1 to vector<16xi1>
        %reduce_sum3A_1993 = tpu.scan <sum>, %select_n3A_1990 masked %reduce_sum3A_1992 : vector<16xi32>, vector<16xi1> -> vector<16xi32>
        %reduce_sum3A_1994 = vector.extract %reduce_sum3A_1993[15] : i32 from vector<16xi32>
        %shift_right_logical3A_1995 = arith.constant 7 : i32
        %shift_right_logical3A_1996 = arith.shrui %reduce_sum3A_1983, %shift_right_logical3A_1995 : i32
        %min3A_1997 = arith.constant 7811 : i32
        %min3A_1998 = arith.minsi %shift_right_logical3A_1996, %min3A_1997 : i32
        %mul3A_1999 = arith.constant 128 : i32
        %mul3A_2000 = arith.muli %min3A_1998, %mul3A_1999 : i32
        %shift_right_logical3A_2001 = arith.constant 7 : i32
        %shift_right_logical3A_2002 = arith.shrui %reduce_sum3A_1994, %shift_right_logical3A_2001 : i32
        %min3A_2003 = arith.constant 7811 : i32
        %min3A_2004 = arith.minsi %shift_right_logical3A_2002, %min3A_2003 : i32
        %mul3A_2005 = arith.constant 128 : i32
        %mul3A_2006 = arith.muli %min3A_2004, %mul3A_2005 : i32
        %dma_start3A_2007 = arith.constant 3 : i32
        %dma_start3A_2008 = arith.constant 0 : i32
        %dma_start3A_2009 = arith.constant 0 : i32
        %dma_start3A_2010 = tpu.memref_slice %arg14[%dma_start3A_2007, %dma_start3A_2008, %dma_start3A_2009] : memref<4x32x128xf32, #tpu.memory_space<vmem>> -> memref<1x32x128xf32, #tpu.memory_space<vmem>>
        %dma_start3A_2011 = tpu.memref_squeeze %dma_start3A_2010 : memref<1x32x128xf32, #tpu.memory_space<vmem>> -> memref<32x128xf32, #tpu.memory_space<vmem>>
        %dma_start3A_2012 = arith.constant 0 : i32
        %dma_start3A_2013 = tpu.memref_slice %arg4[%dma_start3A_2012, %mul3A_2000] : memref<32x1000000xf32, #tpu.memory_space<hbm>> -> memref<32x128xf32, #tpu.memory_space<hbm>>
        %dma_start3A_2014 = arith.constant 0 : i32
        %dma_start3A_2015 = arith.constant 0 : i32
        %dma_start3A_2016 = tpu.memref_slice %arg14[%dma_start3A_2007, %dma_start3A_2014, %dma_start3A_2015] : memref<4x32x128xf32, #tpu.memory_space<vmem>> -> memref<1x32x128xf32, #tpu.memory_space<vmem>>
        %dma_start3A_2017 = tpu.memref_squeeze %dma_start3A_2016 : memref<1x32x128xf32, #tpu.memory_space<vmem>> -> memref<32x128xf32, #tpu.memory_space<vmem>>
        %dma_start3A_2018 = arith.constant 0 : i32
        %dma_start3A_2019 = tpu.memref_slice %arg4[%dma_start3A_2018, %mul3A_2000] : memref<32x1000000xf32, #tpu.memory_space<hbm>> -> memref<32x128xf32, #tpu.memory_space<hbm>>
        tpu.enqueue_dma source(%dma_start3A_2019 : memref<32x128xf32, #tpu.memory_space<hbm>>) target(%dma_start3A_2017 : memref<32x128xf32, #tpu.memory_space<vmem>>) target_semaphore(%arg25 : memref<!tpu.dma_semaphore, #tpu.memory_space<semaphore_mem>>)
        %dma_start3A_2020 = arith.constant 3 : i32
        %dma_start3A_2021 = arith.constant 0 : i32
        %dma_start3A_2022 = arith.constant 0 : i32
        %dma_start3A_2023 = tpu.memref_slice %arg15[%dma_start3A_2020, %dma_start3A_2021, %dma_start3A_2022] : memref<4x32x128xf32, #tpu.memory_space<vmem>> -> memref<1x32x128xf32, #tpu.memory_space<vmem>>
        %dma_start3A_2024 = tpu.memref_squeeze %dma_start3A_2023 : memref<1x32x128xf32, #tpu.memory_space<vmem>> -> memref<32x128xf32, #tpu.memory_space<vmem>>
        %dma_start3A_2025 = arith.constant 0 : i32
        %dma_start3A_2026 = tpu.memref_slice %arg5[%dma_start3A_2025, %mul3A_2006] : memref<32x1000000xf32, #tpu.memory_space<hbm>> -> memref<32x128xf32, #tpu.memory_space<hbm>>
        %dma_start3A_2027 = arith.constant 0 : i32
        %dma_start3A_2028 = arith.constant 0 : i32
        %dma_start3A_2029 = tpu.memref_slice %arg15[%dma_start3A_2020, %dma_start3A_2027, %dma_start3A_2028] : memref<4x32x128xf32, #tpu.memory_space<vmem>> -> memref<1x32x128xf32, #tpu.memory_space<vmem>>
        %dma_start3A_2030 = tpu.memref_squeeze %dma_start3A_2029 : memref<1x32x128xf32, #tpu.memory_space<vmem>> -> memref<32x128xf32, #tpu.memory_space<vmem>>
        %dma_start3A_2031 = arith.constant 0 : i32
        %dma_start3A_2032 = tpu.memref_slice %arg5[%dma_start3A_2031, %mul3A_2006] : memref<32x1000000xf32, #tpu.memory_space<hbm>> -> memref<32x128xf32, #tpu.memory_space<hbm>>
        tpu.enqueue_dma source(%dma_start3A_2032 : memref<32x128xf32, #tpu.memory_space<hbm>>) target(%dma_start3A_2030 : memref<32x128xf32, #tpu.memory_space<vmem>>) target_semaphore(%arg25 : memref<!tpu.dma_semaphore, #tpu.memory_space<semaphore_mem>>)
      } else {
      }
      %add3A_1238 = arith.constant 4 : i32
      %add3A_1239 = arith.addi %add3A_1066, %add3A_1238 : i32
      %lt3A_1240 = arith.constant 512 : i32
      %lt3A_1241 = arith.cmpi slt, %add3A_1239, %lt3A_1240 : i32
      %convert_element_type3A_1242 = arith.extui %lt3A_1241 : i1 to i32
      %cond3A_1243 = arith.constant 0 : i32
      %cond3A_1244 = arith.cmpi ne, %convert_element_type3A_1242, %cond3A_1243 : i32
      scf.if %cond3A_1244 {
        %iota3A_1973 = tpu.iota {dimensions = array<i32: 0>} : vector<16xi32>
        %eq3A_1974 = arith.constant 7 : i32
        %eq3A_1975 = vector.broadcast %eq3A_1974 : i32 to vector<16xi32>
        %eq3A_1976 = arith.cmpi eq, %iota3A_1973, %eq3A_1975 : vector<16xi32>
        %jit3A_1977 = arith.constant 0 : i32
        %broadcast_in_dim3A_1978 = vector.broadcast %jit3A_1977 : i32 to vector<16xi32>
        %select_n3A_1979 = arith.select %eq3A_1976, %get3A_517, %broadcast_in_dim3A_1978 : vector<16xi1>, vector<16xi32>
        %reduce_sum3A_1980 = arith.constant true
        %reduce_sum3A_1981 = vector.broadcast %reduce_sum3A_1980 : i1 to vector<16xi1>
        %reduce_sum3A_1982 = tpu.scan <sum>, %select_n3A_1979 masked %reduce_sum3A_1981 : vector<16xi32>, vector<16xi1> -> vector<16xi32>
        %reduce_sum3A_1983 = vector.extract %reduce_sum3A_1982[15] : i32 from vector<16xi32>
        %iota3A_1984 = tpu.iota {dimensions = array<i32: 0>} : vector<16xi32>
        %eq3A_1985 = arith.constant 7 : i32
        %eq3A_1986 = vector.broadcast %eq3A_1985 : i32 to vector<16xi32>
        %eq3A_1987 = arith.cmpi eq, %iota3A_1984, %eq3A_1986 : vector<16xi32>
        %jit3A_1988 = arith.constant 0 : i32
        %broadcast_in_dim3A_1989 = vector.broadcast %jit3A_1988 : i32 to vector<16xi32>
        %select_n3A_1990 = arith.select %eq3A_1987, %get3A_521, %broadcast_in_dim3A_1989 : vector<16xi1>, vector<16xi32>
        %reduce_sum3A_1991 = arith.constant true
        %reduce_sum3A_1992 = vector.broadcast %reduce_sum3A_1991 : i1 to vector<16xi1>
        %reduce_sum3A_1993 = tpu.scan <sum>, %select_n3A_1990 masked %reduce_sum3A_1992 : vector<16xi32>, vector<16xi1> -> vector<16xi32>
        %reduce_sum3A_1994 = vector.extract %reduce_sum3A_1993[15] : i32 from vector<16xi32>
        %shift_right_logical3A_1995 = arith.constant 7 : i32
        %shift_right_logical3A_1996 = arith.shrui %reduce_sum3A_1983, %shift_right_logical3A_1995 : i32
        %min3A_1997 = arith.constant 7811 : i32
        %min3A_1998 = arith.minsi %shift_right_logical3A_1996, %min3A_1997 : i32
        %mul3A_1999 = arith.constant 128 : i32
        %mul3A_2000 = arith.muli %min3A_1998, %mul3A_1999 : i32
        %shift_right_logical3A_2001 = arith.constant 7 : i32
        %shift_right_logical3A_2002 = arith.shrui %reduce_sum3A_1994, %shift_right_logical3A_2001 : i32
        %min3A_2003 = arith.constant 7811 : i32
        %min3A_2004 = arith.minsi %shift_right_logical3A_2002, %min3A_2003 : i32
        %mul3A_2005 = arith.constant 128 : i32
        %mul3A_2006 = arith.muli %min3A_2004, %mul3A_2005 : i32
        %dma_start3A_2007 = arith.constant 3 : i32
        %dma_start3A_2008 = arith.constant 0 : i32
        %dma_start3A_2009 = arith.constant 0 : i32
        %dma_start3A_2010 = tpu.memref_slice %arg16[%dma_start3A_2007, %dma_start3A_2008, %dma_start3A_2009] : memref<4x16x128xf32, #tpu.memory_space<vmem>> -> memref<1x16x128xf32, #tpu.memory_space<vmem>>
        %dma_start3A_2011 = tpu.memref_squeeze %dma_start3A_2010 : memref<1x16x128xf32, #tpu.memory_space<vmem>> -> memref<16x128xf32, #tpu.memory_space<vmem>>
        %dma_start3A_2012 = arith.constant 0 : i32
        %dma_start3A_2013 = tpu.memref_slice %arg6[%dma_start3A_2012, %mul3A_2000] : memref<16x1000000xf32, #tpu.memory_space<hbm>> -> memref<16x128xf32, #tpu.memory_space<hbm>>
        %dma_start3A_2014 = arith.constant 0 : i32
        %dma_start3A_2015 = arith.constant 0 : i32
        %dma_start3A_2016 = tpu.memref_slice %arg16[%dma_start3A_2007, %dma_start3A_2014, %dma_start3A_2015] : memref<4x16x128xf32, #tpu.memory_space<vmem>> -> memref<1x16x128xf32, #tpu.memory_space<vmem>>
        %dma_start3A_2017 = tpu.memref_squeeze %dma_start3A_2016 : memref<1x16x128xf32, #tpu.memory_space<vmem>> -> memref<16x128xf32, #tpu.memory_space<vmem>>
        %dma_start3A_2018 = arith.constant 0 : i32
        %dma_start3A_2019 = tpu.memref_slice %arg6[%dma_start3A_2018, %mul3A_2000] : memref<16x1000000xf32, #tpu.memory_space<hbm>> -> memref<16x128xf32, #tpu.memory_space<hbm>>
        tpu.enqueue_dma source(%dma_start3A_2019 : memref<16x128xf32, #tpu.memory_space<hbm>>) target(%dma_start3A_2017 : memref<16x128xf32, #tpu.memory_space<vmem>>) target_semaphore(%arg29 : memref<!tpu.dma_semaphore, #tpu.memory_space<semaphore_mem>>)
        %dma_start3A_2020 = arith.constant 3 : i32
        %dma_start3A_2021 = arith.constant 0 : i32
        %dma_start3A_2022 = arith.constant 0 : i32
        %dma_start3A_2023 = tpu.memref_slice %arg17[%dma_start3A_2020, %dma_start3A_2021, %dma_start3A_2022] : memref<4x16x128xf32, #tpu.memory_space<vmem>> -> memref<1x16x128xf32, #tpu.memory_space<vmem>>
        %dma_start3A_2024 = tpu.memref_squeeze %dma_start3A_2023 : memref<1x16x128xf32, #tpu.memory_space<vmem>> -> memref<16x128xf32, #tpu.memory_space<vmem>>
        %dma_start3A_2025 = arith.constant 0 : i32
        %dma_start3A_2026 = tpu.memref_slice %arg7[%dma_start3A_2025, %mul3A_2006] : memref<16x1000000xf32, #tpu.memory_space<hbm>> -> memref<16x128xf32, #tpu.memory_space<hbm>>
        %dma_start3A_2027 = arith.constant 0 : i32
        %dma_start3A_2028 = arith.constant 0 : i32
        %dma_start3A_2029 = tpu.memref_slice %arg17[%dma_start3A_2020, %dma_start3A_2027, %dma_start3A_2028] : memref<4x16x128xf32, #tpu.memory_space<vmem>> -> memref<1x16x128xf32, #tpu.memory_space<vmem>>
        %dma_start3A_2030 = tpu.memref_squeeze %dma_start3A_2029 : memref<1x16x128xf32, #tpu.memory_space<vmem>> -> memref<16x128xf32, #tpu.memory_space<vmem>>
        %dma_start3A_2031 = arith.constant 0 : i32
        %dma_start3A_2032 = tpu.memref_slice %arg7[%dma_start3A_2031, %mul3A_2006] : memref<16x1000000xf32, #tpu.memory_space<hbm>> -> memref<16x128xf32, #tpu.memory_space<hbm>>
        tpu.enqueue_dma source(%dma_start3A_2032 : memref<16x128xf32, #tpu.memory_space<hbm>>) target(%dma_start3A_2030 : memref<16x128xf32, #tpu.memory_space<vmem>>) target_semaphore(%arg29 : memref<!tpu.dma_semaphore, #tpu.memory_space<semaphore_mem>>)
      } else {
      }
      %mul3A_1245 = arith.constant 8 : i32
      %mul3A_1246 = arith.muli %mul3A_1245, %scan3A_513 : i32
      %add3A_1247 = arith.constant 4 : i32
      %add3A_1248 = arith.addi %mul3A_1246, %add3A_1247 : i32
      %dma_wait3A_1249 = arith.constant 0 : i32
      %dma_wait3A_1250 = arith.constant 0 : i32
      %dma_wait3A_1251 = arith.constant 0 : i32
      %dma_wait3A_1252 = tpu.memref_slice %arg14[%dma_wait3A_1249, %dma_wait3A_1250, %dma_wait3A_1251] : memref<4x32x128xf32, #tpu.memory_space<vmem>> -> memref<1x32x128xf32, #tpu.memory_space<vmem>>
      %dma_wait3A_1253 = tpu.memref_squeeze %dma_wait3A_1252 : memref<1x32x128xf32, #tpu.memory_space<vmem>> -> memref<32x128xf32, #tpu.memory_space<vmem>>
      %dma_wait3A_1254 = arith.constant 0 : i32
      %dma_wait3A_1255 = arith.constant 0 : i32
      %dma_wait3A_1256 = tpu.memref_slice %arg4[%dma_wait3A_1254, %dma_wait3A_1255] : memref<32x1000000xf32, #tpu.memory_space<hbm>> -> memref<32x128xf32, #tpu.memory_space<hbm>>
      %dma_wait3A_1257 = arith.constant 0 : i32
      %dma_wait3A_1258 = arith.constant 0 : i32
      %dma_wait3A_1259 = tpu.memref_slice %arg14[%dma_wait3A_1249, %dma_wait3A_1257, %dma_wait3A_1258] : memref<4x32x128xf32, #tpu.memory_space<vmem>> -> memref<1x32x128xf32, #tpu.memory_space<vmem>>
      %dma_wait3A_1260 = tpu.memref_squeeze %dma_wait3A_1259 : memref<1x32x128xf32, #tpu.memory_space<vmem>> -> memref<32x128xf32, #tpu.memory_space<vmem>>
      %dma_wait3A_1261 = arith.constant 0 : i32
      %dma_wait3A_1262 = arith.constant 0 : i32
      %dma_wait3A_1263 = tpu.memref_slice %arg4[%dma_wait3A_1261, %dma_wait3A_1262] : memref<32x1000000xf32, #tpu.memory_space<hbm>> -> memref<32x128xf32, #tpu.memory_space<hbm>>
      tpu.wait_dma2 semaphore(%arg22 : memref<!tpu.dma_semaphore, #tpu.memory_space<semaphore_mem>>) src(%dma_wait3A_1263 : memref<32x128xf32, #tpu.memory_space<hbm>>) dst(%dma_wait3A_1260 : memref<32x128xf32, #tpu.memory_space<vmem>>)
      %dma_wait3A_1264 = arith.constant 0 : i32
      %dma_wait3A_1265 = arith.constant 0 : i32
      %dma_wait3A_1266 = arith.constant 0 : i32
      %dma_wait3A_1267 = tpu.memref_slice %arg15[%dma_wait3A_1264, %dma_wait3A_1265, %dma_wait3A_1266] : memref<4x32x128xf32, #tpu.memory_space<vmem>> -> memref<1x32x128xf32, #tpu.memory_space<vmem>>
      %dma_wait3A_1268 = tpu.memref_squeeze %dma_wait3A_1267 : memref<1x32x128xf32, #tpu.memory_space<vmem>> -> memref<32x128xf32, #tpu.memory_space<vmem>>
      %dma_wait3A_1269 = arith.constant 0 : i32
      %dma_wait3A_1270 = arith.constant 0 : i32
      %dma_wait3A_1271 = tpu.memref_slice %arg5[%dma_wait3A_1269, %dma_wait3A_1270] : memref<32x1000000xf32, #tpu.memory_space<hbm>> -> memref<32x128xf32, #tpu.memory_space<hbm>>
      %dma_wait3A_1272 = arith.constant 0 : i32
      %dma_wait3A_1273 = arith.constant 0 : i32
      %dma_wait3A_1274 = tpu.memref_slice %arg15[%dma_wait3A_1264, %dma_wait3A_1272, %dma_wait3A_1273] : memref<4x32x128xf32, #tpu.memory_space<vmem>> -> memref<1x32x128xf32, #tpu.memory_space<vmem>>
      %dma_wait3A_1275 = tpu.memref_squeeze %dma_wait3A_1274 : memref<1x32x128xf32, #tpu.memory_space<vmem>> -> memref<32x128xf32, #tpu.memory_space<vmem>>
      %dma_wait3A_1276 = arith.constant 0 : i32
      %dma_wait3A_1277 = arith.constant 0 : i32
      %dma_wait3A_1278 = tpu.memref_slice %arg5[%dma_wait3A_1276, %dma_wait3A_1277] : memref<32x1000000xf32, #tpu.memory_space<hbm>> -> memref<32x128xf32, #tpu.memory_space<hbm>>
      tpu.wait_dma2 semaphore(%arg22 : memref<!tpu.dma_semaphore, #tpu.memory_space<semaphore_mem>>) src(%dma_wait3A_1278 : memref<32x128xf32, #tpu.memory_space<hbm>>) dst(%dma_wait3A_1275 : memref<32x128xf32, #tpu.memory_space<vmem>>)
      %dma_wait3A_1279 = arith.constant 0 : i32
      %dma_wait3A_1280 = arith.constant 0 : i32
      %dma_wait3A_1281 = arith.constant 0 : i32
      %dma_wait3A_1282 = tpu.memref_slice %arg16[%dma_wait3A_1279, %dma_wait3A_1280, %dma_wait3A_1281] : memref<4x16x128xf32, #tpu.memory_space<vmem>> -> memref<1x16x128xf32, #tpu.memory_space<vmem>>
      %dma_wait3A_1283 = tpu.memref_squeeze %dma_wait3A_1282 : memref<1x16x128xf32, #tpu.memory_space<vmem>> -> memref<16x128xf32, #tpu.memory_space<vmem>>
      %dma_wait3A_1284 = arith.constant 0 : i32
      %dma_wait3A_1285 = arith.constant 0 : i32
      %dma_wait3A_1286 = tpu.memref_slice %arg6[%dma_wait3A_1284, %dma_wait3A_1285] : memref<16x1000000xf32, #tpu.memory_space<hbm>> -> memref<16x128xf32, #tpu.memory_space<hbm>>
      %dma_wait3A_1287 = arith.constant 0 : i32
      %dma_wait3A_1288 = arith.constant 0 : i32
      %dma_wait3A_1289 = tpu.memref_slice %arg16[%dma_wait3A_1279, %dma_wait3A_1287, %dma_wait3A_1288] : memref<4x16x128xf32, #tpu.memory_space<vmem>> -> memref<1x16x128xf32, #tpu.memory_space<vmem>>
      %dma_wait3A_1290 = tpu.memref_squeeze %dma_wait3A_1289 : memref<1x16x128xf32, #tpu.memory_space<vmem>> -> memref<16x128xf32, #tpu.memory_space<vmem>>
      %dma_wait3A_1291 = arith.constant 0 : i32
      %dma_wait3A_1292 = arith.constant 0 : i32
      %dma_wait3A_1293 = tpu.memref_slice %arg6[%dma_wait3A_1291, %dma_wait3A_1292] : memref<16x1000000xf32, #tpu.memory_space<hbm>> -> memref<16x128xf32, #tpu.memory_space<hbm>>
      tpu.wait_dma2 semaphore(%arg26 : memref<!tpu.dma_semaphore, #tpu.memory_space<semaphore_mem>>) src(%dma_wait3A_1293 : memref<16x128xf32, #tpu.memory_space<hbm>>) dst(%dma_wait3A_1290 : memref<16x128xf32, #tpu.memory_space<vmem>>)
      %dma_wait3A_1294 = arith.constant 0 : i32
      %dma_wait3A_1295 = arith.constant 0 : i32
      %dma_wait3A_1296 = arith.constant 0 : i32
      %dma_wait3A_1297 = tpu.memref_slice %arg17[%dma_wait3A_1294, %dma_wait3A_1295, %dma_wait3A_1296] : memref<4x16x128xf32, #tpu.memory_space<vmem>> -> memref<1x16x128xf32, #tpu.memory_space<vmem>>
      %dma_wait3A_1298 = tpu.memref_squeeze %dma_wait3A_1297 : memref<1x16x128xf32, #tpu.memory_space<vmem>> -> memref<16x128xf32, #tpu.memory_space<vmem>>
      %dma_wait3A_1299 = arith.constant 0 : i32
      %dma_wait3A_1300 = arith.constant 0 : i32
      %dma_wait3A_1301 = tpu.memref_slice %arg7[%dma_wait3A_1299, %dma_wait3A_1300] : memref<16x1000000xf32, #tpu.memory_space<hbm>> -> memref<16x128xf32, #tpu.memory_space<hbm>>
      %dma_wait3A_1302 = arith.constant 0 : i32
      %dma_wait3A_1303 = arith.constant 0 : i32
      %dma_wait3A_1304 = tpu.memref_slice %arg17[%dma_wait3A_1294, %dma_wait3A_1302, %dma_wait3A_1303] : memref<4x16x128xf32, #tpu.memory_space<vmem>> -> memref<1x16x128xf32, #tpu.memory_space<vmem>>
      %dma_wait3A_1305 = tpu.memref_squeeze %dma_wait3A_1304 : memref<1x16x128xf32, #tpu.memory_space<vmem>> -> memref<16x128xf32, #tpu.memory_space<vmem>>
      %dma_wait3A_1306 = arith.constant 0 : i32
      %dma_wait3A_1307 = arith.constant 0 : i32
      %dma_wait3A_1308 = tpu.memref_slice %arg7[%dma_wait3A_1306, %dma_wait3A_1307] : memref<16x1000000xf32, #tpu.memory_space<hbm>> -> memref<16x128xf32, #tpu.memory_space<hbm>>
      tpu.wait_dma2 semaphore(%arg26 : memref<!tpu.dma_semaphore, #tpu.memory_space<semaphore_mem>>) src(%dma_wait3A_1308 : memref<16x128xf32, #tpu.memory_space<hbm>>) dst(%dma_wait3A_1305 : memref<16x128xf32, #tpu.memory_space<vmem>>)
      %iota3A_1309 = tpu.iota {dimensions = array<i32: 0>} : vector<16xi32>
      %eq3A_1310 = arith.constant 4 : i32
      %eq3A_1311 = vector.broadcast %eq3A_1310 : i32 to vector<16xi32>
      %eq3A_1312 = arith.cmpi eq, %iota3A_1309, %eq3A_1311 : vector<16xi32>
      %jit3A_1313 = arith.constant 0 : i32
      %broadcast_in_dim3A_1314 = vector.broadcast %jit3A_1313 : i32 to vector<16xi32>
      %select_n3A_1315 = arith.select %eq3A_1312, %get3A_517, %broadcast_in_dim3A_1314 : vector<16xi1>, vector<16xi32>
      %reduce_sum3A_1316 = arith.constant true
      %reduce_sum3A_1317 = vector.broadcast %reduce_sum3A_1316 : i1 to vector<16xi1>
      %reduce_sum3A_1318 = tpu.scan <sum>, %select_n3A_1315 masked %reduce_sum3A_1317 : vector<16xi32>, vector<16xi1> -> vector<16xi32>
      %reduce_sum3A_1319 = vector.extract %reduce_sum3A_1318[15] : i32 from vector<16xi32>
      %iota3A_1320 = tpu.iota {dimensions = array<i32: 0>} : vector<16xi32>
      %eq3A_1321 = arith.constant 4 : i32
      %eq3A_1322 = vector.broadcast %eq3A_1321 : i32 to vector<16xi32>
      %eq3A_1323 = arith.cmpi eq, %iota3A_1320, %eq3A_1322 : vector<16xi32>
      %jit3A_1324 = arith.constant 0 : i32
      %broadcast_in_dim3A_1325 = vector.broadcast %jit3A_1324 : i32 to vector<16xi32>
      %select_n3A_1326 = arith.select %eq3A_1323, %get3A_521, %broadcast_in_dim3A_1325 : vector<16xi1>, vector<16xi32>
      %reduce_sum3A_1327 = arith.constant true
      %reduce_sum3A_1328 = vector.broadcast %reduce_sum3A_1327 : i1 to vector<16xi1>
      %reduce_sum3A_1329 = tpu.scan <sum>, %select_n3A_1326 masked %reduce_sum3A_1328 : vector<16xi32>, vector<16xi1> -> vector<16xi32>
      %reduce_sum3A_1330 = vector.extract %reduce_sum3A_1329[15] : i32 from vector<16xi32>
      %shift_right_logical3A_1331 = arith.constant 7 : i32
      %shift_right_logical3A_1332 = arith.shrui %reduce_sum3A_1319, %shift_right_logical3A_1331 : i32
      %min3A_1333 = arith.constant 7811 : i32
      %min3A_1334 = arith.minsi %shift_right_logical3A_1332, %min3A_1333 : i32
      %mul3A_1335 = arith.constant 128 : i32
      %mul3A_1336 = arith.muli %min3A_1334, %mul3A_1335 : i32
      %sub3A_1337 = arith.subi %reduce_sum3A_1319, %mul3A_1336 : i32
      %min3A_1338 = arith.constant 127 : i32
      %min3A_1339 = arith.minsi %sub3A_1337, %min3A_1338 : i32
      %shift_right_logical3A_1340 = arith.constant 7 : i32
      %shift_right_logical3A_1341 = arith.shrui %reduce_sum3A_1330, %shift_right_logical3A_1340 : i32
      %min3A_1342 = arith.constant 7811 : i32
      %min3A_1343 = arith.minsi %shift_right_logical3A_1341, %min3A_1342 : i32
      %mul3A_1344 = arith.constant 128 : i32
      %mul3A_1345 = arith.muli %min3A_1343, %mul3A_1344 : i32
      %sub3A_1346 = arith.subi %reduce_sum3A_1330, %mul3A_1345 : i32
      %min3A_1347 = arith.constant 127 : i32
      %min3A_1348 = arith.minsi %sub3A_1346, %min3A_1347 : i32
      %iota3A_1349 = tpu.iota {dimensions = array<i32: 0>} : vector<16xi32>
      %broadcast_in_dim3A_1350 = vector.broadcast %add3A_1248 : i32 to vector<16xi32>
      %broadcast_in_dim3A_1351 = vector.broadcast %min3A_1339 : i32 to vector<16xi32>
      %broadcast_in_dim3A_1352 = vector.broadcast %min3A_1348 : i32 to vector<16xi32>
      %add3A_1353 = arith.constant 0 : i32
      %add3A_1354 = vector.broadcast %add3A_1353 : i32 to vector<16xi32>
      %add3A_1355 = arith.addi %iota3A_1349, %add3A_1354 : vector<16xi32>
      %gather3A_1356 = arith.constant 0 : i32
      %gather3A_1357 = arith.constant 0 : i32
      %gather3A_1358 = arith.constant 0 : i32
      %gather3A_1359 = tpu.memref_slice %arg14[%gather3A_1356, %gather3A_1357, %gather3A_1358] : memref<4x32x128xf32, #tpu.memory_space<vmem>> -> memref<1x32x128xf32, #tpu.memory_space<vmem>>
      %gather3A_1360 = tpu.memref_squeeze %gather3A_1359 : memref<1x32x128xf32, #tpu.memory_space<vmem>> -> memref<32x128xf32, #tpu.memory_space<vmem>>
      %gather3A_1361 = tpu.vector_load_idx %gather3A_1360[%add3A_1355, %broadcast_in_dim3A_1351] : memref<32x128xf32, #tpu.memory_space<vmem>>[vector<16xi32>, vector<16xi32>], vector<16xf32>,
      %add3A_1362 = arith.constant 0 : i32
      %add3A_1363 = vector.broadcast %add3A_1362 : i32 to vector<16xi32>
      %add3A_1364 = arith.addi %iota3A_1349, %add3A_1363 : vector<16xi32>
      tpu.vector_store_idx %arg18[%add3A_1364, %broadcast_in_dim3A_1350], %gather3A_1361 : memref<32x512xf32, #tpu.memory_space<vmem>>[vector<16xi32>, vector<16xi32>], vector<16xf32>,
      %add3A_1365 = arith.constant 0 : i32
      %add3A_1366 = vector.broadcast %add3A_1365 : i32 to vector<16xi32>
      %add3A_1367 = arith.addi %iota3A_1349, %add3A_1366 : vector<16xi32>
      %gather3A_1368 = arith.constant 0 : i32
      %gather3A_1369 = arith.constant 0 : i32
      %gather3A_1370 = arith.constant 0 : i32
      %gather3A_1371 = tpu.memref_slice %arg15[%gather3A_1368, %gather3A_1369, %gather3A_1370] : memref<4x32x128xf32, #tpu.memory_space<vmem>> -> memref<1x32x128xf32, #tpu.memory_space<vmem>>
      %gather3A_1372 = tpu.memref_squeeze %gather3A_1371 : memref<1x32x128xf32, #tpu.memory_space<vmem>> -> memref<32x128xf32, #tpu.memory_space<vmem>>
      %gather3A_1373 = tpu.vector_load_idx %gather3A_1372[%add3A_1367, %broadcast_in_dim3A_1352] : memref<32x128xf32, #tpu.memory_space<vmem>>[vector<16xi32>, vector<16xi32>], vector<16xf32>,
      %add3A_1374 = arith.constant 0 : i32
      %add3A_1375 = vector.broadcast %add3A_1374 : i32 to vector<16xi32>
      %add3A_1376 = arith.addi %iota3A_1349, %add3A_1375 : vector<16xi32>
      tpu.vector_store_idx %arg19[%add3A_1376, %broadcast_in_dim3A_1350], %gather3A_1373 : memref<32x512xf32, #tpu.memory_space<vmem>>[vector<16xi32>, vector<16xi32>], vector<16xf32>,
      %add3A_1377 = arith.constant 16 : i32
      %add3A_1378 = vector.broadcast %add3A_1377 : i32 to vector<16xi32>
      %add3A_1379 = arith.addi %iota3A_1349, %add3A_1378 : vector<16xi32>
      %gather3A_1380 = arith.constant 0 : i32
      %gather3A_1381 = arith.constant 0 : i32
      %gather3A_1382 = arith.constant 0 : i32
      %gather3A_1383 = tpu.memref_slice %arg14[%gather3A_1380, %gather3A_1381, %gather3A_1382] : memref<4x32x128xf32, #tpu.memory_space<vmem>> -> memref<1x32x128xf32, #tpu.memory_space<vmem>>
      %gather3A_1384 = tpu.memref_squeeze %gather3A_1383 : memref<1x32x128xf32, #tpu.memory_space<vmem>> -> memref<32x128xf32, #tpu.memory_space<vmem>>
      %gather3A_1385 = tpu.vector_load_idx %gather3A_1384[%add3A_1379, %broadcast_in_dim3A_1351] : memref<32x128xf32, #tpu.memory_space<vmem>>[vector<16xi32>, vector<16xi32>], vector<16xf32>,
      %add3A_1386 = arith.constant 16 : i32
      %add3A_1387 = vector.broadcast %add3A_1386 : i32 to vector<16xi32>
      %add3A_1388 = arith.addi %iota3A_1349, %add3A_1387 : vector<16xi32>
      tpu.vector_store_idx %arg18[%add3A_1388, %broadcast_in_dim3A_1350], %gather3A_1385 : memref<32x512xf32, #tpu.memory_space<vmem>>[vector<16xi32>, vector<16xi32>], vector<16xf32>,
      %add3A_1389 = arith.constant 16 : i32
      %add3A_1390 = vector.broadcast %add3A_1389 : i32 to vector<16xi32>
      %add3A_1391 = arith.addi %iota3A_1349, %add3A_1390 : vector<16xi32>
      %gather3A_1392 = arith.constant 0 : i32
      %gather3A_1393 = arith.constant 0 : i32
      %gather3A_1394 = arith.constant 0 : i32
      %gather3A_1395 = tpu.memref_slice %arg15[%gather3A_1392, %gather3A_1393, %gather3A_1394] : memref<4x32x128xf32, #tpu.memory_space<vmem>> -> memref<1x32x128xf32, #tpu.memory_space<vmem>>
      %gather3A_1396 = tpu.memref_squeeze %gather3A_1395 : memref<1x32x128xf32, #tpu.memory_space<vmem>> -> memref<32x128xf32, #tpu.memory_space<vmem>>
      %gather3A_1397 = tpu.vector_load_idx %gather3A_1396[%add3A_1391, %broadcast_in_dim3A_1352] : memref<32x128xf32, #tpu.memory_space<vmem>>[vector<16xi32>, vector<16xi32>], vector<16xf32>,
      %add3A_1398 = arith.constant 16 : i32
      %add3A_1399 = vector.broadcast %add3A_1398 : i32 to vector<16xi32>
      %add3A_1400 = arith.addi %iota3A_1349, %add3A_1399 : vector<16xi32>
      tpu.vector_store_idx %arg19[%add3A_1400, %broadcast_in_dim3A_1350], %gather3A_1397 : memref<32x512xf32, #tpu.memory_space<vmem>>[vector<16xi32>, vector<16xi32>], vector<16xf32>,
      %gather3A_1401 = arith.constant 0 : i32
      %gather3A_1402 = arith.constant 0 : i32
      %gather3A_1403 = arith.constant 0 : i32
      %gather3A_1404 = tpu.memref_slice %arg16[%gather3A_1401, %gather3A_1402, %gather3A_1403] : memref<4x16x128xf32, #tpu.memory_space<vmem>> -> memref<1x16x128xf32, #tpu.memory_space<vmem>>
      %gather3A_1405 = tpu.memref_squeeze %gather3A_1404 : memref<1x16x128xf32, #tpu.memory_space<vmem>> -> memref<16x128xf32, #tpu.memory_space<vmem>>
      %gather3A_1406 = tpu.vector_load_idx %gather3A_1405[%iota3A_1349, %broadcast_in_dim3A_1351] : memref<16x128xf32, #tpu.memory_space<vmem>>[vector<16xi32>, vector<16xi32>], vector<16xf32>,
      tpu.vector_store_idx %arg20[%iota3A_1349, %broadcast_in_dim3A_1350], %gather3A_1406 : memref<16x512xf32, #tpu.memory_space<vmem>>[vector<16xi32>, vector<16xi32>], vector<16xf32>,
      %gather3A_1407 = arith.constant 0 : i32
      %gather3A_1408 = arith.constant 0 : i32
      %gather3A_1409 = arith.constant 0 : i32
      %gather3A_1410 = tpu.memref_slice %arg17[%gather3A_1407, %gather3A_1408, %gather3A_1409] : memref<4x16x128xf32, #tpu.memory_space<vmem>> -> memref<1x16x128xf32, #tpu.memory_space<vmem>>
      %gather3A_1411 = tpu.memref_squeeze %gather3A_1410 : memref<1x16x128xf32, #tpu.memory_space<vmem>> -> memref<16x128xf32, #tpu.memory_space<vmem>>
      %gather3A_1412 = tpu.vector_load_idx %gather3A_1411[%iota3A_1349, %broadcast_in_dim3A_1352] : memref<16x128xf32, #tpu.memory_space<vmem>>[vector<16xi32>, vector<16xi32>], vector<16xf32>,
      tpu.vector_store_idx %arg21[%iota3A_1349, %broadcast_in_dim3A_1350], %gather3A_1412 : memref<16x512xf32, #tpu.memory_space<vmem>>[vector<16xi32>, vector<16xi32>], vector<16xf32>,
      %add3A_1413 = arith.constant 4 : i32
      %add3A_1414 = arith.addi %add3A_1248, %add3A_1413 : i32
      %lt3A_1415 = arith.constant 512 : i32
      %lt3A_1416 = arith.cmpi slt, %add3A_1414, %lt3A_1415 : i32
      %convert_element_type3A_1417 = arith.extui %lt3A_1416 : i1 to i32
      %cond3A_1418 = arith.constant 0 : i32
      %cond3A_1419 = arith.cmpi ne, %convert_element_type3A_1417, %cond3A_1418 : i32
      scf.if %cond3A_1419 {
        %iota3A_1973 = tpu.iota {dimensions = array<i32: 0>} : vector<16xi32>
        %eq3A_1974 = arith.constant 8 : i32
        %eq3A_1975 = vector.broadcast %eq3A_1974 : i32 to vector<16xi32>
        %eq3A_1976 = arith.cmpi eq, %iota3A_1973, %eq3A_1975 : vector<16xi32>
        %jit3A_1977 = arith.constant 0 : i32
        %broadcast_in_dim3A_1978 = vector.broadcast %jit3A_1977 : i32 to vector<16xi32>
        %select_n3A_1979 = arith.select %eq3A_1976, %get3A_517, %broadcast_in_dim3A_1978 : vector<16xi1>, vector<16xi32>
        %reduce_sum3A_1980 = arith.constant true
        %reduce_sum3A_1981 = vector.broadcast %reduce_sum3A_1980 : i1 to vector<16xi1>
        %reduce_sum3A_1982 = tpu.scan <sum>, %select_n3A_1979 masked %reduce_sum3A_1981 : vector<16xi32>, vector<16xi1> -> vector<16xi32>
        %reduce_sum3A_1983 = vector.extract %reduce_sum3A_1982[15] : i32 from vector<16xi32>
        %iota3A_1984 = tpu.iota {dimensions = array<i32: 0>} : vector<16xi32>
        %eq3A_1985 = arith.constant 8 : i32
        %eq3A_1986 = vector.broadcast %eq3A_1985 : i32 to vector<16xi32>
        %eq3A_1987 = arith.cmpi eq, %iota3A_1984, %eq3A_1986 : vector<16xi32>
        %jit3A_1988 = arith.constant 0 : i32
        %broadcast_in_dim3A_1989 = vector.broadcast %jit3A_1988 : i32 to vector<16xi32>
        %select_n3A_1990 = arith.select %eq3A_1987, %get3A_521, %broadcast_in_dim3A_1989 : vector<16xi1>, vector<16xi32>
        %reduce_sum3A_1991 = arith.constant true
        %reduce_sum3A_1992 = vector.broadcast %reduce_sum3A_1991 : i1 to vector<16xi1>
        %reduce_sum3A_1993 = tpu.scan <sum>, %select_n3A_1990 masked %reduce_sum3A_1992 : vector<16xi32>, vector<16xi1> -> vector<16xi32>
        %reduce_sum3A_1994 = vector.extract %reduce_sum3A_1993[15] : i32 from vector<16xi32>
        %shift_right_logical3A_1995 = arith.constant 7 : i32
        %shift_right_logical3A_1996 = arith.shrui %reduce_sum3A_1983, %shift_right_logical3A_1995 : i32
        %min3A_1997 = arith.constant 7811 : i32
        %min3A_1998 = arith.minsi %shift_right_logical3A_1996, %min3A_1997 : i32
        %mul3A_1999 = arith.constant 128 : i32
        %mul3A_2000 = arith.muli %min3A_1998, %mul3A_1999 : i32
        %shift_right_logical3A_2001 = arith.constant 7 : i32
        %shift_right_logical3A_2002 = arith.shrui %reduce_sum3A_1994, %shift_right_logical3A_2001 : i32
        %min3A_2003 = arith.constant 7811 : i32
        %min3A_2004 = arith.minsi %shift_right_logical3A_2002, %min3A_2003 : i32
        %mul3A_2005 = arith.constant 128 : i32
        %mul3A_2006 = arith.muli %min3A_2004, %mul3A_2005 : i32
        %dma_start3A_2007 = arith.constant 0 : i32
        %dma_start3A_2008 = arith.constant 0 : i32
        %dma_start3A_2009 = arith.constant 0 : i32
        %dma_start3A_2010 = tpu.memref_slice %arg14[%dma_start3A_2007, %dma_start3A_2008, %dma_start3A_2009] : memref<4x32x128xf32, #tpu.memory_space<vmem>> -> memref<1x32x128xf32, #tpu.memory_space<vmem>>
        %dma_start3A_2011 = tpu.memref_squeeze %dma_start3A_2010 : memref<1x32x128xf32, #tpu.memory_space<vmem>> -> memref<32x128xf32, #tpu.memory_space<vmem>>
        %dma_start3A_2012 = arith.constant 0 : i32
        %dma_start3A_2013 = tpu.memref_slice %arg4[%dma_start3A_2012, %mul3A_2000] : memref<32x1000000xf32, #tpu.memory_space<hbm>> -> memref<32x128xf32, #tpu.memory_space<hbm>>
        %dma_start3A_2014 = arith.constant 0 : i32
        %dma_start3A_2015 = arith.constant 0 : i32
        %dma_start3A_2016 = tpu.memref_slice %arg14[%dma_start3A_2007, %dma_start3A_2014, %dma_start3A_2015] : memref<4x32x128xf32, #tpu.memory_space<vmem>> -> memref<1x32x128xf32, #tpu.memory_space<vmem>>
        %dma_start3A_2017 = tpu.memref_squeeze %dma_start3A_2016 : memref<1x32x128xf32, #tpu.memory_space<vmem>> -> memref<32x128xf32, #tpu.memory_space<vmem>>
        %dma_start3A_2018 = arith.constant 0 : i32
        %dma_start3A_2019 = tpu.memref_slice %arg4[%dma_start3A_2018, %mul3A_2000] : memref<32x1000000xf32, #tpu.memory_space<hbm>> -> memref<32x128xf32, #tpu.memory_space<hbm>>
        tpu.enqueue_dma source(%dma_start3A_2019 : memref<32x128xf32, #tpu.memory_space<hbm>>) target(%dma_start3A_2017 : memref<32x128xf32, #tpu.memory_space<vmem>>) target_semaphore(%arg22 : memref<!tpu.dma_semaphore, #tpu.memory_space<semaphore_mem>>)
        %dma_start3A_2020 = arith.constant 0 : i32
        %dma_start3A_2021 = arith.constant 0 : i32
        %dma_start3A_2022 = arith.constant 0 : i32
        %dma_start3A_2023 = tpu.memref_slice %arg15[%dma_start3A_2020, %dma_start3A_2021, %dma_start3A_2022] : memref<4x32x128xf32, #tpu.memory_space<vmem>> -> memref<1x32x128xf32, #tpu.memory_space<vmem>>
        %dma_start3A_2024 = tpu.memref_squeeze %dma_start3A_2023 : memref<1x32x128xf32, #tpu.memory_space<vmem>> -> memref<32x128xf32, #tpu.memory_space<vmem>>
        %dma_start3A_2025 = arith.constant 0 : i32
        %dma_start3A_2026 = tpu.memref_slice %arg5[%dma_start3A_2025, %mul3A_2006] : memref<32x1000000xf32, #tpu.memory_space<hbm>> -> memref<32x128xf32, #tpu.memory_space<hbm>>
        %dma_start3A_2027 = arith.constant 0 : i32
        %dma_start3A_2028 = arith.constant 0 : i32
        %dma_start3A_2029 = tpu.memref_slice %arg15[%dma_start3A_2020, %dma_start3A_2027, %dma_start3A_2028] : memref<4x32x128xf32, #tpu.memory_space<vmem>> -> memref<1x32x128xf32, #tpu.memory_space<vmem>>
        %dma_start3A_2030 = tpu.memref_squeeze %dma_start3A_2029 : memref<1x32x128xf32, #tpu.memory_space<vmem>> -> memref<32x128xf32, #tpu.memory_space<vmem>>
        %dma_start3A_2031 = arith.constant 0 : i32
        %dma_start3A_2032 = tpu.memref_slice %arg5[%dma_start3A_2031, %mul3A_2006] : memref<32x1000000xf32, #tpu.memory_space<hbm>> -> memref<32x128xf32, #tpu.memory_space<hbm>>
        tpu.enqueue_dma source(%dma_start3A_2032 : memref<32x128xf32, #tpu.memory_space<hbm>>) target(%dma_start3A_2030 : memref<32x128xf32, #tpu.memory_space<vmem>>) target_semaphore(%arg22 : memref<!tpu.dma_semaphore, #tpu.memory_space<semaphore_mem>>)
      } else {
      }
      %add3A_1420 = arith.constant 4 : i32
      %add3A_1421 = arith.addi %add3A_1248, %add3A_1420 : i32
      %lt3A_1422 = arith.constant 512 : i32
      %lt3A_1423 = arith.cmpi slt, %add3A_1421, %lt3A_1422 : i32
      %convert_element_type3A_1424 = arith.extui %lt3A_1423 : i1 to i32
      %cond3A_1425 = arith.constant 0 : i32
      %cond3A_1426 = arith.cmpi ne, %convert_element_type3A_1424, %cond3A_1425 : i32
      scf.if %cond3A_1426 {
        %iota3A_1973 = tpu.iota {dimensions = array<i32: 0>} : vector<16xi32>
        %eq3A_1974 = arith.constant 8 : i32
        %eq3A_1975 = vector.broadcast %eq3A_1974 : i32 to vector<16xi32>
        %eq3A_1976 = arith.cmpi eq, %iota3A_1973, %eq3A_1975 : vector<16xi32>
        %jit3A_1977 = arith.constant 0 : i32
        %broadcast_in_dim3A_1978 = vector.broadcast %jit3A_1977 : i32 to vector<16xi32>
        %select_n3A_1979 = arith.select %eq3A_1976, %get3A_517, %broadcast_in_dim3A_1978 : vector<16xi1>, vector<16xi32>
        %reduce_sum3A_1980 = arith.constant true
        %reduce_sum3A_1981 = vector.broadcast %reduce_sum3A_1980 : i1 to vector<16xi1>
        %reduce_sum3A_1982 = tpu.scan <sum>, %select_n3A_1979 masked %reduce_sum3A_1981 : vector<16xi32>, vector<16xi1> -> vector<16xi32>
        %reduce_sum3A_1983 = vector.extract %reduce_sum3A_1982[15] : i32 from vector<16xi32>
        %iota3A_1984 = tpu.iota {dimensions = array<i32: 0>} : vector<16xi32>
        %eq3A_1985 = arith.constant 8 : i32
        %eq3A_1986 = vector.broadcast %eq3A_1985 : i32 to vector<16xi32>
        %eq3A_1987 = arith.cmpi eq, %iota3A_1984, %eq3A_1986 : vector<16xi32>
        %jit3A_1988 = arith.constant 0 : i32
        %broadcast_in_dim3A_1989 = vector.broadcast %jit3A_1988 : i32 to vector<16xi32>
        %select_n3A_1990 = arith.select %eq3A_1987, %get3A_521, %broadcast_in_dim3A_1989 : vector<16xi1>, vector<16xi32>
        %reduce_sum3A_1991 = arith.constant true
        %reduce_sum3A_1992 = vector.broadcast %reduce_sum3A_1991 : i1 to vector<16xi1>
        %reduce_sum3A_1993 = tpu.scan <sum>, %select_n3A_1990 masked %reduce_sum3A_1992 : vector<16xi32>, vector<16xi1> -> vector<16xi32>
        %reduce_sum3A_1994 = vector.extract %reduce_sum3A_1993[15] : i32 from vector<16xi32>
        %shift_right_logical3A_1995 = arith.constant 7 : i32
        %shift_right_logical3A_1996 = arith.shrui %reduce_sum3A_1983, %shift_right_logical3A_1995 : i32
        %min3A_1997 = arith.constant 7811 : i32
        %min3A_1998 = arith.minsi %shift_right_logical3A_1996, %min3A_1997 : i32
        %mul3A_1999 = arith.constant 128 : i32
        %mul3A_2000 = arith.muli %min3A_1998, %mul3A_1999 : i32
        %shift_right_logical3A_2001 = arith.constant 7 : i32
        %shift_right_logical3A_2002 = arith.shrui %reduce_sum3A_1994, %shift_right_logical3A_2001 : i32
        %min3A_2003 = arith.constant 7811 : i32
        %min3A_2004 = arith.minsi %shift_right_logical3A_2002, %min3A_2003 : i32
        %mul3A_2005 = arith.constant 128 : i32
        %mul3A_2006 = arith.muli %min3A_2004, %mul3A_2005 : i32
        %dma_start3A_2007 = arith.constant 0 : i32
        %dma_start3A_2008 = arith.constant 0 : i32
        %dma_start3A_2009 = arith.constant 0 : i32
        %dma_start3A_2010 = tpu.memref_slice %arg16[%dma_start3A_2007, %dma_start3A_2008, %dma_start3A_2009] : memref<4x16x128xf32, #tpu.memory_space<vmem>> -> memref<1x16x128xf32, #tpu.memory_space<vmem>>
        %dma_start3A_2011 = tpu.memref_squeeze %dma_start3A_2010 : memref<1x16x128xf32, #tpu.memory_space<vmem>> -> memref<16x128xf32, #tpu.memory_space<vmem>>
        %dma_start3A_2012 = arith.constant 0 : i32
        %dma_start3A_2013 = tpu.memref_slice %arg6[%dma_start3A_2012, %mul3A_2000] : memref<16x1000000xf32, #tpu.memory_space<hbm>> -> memref<16x128xf32, #tpu.memory_space<hbm>>
        %dma_start3A_2014 = arith.constant 0 : i32
        %dma_start3A_2015 = arith.constant 0 : i32
        %dma_start3A_2016 = tpu.memref_slice %arg16[%dma_start3A_2007, %dma_start3A_2014, %dma_start3A_2015] : memref<4x16x128xf32, #tpu.memory_space<vmem>> -> memref<1x16x128xf32, #tpu.memory_space<vmem>>
        %dma_start3A_2017 = tpu.memref_squeeze %dma_start3A_2016 : memref<1x16x128xf32, #tpu.memory_space<vmem>> -> memref<16x128xf32, #tpu.memory_space<vmem>>
        %dma_start3A_2018 = arith.constant 0 : i32
        %dma_start3A_2019 = tpu.memref_slice %arg6[%dma_start3A_2018, %mul3A_2000] : memref<16x1000000xf32, #tpu.memory_space<hbm>> -> memref<16x128xf32, #tpu.memory_space<hbm>>
        tpu.enqueue_dma source(%dma_start3A_2019 : memref<16x128xf32, #tpu.memory_space<hbm>>) target(%dma_start3A_2017 : memref<16x128xf32, #tpu.memory_space<vmem>>) target_semaphore(%arg26 : memref<!tpu.dma_semaphore, #tpu.memory_space<semaphore_mem>>)
        %dma_start3A_2020 = arith.constant 0 : i32
        %dma_start3A_2021 = arith.constant 0 : i32
        %dma_start3A_2022 = arith.constant 0 : i32
        %dma_start3A_2023 = tpu.memref_slice %arg17[%dma_start3A_2020, %dma_start3A_2021, %dma_start3A_2022] : memref<4x16x128xf32, #tpu.memory_space<vmem>> -> memref<1x16x128xf32, #tpu.memory_space<vmem>>
        %dma_start3A_2024 = tpu.memref_squeeze %dma_start3A_2023 : memref<1x16x128xf32, #tpu.memory_space<vmem>> -> memref<16x128xf32, #tpu.memory_space<vmem>>
        %dma_start3A_2025 = arith.constant 0 : i32
        %dma_start3A_2026 = tpu.memref_slice %arg7[%dma_start3A_2025, %mul3A_2006] : memref<16x1000000xf32, #tpu.memory_space<hbm>> -> memref<16x128xf32, #tpu.memory_space<hbm>>
        %dma_start3A_2027 = arith.constant 0 : i32
        %dma_start3A_2028 = arith.constant 0 : i32
        %dma_start3A_2029 = tpu.memref_slice %arg17[%dma_start3A_2020, %dma_start3A_2027, %dma_start3A_2028] : memref<4x16x128xf32, #tpu.memory_space<vmem>> -> memref<1x16x128xf32, #tpu.memory_space<vmem>>
        %dma_start3A_2030 = tpu.memref_squeeze %dma_start3A_2029 : memref<1x16x128xf32, #tpu.memory_space<vmem>> -> memref<16x128xf32, #tpu.memory_space<vmem>>
        %dma_start3A_2031 = arith.constant 0 : i32
        %dma_start3A_2032 = tpu.memref_slice %arg7[%dma_start3A_2031, %mul3A_2006] : memref<16x1000000xf32, #tpu.memory_space<hbm>> -> memref<16x128xf32, #tpu.memory_space<hbm>>
        tpu.enqueue_dma source(%dma_start3A_2032 : memref<16x128xf32, #tpu.memory_space<hbm>>) target(%dma_start3A_2030 : memref<16x128xf32, #tpu.memory_space<vmem>>) target_semaphore(%arg26 : memref<!tpu.dma_semaphore, #tpu.memory_space<semaphore_mem>>)
      } else {
      }
      %mul3A_1427 = arith.constant 8 : i32
      %mul3A_1428 = arith.muli %mul3A_1427, %scan3A_513 : i32
      %add3A_1429 = arith.constant 5 : i32
      %add3A_1430 = arith.addi %mul3A_1428, %add3A_1429 : i32
      %dma_wait3A_1431 = arith.constant 1 : i32
      %dma_wait3A_1432 = arith.constant 0 : i32
      %dma_wait3A_1433 = arith.constant 0 : i32
      %dma_wait3A_1434 = tpu.memref_slice %arg14[%dma_wait3A_1431, %dma_wait3A_1432, %dma_wait3A_1433] : memref<4x32x128xf32, #tpu.memory_space<vmem>> -> memref<1x32x128xf32, #tpu.memory_space<vmem>>
      %dma_wait3A_1435 = tpu.memref_squeeze %dma_wait3A_1434 : memref<1x32x128xf32, #tpu.memory_space<vmem>> -> memref<32x128xf32, #tpu.memory_space<vmem>>
      %dma_wait3A_1436 = arith.constant 0 : i32
      %dma_wait3A_1437 = arith.constant 0 : i32
      %dma_wait3A_1438 = tpu.memref_slice %arg4[%dma_wait3A_1436, %dma_wait3A_1437] : memref<32x1000000xf32, #tpu.memory_space<hbm>> -> memref<32x128xf32, #tpu.memory_space<hbm>>
      %dma_wait3A_1439 = arith.constant 0 : i32
      %dma_wait3A_1440 = arith.constant 0 : i32
      %dma_wait3A_1441 = tpu.memref_slice %arg14[%dma_wait3A_1431, %dma_wait3A_1439, %dma_wait3A_1440] : memref<4x32x128xf32, #tpu.memory_space<vmem>> -> memref<1x32x128xf32, #tpu.memory_space<vmem>>
      %dma_wait3A_1442 = tpu.memref_squeeze %dma_wait3A_1441 : memref<1x32x128xf32, #tpu.memory_space<vmem>> -> memref<32x128xf32, #tpu.memory_space<vmem>>
      %dma_wait3A_1443 = arith.constant 0 : i32
      %dma_wait3A_1444 = arith.constant 0 : i32
      %dma_wait3A_1445 = tpu.memref_slice %arg4[%dma_wait3A_1443, %dma_wait3A_1444] : memref<32x1000000xf32, #tpu.memory_space<hbm>> -> memref<32x128xf32, #tpu.memory_space<hbm>>
      tpu.wait_dma2 semaphore(%arg23 : memref<!tpu.dma_semaphore, #tpu.memory_space<semaphore_mem>>) src(%dma_wait3A_1445 : memref<32x128xf32, #tpu.memory_space<hbm>>) dst(%dma_wait3A_1442 : memref<32x128xf32, #tpu.memory_space<vmem>>)
      %dma_wait3A_1446 = arith.constant 1 : i32
      %dma_wait3A_1447 = arith.constant 0 : i32
      %dma_wait3A_1448 = arith.constant 0 : i32
      %dma_wait3A_1449 = tpu.memref_slice %arg15[%dma_wait3A_1446, %dma_wait3A_1447, %dma_wait3A_1448] : memref<4x32x128xf32, #tpu.memory_space<vmem>> -> memref<1x32x128xf32, #tpu.memory_space<vmem>>
      %dma_wait3A_1450 = tpu.memref_squeeze %dma_wait3A_1449 : memref<1x32x128xf32, #tpu.memory_space<vmem>> -> memref<32x128xf32, #tpu.memory_space<vmem>>
      %dma_wait3A_1451 = arith.constant 0 : i32
      %dma_wait3A_1452 = arith.constant 0 : i32
      %dma_wait3A_1453 = tpu.memref_slice %arg5[%dma_wait3A_1451, %dma_wait3A_1452] : memref<32x1000000xf32, #tpu.memory_space<hbm>> -> memref<32x128xf32, #tpu.memory_space<hbm>>
      %dma_wait3A_1454 = arith.constant 0 : i32
      %dma_wait3A_1455 = arith.constant 0 : i32
      %dma_wait3A_1456 = tpu.memref_slice %arg15[%dma_wait3A_1446, %dma_wait3A_1454, %dma_wait3A_1455] : memref<4x32x128xf32, #tpu.memory_space<vmem>> -> memref<1x32x128xf32, #tpu.memory_space<vmem>>
      %dma_wait3A_1457 = tpu.memref_squeeze %dma_wait3A_1456 : memref<1x32x128xf32, #tpu.memory_space<vmem>> -> memref<32x128xf32, #tpu.memory_space<vmem>>
      %dma_wait3A_1458 = arith.constant 0 : i32
      %dma_wait3A_1459 = arith.constant 0 : i32
      %dma_wait3A_1460 = tpu.memref_slice %arg5[%dma_wait3A_1458, %dma_wait3A_1459] : memref<32x1000000xf32, #tpu.memory_space<hbm>> -> memref<32x128xf32, #tpu.memory_space<hbm>>
      tpu.wait_dma2 semaphore(%arg23 : memref<!tpu.dma_semaphore, #tpu.memory_space<semaphore_mem>>) src(%dma_wait3A_1460 : memref<32x128xf32, #tpu.memory_space<hbm>>) dst(%dma_wait3A_1457 : memref<32x128xf32, #tpu.memory_space<vmem>>)
      %dma_wait3A_1461 = arith.constant 1 : i32
      %dma_wait3A_1462 = arith.constant 0 : i32
      %dma_wait3A_1463 = arith.constant 0 : i32
      %dma_wait3A_1464 = tpu.memref_slice %arg16[%dma_wait3A_1461, %dma_wait3A_1462, %dma_wait3A_1463] : memref<4x16x128xf32, #tpu.memory_space<vmem>> -> memref<1x16x128xf32, #tpu.memory_space<vmem>>
      %dma_wait3A_1465 = tpu.memref_squeeze %dma_wait3A_1464 : memref<1x16x128xf32, #tpu.memory_space<vmem>> -> memref<16x128xf32, #tpu.memory_space<vmem>>
      %dma_wait3A_1466 = arith.constant 0 : i32
      %dma_wait3A_1467 = arith.constant 0 : i32
      %dma_wait3A_1468 = tpu.memref_slice %arg6[%dma_wait3A_1466, %dma_wait3A_1467] : memref<16x1000000xf32, #tpu.memory_space<hbm>> -> memref<16x128xf32, #tpu.memory_space<hbm>>
      %dma_wait3A_1469 = arith.constant 0 : i32
      %dma_wait3A_1470 = arith.constant 0 : i32
      %dma_wait3A_1471 = tpu.memref_slice %arg16[%dma_wait3A_1461, %dma_wait3A_1469, %dma_wait3A_1470] : memref<4x16x128xf32, #tpu.memory_space<vmem>> -> memref<1x16x128xf32, #tpu.memory_space<vmem>>
      %dma_wait3A_1472 = tpu.memref_squeeze %dma_wait3A_1471 : memref<1x16x128xf32, #tpu.memory_space<vmem>> -> memref<16x128xf32, #tpu.memory_space<vmem>>
      %dma_wait3A_1473 = arith.constant 0 : i32
      %dma_wait3A_1474 = arith.constant 0 : i32
      %dma_wait3A_1475 = tpu.memref_slice %arg6[%dma_wait3A_1473, %dma_wait3A_1474] : memref<16x1000000xf32, #tpu.memory_space<hbm>> -> memref<16x128xf32, #tpu.memory_space<hbm>>
      tpu.wait_dma2 semaphore(%arg27 : memref<!tpu.dma_semaphore, #tpu.memory_space<semaphore_mem>>) src(%dma_wait3A_1475 : memref<16x128xf32, #tpu.memory_space<hbm>>) dst(%dma_wait3A_1472 : memref<16x128xf32, #tpu.memory_space<vmem>>)
      %dma_wait3A_1476 = arith.constant 1 : i32
      %dma_wait3A_1477 = arith.constant 0 : i32
      %dma_wait3A_1478 = arith.constant 0 : i32
      %dma_wait3A_1479 = tpu.memref_slice %arg17[%dma_wait3A_1476, %dma_wait3A_1477, %dma_wait3A_1478] : memref<4x16x128xf32, #tpu.memory_space<vmem>> -> memref<1x16x128xf32, #tpu.memory_space<vmem>>
      %dma_wait3A_1480 = tpu.memref_squeeze %dma_wait3A_1479 : memref<1x16x128xf32, #tpu.memory_space<vmem>> -> memref<16x128xf32, #tpu.memory_space<vmem>>
      %dma_wait3A_1481 = arith.constant 0 : i32
      %dma_wait3A_1482 = arith.constant 0 : i32
      %dma_wait3A_1483 = tpu.memref_slice %arg7[%dma_wait3A_1481, %dma_wait3A_1482] : memref<16x1000000xf32, #tpu.memory_space<hbm>> -> memref<16x128xf32, #tpu.memory_space<hbm>>
      %dma_wait3A_1484 = arith.constant 0 : i32
      %dma_wait3A_1485 = arith.constant 0 : i32
      %dma_wait3A_1486 = tpu.memref_slice %arg17[%dma_wait3A_1476, %dma_wait3A_1484, %dma_wait3A_1485] : memref<4x16x128xf32, #tpu.memory_space<vmem>> -> memref<1x16x128xf32, #tpu.memory_space<vmem>>
      %dma_wait3A_1487 = tpu.memref_squeeze %dma_wait3A_1486 : memref<1x16x128xf32, #tpu.memory_space<vmem>> -> memref<16x128xf32, #tpu.memory_space<vmem>>
      %dma_wait3A_1488 = arith.constant 0 : i32
      %dma_wait3A_1489 = arith.constant 0 : i32
      %dma_wait3A_1490 = tpu.memref_slice %arg7[%dma_wait3A_1488, %dma_wait3A_1489] : memref<16x1000000xf32, #tpu.memory_space<hbm>> -> memref<16x128xf32, #tpu.memory_space<hbm>>
      tpu.wait_dma2 semaphore(%arg27 : memref<!tpu.dma_semaphore, #tpu.memory_space<semaphore_mem>>) src(%dma_wait3A_1490 : memref<16x128xf32, #tpu.memory_space<hbm>>) dst(%dma_wait3A_1487 : memref<16x128xf32, #tpu.memory_space<vmem>>)
      %iota3A_1491 = tpu.iota {dimensions = array<i32: 0>} : vector<16xi32>
      %eq3A_1492 = arith.constant 5 : i32
      %eq3A_1493 = vector.broadcast %eq3A_1492 : i32 to vector<16xi32>
      %eq3A_1494 = arith.cmpi eq, %iota3A_1491, %eq3A_1493 : vector<16xi32>
      %jit3A_1495 = arith.constant 0 : i32
      %broadcast_in_dim3A_1496 = vector.broadcast %jit3A_1495 : i32 to vector<16xi32>
      %select_n3A_1497 = arith.select %eq3A_1494, %get3A_517, %broadcast_in_dim3A_1496 : vector<16xi1>, vector<16xi32>
      %reduce_sum3A_1498 = arith.constant true
      %reduce_sum3A_1499 = vector.broadcast %reduce_sum3A_1498 : i1 to vector<16xi1>
      %reduce_sum3A_1500 = tpu.scan <sum>, %select_n3A_1497 masked %reduce_sum3A_1499 : vector<16xi32>, vector<16xi1> -> vector<16xi32>
      %reduce_sum3A_1501 = vector.extract %reduce_sum3A_1500[15] : i32 from vector<16xi32>
      %iota3A_1502 = tpu.iota {dimensions = array<i32: 0>} : vector<16xi32>
      %eq3A_1503 = arith.constant 5 : i32
      %eq3A_1504 = vector.broadcast %eq3A_1503 : i32 to vector<16xi32>
      %eq3A_1505 = arith.cmpi eq, %iota3A_1502, %eq3A_1504 : vector<16xi32>
      %jit3A_1506 = arith.constant 0 : i32
      %broadcast_in_dim3A_1507 = vector.broadcast %jit3A_1506 : i32 to vector<16xi32>
      %select_n3A_1508 = arith.select %eq3A_1505, %get3A_521, %broadcast_in_dim3A_1507 : vector<16xi1>, vector<16xi32>
      %reduce_sum3A_1509 = arith.constant true
      %reduce_sum3A_1510 = vector.broadcast %reduce_sum3A_1509 : i1 to vector<16xi1>
      %reduce_sum3A_1511 = tpu.scan <sum>, %select_n3A_1508 masked %reduce_sum3A_1510 : vector<16xi32>, vector<16xi1> -> vector<16xi32>
      %reduce_sum3A_1512 = vector.extract %reduce_sum3A_1511[15] : i32 from vector<16xi32>
      %shift_right_logical3A_1513 = arith.constant 7 : i32
      %shift_right_logical3A_1514 = arith.shrui %reduce_sum3A_1501, %shift_right_logical3A_1513 : i32
      %min3A_1515 = arith.constant 7811 : i32
      %min3A_1516 = arith.minsi %shift_right_logical3A_1514, %min3A_1515 : i32
      %mul3A_1517 = arith.constant 128 : i32
      %mul3A_1518 = arith.muli %min3A_1516, %mul3A_1517 : i32
      %sub3A_1519 = arith.subi %reduce_sum3A_1501, %mul3A_1518 : i32
      %min3A_1520 = arith.constant 127 : i32
      %min3A_1521 = arith.minsi %sub3A_1519, %min3A_1520 : i32
      %shift_right_logical3A_1522 = arith.constant 7 : i32
      %shift_right_logical3A_1523 = arith.shrui %reduce_sum3A_1512, %shift_right_logical3A_1522 : i32
      %min3A_1524 = arith.constant 7811 : i32
      %min3A_1525 = arith.minsi %shift_right_logical3A_1523, %min3A_1524 : i32
      %mul3A_1526 = arith.constant 128 : i32
      %mul3A_1527 = arith.muli %min3A_1525, %mul3A_1526 : i32
      %sub3A_1528 = arith.subi %reduce_sum3A_1512, %mul3A_1527 : i32
      %min3A_1529 = arith.constant 127 : i32
      %min3A_1530 = arith.minsi %sub3A_1528, %min3A_1529 : i32
      %iota3A_1531 = tpu.iota {dimensions = array<i32: 0>} : vector<16xi32>
      %broadcast_in_dim3A_1532 = vector.broadcast %add3A_1430 : i32 to vector<16xi32>
      %broadcast_in_dim3A_1533 = vector.broadcast %min3A_1521 : i32 to vector<16xi32>
      %broadcast_in_dim3A_1534 = vector.broadcast %min3A_1530 : i32 to vector<16xi32>
      %add3A_1535 = arith.constant 0 : i32
      %add3A_1536 = vector.broadcast %add3A_1535 : i32 to vector<16xi32>
      %add3A_1537 = arith.addi %iota3A_1531, %add3A_1536 : vector<16xi32>
      %gather3A_1538 = arith.constant 1 : i32
      %gather3A_1539 = arith.constant 0 : i32
      %gather3A_1540 = arith.constant 0 : i32
      %gather3A_1541 = tpu.memref_slice %arg14[%gather3A_1538, %gather3A_1539, %gather3A_1540] : memref<4x32x128xf32, #tpu.memory_space<vmem>> -> memref<1x32x128xf32, #tpu.memory_space<vmem>>
      %gather3A_1542 = tpu.memref_squeeze %gather3A_1541 : memref<1x32x128xf32, #tpu.memory_space<vmem>> -> memref<32x128xf32, #tpu.memory_space<vmem>>
      %gather3A_1543 = tpu.vector_load_idx %gather3A_1542[%add3A_1537, %broadcast_in_dim3A_1533] : memref<32x128xf32, #tpu.memory_space<vmem>>[vector<16xi32>, vector<16xi32>], vector<16xf32>,
      %add3A_1544 = arith.constant 0 : i32
      %add3A_1545 = vector.broadcast %add3A_1544 : i32 to vector<16xi32>
      %add3A_1546 = arith.addi %iota3A_1531, %add3A_1545 : vector<16xi32>
      tpu.vector_store_idx %arg18[%add3A_1546, %broadcast_in_dim3A_1532], %gather3A_1543 : memref<32x512xf32, #tpu.memory_space<vmem>>[vector<16xi32>, vector<16xi32>], vector<16xf32>,
      %add3A_1547 = arith.constant 0 : i32
      %add3A_1548 = vector.broadcast %add3A_1547 : i32 to vector<16xi32>
      %add3A_1549 = arith.addi %iota3A_1531, %add3A_1548 : vector<16xi32>
      %gather3A_1550 = arith.constant 1 : i32
      %gather3A_1551 = arith.constant 0 : i32
      %gather3A_1552 = arith.constant 0 : i32
      %gather3A_1553 = tpu.memref_slice %arg15[%gather3A_1550, %gather3A_1551, %gather3A_1552] : memref<4x32x128xf32, #tpu.memory_space<vmem>> -> memref<1x32x128xf32, #tpu.memory_space<vmem>>
      %gather3A_1554 = tpu.memref_squeeze %gather3A_1553 : memref<1x32x128xf32, #tpu.memory_space<vmem>> -> memref<32x128xf32, #tpu.memory_space<vmem>>
      %gather3A_1555 = tpu.vector_load_idx %gather3A_1554[%add3A_1549, %broadcast_in_dim3A_1534] : memref<32x128xf32, #tpu.memory_space<vmem>>[vector<16xi32>, vector<16xi32>], vector<16xf32>,
      %add3A_1556 = arith.constant 0 : i32
      %add3A_1557 = vector.broadcast %add3A_1556 : i32 to vector<16xi32>
      %add3A_1558 = arith.addi %iota3A_1531, %add3A_1557 : vector<16xi32>
      tpu.vector_store_idx %arg19[%add3A_1558, %broadcast_in_dim3A_1532], %gather3A_1555 : memref<32x512xf32, #tpu.memory_space<vmem>>[vector<16xi32>, vector<16xi32>], vector<16xf32>,
      %add3A_1559 = arith.constant 16 : i32
      %add3A_1560 = vector.broadcast %add3A_1559 : i32 to vector<16xi32>
      %add3A_1561 = arith.addi %iota3A_1531, %add3A_1560 : vector<16xi32>
      %gather3A_1562 = arith.constant 1 : i32
      %gather3A_1563 = arith.constant 0 : i32
      %gather3A_1564 = arith.constant 0 : i32
      %gather3A_1565 = tpu.memref_slice %arg14[%gather3A_1562, %gather3A_1563, %gather3A_1564] : memref<4x32x128xf32, #tpu.memory_space<vmem>> -> memref<1x32x128xf32, #tpu.memory_space<vmem>>
      %gather3A_1566 = tpu.memref_squeeze %gather3A_1565 : memref<1x32x128xf32, #tpu.memory_space<vmem>> -> memref<32x128xf32, #tpu.memory_space<vmem>>
      %gather3A_1567 = tpu.vector_load_idx %gather3A_1566[%add3A_1561, %broadcast_in_dim3A_1533] : memref<32x128xf32, #tpu.memory_space<vmem>>[vector<16xi32>, vector<16xi32>], vector<16xf32>,
      %add3A_1568 = arith.constant 16 : i32
      %add3A_1569 = vector.broadcast %add3A_1568 : i32 to vector<16xi32>
      %add3A_1570 = arith.addi %iota3A_1531, %add3A_1569 : vector<16xi32>
      tpu.vector_store_idx %arg18[%add3A_1570, %broadcast_in_dim3A_1532], %gather3A_1567 : memref<32x512xf32, #tpu.memory_space<vmem>>[vector<16xi32>, vector<16xi32>], vector<16xf32>,
      %add3A_1571 = arith.constant 16 : i32
      %add3A_1572 = vector.broadcast %add3A_1571 : i32 to vector<16xi32>
      %add3A_1573 = arith.addi %iota3A_1531, %add3A_1572 : vector<16xi32>
      %gather3A_1574 = arith.constant 1 : i32
      %gather3A_1575 = arith.constant 0 : i32
      %gather3A_1576 = arith.constant 0 : i32
      %gather3A_1577 = tpu.memref_slice %arg15[%gather3A_1574, %gather3A_1575, %gather3A_1576] : memref<4x32x128xf32, #tpu.memory_space<vmem>> -> memref<1x32x128xf32, #tpu.memory_space<vmem>>
      %gather3A_1578 = tpu.memref_squeeze %gather3A_1577 : memref<1x32x128xf32, #tpu.memory_space<vmem>> -> memref<32x128xf32, #tpu.memory_space<vmem>>
      %gather3A_1579 = tpu.vector_load_idx %gather3A_1578[%add3A_1573, %broadcast_in_dim3A_1534] : memref<32x128xf32, #tpu.memory_space<vmem>>[vector<16xi32>, vector<16xi32>], vector<16xf32>,
      %add3A_1580 = arith.constant 16 : i32
      %add3A_1581 = vector.broadcast %add3A_1580 : i32 to vector<16xi32>
      %add3A_1582 = arith.addi %iota3A_1531, %add3A_1581 : vector<16xi32>
      tpu.vector_store_idx %arg19[%add3A_1582, %broadcast_in_dim3A_1532], %gather3A_1579 : memref<32x512xf32, #tpu.memory_space<vmem>>[vector<16xi32>, vector<16xi32>], vector<16xf32>,
      %gather3A_1583 = arith.constant 1 : i32
      %gather3A_1584 = arith.constant 0 : i32
      %gather3A_1585 = arith.constant 0 : i32
      %gather3A_1586 = tpu.memref_slice %arg16[%gather3A_1583, %gather3A_1584, %gather3A_1585] : memref<4x16x128xf32, #tpu.memory_space<vmem>> -> memref<1x16x128xf32, #tpu.memory_space<vmem>>
      %gather3A_1587 = tpu.memref_squeeze %gather3A_1586 : memref<1x16x128xf32, #tpu.memory_space<vmem>> -> memref<16x128xf32, #tpu.memory_space<vmem>>
      %gather3A_1588 = tpu.vector_load_idx %gather3A_1587[%iota3A_1531, %broadcast_in_dim3A_1533] : memref<16x128xf32, #tpu.memory_space<vmem>>[vector<16xi32>, vector<16xi32>], vector<16xf32>,
      tpu.vector_store_idx %arg20[%iota3A_1531, %broadcast_in_dim3A_1532], %gather3A_1588 : memref<16x512xf32, #tpu.memory_space<vmem>>[vector<16xi32>, vector<16xi32>], vector<16xf32>,
      %gather3A_1589 = arith.constant 1 : i32
      %gather3A_1590 = arith.constant 0 : i32
      %gather3A_1591 = arith.constant 0 : i32
      %gather3A_1592 = tpu.memref_slice %arg17[%gather3A_1589, %gather3A_1590, %gather3A_1591] : memref<4x16x128xf32, #tpu.memory_space<vmem>> -> memref<1x16x128xf32, #tpu.memory_space<vmem>>
      %gather3A_1593 = tpu.memref_squeeze %gather3A_1592 : memref<1x16x128xf32, #tpu.memory_space<vmem>> -> memref<16x128xf32, #tpu.memory_space<vmem>>
      %gather3A_1594 = tpu.vector_load_idx %gather3A_1593[%iota3A_1531, %broadcast_in_dim3A_1534] : memref<16x128xf32, #tpu.memory_space<vmem>>[vector<16xi32>, vector<16xi32>], vector<16xf32>,
      tpu.vector_store_idx %arg21[%iota3A_1531, %broadcast_in_dim3A_1532], %gather3A_1594 : memref<16x512xf32, #tpu.memory_space<vmem>>[vector<16xi32>, vector<16xi32>], vector<16xf32>,
      %add3A_1595 = arith.constant 4 : i32
      %add3A_1596 = arith.addi %add3A_1430, %add3A_1595 : i32
      %lt3A_1597 = arith.constant 512 : i32
      %lt3A_1598 = arith.cmpi slt, %add3A_1596, %lt3A_1597 : i32
      %convert_element_type3A_1599 = arith.extui %lt3A_1598 : i1 to i32
      %cond3A_1600 = arith.constant 0 : i32
      %cond3A_1601 = arith.cmpi ne, %convert_element_type3A_1599, %cond3A_1600 : i32
      scf.if %cond3A_1601 {
        %iota3A_1973 = tpu.iota {dimensions = array<i32: 0>} : vector<16xi32>
        %eq3A_1974 = arith.constant 9 : i32
        %eq3A_1975 = vector.broadcast %eq3A_1974 : i32 to vector<16xi32>
        %eq3A_1976 = arith.cmpi eq, %iota3A_1973, %eq3A_1975 : vector<16xi32>
        %jit3A_1977 = arith.constant 0 : i32
        %broadcast_in_dim3A_1978 = vector.broadcast %jit3A_1977 : i32 to vector<16xi32>
        %select_n3A_1979 = arith.select %eq3A_1976, %get3A_517, %broadcast_in_dim3A_1978 : vector<16xi1>, vector<16xi32>
        %reduce_sum3A_1980 = arith.constant true
        %reduce_sum3A_1981 = vector.broadcast %reduce_sum3A_1980 : i1 to vector<16xi1>
        %reduce_sum3A_1982 = tpu.scan <sum>, %select_n3A_1979 masked %reduce_sum3A_1981 : vector<16xi32>, vector<16xi1> -> vector<16xi32>
        %reduce_sum3A_1983 = vector.extract %reduce_sum3A_1982[15] : i32 from vector<16xi32>
        %iota3A_1984 = tpu.iota {dimensions = array<i32: 0>} : vector<16xi32>
        %eq3A_1985 = arith.constant 9 : i32
        %eq3A_1986 = vector.broadcast %eq3A_1985 : i32 to vector<16xi32>
        %eq3A_1987 = arith.cmpi eq, %iota3A_1984, %eq3A_1986 : vector<16xi32>
        %jit3A_1988 = arith.constant 0 : i32
        %broadcast_in_dim3A_1989 = vector.broadcast %jit3A_1988 : i32 to vector<16xi32>
        %select_n3A_1990 = arith.select %eq3A_1987, %get3A_521, %broadcast_in_dim3A_1989 : vector<16xi1>, vector<16xi32>
        %reduce_sum3A_1991 = arith.constant true
        %reduce_sum3A_1992 = vector.broadcast %reduce_sum3A_1991 : i1 to vector<16xi1>
        %reduce_sum3A_1993 = tpu.scan <sum>, %select_n3A_1990 masked %reduce_sum3A_1992 : vector<16xi32>, vector<16xi1> -> vector<16xi32>
        %reduce_sum3A_1994 = vector.extract %reduce_sum3A_1993[15] : i32 from vector<16xi32>
        %shift_right_logical3A_1995 = arith.constant 7 : i32
        %shift_right_logical3A_1996 = arith.shrui %reduce_sum3A_1983, %shift_right_logical3A_1995 : i32
        %min3A_1997 = arith.constant 7811 : i32
        %min3A_1998 = arith.minsi %shift_right_logical3A_1996, %min3A_1997 : i32
        %mul3A_1999 = arith.constant 128 : i32
        %mul3A_2000 = arith.muli %min3A_1998, %mul3A_1999 : i32
        %shift_right_logical3A_2001 = arith.constant 7 : i32
        %shift_right_logical3A_2002 = arith.shrui %reduce_sum3A_1994, %shift_right_logical3A_2001 : i32
        %min3A_2003 = arith.constant 7811 : i32
        %min3A_2004 = arith.minsi %shift_right_logical3A_2002, %min3A_2003 : i32
        %mul3A_2005 = arith.constant 128 : i32
        %mul3A_2006 = arith.muli %min3A_2004, %mul3A_2005 : i32
        %dma_start3A_2007 = arith.constant 1 : i32
        %dma_start3A_2008 = arith.constant 0 : i32
        %dma_start3A_2009 = arith.constant 0 : i32
        %dma_start3A_2010 = tpu.memref_slice %arg14[%dma_start3A_2007, %dma_start3A_2008, %dma_start3A_2009] : memref<4x32x128xf32, #tpu.memory_space<vmem>> -> memref<1x32x128xf32, #tpu.memory_space<vmem>>
        %dma_start3A_2011 = tpu.memref_squeeze %dma_start3A_2010 : memref<1x32x128xf32, #tpu.memory_space<vmem>> -> memref<32x128xf32, #tpu.memory_space<vmem>>
        %dma_start3A_2012 = arith.constant 0 : i32
        %dma_start3A_2013 = tpu.memref_slice %arg4[%dma_start3A_2012, %mul3A_2000] : memref<32x1000000xf32, #tpu.memory_space<hbm>> -> memref<32x128xf32, #tpu.memory_space<hbm>>
        %dma_start3A_2014 = arith.constant 0 : i32
        %dma_start3A_2015 = arith.constant 0 : i32
        %dma_start3A_2016 = tpu.memref_slice %arg14[%dma_start3A_2007, %dma_start3A_2014, %dma_start3A_2015] : memref<4x32x128xf32, #tpu.memory_space<vmem>> -> memref<1x32x128xf32, #tpu.memory_space<vmem>>
        %dma_start3A_2017 = tpu.memref_squeeze %dma_start3A_2016 : memref<1x32x128xf32, #tpu.memory_space<vmem>> -> memref<32x128xf32, #tpu.memory_space<vmem>>
        %dma_start3A_2018 = arith.constant 0 : i32
        %dma_start3A_2019 = tpu.memref_slice %arg4[%dma_start3A_2018, %mul3A_2000] : memref<32x1000000xf32, #tpu.memory_space<hbm>> -> memref<32x128xf32, #tpu.memory_space<hbm>>
        tpu.enqueue_dma source(%dma_start3A_2019 : memref<32x128xf32, #tpu.memory_space<hbm>>) target(%dma_start3A_2017 : memref<32x128xf32, #tpu.memory_space<vmem>>) target_semaphore(%arg23 : memref<!tpu.dma_semaphore, #tpu.memory_space<semaphore_mem>>)
        %dma_start3A_2020 = arith.constant 1 : i32
        %dma_start3A_2021 = arith.constant 0 : i32
        %dma_start3A_2022 = arith.constant 0 : i32
        %dma_start3A_2023 = tpu.memref_slice %arg15[%dma_start3A_2020, %dma_start3A_2021, %dma_start3A_2022] : memref<4x32x128xf32, #tpu.memory_space<vmem>> -> memref<1x32x128xf32, #tpu.memory_space<vmem>>
        %dma_start3A_2024 = tpu.memref_squeeze %dma_start3A_2023 : memref<1x32x128xf32, #tpu.memory_space<vmem>> -> memref<32x128xf32, #tpu.memory_space<vmem>>
        %dma_start3A_2025 = arith.constant 0 : i32
        %dma_start3A_2026 = tpu.memref_slice %arg5[%dma_start3A_2025, %mul3A_2006] : memref<32x1000000xf32, #tpu.memory_space<hbm>> -> memref<32x128xf32, #tpu.memory_space<hbm>>
        %dma_start3A_2027 = arith.constant 0 : i32
        %dma_start3A_2028 = arith.constant 0 : i32
        %dma_start3A_2029 = tpu.memref_slice %arg15[%dma_start3A_2020, %dma_start3A_2027, %dma_start3A_2028] : memref<4x32x128xf32, #tpu.memory_space<vmem>> -> memref<1x32x128xf32, #tpu.memory_space<vmem>>
        %dma_start3A_2030 = tpu.memref_squeeze %dma_start3A_2029 : memref<1x32x128xf32, #tpu.memory_space<vmem>> -> memref<32x128xf32, #tpu.memory_space<vmem>>
        %dma_start3A_2031 = arith.constant 0 : i32
        %dma_start3A_2032 = tpu.memref_slice %arg5[%dma_start3A_2031, %mul3A_2006] : memref<32x1000000xf32, #tpu.memory_space<hbm>> -> memref<32x128xf32, #tpu.memory_space<hbm>>
        tpu.enqueue_dma source(%dma_start3A_2032 : memref<32x128xf32, #tpu.memory_space<hbm>>) target(%dma_start3A_2030 : memref<32x128xf32, #tpu.memory_space<vmem>>) target_semaphore(%arg23 : memref<!tpu.dma_semaphore, #tpu.memory_space<semaphore_mem>>)
      } else {
      }
      %add3A_1602 = arith.constant 4 : i32
      %add3A_1603 = arith.addi %add3A_1430, %add3A_1602 : i32
      %lt3A_1604 = arith.constant 512 : i32
      %lt3A_1605 = arith.cmpi slt, %add3A_1603, %lt3A_1604 : i32
      %convert_element_type3A_1606 = arith.extui %lt3A_1605 : i1 to i32
      %cond3A_1607 = arith.constant 0 : i32
      %cond3A_1608 = arith.cmpi ne, %convert_element_type3A_1606, %cond3A_1607 : i32
      scf.if %cond3A_1608 {
        %iota3A_1973 = tpu.iota {dimensions = array<i32: 0>} : vector<16xi32>
        %eq3A_1974 = arith.constant 9 : i32
        %eq3A_1975 = vector.broadcast %eq3A_1974 : i32 to vector<16xi32>
        %eq3A_1976 = arith.cmpi eq, %iota3A_1973, %eq3A_1975 : vector<16xi32>
        %jit3A_1977 = arith.constant 0 : i32
        %broadcast_in_dim3A_1978 = vector.broadcast %jit3A_1977 : i32 to vector<16xi32>
        %select_n3A_1979 = arith.select %eq3A_1976, %get3A_517, %broadcast_in_dim3A_1978 : vector<16xi1>, vector<16xi32>
        %reduce_sum3A_1980 = arith.constant true
        %reduce_sum3A_1981 = vector.broadcast %reduce_sum3A_1980 : i1 to vector<16xi1>
        %reduce_sum3A_1982 = tpu.scan <sum>, %select_n3A_1979 masked %reduce_sum3A_1981 : vector<16xi32>, vector<16xi1> -> vector<16xi32>
        %reduce_sum3A_1983 = vector.extract %reduce_sum3A_1982[15] : i32 from vector<16xi32>
        %iota3A_1984 = tpu.iota {dimensions = array<i32: 0>} : vector<16xi32>
        %eq3A_1985 = arith.constant 9 : i32
        %eq3A_1986 = vector.broadcast %eq3A_1985 : i32 to vector<16xi32>
        %eq3A_1987 = arith.cmpi eq, %iota3A_1984, %eq3A_1986 : vector<16xi32>
        %jit3A_1988 = arith.constant 0 : i32
        %broadcast_in_dim3A_1989 = vector.broadcast %jit3A_1988 : i32 to vector<16xi32>
        %select_n3A_1990 = arith.select %eq3A_1987, %get3A_521, %broadcast_in_dim3A_1989 : vector<16xi1>, vector<16xi32>
        %reduce_sum3A_1991 = arith.constant true
        %reduce_sum3A_1992 = vector.broadcast %reduce_sum3A_1991 : i1 to vector<16xi1>
        %reduce_sum3A_1993 = tpu.scan <sum>, %select_n3A_1990 masked %reduce_sum3A_1992 : vector<16xi32>, vector<16xi1> -> vector<16xi32>
        %reduce_sum3A_1994 = vector.extract %reduce_sum3A_1993[15] : i32 from vector<16xi32>
        %shift_right_logical3A_1995 = arith.constant 7 : i32
        %shift_right_logical3A_1996 = arith.shrui %reduce_sum3A_1983, %shift_right_logical3A_1995 : i32
        %min3A_1997 = arith.constant 7811 : i32
        %min3A_1998 = arith.minsi %shift_right_logical3A_1996, %min3A_1997 : i32
        %mul3A_1999 = arith.constant 128 : i32
        %mul3A_2000 = arith.muli %min3A_1998, %mul3A_1999 : i32
        %shift_right_logical3A_2001 = arith.constant 7 : i32
        %shift_right_logical3A_2002 = arith.shrui %reduce_sum3A_1994, %shift_right_logical3A_2001 : i32
        %min3A_2003 = arith.constant 7811 : i32
        %min3A_2004 = arith.minsi %shift_right_logical3A_2002, %min3A_2003 : i32
        %mul3A_2005 = arith.constant 128 : i32
        %mul3A_2006 = arith.muli %min3A_2004, %mul3A_2005 : i32
        %dma_start3A_2007 = arith.constant 1 : i32
        %dma_start3A_2008 = arith.constant 0 : i32
        %dma_start3A_2009 = arith.constant 0 : i32
        %dma_start3A_2010 = tpu.memref_slice %arg16[%dma_start3A_2007, %dma_start3A_2008, %dma_start3A_2009] : memref<4x16x128xf32, #tpu.memory_space<vmem>> -> memref<1x16x128xf32, #tpu.memory_space<vmem>>
        %dma_start3A_2011 = tpu.memref_squeeze %dma_start3A_2010 : memref<1x16x128xf32, #tpu.memory_space<vmem>> -> memref<16x128xf32, #tpu.memory_space<vmem>>
        %dma_start3A_2012 = arith.constant 0 : i32
        %dma_start3A_2013 = tpu.memref_slice %arg6[%dma_start3A_2012, %mul3A_2000] : memref<16x1000000xf32, #tpu.memory_space<hbm>> -> memref<16x128xf32, #tpu.memory_space<hbm>>
        %dma_start3A_2014 = arith.constant 0 : i32
        %dma_start3A_2015 = arith.constant 0 : i32
        %dma_start3A_2016 = tpu.memref_slice %arg16[%dma_start3A_2007, %dma_start3A_2014, %dma_start3A_2015] : memref<4x16x128xf32, #tpu.memory_space<vmem>> -> memref<1x16x128xf32, #tpu.memory_space<vmem>>
        %dma_start3A_2017 = tpu.memref_squeeze %dma_start3A_2016 : memref<1x16x128xf32, #tpu.memory_space<vmem>> -> memref<16x128xf32, #tpu.memory_space<vmem>>
        %dma_start3A_2018 = arith.constant 0 : i32
        %dma_start3A_2019 = tpu.memref_slice %arg6[%dma_start3A_2018, %mul3A_2000] : memref<16x1000000xf32, #tpu.memory_space<hbm>> -> memref<16x128xf32, #tpu.memory_space<hbm>>
        tpu.enqueue_dma source(%dma_start3A_2019 : memref<16x128xf32, #tpu.memory_space<hbm>>) target(%dma_start3A_2017 : memref<16x128xf32, #tpu.memory_space<vmem>>) target_semaphore(%arg27 : memref<!tpu.dma_semaphore, #tpu.memory_space<semaphore_mem>>)
        %dma_start3A_2020 = arith.constant 1 : i32
        %dma_start3A_2021 = arith.constant 0 : i32
        %dma_start3A_2022 = arith.constant 0 : i32
        %dma_start3A_2023 = tpu.memref_slice %arg17[%dma_start3A_2020, %dma_start3A_2021, %dma_start3A_2022] : memref<4x16x128xf32, #tpu.memory_space<vmem>> -> memref<1x16x128xf32, #tpu.memory_space<vmem>>
        %dma_start3A_2024 = tpu.memref_squeeze %dma_start3A_2023 : memref<1x16x128xf32, #tpu.memory_space<vmem>> -> memref<16x128xf32, #tpu.memory_space<vmem>>
        %dma_start3A_2025 = arith.constant 0 : i32
        %dma_start3A_2026 = tpu.memref_slice %arg7[%dma_start3A_2025, %mul3A_2006] : memref<16x1000000xf32, #tpu.memory_space<hbm>> -> memref<16x128xf32, #tpu.memory_space<hbm>>
        %dma_start3A_2027 = arith.constant 0 : i32
        %dma_start3A_2028 = arith.constant 0 : i32
        %dma_start3A_2029 = tpu.memref_slice %arg17[%dma_start3A_2020, %dma_start3A_2027, %dma_start3A_2028] : memref<4x16x128xf32, #tpu.memory_space<vmem>> -> memref<1x16x128xf32, #tpu.memory_space<vmem>>
        %dma_start3A_2030 = tpu.memref_squeeze %dma_start3A_2029 : memref<1x16x128xf32, #tpu.memory_space<vmem>> -> memref<16x128xf32, #tpu.memory_space<vmem>>
        %dma_start3A_2031 = arith.constant 0 : i32
        %dma_start3A_2032 = tpu.memref_slice %arg7[%dma_start3A_2031, %mul3A_2006] : memref<16x1000000xf32, #tpu.memory_space<hbm>> -> memref<16x128xf32, #tpu.memory_space<hbm>>
        tpu.enqueue_dma source(%dma_start3A_2032 : memref<16x128xf32, #tpu.memory_space<hbm>>) target(%dma_start3A_2030 : memref<16x128xf32, #tpu.memory_space<vmem>>) target_semaphore(%arg27 : memref<!tpu.dma_semaphore, #tpu.memory_space<semaphore_mem>>)
      } else {
      }
      %mul3A_1609 = arith.constant 8 : i32
      %mul3A_1610 = arith.muli %mul3A_1609, %scan3A_513 : i32
      %add3A_1611 = arith.constant 6 : i32
      %add3A_1612 = arith.addi %mul3A_1610, %add3A_1611 : i32
      %dma_wait3A_1613 = arith.constant 2 : i32
      %dma_wait3A_1614 = arith.constant 0 : i32
      %dma_wait3A_1615 = arith.constant 0 : i32
      %dma_wait3A_1616 = tpu.memref_slice %arg14[%dma_wait3A_1613, %dma_wait3A_1614, %dma_wait3A_1615] : memref<4x32x128xf32, #tpu.memory_space<vmem>> -> memref<1x32x128xf32, #tpu.memory_space<vmem>>
      %dma_wait3A_1617 = tpu.memref_squeeze %dma_wait3A_1616 : memref<1x32x128xf32, #tpu.memory_space<vmem>> -> memref<32x128xf32, #tpu.memory_space<vmem>>
      %dma_wait3A_1618 = arith.constant 0 : i32
      %dma_wait3A_1619 = arith.constant 0 : i32
      %dma_wait3A_1620 = tpu.memref_slice %arg4[%dma_wait3A_1618, %dma_wait3A_1619] : memref<32x1000000xf32, #tpu.memory_space<hbm>> -> memref<32x128xf32, #tpu.memory_space<hbm>>
      %dma_wait3A_1621 = arith.constant 0 : i32
      %dma_wait3A_1622 = arith.constant 0 : i32
      %dma_wait3A_1623 = tpu.memref_slice %arg14[%dma_wait3A_1613, %dma_wait3A_1621, %dma_wait3A_1622] : memref<4x32x128xf32, #tpu.memory_space<vmem>> -> memref<1x32x128xf32, #tpu.memory_space<vmem>>
      %dma_wait3A_1624 = tpu.memref_squeeze %dma_wait3A_1623 : memref<1x32x128xf32, #tpu.memory_space<vmem>> -> memref<32x128xf32, #tpu.memory_space<vmem>>
      %dma_wait3A_1625 = arith.constant 0 : i32
      %dma_wait3A_1626 = arith.constant 0 : i32
      %dma_wait3A_1627 = tpu.memref_slice %arg4[%dma_wait3A_1625, %dma_wait3A_1626] : memref<32x1000000xf32, #tpu.memory_space<hbm>> -> memref<32x128xf32, #tpu.memory_space<hbm>>
      tpu.wait_dma2 semaphore(%arg24 : memref<!tpu.dma_semaphore, #tpu.memory_space<semaphore_mem>>) src(%dma_wait3A_1627 : memref<32x128xf32, #tpu.memory_space<hbm>>) dst(%dma_wait3A_1624 : memref<32x128xf32, #tpu.memory_space<vmem>>)
      %dma_wait3A_1628 = arith.constant 2 : i32
      %dma_wait3A_1629 = arith.constant 0 : i32
      %dma_wait3A_1630 = arith.constant 0 : i32
      %dma_wait3A_1631 = tpu.memref_slice %arg15[%dma_wait3A_1628, %dma_wait3A_1629, %dma_wait3A_1630] : memref<4x32x128xf32, #tpu.memory_space<vmem>> -> memref<1x32x128xf32, #tpu.memory_space<vmem>>
      %dma_wait3A_1632 = tpu.memref_squeeze %dma_wait3A_1631 : memref<1x32x128xf32, #tpu.memory_space<vmem>> -> memref<32x128xf32, #tpu.memory_space<vmem>>
      %dma_wait3A_1633 = arith.constant 0 : i32
      %dma_wait3A_1634 = arith.constant 0 : i32
      %dma_wait3A_1635 = tpu.memref_slice %arg5[%dma_wait3A_1633, %dma_wait3A_1634] : memref<32x1000000xf32, #tpu.memory_space<hbm>> -> memref<32x128xf32, #tpu.memory_space<hbm>>
      %dma_wait3A_1636 = arith.constant 0 : i32
      %dma_wait3A_1637 = arith.constant 0 : i32
      %dma_wait3A_1638 = tpu.memref_slice %arg15[%dma_wait3A_1628, %dma_wait3A_1636, %dma_wait3A_1637] : memref<4x32x128xf32, #tpu.memory_space<vmem>> -> memref<1x32x128xf32, #tpu.memory_space<vmem>>
      %dma_wait3A_1639 = tpu.memref_squeeze %dma_wait3A_1638 : memref<1x32x128xf32, #tpu.memory_space<vmem>> -> memref<32x128xf32, #tpu.memory_space<vmem>>
      %dma_wait3A_1640 = arith.constant 0 : i32
      %dma_wait3A_1641 = arith.constant 0 : i32
      %dma_wait3A_1642 = tpu.memref_slice %arg5[%dma_wait3A_1640, %dma_wait3A_1641] : memref<32x1000000xf32, #tpu.memory_space<hbm>> -> memref<32x128xf32, #tpu.memory_space<hbm>>
      tpu.wait_dma2 semaphore(%arg24 : memref<!tpu.dma_semaphore, #tpu.memory_space<semaphore_mem>>) src(%dma_wait3A_1642 : memref<32x128xf32, #tpu.memory_space<hbm>>) dst(%dma_wait3A_1639 : memref<32x128xf32, #tpu.memory_space<vmem>>)
      %dma_wait3A_1643 = arith.constant 2 : i32
      %dma_wait3A_1644 = arith.constant 0 : i32
      %dma_wait3A_1645 = arith.constant 0 : i32
      %dma_wait3A_1646 = tpu.memref_slice %arg16[%dma_wait3A_1643, %dma_wait3A_1644, %dma_wait3A_1645] : memref<4x16x128xf32, #tpu.memory_space<vmem>> -> memref<1x16x128xf32, #tpu.memory_space<vmem>>
      %dma_wait3A_1647 = tpu.memref_squeeze %dma_wait3A_1646 : memref<1x16x128xf32, #tpu.memory_space<vmem>> -> memref<16x128xf32, #tpu.memory_space<vmem>>
      %dma_wait3A_1648 = arith.constant 0 : i32
      %dma_wait3A_1649 = arith.constant 0 : i32
      %dma_wait3A_1650 = tpu.memref_slice %arg6[%dma_wait3A_1648, %dma_wait3A_1649] : memref<16x1000000xf32, #tpu.memory_space<hbm>> -> memref<16x128xf32, #tpu.memory_space<hbm>>
      %dma_wait3A_1651 = arith.constant 0 : i32
      %dma_wait3A_1652 = arith.constant 0 : i32
      %dma_wait3A_1653 = tpu.memref_slice %arg16[%dma_wait3A_1643, %dma_wait3A_1651, %dma_wait3A_1652] : memref<4x16x128xf32, #tpu.memory_space<vmem>> -> memref<1x16x128xf32, #tpu.memory_space<vmem>>
      %dma_wait3A_1654 = tpu.memref_squeeze %dma_wait3A_1653 : memref<1x16x128xf32, #tpu.memory_space<vmem>> -> memref<16x128xf32, #tpu.memory_space<vmem>>
      %dma_wait3A_1655 = arith.constant 0 : i32
      %dma_wait3A_1656 = arith.constant 0 : i32
      %dma_wait3A_1657 = tpu.memref_slice %arg6[%dma_wait3A_1655, %dma_wait3A_1656] : memref<16x1000000xf32, #tpu.memory_space<hbm>> -> memref<16x128xf32, #tpu.memory_space<hbm>>
      tpu.wait_dma2 semaphore(%arg28 : memref<!tpu.dma_semaphore, #tpu.memory_space<semaphore_mem>>) src(%dma_wait3A_1657 : memref<16x128xf32, #tpu.memory_space<hbm>>) dst(%dma_wait3A_1654 : memref<16x128xf32, #tpu.memory_space<vmem>>)
      %dma_wait3A_1658 = arith.constant 2 : i32
      %dma_wait3A_1659 = arith.constant 0 : i32
      %dma_wait3A_1660 = arith.constant 0 : i32
      %dma_wait3A_1661 = tpu.memref_slice %arg17[%dma_wait3A_1658, %dma_wait3A_1659, %dma_wait3A_1660] : memref<4x16x128xf32, #tpu.memory_space<vmem>> -> memref<1x16x128xf32, #tpu.memory_space<vmem>>
      %dma_wait3A_1662 = tpu.memref_squeeze %dma_wait3A_1661 : memref<1x16x128xf32, #tpu.memory_space<vmem>> -> memref<16x128xf32, #tpu.memory_space<vmem>>
      %dma_wait3A_1663 = arith.constant 0 : i32
      %dma_wait3A_1664 = arith.constant 0 : i32
      %dma_wait3A_1665 = tpu.memref_slice %arg7[%dma_wait3A_1663, %dma_wait3A_1664] : memref<16x1000000xf32, #tpu.memory_space<hbm>> -> memref<16x128xf32, #tpu.memory_space<hbm>>
      %dma_wait3A_1666 = arith.constant 0 : i32
      %dma_wait3A_1667 = arith.constant 0 : i32
      %dma_wait3A_1668 = tpu.memref_slice %arg17[%dma_wait3A_1658, %dma_wait3A_1666, %dma_wait3A_1667] : memref<4x16x128xf32, #tpu.memory_space<vmem>> -> memref<1x16x128xf32, #tpu.memory_space<vmem>>
      %dma_wait3A_1669 = tpu.memref_squeeze %dma_wait3A_1668 : memref<1x16x128xf32, #tpu.memory_space<vmem>> -> memref<16x128xf32, #tpu.memory_space<vmem>>
      %dma_wait3A_1670 = arith.constant 0 : i32
      %dma_wait3A_1671 = arith.constant 0 : i32
      %dma_wait3A_1672 = tpu.memref_slice %arg7[%dma_wait3A_1670, %dma_wait3A_1671] : memref<16x1000000xf32, #tpu.memory_space<hbm>> -> memref<16x128xf32, #tpu.memory_space<hbm>>
      tpu.wait_dma2 semaphore(%arg28 : memref<!tpu.dma_semaphore, #tpu.memory_space<semaphore_mem>>) src(%dma_wait3A_1672 : memref<16x128xf32, #tpu.memory_space<hbm>>) dst(%dma_wait3A_1669 : memref<16x128xf32, #tpu.memory_space<vmem>>)
      %iota3A_1673 = tpu.iota {dimensions = array<i32: 0>} : vector<16xi32>
      %eq3A_1674 = arith.constant 6 : i32
      %eq3A_1675 = vector.broadcast %eq3A_1674 : i32 to vector<16xi32>
      %eq3A_1676 = arith.cmpi eq, %iota3A_1673, %eq3A_1675 : vector<16xi32>
      %jit3A_1677 = arith.constant 0 : i32
      %broadcast_in_dim3A_1678 = vector.broadcast %jit3A_1677 : i32 to vector<16xi32>
      %select_n3A_1679 = arith.select %eq3A_1676, %get3A_517, %broadcast_in_dim3A_1678 : vector<16xi1>, vector<16xi32>
      %reduce_sum3A_1680 = arith.constant true
      %reduce_sum3A_1681 = vector.broadcast %reduce_sum3A_1680 : i1 to vector<16xi1>
      %reduce_sum3A_1682 = tpu.scan <sum>, %select_n3A_1679 masked %reduce_sum3A_1681 : vector<16xi32>, vector<16xi1> -> vector<16xi32>
      %reduce_sum3A_1683 = vector.extract %reduce_sum3A_1682[15] : i32 from vector<16xi32>
      %iota3A_1684 = tpu.iota {dimensions = array<i32: 0>} : vector<16xi32>
      %eq3A_1685 = arith.constant 6 : i32
      %eq3A_1686 = vector.broadcast %eq3A_1685 : i32 to vector<16xi32>
      %eq3A_1687 = arith.cmpi eq, %iota3A_1684, %eq3A_1686 : vector<16xi32>
      %jit3A_1688 = arith.constant 0 : i32
      %broadcast_in_dim3A_1689 = vector.broadcast %jit3A_1688 : i32 to vector<16xi32>
      %select_n3A_1690 = arith.select %eq3A_1687, %get3A_521, %broadcast_in_dim3A_1689 : vector<16xi1>, vector<16xi32>
      %reduce_sum3A_1691 = arith.constant true
      %reduce_sum3A_1692 = vector.broadcast %reduce_sum3A_1691 : i1 to vector<16xi1>
      %reduce_sum3A_1693 = tpu.scan <sum>, %select_n3A_1690 masked %reduce_sum3A_1692 : vector<16xi32>, vector<16xi1> -> vector<16xi32>
      %reduce_sum3A_1694 = vector.extract %reduce_sum3A_1693[15] : i32 from vector<16xi32>
      %shift_right_logical3A_1695 = arith.constant 7 : i32
      %shift_right_logical3A_1696 = arith.shrui %reduce_sum3A_1683, %shift_right_logical3A_1695 : i32
      %min3A_1697 = arith.constant 7811 : i32
      %min3A_1698 = arith.minsi %shift_right_logical3A_1696, %min3A_1697 : i32
      %mul3A_1699 = arith.constant 128 : i32
      %mul3A_1700 = arith.muli %min3A_1698, %mul3A_1699 : i32
      %sub3A_1701 = arith.subi %reduce_sum3A_1683, %mul3A_1700 : i32
      %min3A_1702 = arith.constant 127 : i32
      %min3A_1703 = arith.minsi %sub3A_1701, %min3A_1702 : i32
      %shift_right_logical3A_1704 = arith.constant 7 : i32
      %shift_right_logical3A_1705 = arith.shrui %reduce_sum3A_1694, %shift_right_logical3A_1704 : i32
      %min3A_1706 = arith.constant 7811 : i32
      %min3A_1707 = arith.minsi %shift_right_logical3A_1705, %min3A_1706 : i32
      %mul3A_1708 = arith.constant 128 : i32
      %mul3A_1709 = arith.muli %min3A_1707, %mul3A_1708 : i32
      %sub3A_1710 = arith.subi %reduce_sum3A_1694, %mul3A_1709 : i32
      %min3A_1711 = arith.constant 127 : i32
      %min3A_1712 = arith.minsi %sub3A_1710, %min3A_1711 : i32
      %iota3A_1713 = tpu.iota {dimensions = array<i32: 0>} : vector<16xi32>
      %broadcast_in_dim3A_1714 = vector.broadcast %add3A_1612 : i32 to vector<16xi32>
      %broadcast_in_dim3A_1715 = vector.broadcast %min3A_1703 : i32 to vector<16xi32>
      %broadcast_in_dim3A_1716 = vector.broadcast %min3A_1712 : i32 to vector<16xi32>
      %add3A_1717 = arith.constant 0 : i32
      %add3A_1718 = vector.broadcast %add3A_1717 : i32 to vector<16xi32>
      %add3A_1719 = arith.addi %iota3A_1713, %add3A_1718 : vector<16xi32>
      %gather3A_1720 = arith.constant 2 : i32
      %gather3A_1721 = arith.constant 0 : i32
      %gather3A_1722 = arith.constant 0 : i32
      %gather3A_1723 = tpu.memref_slice %arg14[%gather3A_1720, %gather3A_1721, %gather3A_1722] : memref<4x32x128xf32, #tpu.memory_space<vmem>> -> memref<1x32x128xf32, #tpu.memory_space<vmem>>
      %gather3A_1724 = tpu.memref_squeeze %gather3A_1723 : memref<1x32x128xf32, #tpu.memory_space<vmem>> -> memref<32x128xf32, #tpu.memory_space<vmem>>
      %gather3A_1725 = tpu.vector_load_idx %gather3A_1724[%add3A_1719, %broadcast_in_dim3A_1715] : memref<32x128xf32, #tpu.memory_space<vmem>>[vector<16xi32>, vector<16xi32>], vector<16xf32>,
      %add3A_1726 = arith.constant 0 : i32
      %add3A_1727 = vector.broadcast %add3A_1726 : i32 to vector<16xi32>
      %add3A_1728 = arith.addi %iota3A_1713, %add3A_1727 : vector<16xi32>
      tpu.vector_store_idx %arg18[%add3A_1728, %broadcast_in_dim3A_1714], %gather3A_1725 : memref<32x512xf32, #tpu.memory_space<vmem>>[vector<16xi32>, vector<16xi32>], vector<16xf32>,
      %add3A_1729 = arith.constant 0 : i32
      %add3A_1730 = vector.broadcast %add3A_1729 : i32 to vector<16xi32>
      %add3A_1731 = arith.addi %iota3A_1713, %add3A_1730 : vector<16xi32>
      %gather3A_1732 = arith.constant 2 : i32
      %gather3A_1733 = arith.constant 0 : i32
      %gather3A_1734 = arith.constant 0 : i32
      %gather3A_1735 = tpu.memref_slice %arg15[%gather3A_1732, %gather3A_1733, %gather3A_1734] : memref<4x32x128xf32, #tpu.memory_space<vmem>> -> memref<1x32x128xf32, #tpu.memory_space<vmem>>
      %gather3A_1736 = tpu.memref_squeeze %gather3A_1735 : memref<1x32x128xf32, #tpu.memory_space<vmem>> -> memref<32x128xf32, #tpu.memory_space<vmem>>
      %gather3A_1737 = tpu.vector_load_idx %gather3A_1736[%add3A_1731, %broadcast_in_dim3A_1716] : memref<32x128xf32, #tpu.memory_space<vmem>>[vector<16xi32>, vector<16xi32>], vector<16xf32>,
      %add3A_1738 = arith.constant 0 : i32
      %add3A_1739 = vector.broadcast %add3A_1738 : i32 to vector<16xi32>
      %add3A_1740 = arith.addi %iota3A_1713, %add3A_1739 : vector<16xi32>
      tpu.vector_store_idx %arg19[%add3A_1740, %broadcast_in_dim3A_1714], %gather3A_1737 : memref<32x512xf32, #tpu.memory_space<vmem>>[vector<16xi32>, vector<16xi32>], vector<16xf32>,
      %add3A_1741 = arith.constant 16 : i32
      %add3A_1742 = vector.broadcast %add3A_1741 : i32 to vector<16xi32>
      %add3A_1743 = arith.addi %iota3A_1713, %add3A_1742 : vector<16xi32>
      %gather3A_1744 = arith.constant 2 : i32
      %gather3A_1745 = arith.constant 0 : i32
      %gather3A_1746 = arith.constant 0 : i32
      %gather3A_1747 = tpu.memref_slice %arg14[%gather3A_1744, %gather3A_1745, %gather3A_1746] : memref<4x32x128xf32, #tpu.memory_space<vmem>> -> memref<1x32x128xf32, #tpu.memory_space<vmem>>
      %gather3A_1748 = tpu.memref_squeeze %gather3A_1747 : memref<1x32x128xf32, #tpu.memory_space<vmem>> -> memref<32x128xf32, #tpu.memory_space<vmem>>
      %gather3A_1749 = tpu.vector_load_idx %gather3A_1748[%add3A_1743, %broadcast_in_dim3A_1715] : memref<32x128xf32, #tpu.memory_space<vmem>>[vector<16xi32>, vector<16xi32>], vector<16xf32>,
      %add3A_1750 = arith.constant 16 : i32
      %add3A_1751 = vector.broadcast %add3A_1750 : i32 to vector<16xi32>
      %add3A_1752 = arith.addi %iota3A_1713, %add3A_1751 : vector<16xi32>
      tpu.vector_store_idx %arg18[%add3A_1752, %broadcast_in_dim3A_1714], %gather3A_1749 : memref<32x512xf32, #tpu.memory_space<vmem>>[vector<16xi32>, vector<16xi32>], vector<16xf32>,
      %add3A_1753 = arith.constant 16 : i32
      %add3A_1754 = vector.broadcast %add3A_1753 : i32 to vector<16xi32>
      %add3A_1755 = arith.addi %iota3A_1713, %add3A_1754 : vector<16xi32>
      %gather3A_1756 = arith.constant 2 : i32
      %gather3A_1757 = arith.constant 0 : i32
      %gather3A_1758 = arith.constant 0 : i32
      %gather3A_1759 = tpu.memref_slice %arg15[%gather3A_1756, %gather3A_1757, %gather3A_1758] : memref<4x32x128xf32, #tpu.memory_space<vmem>> -> memref<1x32x128xf32, #tpu.memory_space<vmem>>
      %gather3A_1760 = tpu.memref_squeeze %gather3A_1759 : memref<1x32x128xf32, #tpu.memory_space<vmem>> -> memref<32x128xf32, #tpu.memory_space<vmem>>
      %gather3A_1761 = tpu.vector_load_idx %gather3A_1760[%add3A_1755, %broadcast_in_dim3A_1716] : memref<32x128xf32, #tpu.memory_space<vmem>>[vector<16xi32>, vector<16xi32>], vector<16xf32>,
      %add3A_1762 = arith.constant 16 : i32
      %add3A_1763 = vector.broadcast %add3A_1762 : i32 to vector<16xi32>
      %add3A_1764 = arith.addi %iota3A_1713, %add3A_1763 : vector<16xi32>
      tpu.vector_store_idx %arg19[%add3A_1764, %broadcast_in_dim3A_1714], %gather3A_1761 : memref<32x512xf32, #tpu.memory_space<vmem>>[vector<16xi32>, vector<16xi32>], vector<16xf32>,
      %gather3A_1765 = arith.constant 2 : i32
      %gather3A_1766 = arith.constant 0 : i32
      %gather3A_1767 = arith.constant 0 : i32
      %gather3A_1768 = tpu.memref_slice %arg16[%gather3A_1765, %gather3A_1766, %gather3A_1767] : memref<4x16x128xf32, #tpu.memory_space<vmem>> -> memref<1x16x128xf32, #tpu.memory_space<vmem>>
      %gather3A_1769 = tpu.memref_squeeze %gather3A_1768 : memref<1x16x128xf32, #tpu.memory_space<vmem>> -> memref<16x128xf32, #tpu.memory_space<vmem>>
      %gather3A_1770 = tpu.vector_load_idx %gather3A_1769[%iota3A_1713, %broadcast_in_dim3A_1715] : memref<16x128xf32, #tpu.memory_space<vmem>>[vector<16xi32>, vector<16xi32>], vector<16xf32>,
      tpu.vector_store_idx %arg20[%iota3A_1713, %broadcast_in_dim3A_1714], %gather3A_1770 : memref<16x512xf32, #tpu.memory_space<vmem>>[vector<16xi32>, vector<16xi32>], vector<16xf32>,
      %gather3A_1771 = arith.constant 2 : i32
      %gather3A_1772 = arith.constant 0 : i32
      %gather3A_1773 = arith.constant 0 : i32
      %gather3A_1774 = tpu.memref_slice %arg17[%gather3A_1771, %gather3A_1772, %gather3A_1773] : memref<4x16x128xf32, #tpu.memory_space<vmem>> -> memref<1x16x128xf32, #tpu.memory_space<vmem>>
      %gather3A_1775 = tpu.memref_squeeze %gather3A_1774 : memref<1x16x128xf32, #tpu.memory_space<vmem>> -> memref<16x128xf32, #tpu.memory_space<vmem>>
      %gather3A_1776 = tpu.vector_load_idx %gather3A_1775[%iota3A_1713, %broadcast_in_dim3A_1716] : memref<16x128xf32, #tpu.memory_space<vmem>>[vector<16xi32>, vector<16xi32>], vector<16xf32>,
      tpu.vector_store_idx %arg21[%iota3A_1713, %broadcast_in_dim3A_1714], %gather3A_1776 : memref<16x512xf32, #tpu.memory_space<vmem>>[vector<16xi32>, vector<16xi32>], vector<16xf32>,
      %add3A_1777 = arith.constant 4 : i32
      %add3A_1778 = arith.addi %add3A_1612, %add3A_1777 : i32
      %lt3A_1779 = arith.constant 512 : i32
      %lt3A_1780 = arith.cmpi slt, %add3A_1778, %lt3A_1779 : i32
      %convert_element_type3A_1781 = arith.extui %lt3A_1780 : i1 to i32
      %cond3A_1782 = arith.constant 0 : i32
      %cond3A_1783 = arith.cmpi ne, %convert_element_type3A_1781, %cond3A_1782 : i32
      scf.if %cond3A_1783 {
        %iota3A_1973 = tpu.iota {dimensions = array<i32: 0>} : vector<16xi32>
        %eq3A_1974 = arith.constant 10 : i32
        %eq3A_1975 = vector.broadcast %eq3A_1974 : i32 to vector<16xi32>
        %eq3A_1976 = arith.cmpi eq, %iota3A_1973, %eq3A_1975 : vector<16xi32>
        %jit3A_1977 = arith.constant 0 : i32
        %broadcast_in_dim3A_1978 = vector.broadcast %jit3A_1977 : i32 to vector<16xi32>
        %select_n3A_1979 = arith.select %eq3A_1976, %get3A_517, %broadcast_in_dim3A_1978 : vector<16xi1>, vector<16xi32>
        %reduce_sum3A_1980 = arith.constant true
        %reduce_sum3A_1981 = vector.broadcast %reduce_sum3A_1980 : i1 to vector<16xi1>
        %reduce_sum3A_1982 = tpu.scan <sum>, %select_n3A_1979 masked %reduce_sum3A_1981 : vector<16xi32>, vector<16xi1> -> vector<16xi32>
        %reduce_sum3A_1983 = vector.extract %reduce_sum3A_1982[15] : i32 from vector<16xi32>
        %iota3A_1984 = tpu.iota {dimensions = array<i32: 0>} : vector<16xi32>
        %eq3A_1985 = arith.constant 10 : i32
        %eq3A_1986 = vector.broadcast %eq3A_1985 : i32 to vector<16xi32>
        %eq3A_1987 = arith.cmpi eq, %iota3A_1984, %eq3A_1986 : vector<16xi32>
        %jit3A_1988 = arith.constant 0 : i32
        %broadcast_in_dim3A_1989 = vector.broadcast %jit3A_1988 : i32 to vector<16xi32>
        %select_n3A_1990 = arith.select %eq3A_1987, %get3A_521, %broadcast_in_dim3A_1989 : vector<16xi1>, vector<16xi32>
        %reduce_sum3A_1991 = arith.constant true
        %reduce_sum3A_1992 = vector.broadcast %reduce_sum3A_1991 : i1 to vector<16xi1>
        %reduce_sum3A_1993 = tpu.scan <sum>, %select_n3A_1990 masked %reduce_sum3A_1992 : vector<16xi32>, vector<16xi1> -> vector<16xi32>
        %reduce_sum3A_1994 = vector.extract %reduce_sum3A_1993[15] : i32 from vector<16xi32>
        %shift_right_logical3A_1995 = arith.constant 7 : i32
        %shift_right_logical3A_1996 = arith.shrui %reduce_sum3A_1983, %shift_right_logical3A_1995 : i32
        %min3A_1997 = arith.constant 7811 : i32
        %min3A_1998 = arith.minsi %shift_right_logical3A_1996, %min3A_1997 : i32
        %mul3A_1999 = arith.constant 128 : i32
        %mul3A_2000 = arith.muli %min3A_1998, %mul3A_1999 : i32
        %shift_right_logical3A_2001 = arith.constant 7 : i32
        %shift_right_logical3A_2002 = arith.shrui %reduce_sum3A_1994, %shift_right_logical3A_2001 : i32
        %min3A_2003 = arith.constant 7811 : i32
        %min3A_2004 = arith.minsi %shift_right_logical3A_2002, %min3A_2003 : i32
        %mul3A_2005 = arith.constant 128 : i32
        %mul3A_2006 = arith.muli %min3A_2004, %mul3A_2005 : i32
        %dma_start3A_2007 = arith.constant 2 : i32
        %dma_start3A_2008 = arith.constant 0 : i32
        %dma_start3A_2009 = arith.constant 0 : i32
        %dma_start3A_2010 = tpu.memref_slice %arg14[%dma_start3A_2007, %dma_start3A_2008, %dma_start3A_2009] : memref<4x32x128xf32, #tpu.memory_space<vmem>> -> memref<1x32x128xf32, #tpu.memory_space<vmem>>
        %dma_start3A_2011 = tpu.memref_squeeze %dma_start3A_2010 : memref<1x32x128xf32, #tpu.memory_space<vmem>> -> memref<32x128xf32, #tpu.memory_space<vmem>>
        %dma_start3A_2012 = arith.constant 0 : i32
        %dma_start3A_2013 = tpu.memref_slice %arg4[%dma_start3A_2012, %mul3A_2000] : memref<32x1000000xf32, #tpu.memory_space<hbm>> -> memref<32x128xf32, #tpu.memory_space<hbm>>
        %dma_start3A_2014 = arith.constant 0 : i32
        %dma_start3A_2015 = arith.constant 0 : i32
        %dma_start3A_2016 = tpu.memref_slice %arg14[%dma_start3A_2007, %dma_start3A_2014, %dma_start3A_2015] : memref<4x32x128xf32, #tpu.memory_space<vmem>> -> memref<1x32x128xf32, #tpu.memory_space<vmem>>
        %dma_start3A_2017 = tpu.memref_squeeze %dma_start3A_2016 : memref<1x32x128xf32, #tpu.memory_space<vmem>> -> memref<32x128xf32, #tpu.memory_space<vmem>>
        %dma_start3A_2018 = arith.constant 0 : i32
        %dma_start3A_2019 = tpu.memref_slice %arg4[%dma_start3A_2018, %mul3A_2000] : memref<32x1000000xf32, #tpu.memory_space<hbm>> -> memref<32x128xf32, #tpu.memory_space<hbm>>
        tpu.enqueue_dma source(%dma_start3A_2019 : memref<32x128xf32, #tpu.memory_space<hbm>>) target(%dma_start3A_2017 : memref<32x128xf32, #tpu.memory_space<vmem>>) target_semaphore(%arg24 : memref<!tpu.dma_semaphore, #tpu.memory_space<semaphore_mem>>)
        %dma_start3A_2020 = arith.constant 2 : i32
        %dma_start3A_2021 = arith.constant 0 : i32
        %dma_start3A_2022 = arith.constant 0 : i32
        %dma_start3A_2023 = tpu.memref_slice %arg15[%dma_start3A_2020, %dma_start3A_2021, %dma_start3A_2022] : memref<4x32x128xf32, #tpu.memory_space<vmem>> -> memref<1x32x128xf32, #tpu.memory_space<vmem>>
        %dma_start3A_2024 = tpu.memref_squeeze %dma_start3A_2023 : memref<1x32x128xf32, #tpu.memory_space<vmem>> -> memref<32x128xf32, #tpu.memory_space<vmem>>
        %dma_start3A_2025 = arith.constant 0 : i32
        %dma_start3A_2026 = tpu.memref_slice %arg5[%dma_start3A_2025, %mul3A_2006] : memref<32x1000000xf32, #tpu.memory_space<hbm>> -> memref<32x128xf32, #tpu.memory_space<hbm>>
        %dma_start3A_2027 = arith.constant 0 : i32
        %dma_start3A_2028 = arith.constant 0 : i32
        %dma_start3A_2029 = tpu.memref_slice %arg15[%dma_start3A_2020, %dma_start3A_2027, %dma_start3A_2028] : memref<4x32x128xf32, #tpu.memory_space<vmem>> -> memref<1x32x128xf32, #tpu.memory_space<vmem>>
        %dma_start3A_2030 = tpu.memref_squeeze %dma_start3A_2029 : memref<1x32x128xf32, #tpu.memory_space<vmem>> -> memref<32x128xf32, #tpu.memory_space<vmem>>
        %dma_start3A_2031 = arith.constant 0 : i32
        %dma_start3A_2032 = tpu.memref_slice %arg5[%dma_start3A_2031, %mul3A_2006] : memref<32x1000000xf32, #tpu.memory_space<hbm>> -> memref<32x128xf32, #tpu.memory_space<hbm>>
        tpu.enqueue_dma source(%dma_start3A_2032 : memref<32x128xf32, #tpu.memory_space<hbm>>) target(%dma_start3A_2030 : memref<32x128xf32, #tpu.memory_space<vmem>>) target_semaphore(%arg24 : memref<!tpu.dma_semaphore, #tpu.memory_space<semaphore_mem>>)
      } else {
      }
      %add3A_1784 = arith.constant 4 : i32
      %add3A_1785 = arith.addi %add3A_1612, %add3A_1784 : i32
      %lt3A_1786 = arith.constant 512 : i32
      %lt3A_1787 = arith.cmpi slt, %add3A_1785, %lt3A_1786 : i32
      %convert_element_type3A_1788 = arith.extui %lt3A_1787 : i1 to i32
      %cond3A_1789 = arith.constant 0 : i32
      %cond3A_1790 = arith.cmpi ne, %convert_element_type3A_1788, %cond3A_1789 : i32
      scf.if %cond3A_1790 {
        %iota3A_1973 = tpu.iota {dimensions = array<i32: 0>} : vector<16xi32>
        %eq3A_1974 = arith.constant 10 : i32
        %eq3A_1975 = vector.broadcast %eq3A_1974 : i32 to vector<16xi32>
        %eq3A_1976 = arith.cmpi eq, %iota3A_1973, %eq3A_1975 : vector<16xi32>
        %jit3A_1977 = arith.constant 0 : i32
        %broadcast_in_dim3A_1978 = vector.broadcast %jit3A_1977 : i32 to vector<16xi32>
        %select_n3A_1979 = arith.select %eq3A_1976, %get3A_517, %broadcast_in_dim3A_1978 : vector<16xi1>, vector<16xi32>
        %reduce_sum3A_1980 = arith.constant true
        %reduce_sum3A_1981 = vector.broadcast %reduce_sum3A_1980 : i1 to vector<16xi1>
        %reduce_sum3A_1982 = tpu.scan <sum>, %select_n3A_1979 masked %reduce_sum3A_1981 : vector<16xi32>, vector<16xi1> -> vector<16xi32>
        %reduce_sum3A_1983 = vector.extract %reduce_sum3A_1982[15] : i32 from vector<16xi32>
        %iota3A_1984 = tpu.iota {dimensions = array<i32: 0>} : vector<16xi32>
        %eq3A_1985 = arith.constant 10 : i32
        %eq3A_1986 = vector.broadcast %eq3A_1985 : i32 to vector<16xi32>
        %eq3A_1987 = arith.cmpi eq, %iota3A_1984, %eq3A_1986 : vector<16xi32>
        %jit3A_1988 = arith.constant 0 : i32
        %broadcast_in_dim3A_1989 = vector.broadcast %jit3A_1988 : i32 to vector<16xi32>
        %select_n3A_1990 = arith.select %eq3A_1987, %get3A_521, %broadcast_in_dim3A_1989 : vector<16xi1>, vector<16xi32>
        %reduce_sum3A_1991 = arith.constant true
        %reduce_sum3A_1992 = vector.broadcast %reduce_sum3A_1991 : i1 to vector<16xi1>
        %reduce_sum3A_1993 = tpu.scan <sum>, %select_n3A_1990 masked %reduce_sum3A_1992 : vector<16xi32>, vector<16xi1> -> vector<16xi32>
        %reduce_sum3A_1994 = vector.extract %reduce_sum3A_1993[15] : i32 from vector<16xi32>
        %shift_right_logical3A_1995 = arith.constant 7 : i32
        %shift_right_logical3A_1996 = arith.shrui %reduce_sum3A_1983, %shift_right_logical3A_1995 : i32
        %min3A_1997 = arith.constant 7811 : i32
        %min3A_1998 = arith.minsi %shift_right_logical3A_1996, %min3A_1997 : i32
        %mul3A_1999 = arith.constant 128 : i32
        %mul3A_2000 = arith.muli %min3A_1998, %mul3A_1999 : i32
        %shift_right_logical3A_2001 = arith.constant 7 : i32
        %shift_right_logical3A_2002 = arith.shrui %reduce_sum3A_1994, %shift_right_logical3A_2001 : i32
        %min3A_2003 = arith.constant 7811 : i32
        %min3A_2004 = arith.minsi %shift_right_logical3A_2002, %min3A_2003 : i32
        %mul3A_2005 = arith.constant 128 : i32
        %mul3A_2006 = arith.muli %min3A_2004, %mul3A_2005 : i32
        %dma_start3A_2007 = arith.constant 2 : i32
        %dma_start3A_2008 = arith.constant 0 : i32
        %dma_start3A_2009 = arith.constant 0 : i32
        %dma_start3A_2010 = tpu.memref_slice %arg16[%dma_start3A_2007, %dma_start3A_2008, %dma_start3A_2009] : memref<4x16x128xf32, #tpu.memory_space<vmem>> -> memref<1x16x128xf32, #tpu.memory_space<vmem>>
        %dma_start3A_2011 = tpu.memref_squeeze %dma_start3A_2010 : memref<1x16x128xf32, #tpu.memory_space<vmem>> -> memref<16x128xf32, #tpu.memory_space<vmem>>
        %dma_start3A_2012 = arith.constant 0 : i32
        %dma_start3A_2013 = tpu.memref_slice %arg6[%dma_start3A_2012, %mul3A_2000] : memref<16x1000000xf32, #tpu.memory_space<hbm>> -> memref<16x128xf32, #tpu.memory_space<hbm>>
        %dma_start3A_2014 = arith.constant 0 : i32
        %dma_start3A_2015 = arith.constant 0 : i32
        %dma_start3A_2016 = tpu.memref_slice %arg16[%dma_start3A_2007, %dma_start3A_2014, %dma_start3A_2015] : memref<4x16x128xf32, #tpu.memory_space<vmem>> -> memref<1x16x128xf32, #tpu.memory_space<vmem>>
        %dma_start3A_2017 = tpu.memref_squeeze %dma_start3A_2016 : memref<1x16x128xf32, #tpu.memory_space<vmem>> -> memref<16x128xf32, #tpu.memory_space<vmem>>
        %dma_start3A_2018 = arith.constant 0 : i32
        %dma_start3A_2019 = tpu.memref_slice %arg6[%dma_start3A_2018, %mul3A_2000] : memref<16x1000000xf32, #tpu.memory_space<hbm>> -> memref<16x128xf32, #tpu.memory_space<hbm>>
        tpu.enqueue_dma source(%dma_start3A_2019 : memref<16x128xf32, #tpu.memory_space<hbm>>) target(%dma_start3A_2017 : memref<16x128xf32, #tpu.memory_space<vmem>>) target_semaphore(%arg28 : memref<!tpu.dma_semaphore, #tpu.memory_space<semaphore_mem>>)
        %dma_start3A_2020 = arith.constant 2 : i32
        %dma_start3A_2021 = arith.constant 0 : i32
        %dma_start3A_2022 = arith.constant 0 : i32
        %dma_start3A_2023 = tpu.memref_slice %arg17[%dma_start3A_2020, %dma_start3A_2021, %dma_start3A_2022] : memref<4x16x128xf32, #tpu.memory_space<vmem>> -> memref<1x16x128xf32, #tpu.memory_space<vmem>>
        %dma_start3A_2024 = tpu.memref_squeeze %dma_start3A_2023 : memref<1x16x128xf32, #tpu.memory_space<vmem>> -> memref<16x128xf32, #tpu.memory_space<vmem>>
        %dma_start3A_2025 = arith.constant 0 : i32
        %dma_start3A_2026 = tpu.memref_slice %arg7[%dma_start3A_2025, %mul3A_2006] : memref<16x1000000xf32, #tpu.memory_space<hbm>> -> memref<16x128xf32, #tpu.memory_space<hbm>>
        %dma_start3A_2027 = arith.constant 0 : i32
        %dma_start3A_2028 = arith.constant 0 : i32
        %dma_start3A_2029 = tpu.memref_slice %arg17[%dma_start3A_2020, %dma_start3A_2027, %dma_start3A_2028] : memref<4x16x128xf32, #tpu.memory_space<vmem>> -> memref<1x16x128xf32, #tpu.memory_space<vmem>>
        %dma_start3A_2030 = tpu.memref_squeeze %dma_start3A_2029 : memref<1x16x128xf32, #tpu.memory_space<vmem>> -> memref<16x128xf32, #tpu.memory_space<vmem>>
        %dma_start3A_2031 = arith.constant 0 : i32
        %dma_start3A_2032 = tpu.memref_slice %arg7[%dma_start3A_2031, %mul3A_2006] : memref<16x1000000xf32, #tpu.memory_space<hbm>> -> memref<16x128xf32, #tpu.memory_space<hbm>>
        tpu.enqueue_dma source(%dma_start3A_2032 : memref<16x128xf32, #tpu.memory_space<hbm>>) target(%dma_start3A_2030 : memref<16x128xf32, #tpu.memory_space<vmem>>) target_semaphore(%arg28 : memref<!tpu.dma_semaphore, #tpu.memory_space<semaphore_mem>>)
      } else {
      }
      %mul3A_1791 = arith.constant 8 : i32
      %mul3A_1792 = arith.muli %mul3A_1791, %scan3A_513 : i32
      %add3A_1793 = arith.constant 7 : i32
      %add3A_1794 = arith.addi %mul3A_1792, %add3A_1793 : i32
      %dma_wait3A_1795 = arith.constant 3 : i32
      %dma_wait3A_1796 = arith.constant 0 : i32
      %dma_wait3A_1797 = arith.constant 0 : i32
      %dma_wait3A_1798 = tpu.memref_slice %arg14[%dma_wait3A_1795, %dma_wait3A_1796, %dma_wait3A_1797] : memref<4x32x128xf32, #tpu.memory_space<vmem>> -> memref<1x32x128xf32, #tpu.memory_space<vmem>>
      %dma_wait3A_1799 = tpu.memref_squeeze %dma_wait3A_1798 : memref<1x32x128xf32, #tpu.memory_space<vmem>> -> memref<32x128xf32, #tpu.memory_space<vmem>>
      %dma_wait3A_1800 = arith.constant 0 : i32
      %dma_wait3A_1801 = arith.constant 0 : i32
      %dma_wait3A_1802 = tpu.memref_slice %arg4[%dma_wait3A_1800, %dma_wait3A_1801] : memref<32x1000000xf32, #tpu.memory_space<hbm>> -> memref<32x128xf32, #tpu.memory_space<hbm>>
      %dma_wait3A_1803 = arith.constant 0 : i32
      %dma_wait3A_1804 = arith.constant 0 : i32
      %dma_wait3A_1805 = tpu.memref_slice %arg14[%dma_wait3A_1795, %dma_wait3A_1803, %dma_wait3A_1804] : memref<4x32x128xf32, #tpu.memory_space<vmem>> -> memref<1x32x128xf32, #tpu.memory_space<vmem>>
      %dma_wait3A_1806 = tpu.memref_squeeze %dma_wait3A_1805 : memref<1x32x128xf32, #tpu.memory_space<vmem>> -> memref<32x128xf32, #tpu.memory_space<vmem>>
      %dma_wait3A_1807 = arith.constant 0 : i32
      %dma_wait3A_1808 = arith.constant 0 : i32
      %dma_wait3A_1809 = tpu.memref_slice %arg4[%dma_wait3A_1807, %dma_wait3A_1808] : memref<32x1000000xf32, #tpu.memory_space<hbm>> -> memref<32x128xf32, #tpu.memory_space<hbm>>
      tpu.wait_dma2 semaphore(%arg25 : memref<!tpu.dma_semaphore, #tpu.memory_space<semaphore_mem>>) src(%dma_wait3A_1809 : memref<32x128xf32, #tpu.memory_space<hbm>>) dst(%dma_wait3A_1806 : memref<32x128xf32, #tpu.memory_space<vmem>>)
      %dma_wait3A_1810 = arith.constant 3 : i32
      %dma_wait3A_1811 = arith.constant 0 : i32
      %dma_wait3A_1812 = arith.constant 0 : i32
      %dma_wait3A_1813 = tpu.memref_slice %arg15[%dma_wait3A_1810, %dma_wait3A_1811, %dma_wait3A_1812] : memref<4x32x128xf32, #tpu.memory_space<vmem>> -> memref<1x32x128xf32, #tpu.memory_space<vmem>>
      %dma_wait3A_1814 = tpu.memref_squeeze %dma_wait3A_1813 : memref<1x32x128xf32, #tpu.memory_space<vmem>> -> memref<32x128xf32, #tpu.memory_space<vmem>>
      %dma_wait3A_1815 = arith.constant 0 : i32
      %dma_wait3A_1816 = arith.constant 0 : i32
      %dma_wait3A_1817 = tpu.memref_slice %arg5[%dma_wait3A_1815, %dma_wait3A_1816] : memref<32x1000000xf32, #tpu.memory_space<hbm>> -> memref<32x128xf32, #tpu.memory_space<hbm>>
      %dma_wait3A_1818 = arith.constant 0 : i32
      %dma_wait3A_1819 = arith.constant 0 : i32
      %dma_wait3A_1820 = tpu.memref_slice %arg15[%dma_wait3A_1810, %dma_wait3A_1818, %dma_wait3A_1819] : memref<4x32x128xf32, #tpu.memory_space<vmem>> -> memref<1x32x128xf32, #tpu.memory_space<vmem>>
      %dma_wait3A_1821 = tpu.memref_squeeze %dma_wait3A_1820 : memref<1x32x128xf32, #tpu.memory_space<vmem>> -> memref<32x128xf32, #tpu.memory_space<vmem>>
      %dma_wait3A_1822 = arith.constant 0 : i32
      %dma_wait3A_1823 = arith.constant 0 : i32
      %dma_wait3A_1824 = tpu.memref_slice %arg5[%dma_wait3A_1822, %dma_wait3A_1823] : memref<32x1000000xf32, #tpu.memory_space<hbm>> -> memref<32x128xf32, #tpu.memory_space<hbm>>
      tpu.wait_dma2 semaphore(%arg25 : memref<!tpu.dma_semaphore, #tpu.memory_space<semaphore_mem>>) src(%dma_wait3A_1824 : memref<32x128xf32, #tpu.memory_space<hbm>>) dst(%dma_wait3A_1821 : memref<32x128xf32, #tpu.memory_space<vmem>>)
      %dma_wait3A_1825 = arith.constant 3 : i32
      %dma_wait3A_1826 = arith.constant 0 : i32
      %dma_wait3A_1827 = arith.constant 0 : i32
      %dma_wait3A_1828 = tpu.memref_slice %arg16[%dma_wait3A_1825, %dma_wait3A_1826, %dma_wait3A_1827] : memref<4x16x128xf32, #tpu.memory_space<vmem>> -> memref<1x16x128xf32, #tpu.memory_space<vmem>>
      %dma_wait3A_1829 = tpu.memref_squeeze %dma_wait3A_1828 : memref<1x16x128xf32, #tpu.memory_space<vmem>> -> memref<16x128xf32, #tpu.memory_space<vmem>>
      %dma_wait3A_1830 = arith.constant 0 : i32
      %dma_wait3A_1831 = arith.constant 0 : i32
      %dma_wait3A_1832 = tpu.memref_slice %arg6[%dma_wait3A_1830, %dma_wait3A_1831] : memref<16x1000000xf32, #tpu.memory_space<hbm>> -> memref<16x128xf32, #tpu.memory_space<hbm>>
      %dma_wait3A_1833 = arith.constant 0 : i32
      %dma_wait3A_1834 = arith.constant 0 : i32
      %dma_wait3A_1835 = tpu.memref_slice %arg16[%dma_wait3A_1825, %dma_wait3A_1833, %dma_wait3A_1834] : memref<4x16x128xf32, #tpu.memory_space<vmem>> -> memref<1x16x128xf32, #tpu.memory_space<vmem>>
      %dma_wait3A_1836 = tpu.memref_squeeze %dma_wait3A_1835 : memref<1x16x128xf32, #tpu.memory_space<vmem>> -> memref<16x128xf32, #tpu.memory_space<vmem>>
      %dma_wait3A_1837 = arith.constant 0 : i32
      %dma_wait3A_1838 = arith.constant 0 : i32
      %dma_wait3A_1839 = tpu.memref_slice %arg6[%dma_wait3A_1837, %dma_wait3A_1838] : memref<16x1000000xf32, #tpu.memory_space<hbm>> -> memref<16x128xf32, #tpu.memory_space<hbm>>
      tpu.wait_dma2 semaphore(%arg29 : memref<!tpu.dma_semaphore, #tpu.memory_space<semaphore_mem>>) src(%dma_wait3A_1839 : memref<16x128xf32, #tpu.memory_space<hbm>>) dst(%dma_wait3A_1836 : memref<16x128xf32, #tpu.memory_space<vmem>>)
      %dma_wait3A_1840 = arith.constant 3 : i32
      %dma_wait3A_1841 = arith.constant 0 : i32
      %dma_wait3A_1842 = arith.constant 0 : i32
      %dma_wait3A_1843 = tpu.memref_slice %arg17[%dma_wait3A_1840, %dma_wait3A_1841, %dma_wait3A_1842] : memref<4x16x128xf32, #tpu.memory_space<vmem>> -> memref<1x16x128xf32, #tpu.memory_space<vmem>>
      %dma_wait3A_1844 = tpu.memref_squeeze %dma_wait3A_1843 : memref<1x16x128xf32, #tpu.memory_space<vmem>> -> memref<16x128xf32, #tpu.memory_space<vmem>>
      %dma_wait3A_1845 = arith.constant 0 : i32
      %dma_wait3A_1846 = arith.constant 0 : i32
      %dma_wait3A_1847 = tpu.memref_slice %arg7[%dma_wait3A_1845, %dma_wait3A_1846] : memref<16x1000000xf32, #tpu.memory_space<hbm>> -> memref<16x128xf32, #tpu.memory_space<hbm>>
      %dma_wait3A_1848 = arith.constant 0 : i32
      %dma_wait3A_1849 = arith.constant 0 : i32
      %dma_wait3A_1850 = tpu.memref_slice %arg17[%dma_wait3A_1840, %dma_wait3A_1848, %dma_wait3A_1849] : memref<4x16x128xf32, #tpu.memory_space<vmem>> -> memref<1x16x128xf32, #tpu.memory_space<vmem>>
      %dma_wait3A_1851 = tpu.memref_squeeze %dma_wait3A_1850 : memref<1x16x128xf32, #tpu.memory_space<vmem>> -> memref<16x128xf32, #tpu.memory_space<vmem>>
      %dma_wait3A_1852 = arith.constant 0 : i32
      %dma_wait3A_1853 = arith.constant 0 : i32
      %dma_wait3A_1854 = tpu.memref_slice %arg7[%dma_wait3A_1852, %dma_wait3A_1853] : memref<16x1000000xf32, #tpu.memory_space<hbm>> -> memref<16x128xf32, #tpu.memory_space<hbm>>
      tpu.wait_dma2 semaphore(%arg29 : memref<!tpu.dma_semaphore, #tpu.memory_space<semaphore_mem>>) src(%dma_wait3A_1854 : memref<16x128xf32, #tpu.memory_space<hbm>>) dst(%dma_wait3A_1851 : memref<16x128xf32, #tpu.memory_space<vmem>>)
      %iota3A_1855 = tpu.iota {dimensions = array<i32: 0>} : vector<16xi32>
      %eq3A_1856 = arith.constant 7 : i32
      %eq3A_1857 = vector.broadcast %eq3A_1856 : i32 to vector<16xi32>
      %eq3A_1858 = arith.cmpi eq, %iota3A_1855, %eq3A_1857 : vector<16xi32>
      %jit3A_1859 = arith.constant 0 : i32
      %broadcast_in_dim3A_1860 = vector.broadcast %jit3A_1859 : i32 to vector<16xi32>
      %select_n3A_1861 = arith.select %eq3A_1858, %get3A_517, %broadcast_in_dim3A_1860 : vector<16xi1>, vector<16xi32>
      %reduce_sum3A_1862 = arith.constant true
      %reduce_sum3A_1863 = vector.broadcast %reduce_sum3A_1862 : i1 to vector<16xi1>
      %reduce_sum3A_1864 = tpu.scan <sum>, %select_n3A_1861 masked %reduce_sum3A_1863 : vector<16xi32>, vector<16xi1> -> vector<16xi32>
      %reduce_sum3A_1865 = vector.extract %reduce_sum3A_1864[15] : i32 from vector<16xi32>
      %iota3A_1866 = tpu.iota {dimensions = array<i32: 0>} : vector<16xi32>
      %eq3A_1867 = arith.constant 7 : i32
      %eq3A_1868 = vector.broadcast %eq3A_1867 : i32 to vector<16xi32>
      %eq3A_1869 = arith.cmpi eq, %iota3A_1866, %eq3A_1868 : vector<16xi32>
      %jit3A_1870 = arith.constant 0 : i32
      %broadcast_in_dim3A_1871 = vector.broadcast %jit3A_1870 : i32 to vector<16xi32>
      %select_n3A_1872 = arith.select %eq3A_1869, %get3A_521, %broadcast_in_dim3A_1871 : vector<16xi1>, vector<16xi32>
      %reduce_sum3A_1873 = arith.constant true
      %reduce_sum3A_1874 = vector.broadcast %reduce_sum3A_1873 : i1 to vector<16xi1>
      %reduce_sum3A_1875 = tpu.scan <sum>, %select_n3A_1872 masked %reduce_sum3A_1874 : vector<16xi32>, vector<16xi1> -> vector<16xi32>
      %reduce_sum3A_1876 = vector.extract %reduce_sum3A_1875[15] : i32 from vector<16xi32>
      %shift_right_logical3A_1877 = arith.constant 7 : i32
      %shift_right_logical3A_1878 = arith.shrui %reduce_sum3A_1865, %shift_right_logical3A_1877 : i32
      %min3A_1879 = arith.constant 7811 : i32
      %min3A_1880 = arith.minsi %shift_right_logical3A_1878, %min3A_1879 : i32
      %mul3A_1881 = arith.constant 128 : i32
      %mul3A_1882 = arith.muli %min3A_1880, %mul3A_1881 : i32
      %sub3A_1883 = arith.subi %reduce_sum3A_1865, %mul3A_1882 : i32
      %min3A_1884 = arith.constant 127 : i32
      %min3A_1885 = arith.minsi %sub3A_1883, %min3A_1884 : i32
      %shift_right_logical3A_1886 = arith.constant 7 : i32
      %shift_right_logical3A_1887 = arith.shrui %reduce_sum3A_1876, %shift_right_logical3A_1886 : i32
      %min3A_1888 = arith.constant 7811 : i32
      %min3A_1889 = arith.minsi %shift_right_logical3A_1887, %min3A_1888 : i32
      %mul3A_1890 = arith.constant 128 : i32
      %mul3A_1891 = arith.muli %min3A_1889, %mul3A_1890 : i32
      %sub3A_1892 = arith.subi %reduce_sum3A_1876, %mul3A_1891 : i32
      %min3A_1893 = arith.constant 127 : i32
      %min3A_1894 = arith.minsi %sub3A_1892, %min3A_1893 : i32
      %iota3A_1895 = tpu.iota {dimensions = array<i32: 0>} : vector<16xi32>
      %broadcast_in_dim3A_1896 = vector.broadcast %add3A_1794 : i32 to vector<16xi32>
      %broadcast_in_dim3A_1897 = vector.broadcast %min3A_1885 : i32 to vector<16xi32>
      %broadcast_in_dim3A_1898 = vector.broadcast %min3A_1894 : i32 to vector<16xi32>
      %add3A_1899 = arith.constant 0 : i32
      %add3A_1900 = vector.broadcast %add3A_1899 : i32 to vector<16xi32>
      %add3A_1901 = arith.addi %iota3A_1895, %add3A_1900 : vector<16xi32>
      %gather3A_1902 = arith.constant 3 : i32
      %gather3A_1903 = arith.constant 0 : i32
      %gather3A_1904 = arith.constant 0 : i32
      %gather3A_1905 = tpu.memref_slice %arg14[%gather3A_1902, %gather3A_1903, %gather3A_1904] : memref<4x32x128xf32, #tpu.memory_space<vmem>> -> memref<1x32x128xf32, #tpu.memory_space<vmem>>
      %gather3A_1906 = tpu.memref_squeeze %gather3A_1905 : memref<1x32x128xf32, #tpu.memory_space<vmem>> -> memref<32x128xf32, #tpu.memory_space<vmem>>
      %gather3A_1907 = tpu.vector_load_idx %gather3A_1906[%add3A_1901, %broadcast_in_dim3A_1897] : memref<32x128xf32, #tpu.memory_space<vmem>>[vector<16xi32>, vector<16xi32>], vector<16xf32>,
      %add3A_1908 = arith.constant 0 : i32
      %add3A_1909 = vector.broadcast %add3A_1908 : i32 to vector<16xi32>
      %add3A_1910 = arith.addi %iota3A_1895, %add3A_1909 : vector<16xi32>
      tpu.vector_store_idx %arg18[%add3A_1910, %broadcast_in_dim3A_1896], %gather3A_1907 : memref<32x512xf32, #tpu.memory_space<vmem>>[vector<16xi32>, vector<16xi32>], vector<16xf32>,
      %add3A_1911 = arith.constant 0 : i32
      %add3A_1912 = vector.broadcast %add3A_1911 : i32 to vector<16xi32>
      %add3A_1913 = arith.addi %iota3A_1895, %add3A_1912 : vector<16xi32>
      %gather3A_1914 = arith.constant 3 : i32
      %gather3A_1915 = arith.constant 0 : i32
      %gather3A_1916 = arith.constant 0 : i32
      %gather3A_1917 = tpu.memref_slice %arg15[%gather3A_1914, %gather3A_1915, %gather3A_1916] : memref<4x32x128xf32, #tpu.memory_space<vmem>> -> memref<1x32x128xf32, #tpu.memory_space<vmem>>
      %gather3A_1918 = tpu.memref_squeeze %gather3A_1917 : memref<1x32x128xf32, #tpu.memory_space<vmem>> -> memref<32x128xf32, #tpu.memory_space<vmem>>
      %gather3A_1919 = tpu.vector_load_idx %gather3A_1918[%add3A_1913, %broadcast_in_dim3A_1898] : memref<32x128xf32, #tpu.memory_space<vmem>>[vector<16xi32>, vector<16xi32>], vector<16xf32>,
      %add3A_1920 = arith.constant 0 : i32
      %add3A_1921 = vector.broadcast %add3A_1920 : i32 to vector<16xi32>
      %add3A_1922 = arith.addi %iota3A_1895, %add3A_1921 : vector<16xi32>
      tpu.vector_store_idx %arg19[%add3A_1922, %broadcast_in_dim3A_1896], %gather3A_1919 : memref<32x512xf32, #tpu.memory_space<vmem>>[vector<16xi32>, vector<16xi32>], vector<16xf32>,
      %add3A_1923 = arith.constant 16 : i32
      %add3A_1924 = vector.broadcast %add3A_1923 : i32 to vector<16xi32>
      %add3A_1925 = arith.addi %iota3A_1895, %add3A_1924 : vector<16xi32>
      %gather3A_1926 = arith.constant 3 : i32
      %gather3A_1927 = arith.constant 0 : i32
      %gather3A_1928 = arith.constant 0 : i32
      %gather3A_1929 = tpu.memref_slice %arg14[%gather3A_1926, %gather3A_1927, %gather3A_1928] : memref<4x32x128xf32, #tpu.memory_space<vmem>> -> memref<1x32x128xf32, #tpu.memory_space<vmem>>
      %gather3A_1930 = tpu.memref_squeeze %gather3A_1929 : memref<1x32x128xf32, #tpu.memory_space<vmem>> -> memref<32x128xf32, #tpu.memory_space<vmem>>
      %gather3A_1931 = tpu.vector_load_idx %gather3A_1930[%add3A_1925, %broadcast_in_dim3A_1897] : memref<32x128xf32, #tpu.memory_space<vmem>>[vector<16xi32>, vector<16xi32>], vector<16xf32>,
      %add3A_1932 = arith.constant 16 : i32
      %add3A_1933 = vector.broadcast %add3A_1932 : i32 to vector<16xi32>
      %add3A_1934 = arith.addi %iota3A_1895, %add3A_1933 : vector<16xi32>
      tpu.vector_store_idx %arg18[%add3A_1934, %broadcast_in_dim3A_1896], %gather3A_1931 : memref<32x512xf32, #tpu.memory_space<vmem>>[vector<16xi32>, vector<16xi32>], vector<16xf32>,
      %add3A_1935 = arith.constant 16 : i32
      %add3A_1936 = vector.broadcast %add3A_1935 : i32 to vector<16xi32>
      %add3A_1937 = arith.addi %iota3A_1895, %add3A_1936 : vector<16xi32>
      %gather3A_1938 = arith.constant 3 : i32
      %gather3A_1939 = arith.constant 0 : i32
      %gather3A_1940 = arith.constant 0 : i32
      %gather3A_1941 = tpu.memref_slice %arg15[%gather3A_1938, %gather3A_1939, %gather3A_1940] : memref<4x32x128xf32, #tpu.memory_space<vmem>> -> memref<1x32x128xf32, #tpu.memory_space<vmem>>
      %gather3A_1942 = tpu.memref_squeeze %gather3A_1941 : memref<1x32x128xf32, #tpu.memory_space<vmem>> -> memref<32x128xf32, #tpu.memory_space<vmem>>
      %gather3A_1943 = tpu.vector_load_idx %gather3A_1942[%add3A_1937, %broadcast_in_dim3A_1898] : memref<32x128xf32, #tpu.memory_space<vmem>>[vector<16xi32>, vector<16xi32>], vector<16xf32>,
      %add3A_1944 = arith.constant 16 : i32
      %add3A_1945 = vector.broadcast %add3A_1944 : i32 to vector<16xi32>
      %add3A_1946 = arith.addi %iota3A_1895, %add3A_1945 : vector<16xi32>
      tpu.vector_store_idx %arg19[%add3A_1946, %broadcast_in_dim3A_1896], %gather3A_1943 : memref<32x512xf32, #tpu.memory_space<vmem>>[vector<16xi32>, vector<16xi32>], vector<16xf32>,
      %gather3A_1947 = arith.constant 3 : i32
      %gather3A_1948 = arith.constant 0 : i32
      %gather3A_1949 = arith.constant 0 : i32
      %gather3A_1950 = tpu.memref_slice %arg16[%gather3A_1947, %gather3A_1948, %gather3A_1949] : memref<4x16x128xf32, #tpu.memory_space<vmem>> -> memref<1x16x128xf32, #tpu.memory_space<vmem>>
      %gather3A_1951 = tpu.memref_squeeze %gather3A_1950 : memref<1x16x128xf32, #tpu.memory_space<vmem>> -> memref<16x128xf32, #tpu.memory_space<vmem>>
      %gather3A_1952 = tpu.vector_load_idx %gather3A_1951[%iota3A_1895, %broadcast_in_dim3A_1897] : memref<16x128xf32, #tpu.memory_space<vmem>>[vector<16xi32>, vector<16xi32>], vector<16xf32>,
      tpu.vector_store_idx %arg20[%iota3A_1895, %broadcast_in_dim3A_1896], %gather3A_1952 : memref<16x512xf32, #tpu.memory_space<vmem>>[vector<16xi32>, vector<16xi32>], vector<16xf32>,
      %gather3A_1953 = arith.constant 3 : i32
      %gather3A_1954 = arith.constant 0 : i32
      %gather3A_1955 = arith.constant 0 : i32
      %gather3A_1956 = tpu.memref_slice %arg17[%gather3A_1953, %gather3A_1954, %gather3A_1955] : memref<4x16x128xf32, #tpu.memory_space<vmem>> -> memref<1x16x128xf32, #tpu.memory_space<vmem>>
      %gather3A_1957 = tpu.memref_squeeze %gather3A_1956 : memref<1x16x128xf32, #tpu.memory_space<vmem>> -> memref<16x128xf32, #tpu.memory_space<vmem>>
      %gather3A_1958 = tpu.vector_load_idx %gather3A_1957[%iota3A_1895, %broadcast_in_dim3A_1898] : memref<16x128xf32, #tpu.memory_space<vmem>>[vector<16xi32>, vector<16xi32>], vector<16xf32>,
      tpu.vector_store_idx %arg21[%iota3A_1895, %broadcast_in_dim3A_1896], %gather3A_1958 : memref<16x512xf32, #tpu.memory_space<vmem>>[vector<16xi32>, vector<16xi32>], vector<16xf32>,
      %add3A_1959 = arith.constant 4 : i32
      %add3A_1960 = arith.addi %add3A_1794, %add3A_1959 : i32
      %lt3A_1961 = arith.constant 512 : i32
      %lt3A_1962 = arith.cmpi slt, %add3A_1960, %lt3A_1961 : i32
      %convert_element_type3A_1963 = arith.extui %lt3A_1962 : i1 to i32
      %cond3A_1964 = arith.constant 0 : i32
      %cond3A_1965 = arith.cmpi ne, %convert_element_type3A_1963, %cond3A_1964 : i32
      scf.if %cond3A_1965 {
        %iota3A_1973 = tpu.iota {dimensions = array<i32: 0>} : vector<16xi32>
        %eq3A_1974 = arith.constant 11 : i32
        %eq3A_1975 = vector.broadcast %eq3A_1974 : i32 to vector<16xi32>
        %eq3A_1976 = arith.cmpi eq, %iota3A_1973, %eq3A_1975 : vector<16xi32>
        %jit3A_1977 = arith.constant 0 : i32
        %broadcast_in_dim3A_1978 = vector.broadcast %jit3A_1977 : i32 to vector<16xi32>
        %select_n3A_1979 = arith.select %eq3A_1976, %get3A_517, %broadcast_in_dim3A_1978 : vector<16xi1>, vector<16xi32>
        %reduce_sum3A_1980 = arith.constant true
        %reduce_sum3A_1981 = vector.broadcast %reduce_sum3A_1980 : i1 to vector<16xi1>
        %reduce_sum3A_1982 = tpu.scan <sum>, %select_n3A_1979 masked %reduce_sum3A_1981 : vector<16xi32>, vector<16xi1> -> vector<16xi32>
        %reduce_sum3A_1983 = vector.extract %reduce_sum3A_1982[15] : i32 from vector<16xi32>
        %iota3A_1984 = tpu.iota {dimensions = array<i32: 0>} : vector<16xi32>
        %eq3A_1985 = arith.constant 11 : i32
        %eq3A_1986 = vector.broadcast %eq3A_1985 : i32 to vector<16xi32>
        %eq3A_1987 = arith.cmpi eq, %iota3A_1984, %eq3A_1986 : vector<16xi32>
        %jit3A_1988 = arith.constant 0 : i32
        %broadcast_in_dim3A_1989 = vector.broadcast %jit3A_1988 : i32 to vector<16xi32>
        %select_n3A_1990 = arith.select %eq3A_1987, %get3A_521, %broadcast_in_dim3A_1989 : vector<16xi1>, vector<16xi32>
        %reduce_sum3A_1991 = arith.constant true
        %reduce_sum3A_1992 = vector.broadcast %reduce_sum3A_1991 : i1 to vector<16xi1>
        %reduce_sum3A_1993 = tpu.scan <sum>, %select_n3A_1990 masked %reduce_sum3A_1992 : vector<16xi32>, vector<16xi1> -> vector<16xi32>
        %reduce_sum3A_1994 = vector.extract %reduce_sum3A_1993[15] : i32 from vector<16xi32>
        %shift_right_logical3A_1995 = arith.constant 7 : i32
        %shift_right_logical3A_1996 = arith.shrui %reduce_sum3A_1983, %shift_right_logical3A_1995 : i32
        %min3A_1997 = arith.constant 7811 : i32
        %min3A_1998 = arith.minsi %shift_right_logical3A_1996, %min3A_1997 : i32
        %mul3A_1999 = arith.constant 128 : i32
        %mul3A_2000 = arith.muli %min3A_1998, %mul3A_1999 : i32
        %shift_right_logical3A_2001 = arith.constant 7 : i32
        %shift_right_logical3A_2002 = arith.shrui %reduce_sum3A_1994, %shift_right_logical3A_2001 : i32
        %min3A_2003 = arith.constant 7811 : i32
        %min3A_2004 = arith.minsi %shift_right_logical3A_2002, %min3A_2003 : i32
        %mul3A_2005 = arith.constant 128 : i32
        %mul3A_2006 = arith.muli %min3A_2004, %mul3A_2005 : i32
        %dma_start3A_2007 = arith.constant 3 : i32
        %dma_start3A_2008 = arith.constant 0 : i32
        %dma_start3A_2009 = arith.constant 0 : i32
        %dma_start3A_2010 = tpu.memref_slice %arg14[%dma_start3A_2007, %dma_start3A_2008, %dma_start3A_2009] : memref<4x32x128xf32, #tpu.memory_space<vmem>> -> memref<1x32x128xf32, #tpu.memory_space<vmem>>
        %dma_start3A_2011 = tpu.memref_squeeze %dma_start3A_2010 : memref<1x32x128xf32, #tpu.memory_space<vmem>> -> memref<32x128xf32, #tpu.memory_space<vmem>>
        %dma_start3A_2012 = arith.constant 0 : i32
        %dma_start3A_2013 = tpu.memref_slice %arg4[%dma_start3A_2012, %mul3A_2000] : memref<32x1000000xf32, #tpu.memory_space<hbm>> -> memref<32x128xf32, #tpu.memory_space<hbm>>
        %dma_start3A_2014 = arith.constant 0 : i32
        %dma_start3A_2015 = arith.constant 0 : i32
        %dma_start3A_2016 = tpu.memref_slice %arg14[%dma_start3A_2007, %dma_start3A_2014, %dma_start3A_2015] : memref<4x32x128xf32, #tpu.memory_space<vmem>> -> memref<1x32x128xf32, #tpu.memory_space<vmem>>
        %dma_start3A_2017 = tpu.memref_squeeze %dma_start3A_2016 : memref<1x32x128xf32, #tpu.memory_space<vmem>> -> memref<32x128xf32, #tpu.memory_space<vmem>>
        %dma_start3A_2018 = arith.constant 0 : i32
        %dma_start3A_2019 = tpu.memref_slice %arg4[%dma_start3A_2018, %mul3A_2000] : memref<32x1000000xf32, #tpu.memory_space<hbm>> -> memref<32x128xf32, #tpu.memory_space<hbm>>
        tpu.enqueue_dma source(%dma_start3A_2019 : memref<32x128xf32, #tpu.memory_space<hbm>>) target(%dma_start3A_2017 : memref<32x128xf32, #tpu.memory_space<vmem>>) target_semaphore(%arg25 : memref<!tpu.dma_semaphore, #tpu.memory_space<semaphore_mem>>)
        %dma_start3A_2020 = arith.constant 3 : i32
        %dma_start3A_2021 = arith.constant 0 : i32
        %dma_start3A_2022 = arith.constant 0 : i32
        %dma_start3A_2023 = tpu.memref_slice %arg15[%dma_start3A_2020, %dma_start3A_2021, %dma_start3A_2022] : memref<4x32x128xf32, #tpu.memory_space<vmem>> -> memref<1x32x128xf32, #tpu.memory_space<vmem>>
        %dma_start3A_2024 = tpu.memref_squeeze %dma_start3A_2023 : memref<1x32x128xf32, #tpu.memory_space<vmem>> -> memref<32x128xf32, #tpu.memory_space<vmem>>
        %dma_start3A_2025 = arith.constant 0 : i32
        %dma_start3A_2026 = tpu.memref_slice %arg5[%dma_start3A_2025, %mul3A_2006] : memref<32x1000000xf32, #tpu.memory_space<hbm>> -> memref<32x128xf32, #tpu.memory_space<hbm>>
        %dma_start3A_2027 = arith.constant 0 : i32
        %dma_start3A_2028 = arith.constant 0 : i32
        %dma_start3A_2029 = tpu.memref_slice %arg15[%dma_start3A_2020, %dma_start3A_2027, %dma_start3A_2028] : memref<4x32x128xf32, #tpu.memory_space<vmem>> -> memref<1x32x128xf32, #tpu.memory_space<vmem>>
        %dma_start3A_2030 = tpu.memref_squeeze %dma_start3A_2029 : memref<1x32x128xf32, #tpu.memory_space<vmem>> -> memref<32x128xf32, #tpu.memory_space<vmem>>
        %dma_start3A_2031 = arith.constant 0 : i32
        %dma_start3A_2032 = tpu.memref_slice %arg5[%dma_start3A_2031, %mul3A_2006] : memref<32x1000000xf32, #tpu.memory_space<hbm>> -> memref<32x128xf32, #tpu.memory_space<hbm>>
        tpu.enqueue_dma source(%dma_start3A_2032 : memref<32x128xf32, #tpu.memory_space<hbm>>) target(%dma_start3A_2030 : memref<32x128xf32, #tpu.memory_space<vmem>>) target_semaphore(%arg25 : memref<!tpu.dma_semaphore, #tpu.memory_space<semaphore_mem>>)
      } else {
      }
      %add3A_1966 = arith.constant 4 : i32
      %add3A_1967 = arith.addi %add3A_1794, %add3A_1966 : i32
      %lt3A_1968 = arith.constant 512 : i32
      %lt3A_1969 = arith.cmpi slt, %add3A_1967, %lt3A_1968 : i32
      %convert_element_type3A_1970 = arith.extui %lt3A_1969 : i1 to i32
      %cond3A_1971 = arith.constant 0 : i32
      %cond3A_1972 = arith.cmpi ne, %convert_element_type3A_1970, %cond3A_1971 : i32
      scf.if %cond3A_1972 {
        %iota3A_1973 = tpu.iota {dimensions = array<i32: 0>} : vector<16xi32>
        %eq3A_1974 = arith.constant 11 : i32
        %eq3A_1975 = vector.broadcast %eq3A_1974 : i32 to vector<16xi32>
        %eq3A_1976 = arith.cmpi eq, %iota3A_1973, %eq3A_1975 : vector<16xi32>
        %jit3A_1977 = arith.constant 0 : i32
        %broadcast_in_dim3A_1978 = vector.broadcast %jit3A_1977 : i32 to vector<16xi32>
        %select_n3A_1979 = arith.select %eq3A_1976, %get3A_517, %broadcast_in_dim3A_1978 : vector<16xi1>, vector<16xi32>
        %reduce_sum3A_1980 = arith.constant true
        %reduce_sum3A_1981 = vector.broadcast %reduce_sum3A_1980 : i1 to vector<16xi1>
        %reduce_sum3A_1982 = tpu.scan <sum>, %select_n3A_1979 masked %reduce_sum3A_1981 : vector<16xi32>, vector<16xi1> -> vector<16xi32>
        %reduce_sum3A_1983 = vector.extract %reduce_sum3A_1982[15] : i32 from vector<16xi32>
        %iota3A_1984 = tpu.iota {dimensions = array<i32: 0>} : vector<16xi32>
        %eq3A_1985 = arith.constant 11 : i32
        %eq3A_1986 = vector.broadcast %eq3A_1985 : i32 to vector<16xi32>
        %eq3A_1987 = arith.cmpi eq, %iota3A_1984, %eq3A_1986 : vector<16xi32>
        %jit3A_1988 = arith.constant 0 : i32
        %broadcast_in_dim3A_1989 = vector.broadcast %jit3A_1988 : i32 to vector<16xi32>
        %select_n3A_1990 = arith.select %eq3A_1987, %get3A_521, %broadcast_in_dim3A_1989 : vector<16xi1>, vector<16xi32>
        %reduce_sum3A_1991 = arith.constant true
        %reduce_sum3A_1992 = vector.broadcast %reduce_sum3A_1991 : i1 to vector<16xi1>
        %reduce_sum3A_1993 = tpu.scan <sum>, %select_n3A_1990 masked %reduce_sum3A_1992 : vector<16xi32>, vector<16xi1> -> vector<16xi32>
        %reduce_sum3A_1994 = vector.extract %reduce_sum3A_1993[15] : i32 from vector<16xi32>
        %shift_right_logical3A_1995 = arith.constant 7 : i32
        %shift_right_logical3A_1996 = arith.shrui %reduce_sum3A_1983, %shift_right_logical3A_1995 : i32
        %min3A_1997 = arith.constant 7811 : i32
        %min3A_1998 = arith.minsi %shift_right_logical3A_1996, %min3A_1997 : i32
        %mul3A_1999 = arith.constant 128 : i32
        %mul3A_2000 = arith.muli %min3A_1998, %mul3A_1999 : i32
        %shift_right_logical3A_2001 = arith.constant 7 : i32
        %shift_right_logical3A_2002 = arith.shrui %reduce_sum3A_1994, %shift_right_logical3A_2001 : i32
        %min3A_2003 = arith.constant 7811 : i32
        %min3A_2004 = arith.minsi %shift_right_logical3A_2002, %min3A_2003 : i32
        %mul3A_2005 = arith.constant 128 : i32
        %mul3A_2006 = arith.muli %min3A_2004, %mul3A_2005 : i32
        %dma_start3A_2007 = arith.constant 3 : i32
        %dma_start3A_2008 = arith.constant 0 : i32
        %dma_start3A_2009 = arith.constant 0 : i32
        %dma_start3A_2010 = tpu.memref_slice %arg16[%dma_start3A_2007, %dma_start3A_2008, %dma_start3A_2009] : memref<4x16x128xf32, #tpu.memory_space<vmem>> -> memref<1x16x128xf32, #tpu.memory_space<vmem>>
        %dma_start3A_2011 = tpu.memref_squeeze %dma_start3A_2010 : memref<1x16x128xf32, #tpu.memory_space<vmem>> -> memref<16x128xf32, #tpu.memory_space<vmem>>
        %dma_start3A_2012 = arith.constant 0 : i32
        %dma_start3A_2013 = tpu.memref_slice %arg6[%dma_start3A_2012, %mul3A_2000] : memref<16x1000000xf32, #tpu.memory_space<hbm>> -> memref<16x128xf32, #tpu.memory_space<hbm>>
        %dma_start3A_2014 = arith.constant 0 : i32
        %dma_start3A_2015 = arith.constant 0 : i32
        %dma_start3A_2016 = tpu.memref_slice %arg16[%dma_start3A_2007, %dma_start3A_2014, %dma_start3A_2015] : memref<4x16x128xf32, #tpu.memory_space<vmem>> -> memref<1x16x128xf32, #tpu.memory_space<vmem>>
        %dma_start3A_2017 = tpu.memref_squeeze %dma_start3A_2016 : memref<1x16x128xf32, #tpu.memory_space<vmem>> -> memref<16x128xf32, #tpu.memory_space<vmem>>
        %dma_start3A_2018 = arith.constant 0 : i32
        %dma_start3A_2019 = tpu.memref_slice %arg6[%dma_start3A_2018, %mul3A_2000] : memref<16x1000000xf32, #tpu.memory_space<hbm>> -> memref<16x128xf32, #tpu.memory_space<hbm>>
        tpu.enqueue_dma source(%dma_start3A_2019 : memref<16x128xf32, #tpu.memory_space<hbm>>) target(%dma_start3A_2017 : memref<16x128xf32, #tpu.memory_space<vmem>>) target_semaphore(%arg29 : memref<!tpu.dma_semaphore, #tpu.memory_space<semaphore_mem>>)
        %dma_start3A_2020 = arith.constant 3 : i32
        %dma_start3A_2021 = arith.constant 0 : i32
        %dma_start3A_2022 = arith.constant 0 : i32
        %dma_start3A_2023 = tpu.memref_slice %arg17[%dma_start3A_2020, %dma_start3A_2021, %dma_start3A_2022] : memref<4x16x128xf32, #tpu.memory_space<vmem>> -> memref<1x16x128xf32, #tpu.memory_space<vmem>>
        %dma_start3A_2024 = tpu.memref_squeeze %dma_start3A_2023 : memref<1x16x128xf32, #tpu.memory_space<vmem>> -> memref<16x128xf32, #tpu.memory_space<vmem>>
        %dma_start3A_2025 = arith.constant 0 : i32
        %dma_start3A_2026 = tpu.memref_slice %arg7[%dma_start3A_2025, %mul3A_2006] : memref<16x1000000xf32, #tpu.memory_space<hbm>> -> memref<16x128xf32, #tpu.memory_space<hbm>>
        %dma_start3A_2027 = arith.constant 0 : i32
        %dma_start3A_2028 = arith.constant 0 : i32
        %dma_start3A_2029 = tpu.memref_slice %arg17[%dma_start3A_2020, %dma_start3A_2027, %dma_start3A_2028] : memref<4x16x128xf32, #tpu.memory_space<vmem>> -> memref<1x16x128xf32, #tpu.memory_space<vmem>>
        %dma_start3A_2030 = tpu.memref_squeeze %dma_start3A_2029 : memref<1x16x128xf32, #tpu.memory_space<vmem>> -> memref<16x128xf32, #tpu.memory_space<vmem>>
        %dma_start3A_2031 = arith.constant 0 : i32
        %dma_start3A_2032 = tpu.memref_slice %arg7[%dma_start3A_2031, %mul3A_2006] : memref<16x1000000xf32, #tpu.memory_space<hbm>> -> memref<16x128xf32, #tpu.memory_space<hbm>>
        tpu.enqueue_dma source(%dma_start3A_2032 : memref<16x128xf32, #tpu.memory_space<hbm>>) target(%dma_start3A_2030 : memref<16x128xf32, #tpu.memory_space<vmem>>) target_semaphore(%arg29 : memref<!tpu.dma_semaphore, #tpu.memory_space<semaphore_mem>>)
      } else {
      }
    }
    %scan3A_481 = arith.constant 64 : i32
    %dma_start3A_482 = arith.constant 0 : i32
    %dma_start3A_483 = tpu.memref_slice %arg8[%dma_start3A_482, %mul3A_2] : memref<32x16384xf32, #tpu.memory_space<hbm>> -> memref<32x512xf32, #tpu.memory_space<hbm>>
    %dma_start3A_484 = arith.constant 0 : i32
    %dma_start3A_485 = tpu.memref_slice %arg8[%dma_start3A_484, %mul3A_2] : memref<32x16384xf32, #tpu.memory_space<hbm>> -> memref<32x512xf32, #tpu.memory_space<hbm>>
    tpu.enqueue_dma source(%arg18 : memref<32x512xf32, #tpu.memory_space<vmem>>) target(%dma_start3A_485 : memref<32x512xf32, #tpu.memory_space<hbm>>) target_semaphore(%arg30 : memref<!tpu.dma_semaphore, #tpu.memory_space<semaphore_mem>>)
    %dma_start3A_486 = arith.constant 0 : i32
    %dma_start3A_487 = tpu.memref_slice %arg9[%dma_start3A_486, %mul3A_2] : memref<32x16384xf32, #tpu.memory_space<hbm>> -> memref<32x512xf32, #tpu.memory_space<hbm>>
    %dma_start3A_488 = arith.constant 0 : i32
    %dma_start3A_489 = tpu.memref_slice %arg9[%dma_start3A_488, %mul3A_2] : memref<32x16384xf32, #tpu.memory_space<hbm>> -> memref<32x512xf32, #tpu.memory_space<hbm>>
    tpu.enqueue_dma source(%arg19 : memref<32x512xf32, #tpu.memory_space<vmem>>) target(%dma_start3A_489 : memref<32x512xf32, #tpu.memory_space<hbm>>) target_semaphore(%arg30 : memref<!tpu.dma_semaphore, #tpu.memory_space<semaphore_mem>>)
    %dma_start3A_490 = arith.constant 0 : i32
    %dma_start3A_491 = tpu.memref_slice %arg10[%dma_start3A_490, %mul3A_2] : memref<16x16384xf32, #tpu.memory_space<hbm>> -> memref<16x512xf32, #tpu.memory_space<hbm>>
    %dma_start3A_492 = arith.constant 0 : i32
    %dma_start3A_493 = tpu.memref_slice %arg10[%dma_start3A_492, %mul3A_2] : memref<16x16384xf32, #tpu.memory_space<hbm>> -> memref<16x512xf32, #tpu.memory_space<hbm>>
    tpu.enqueue_dma source(%arg20 : memref<16x512xf32, #tpu.memory_space<vmem>>) target(%dma_start3A_493 : memref<16x512xf32, #tpu.memory_space<hbm>>) target_semaphore(%arg30 : memref<!tpu.dma_semaphore, #tpu.memory_space<semaphore_mem>>)
    %dma_start3A_494 = arith.constant 0 : i32
    %dma_start3A_495 = tpu.memref_slice %arg11[%dma_start3A_494, %mul3A_2] : memref<16x16384xf32, #tpu.memory_space<hbm>> -> memref<16x512xf32, #tpu.memory_space<hbm>>
    %dma_start3A_496 = arith.constant 0 : i32
    %dma_start3A_497 = tpu.memref_slice %arg11[%dma_start3A_496, %mul3A_2] : memref<16x16384xf32, #tpu.memory_space<hbm>> -> memref<16x512xf32, #tpu.memory_space<hbm>>
    tpu.enqueue_dma source(%arg21 : memref<16x512xf32, #tpu.memory_space<vmem>>) target(%dma_start3A_497 : memref<16x512xf32, #tpu.memory_space<hbm>>) target_semaphore(%arg30 : memref<!tpu.dma_semaphore, #tpu.memory_space<semaphore_mem>>)
    %dma_wait3A = arith.constant 0 : i32
    %dma_wait3A_498 = tpu.memref_slice %arg8[%dma_wait3A, %mul3A_2] : memref<32x16384xf32, #tpu.memory_space<hbm>> -> memref<32x512xf32, #tpu.memory_space<hbm>>
    %dma_wait3A_499 = arith.constant 0 : i32
    %dma_wait3A_500 = tpu.memref_slice %arg8[%dma_wait3A_499, %mul3A_2] : memref<32x16384xf32, #tpu.memory_space<hbm>> -> memref<32x512xf32, #tpu.memory_space<hbm>>
    tpu.wait_dma2 semaphore(%arg30 : memref<!tpu.dma_semaphore, #tpu.memory_space<semaphore_mem>>) src(%arg18 : memref<32x512xf32, #tpu.memory_space<vmem>>) dst(%dma_wait3A_500 : memref<32x512xf32, #tpu.memory_space<hbm>>)
    %dma_wait3A_501 = arith.constant 0 : i32
    %dma_wait3A_502 = tpu.memref_slice %arg9[%dma_wait3A_501, %mul3A_2] : memref<32x16384xf32, #tpu.memory_space<hbm>> -> memref<32x512xf32, #tpu.memory_space<hbm>>
    %dma_wait3A_503 = arith.constant 0 : i32
    %dma_wait3A_504 = tpu.memref_slice %arg9[%dma_wait3A_503, %mul3A_2] : memref<32x16384xf32, #tpu.memory_space<hbm>> -> memref<32x512xf32, #tpu.memory_space<hbm>>
    tpu.wait_dma2 semaphore(%arg30 : memref<!tpu.dma_semaphore, #tpu.memory_space<semaphore_mem>>) src(%arg19 : memref<32x512xf32, #tpu.memory_space<vmem>>) dst(%dma_wait3A_504 : memref<32x512xf32, #tpu.memory_space<hbm>>)
    %dma_wait3A_505 = arith.constant 0 : i32
    %dma_wait3A_506 = tpu.memref_slice %arg10[%dma_wait3A_505, %mul3A_2] : memref<16x16384xf32, #tpu.memory_space<hbm>> -> memref<16x512xf32, #tpu.memory_space<hbm>>
    %dma_wait3A_507 = arith.constant 0 : i32
    %dma_wait3A_508 = tpu.memref_slice %arg10[%dma_wait3A_507, %mul3A_2] : memref<16x16384xf32, #tpu.memory_space<hbm>> -> memref<16x512xf32, #tpu.memory_space<hbm>>
    tpu.wait_dma2 semaphore(%arg30 : memref<!tpu.dma_semaphore, #tpu.memory_space<semaphore_mem>>) src(%arg20 : memref<16x512xf32, #tpu.memory_space<vmem>>) dst(%dma_wait3A_508 : memref<16x512xf32, #tpu.memory_space<hbm>>)
    %dma_wait3A_509 = arith.constant 0 : i32
    %dma_wait3A_510 = tpu.memref_slice %arg11[%dma_wait3A_509, %mul3A_2] : memref<16x16384xf32, #tpu.memory_space<hbm>> -> memref<16x512xf32, #tpu.memory_space<hbm>>
    %dma_wait3A_511 = arith.constant 0 : i32
    %dma_wait3A_512 = tpu.memref_slice %arg11[%dma_wait3A_511, %mul3A_2] : memref<16x16384xf32, #tpu.memory_space<hbm>> -> memref<16x512xf32, #tpu.memory_space<hbm>>
    tpu.wait_dma2 semaphore(%arg30 : memref<!tpu.dma_semaphore, #tpu.memory_space<semaphore_mem>>) src(%arg21 : memref<16x512xf32, #tpu.memory_space<vmem>>) dst(%dma_wait3A_512 : memref<16x512xf32, #tpu.memory_space<hbm>>)
    return
  }
}

module attributes {stable_mosaic.version = 14 : i64} {
  func.func @_dense_body(%arg0: i32, %arg1: memref<32x4096xf32, #tpu.memory_space<vmem>>, %arg2: memref<32x4096xf32, #tpu.memory_space<vmem>>, %arg3: memref<16x4096xf32, #tpu.memory_space<vmem>>, %arg4: memref<16x4096xf32, #tpu.memory_space<vmem>>, %arg5: memref<1x4096xi32, #tpu.memory_space<vmem>>, %arg6: memref<1x4096xi32, #tpu.memory_space<vmem>>, %arg7: memref<32x64xf32, #tpu.memory_space<vmem>>, %arg8: memref<32x64xf32, #tpu.memory_space<vmem>>, %arg9: memref<16x64xf32, #tpu.memory_space<vmem>>, %arg10: memref<16x64xf32, #tpu.memory_space<vmem>>, %arg11: memref<32x16xf32, #tpu.memory_space<vmem>>, %arg12: memref<32x16xf32, #tpu.memory_space<vmem>>, %arg13: memref<32x1xf32, #tpu.memory_space<vmem>>, %arg14: memref<16x32xf32, #tpu.memory_space<vmem>>, %arg15: memref<16x1xf32, #tpu.memory_space<vmem>>, %arg16: memref<8x16xf32, #tpu.memory_space<vmem>>, %arg17: memref<8x1xf32, #tpu.memory_space<vmem>>, %arg18: memref<1x32xf32, #tpu.memory_space<vmem>>, %arg19: memref<1x8xf32, #tpu.memory_space<vmem>>, %arg20: memref<1x1xf32, #tpu.memory_space<vmem>>, %arg21: memref<1x4096xf32, #tpu.memory_space<vmem>>) attributes {dimension_semantics = [#tpu.dimension_semantics<arbitrary>], iteration_bounds = array<i64: 4>, scalar_prefetch = 0 : i64, scratch_operands = 0 : i64, tpu.core_type = #tpu.core_type<tc>, window_params = [{transform_indices = @transform_0, window_bounds = array<i64: 32, 4096>}, {transform_indices = @transform_1, window_bounds = array<i64: 32, 4096>}, {transform_indices = @transform_2, window_bounds = array<i64: 16, 4096>}, {transform_indices = @transform_3, window_bounds = array<i64: 16, 4096>}, {transform_indices = @transform_4, window_bounds = array<i64: 1, 4096>}, {transform_indices = @transform_5, window_bounds = array<i64: 1, 4096>}, {pipeline_mode = #tpu.pipeline_mode<synchronous>, transform_indices = @transform_6, window_bounds = array<i64: 32, 64>}, {pipeline_mode = #tpu.pipeline_mode<synchronous>, transform_indices = @transform_7, window_bounds = array<i64: 32, 64>}, {pipeline_mode = #tpu.pipeline_mode<synchronous>, transform_indices = @transform_8, window_bounds = array<i64: 16, 64>}, {pipeline_mode = #tpu.pipeline_mode<synchronous>, transform_indices = @transform_9, window_bounds = array<i64: 16, 64>}, {pipeline_mode = #tpu.pipeline_mode<synchronous>, transform_indices = @transform_10, window_bounds = array<i64: 32, 16>}, {pipeline_mode = #tpu.pipeline_mode<synchronous>, transform_indices = @transform_11, window_bounds = array<i64: 32, 16>}, {pipeline_mode = #tpu.pipeline_mode<synchronous>, transform_indices = @transform_12, window_bounds = array<i64: 32, 1>}, {pipeline_mode = #tpu.pipeline_mode<synchronous>, transform_indices = @transform_13, window_bounds = array<i64: 16, 32>}, {pipeline_mode = #tpu.pipeline_mode<synchronous>, transform_indices = @transform_14, window_bounds = array<i64: 16, 1>}, {pipeline_mode = #tpu.pipeline_mode<synchronous>, transform_indices = @transform_15, window_bounds = array<i64: 8, 16>}, {pipeline_mode = #tpu.pipeline_mode<synchronous>, transform_indices = @transform_16, window_bounds = array<i64: 8, 1>}, {pipeline_mode = #tpu.pipeline_mode<synchronous>, transform_indices = @transform_17, window_bounds = array<i64: 1, 32>}, {pipeline_mode = #tpu.pipeline_mode<synchronous>, transform_indices = @transform_18, window_bounds = array<i64: 1, 8>}, {pipeline_mode = #tpu.pipeline_mode<synchronous>, transform_indices = @transform_19, window_bounds = array<i64: 1, 1>}, {transform_indices = @transform_20, window_bounds = array<i64: 1, 4096>}]} {
    %iota3A = tpu.iota {dimensions = array<i32: 0>} : vector<64x4096xi32>
    %get3A = arith.constant 0 : index
    %get3A_0 = arith.constant 0 : index
    %get3A_1 = vector.load %arg5[%get3A, %get3A_0] : memref<1x4096xi32, #tpu.memory_space<vmem>>, vector<1x4096xi32>
    %sub3A = arith.constant 999936 : i32
    %sub3A_2 = vector.broadcast %sub3A : i32 to vector<1x4096xi32>
    %sub3A_3 = arith.subi %get3A_1, %sub3A_2 : vector<1x4096xi32>
    %eq3A = vector.broadcast %sub3A_3 : vector<1x4096xi32> to vector<64x4096xi32>
    %eq3A_4 = arith.cmpi eq, %iota3A, %eq3A : vector<64x4096xi32>
    %jit3A = arith.constant 1.000000e+00 : f32
    %jit3A_5 = arith.constant 0.000000e+00 : f32
    %broadcast_in_dim3A = vector.broadcast %jit3A : f32 to vector<64x4096xf32>
    %broadcast_in_dim3A_6 = vector.broadcast %jit3A_5 : f32 to vector<64x4096xf32>
    %select_n3A = arith.select %eq3A_4, %broadcast_in_dim3A, %broadcast_in_dim3A_6 : vector<64x4096xi1>, vector<64x4096xf32>
    %get3A_7 = arith.constant 0 : index
    %get3A_8 = arith.constant 0 : index
    %get3A_9 = vector.load %arg6[%get3A_7, %get3A_8] : memref<1x4096xi32, #tpu.memory_space<vmem>>, vector<1x4096xi32>
    %sub3A_10 = arith.constant 999936 : i32
    %sub3A_11 = vector.broadcast %sub3A_10 : i32 to vector<1x4096xi32>
    %sub3A_12 = arith.subi %get3A_9, %sub3A_11 : vector<1x4096xi32>
    %eq3A_13 = vector.broadcast %sub3A_12 : vector<1x4096xi32> to vector<64x4096xi32>
    %eq3A_14 = arith.cmpi eq, %iota3A, %eq3A_13 : vector<64x4096xi32>
    %jit3A_15 = arith.constant 1.000000e+00 : f32
    %jit3A_16 = arith.constant 0.000000e+00 : f32
    %broadcast_in_dim3A_17 = vector.broadcast %jit3A_15 : f32 to vector<64x4096xf32>
    %broadcast_in_dim3A_18 = vector.broadcast %jit3A_16 : f32 to vector<64x4096xf32>
    %select_n3A_19 = arith.select %eq3A_14, %broadcast_in_dim3A_17, %broadcast_in_dim3A_18 : vector<64x4096xi1>, vector<64x4096xf32>
    %get3A_20 = arith.constant 0 : index
    %get3A_21 = arith.constant 0 : index
    %get3A_22 = vector.load %arg5[%get3A_20, %get3A_21] : memref<1x4096xi32, #tpu.memory_space<vmem>>, vector<1x4096xi32>
    %ge3A = arith.constant 999936 : i32
    %ge3A_23 = vector.broadcast %ge3A : i32 to vector<1x4096xi32>
    %ge3A_24 = arith.cmpi sge, %get3A_22, %ge3A_23 : vector<1x4096xi32>
    %get3A_25 = arith.constant 0 : index
    %get3A_26 = arith.constant 0 : index
    %get3A_27 = vector.load %arg6[%get3A_25, %get3A_26] : memref<1x4096xi32, #tpu.memory_space<vmem>>, vector<1x4096xi32>
    %ge3A_28 = arith.constant 999936 : i32
    %ge3A_29 = vector.broadcast %ge3A_28 : i32 to vector<1x4096xi32>
    %ge3A_30 = arith.cmpi sge, %get3A_27, %ge3A_29 : vector<1x4096xi32>
    %get3A_31 = arith.constant 0 : index
    %get3A_32 = arith.constant 0 : index
    %get3A_33 = vector.load %arg7[%get3A_31, %get3A_32] : memref<32x64xf32, #tpu.memory_space<vmem>>, vector<32x64xf32>
    %dot_general3A = arith.constant dense<0.000000e+00> : vector<32x4096xf32>
    %dot_general3A_34 = tpu.matmul %get3A_33, %select_n3A, %dot_general3A {dimension_numbers = #tpu.dot_dimension_numbers<[1], [0], [0], [1], [0, 0, 1, 1], [], []>, transpose_lhs_hint = false} : vector<32x64xf32>, vector<64x4096xf32>, vector<32x4096xf32> -> vector<32x4096xf32>
    %get3A_35 = arith.constant 0 : index
    %get3A_36 = arith.constant 0 : index
    %get3A_37 = vector.load %arg1[%get3A_35, %get3A_36] : memref<32x4096xf32, #tpu.memory_space<vmem>>, vector<32x4096xf32>
    %broadcast_in_dim3A_38 = vector.shape_cast %ge3A_24 : vector<1x4096xi1> to vector<1x4096xi1>
    %broadcast_in_dim3A_39 = vector.broadcast %broadcast_in_dim3A_38 : vector<1x4096xi1> to vector<32x4096xi1>
    %select_n3A_40 = arith.select %broadcast_in_dim3A_39, %dot_general3A_34, %get3A_37 : vector<32x4096xi1>, vector<32x4096xf32>
    %get3A_41 = arith.constant 0 : index
    %get3A_42 = arith.constant 0 : index
    %get3A_43 = vector.load %arg8[%get3A_41, %get3A_42] : memref<32x64xf32, #tpu.memory_space<vmem>>, vector<32x64xf32>
    %dot_general3A_44 = arith.constant dense<0.000000e+00> : vector<32x4096xf32>
    %dot_general3A_45 = tpu.matmul %get3A_43, %select_n3A_19, %dot_general3A_44 {dimension_numbers = #tpu.dot_dimension_numbers<[1], [0], [0], [1], [0, 0, 1, 1], [], []>, transpose_lhs_hint = false} : vector<32x64xf32>, vector<64x4096xf32>, vector<32x4096xf32> -> vector<32x4096xf32>
    %get3A_46 = arith.constant 0 : index
    %get3A_47 = arith.constant 0 : index
    %get3A_48 = vector.load %arg2[%get3A_46, %get3A_47] : memref<32x4096xf32, #tpu.memory_space<vmem>>, vector<32x4096xf32>
    %broadcast_in_dim3A_49 = vector.shape_cast %ge3A_30 : vector<1x4096xi1> to vector<1x4096xi1>
    %broadcast_in_dim3A_50 = vector.broadcast %broadcast_in_dim3A_49 : vector<1x4096xi1> to vector<32x4096xi1>
    %select_n3A_51 = arith.select %broadcast_in_dim3A_50, %dot_general3A_45, %get3A_48 : vector<32x4096xi1>, vector<32x4096xf32>
    %get3A_52 = arith.constant 0 : index
    %get3A_53 = arith.constant 0 : index
    %get3A_54 = vector.load %arg9[%get3A_52, %get3A_53] : memref<16x64xf32, #tpu.memory_space<vmem>>, vector<16x64xf32>
    %dot_general3A_55 = arith.constant dense<0.000000e+00> : vector<16x4096xf32>
    %dot_general3A_56 = tpu.matmul %get3A_54, %select_n3A, %dot_general3A_55 {dimension_numbers = #tpu.dot_dimension_numbers<[1], [0], [0], [1], [0, 0, 1, 1], [], []>, transpose_lhs_hint = false} : vector<16x64xf32>, vector<64x4096xf32>, vector<16x4096xf32> -> vector<16x4096xf32>
    %get3A_57 = arith.constant 0 : index
    %get3A_58 = arith.constant 0 : index
    %get3A_59 = vector.load %arg3[%get3A_57, %get3A_58] : memref<16x4096xf32, #tpu.memory_space<vmem>>, vector<16x4096xf32>
    %broadcast_in_dim3A_60 = vector.shape_cast %ge3A_24 : vector<1x4096xi1> to vector<1x4096xi1>
    %broadcast_in_dim3A_61 = vector.broadcast %broadcast_in_dim3A_60 : vector<1x4096xi1> to vector<16x4096xi1>
    %select_n3A_62 = arith.select %broadcast_in_dim3A_61, %dot_general3A_56, %get3A_59 : vector<16x4096xi1>, vector<16x4096xf32>
    %get3A_63 = arith.constant 0 : index
    %get3A_64 = arith.constant 0 : index
    %get3A_65 = vector.load %arg10[%get3A_63, %get3A_64] : memref<16x64xf32, #tpu.memory_space<vmem>>, vector<16x64xf32>
    %dot_general3A_66 = arith.constant dense<0.000000e+00> : vector<16x4096xf32>
    %dot_general3A_67 = tpu.matmul %get3A_65, %select_n3A_19, %dot_general3A_66 {dimension_numbers = #tpu.dot_dimension_numbers<[1], [0], [0], [1], [0, 0, 1, 1], [], []>, transpose_lhs_hint = false} : vector<16x64xf32>, vector<64x4096xf32>, vector<16x4096xf32> -> vector<16x4096xf32>
    %get3A_68 = arith.constant 0 : index
    %get3A_69 = arith.constant 0 : index
    %get3A_70 = vector.load %arg4[%get3A_68, %get3A_69] : memref<16x4096xf32, #tpu.memory_space<vmem>>, vector<16x4096xf32>
    %broadcast_in_dim3A_71 = vector.shape_cast %ge3A_30 : vector<1x4096xi1> to vector<1x4096xi1>
    %broadcast_in_dim3A_72 = vector.broadcast %broadcast_in_dim3A_71 : vector<1x4096xi1> to vector<16x4096xi1>
    %select_n3A_73 = arith.select %broadcast_in_dim3A_72, %dot_general3A_67, %get3A_70 : vector<16x4096xi1>, vector<16x4096xf32>
    %get3A_74 = arith.constant 0 : index
    %get3A_75 = arith.constant 0 : index
    %get3A_76 = vector.load %arg11[%get3A_74, %get3A_75] : memref<32x16xf32, #tpu.memory_space<vmem>>, vector<32x16xf32>
    %dot_general3A_77 = arith.constant dense<0.000000e+00> : vector<32x4096xf32>
    %dot_general3A_78 = tpu.matmul %get3A_76, %select_n3A_62, %dot_general3A_77 {dimension_numbers = #tpu.dot_dimension_numbers<[1], [0], [0], [1], [0, 0, 1, 1], [], []>, transpose_lhs_hint = false} : vector<32x16xf32>, vector<16x4096xf32>, vector<32x4096xf32> -> vector<32x4096xf32>
    %get3A_79 = arith.constant 0 : index
    %get3A_80 = arith.constant 0 : index
    %get3A_81 = vector.load %arg12[%get3A_79, %get3A_80] : memref<32x16xf32, #tpu.memory_space<vmem>>, vector<32x16xf32>
    %dot_general3A_82 = arith.constant dense<0.000000e+00> : vector<32x4096xf32>
    %dot_general3A_83 = tpu.matmul %get3A_81, %select_n3A_73, %dot_general3A_82 {dimension_numbers = #tpu.dot_dimension_numbers<[1], [0], [0], [1], [0, 0, 1, 1], [], []>, transpose_lhs_hint = false} : vector<32x16xf32>, vector<16x4096xf32>, vector<32x4096xf32> -> vector<32x4096xf32>
    %add3A = arith.addf %dot_general3A_78, %dot_general3A_83 : vector<32x4096xf32>
    %get3A_84 = arith.constant 0 : index
    %get3A_85 = arith.constant 0 : index
    %get3A_86 = vector.load %arg13[%get3A_84, %get3A_85] : memref<32x1xf32, #tpu.memory_space<vmem>>, vector<32x1xf32>
    %add3A_87 = vector.broadcast %get3A_86 : vector<32x1xf32> to vector<32x4096xf32>
    %add3A_88 = arith.addf %add3A, %add3A_87 : vector<32x4096xf32>
    %max3A = arith.constant 0.000000e+00 : f32
    %max3A_89 = vector.broadcast %max3A : f32 to vector<32x4096xf32>
    %max3A_90 = arith.maximumf %add3A_88, %max3A_89 : vector<32x4096xf32>
    %get3A_91 = arith.constant 0 : index
    %get3A_92 = arith.constant 0 : index
    %get3A_93 = vector.load %arg14[%get3A_91, %get3A_92] : memref<16x32xf32, #tpu.memory_space<vmem>>, vector<16x32xf32>
    %dot_general3A_94 = arith.constant dense<0.000000e+00> : vector<16x4096xf32>
    %dot_general3A_95 = tpu.matmul %get3A_93, %max3A_90, %dot_general3A_94 {dimension_numbers = #tpu.dot_dimension_numbers<[1], [0], [0], [1], [0, 0, 1, 1], [], []>, transpose_lhs_hint = false} : vector<16x32xf32>, vector<32x4096xf32>, vector<16x4096xf32> -> vector<16x4096xf32>
    %get3A_96 = arith.constant 0 : index
    %get3A_97 = arith.constant 0 : index
    %get3A_98 = vector.load %arg15[%get3A_96, %get3A_97] : memref<16x1xf32, #tpu.memory_space<vmem>>, vector<16x1xf32>
    %add3A_99 = vector.broadcast %get3A_98 : vector<16x1xf32> to vector<16x4096xf32>
    %add3A_100 = arith.addf %dot_general3A_95, %add3A_99 : vector<16x4096xf32>
    %max3A_101 = arith.constant 0.000000e+00 : f32
    %max3A_102 = vector.broadcast %max3A_101 : f32 to vector<16x4096xf32>
    %max3A_103 = arith.maximumf %add3A_100, %max3A_102 : vector<16x4096xf32>
    %get3A_104 = arith.constant 0 : index
    %get3A_105 = arith.constant 0 : index
    %get3A_106 = vector.load %arg16[%get3A_104, %get3A_105] : memref<8x16xf32, #tpu.memory_space<vmem>>, vector<8x16xf32>
    %dot_general3A_107 = arith.constant dense<0.000000e+00> : vector<8x4096xf32>
    %dot_general3A_108 = tpu.matmul %get3A_106, %max3A_103, %dot_general3A_107 {dimension_numbers = #tpu.dot_dimension_numbers<[1], [0], [0], [1], [0, 0, 1, 1], [], []>, transpose_lhs_hint = false} : vector<8x16xf32>, vector<16x4096xf32>, vector<8x4096xf32> -> vector<8x4096xf32>
    %get3A_109 = arith.constant 0 : index
    %get3A_110 = arith.constant 0 : index
    %get3A_111 = vector.load %arg17[%get3A_109, %get3A_110] : memref<8x1xf32, #tpu.memory_space<vmem>>, vector<8x1xf32>
    %add3A_112 = vector.broadcast %get3A_111 : vector<8x1xf32> to vector<8x4096xf32>
    %add3A_113 = arith.addf %dot_general3A_108, %add3A_112 : vector<8x4096xf32>
    %max3A_114 = arith.constant 0.000000e+00 : f32
    %max3A_115 = vector.broadcast %max3A_114 : f32 to vector<8x4096xf32>
    %max3A_116 = arith.maximumf %add3A_113, %max3A_115 : vector<8x4096xf32>
    %mul3A = arith.mulf %select_n3A_40, %select_n3A_51 : vector<32x4096xf32>
    %get3A_117 = arith.constant 0 : index
    %get3A_118 = arith.constant 0 : index
    %get3A_119 = vector.load %arg18[%get3A_117, %get3A_118] : memref<1x32xf32, #tpu.memory_space<vmem>>, vector<1x32xf32>
    %dot_general3A_120 = arith.constant dense<0.000000e+00> : vector<1x4096xf32>
    %dot_general3A_121 = tpu.matmul %get3A_119, %mul3A, %dot_general3A_120 {dimension_numbers = #tpu.dot_dimension_numbers<[1], [0], [0], [1], [0, 0, 1, 1], [], []>, transpose_lhs_hint = false} : vector<1x32xf32>, vector<32x4096xf32>, vector<1x4096xf32> -> vector<1x4096xf32>
    %get3A_122 = arith.constant 0 : index
    %get3A_123 = arith.constant 0 : index
    %get3A_124 = vector.load %arg19[%get3A_122, %get3A_123] : memref<1x8xf32, #tpu.memory_space<vmem>>, vector<1x8xf32>
    %dot_general3A_125 = arith.constant dense<0.000000e+00> : vector<1x4096xf32>
    %dot_general3A_126 = tpu.matmul %get3A_124, %max3A_116, %dot_general3A_125 {dimension_numbers = #tpu.dot_dimension_numbers<[1], [0], [0], [1], [0, 0, 1, 1], [], []>, transpose_lhs_hint = false} : vector<1x8xf32>, vector<8x4096xf32>, vector<1x4096xf32> -> vector<1x4096xf32>
    %add3A_127 = arith.addf %dot_general3A_121, %dot_general3A_126 : vector<1x4096xf32>
    %get3A_128 = arith.constant 0 : index
    %get3A_129 = arith.constant 0 : index
    %get3A_130 = vector.load %arg20[%get3A_128, %get3A_129] : memref<1x1xf32, #tpu.memory_space<vmem>>, vector<1x1xf32>
    %add3A_131 = vector.broadcast %get3A_130 : vector<1x1xf32> to vector<1x4096xf32>
    %add3A_132 = arith.addf %add3A_127, %add3A_131 : vector<1x4096xf32>
    %neg3A = arith.constant 0.000000e+00 : f32
    %neg3A_133 = vector.broadcast %neg3A : f32 to vector<1x4096xf32>
    %neg3A_134 = arith.subf %neg3A_133, %add3A_132 : vector<1x4096xf32>
    %exp3A = math.exp %neg3A_134 : vector<1x4096xf32>
    %add3A_135 = arith.constant 1.000000e+00 : f32
    %add3A_136 = vector.broadcast %add3A_135 : f32 to vector<1x4096xf32>
    %add3A_137 = arith.addf %add3A_136, %exp3A : vector<1x4096xf32>
    %div3A = arith.constant 1.000000e+00 : f32
    %div3A_138 = vector.broadcast %div3A : f32 to vector<1x4096xf32>
    %div3A_139 = arith.divf %div3A_138, %add3A_137 : vector<1x4096xf32>
    %swap3A = arith.constant 0 : index
    %swap3A_140 = arith.constant 0 : index
    %swap3A_141 = vector.load %arg21[%swap3A, %swap3A_140] : memref<1x4096xf32, #tpu.memory_space<vmem>>, vector<1x4096xf32>
    tpu.vector_store %arg21[%swap3A, %swap3A_140], %div3A_139 {strides = array<i32>} : memref<1x4096xf32, #tpu.memory_space<vmem>>, vector<1x4096xf32>,
    return
  }
  func.func @transform_0(%arg0: i32) -> (i32, i32) {
    %c0_i32 = arith.constant 0 : i32
    %c0_i32_0 = arith.constant 0 : i32
    return %c0_i32, %arg0 : i32, i32
  }
  func.func @transform_1(%arg0: i32) -> (i32, i32) {
    %c0_i32 = arith.constant 0 : i32
    %c0_i32_0 = arith.constant 0 : i32
    return %c0_i32, %arg0 : i32, i32
  }
  func.func @transform_2(%arg0: i32) -> (i32, i32) {
    %c0_i32 = arith.constant 0 : i32
    %c0_i32_0 = arith.constant 0 : i32
    return %c0_i32, %arg0 : i32, i32
  }
  func.func @transform_3(%arg0: i32) -> (i32, i32) {
    %c0_i32 = arith.constant 0 : i32
    %c0_i32_0 = arith.constant 0 : i32
    return %c0_i32, %arg0 : i32, i32
  }
  func.func @transform_4(%arg0: i32) -> (i32, i32) {
    %c0_i32 = arith.constant 0 : i32
    %c0_i32_0 = arith.constant 0 : i32
    return %c0_i32, %arg0 : i32, i32
  }
  func.func @transform_5(%arg0: i32) -> (i32, i32) {
    %c0_i32 = arith.constant 0 : i32
    %c0_i32_0 = arith.constant 0 : i32
    return %c0_i32, %arg0 : i32, i32
  }
  func.func @transform_6(%arg0: i32) -> (i32, i32) {
    %c0_i32 = arith.constant 0 : i32
    %c0_i32_0 = arith.constant 0 : i32
    %c0_i32_1 = arith.constant 0 : i32
    return %c0_i32, %c0_i32_0 : i32, i32
  }
  func.func @transform_7(%arg0: i32) -> (i32, i32) {
    %c0_i32 = arith.constant 0 : i32
    %c0_i32_0 = arith.constant 0 : i32
    %c0_i32_1 = arith.constant 0 : i32
    return %c0_i32, %c0_i32_0 : i32, i32
  }
  func.func @transform_8(%arg0: i32) -> (i32, i32) {
    %c0_i32 = arith.constant 0 : i32
    %c0_i32_0 = arith.constant 0 : i32
    %c0_i32_1 = arith.constant 0 : i32
    return %c0_i32, %c0_i32_0 : i32, i32
  }
  func.func @transform_9(%arg0: i32) -> (i32, i32) {
    %c0_i32 = arith.constant 0 : i32
    %c0_i32_0 = arith.constant 0 : i32
    %c0_i32_1 = arith.constant 0 : i32
    return %c0_i32, %c0_i32_0 : i32, i32
  }
  func.func @transform_10(%arg0: i32) -> (i32, i32) {
    %c0_i32 = arith.constant 0 : i32
    %c0_i32_0 = arith.constant 0 : i32
    %c0_i32_1 = arith.constant 0 : i32
    return %c0_i32, %c0_i32_0 : i32, i32
  }
  func.func @transform_11(%arg0: i32) -> (i32, i32) {
    %c0_i32 = arith.constant 0 : i32
    %c0_i32_0 = arith.constant 0 : i32
    %c0_i32_1 = arith.constant 0 : i32
    return %c0_i32, %c0_i32_0 : i32, i32
  }
  func.func @transform_12(%arg0: i32) -> (i32, i32) {
    %c0_i32 = arith.constant 0 : i32
    %c0_i32_0 = arith.constant 0 : i32
    %c0_i32_1 = arith.constant 0 : i32
    return %c0_i32, %c0_i32_0 : i32, i32
  }
  func.func @transform_13(%arg0: i32) -> (i32, i32) {
    %c0_i32 = arith.constant 0 : i32
    %c0_i32_0 = arith.constant 0 : i32
    %c0_i32_1 = arith.constant 0 : i32
    return %c0_i32, %c0_i32_0 : i32, i32
  }
  func.func @transform_14(%arg0: i32) -> (i32, i32) {
    %c0_i32 = arith.constant 0 : i32
    %c0_i32_0 = arith.constant 0 : i32
    %c0_i32_1 = arith.constant 0 : i32
    return %c0_i32, %c0_i32_0 : i32, i32
  }
  func.func @transform_15(%arg0: i32) -> (i32, i32) {
    %c0_i32 = arith.constant 0 : i32
    %c0_i32_0 = arith.constant 0 : i32
    %c0_i32_1 = arith.constant 0 : i32
    return %c0_i32, %c0_i32_0 : i32, i32
  }
  func.func @transform_16(%arg0: i32) -> (i32, i32) {
    %c0_i32 = arith.constant 0 : i32
    %c0_i32_0 = arith.constant 0 : i32
    %c0_i32_1 = arith.constant 0 : i32
    return %c0_i32, %c0_i32_0 : i32, i32
  }
  func.func @transform_17(%arg0: i32) -> (i32, i32) {
    %c0_i32 = arith.constant 0 : i32
    %c0_i32_0 = arith.constant 0 : i32
    %c0_i32_1 = arith.constant 0 : i32
    return %c0_i32, %c0_i32_0 : i32, i32
  }
  func.func @transform_18(%arg0: i32) -> (i32, i32) {
    %c0_i32 = arith.constant 0 : i32
    %c0_i32_0 = arith.constant 0 : i32
    %c0_i32_1 = arith.constant 0 : i32
    return %c0_i32, %c0_i32_0 : i32, i32
  }
  func.func @transform_19(%arg0: i32) -> (i32, i32) {
    %c0_i32 = arith.constant 0 : i32
    %c0_i32_0 = arith.constant 0 : i32
    %c0_i32_1 = arith.constant 0 : i32
    return %c0_i32, %c0_i32_0 : i32, i32
  }
  func.func @transform_20(%arg0: i32) -> (i32, i32) {
    %c0_i32 = arith.constant 0 : i32
    %c0_i32_0 = arith.constant 0 : i32
    return %c0_i32, %arg0 : i32, i32
  }
}

</mosaic_0001>

<sc_bundles>
// kernel: kernel.4.cloned.1.call-start
scs
__scs_entry_jumppad:
0x0: {  	(pc) =	sbr.rel $0x88, $3  }
0x1: {  	(tag) =	ssettag $0x0;
	lr =	simm.s32 $0x1  }
0x2: {  	[smem:$0x3F93] =	sst lr;
	_ =	strace $0xD0000000  }
0x3: {  	_ = 	snop  }
0x4: {  	_ = 	snop  }
0x5: {  	_ = 	snop  }
0x6: {  	_ = 	snop  }
0x7: {  	_ = 	snop  }
__scs_overlays_trampoline_lowered:
0x8: {  	[smem:$0x3FA2] =	sst s0  }
0x9: {  	[smem:$0x3FA3] =	sst s1  }
0xa: {  	[smem:$0x3FA4] =	sst s2  }
0xb: {  	[smem:$0x3FA5] =	sst s3  }
0xc: {  	[smem:$0x3FA6] =	sst s4  }
0xd: {  	[smem:$0x3FA7] =	sst s5  }
0xe: {  	[smem:$0x3FA8] =	sst s6  }
0xf: {  	[smem:$0x3FA9] =	sst s7  }
0x10: {  	[smem:$0x3FAA] =	sst s8  }
0x11: {  	[smem:$0x3FAB] =	sst s9;
	s0 =	simm.s32 @!p0 $0x0  }
0x12: {  	s1 =	sld [smem:$0x3F91];
	s0 =	simm.s32 @p0 $0x1  }
0x13: {  	[smem:$0x3FAC] =	sst s0;
	s0 =	simm.s32 @!p1 $0x0  }
0x14: {  	s2 =	sld [smem:$0x3F90];
	s0 =	simm.s32 @p1 $0x1  }
0x15: {  	[smem:$0x3FAD] =	sst s0;
	s0 =	simm.s32 @!p2 $0x0  }
0x16: {  	s3 =	sld [smem:$0x3FDB];
	s0 =	simm.s32 @p2 $0x1  }
0x17: {  	s4 =	simm.s32 $0x1BF5;
	[smem:$0x3FAF] =	sst s0  }
0x18: {  	s0 =	sld [smem:$0x3F92];
	_ =	swait.ge [sflag:s4], $0x0  }
0x19: {  	s7 =	sld [smem:$0x3F93]  }
0x1a: {  	s8 =	sadd.s32 $0xFFFFE003, lr  }
0x1b: {  	s9 =	sadd.s32 $0xFFFFFEF7, lr;
	s5 =	simm.s32 $0xFFFFFFFF;
	p2 =	slt.u32 s8, $0xFFFFF086  }
0x1c: {  	p1 =	slt.u32 s9, $0xF7A;
	s5 =	simm.s32 @!p2 $0x0  }
0x1d: {  	s5 =	simm.s32 @p1 $0x1;
	p0 =	seq.s32 s7, s2  }
0x1e: {  	s7 =	smul.u32 @!p0 $0xF7A, s2;
	p2 =	seq.s32 @!p0 s5, $0x0  }
0x1f: {  	s9 =	smul.u32 $0xF7A, s1;
	s8 =	simm.s32 @!p0 $0x1BF5;
	p2 =	por !p2, p0  }
0x20: {  	[sflag:s8] =	ssyncset.s32 @!p0 $0xFFFFF086;
	s6 =	sadd.s32 @!p0 s3, s7;
	s7 =	simm.s32 @!p0 $0x108  }
0x21: {  	s3 =	sadd.s32 s3, s9;
	s6 =	sadd.s32 @!p0 $0x88, s6;
	s7 =	simm.s32 @p2 $0x1082  }
0x22: {  	[simem:s7], [sflag:s8] =	dma.local @!p0 [hbm:s6], $0xF7A  }
0x23: {  	s9 =	sor.u32 $0xD0000000, s2;
	s6 =	simm.s32 $0x108;
	_ =	swait.ge @!p0 [sflag:s8], $0x0  }
0x24: {  	s3 =	sadd.s32 $0x88, s3;
	s6 =	simm.s32 @!p1 $0x1082;
	[sflag:s4] =	ssyncset.s32 $0xFFFFF086  }
0x25: {  	[simem:s6], [sflag:s4] =	dma.local [hbm:s3], $0xF7A  }
0x26: {  	[smem:$0x3F93] =	sst s1;
	(tag) =	ssettag s2;
	_ =	strace s9  }
0x27: {  	s1 =	sld [smem:$0x3FA3]  }
0x28: {  	s2 =	sld [smem:$0x3FA4]  }
0x29: {  	s4 =	sld [smem:$0x3FA6]  }
0x2a: {  	p0 =	seq.s32 s5, $0x0;
	s5 =	sld [smem:$0x3FA7]  }
0x2b: {  	s6 =	sld [smem:$0x3FA8]  }
0x2c: {  	s7 =	sld [smem:$0x3FA9]  }
0x2d: {  	s3 =	simm.s32 $0x108;
	s8 =	sld [smem:$0x3FAA]  }
0x2e: {  	s3 =	simm.s32 @!p0 $0x1082;
	s9 =	sld [smem:$0x3FAB]  }
0x2f: {  	lr =	sadd.s32 s0, s3;
	s0 =	sld [smem:$0x3FA2]  }
0x30: {  	s3 =	sld [smem:$0x3FA5]  }
0x31: {  	[smem:$0x3FAE] =	sst s10  }
0x32: {  	s10 =	sld [smem:$0x3FAC];
	_ =	sdelay $0x3  }
0x33: {  	p0 =	seq.s32 s10, $0x1;
	s10 =	sld [smem:$0x3FAE];
	_ =	sdelay $0x3  }
0x34: {  	[smem:$0x3FAE] =	sst s10  }
0x35: {  	s10 =	sld [smem:$0x3FAD];
	_ =	sdelay $0x3  }
0x36: {  	p1 =	seq.s32 s10, $0x1;
	s10 =	sld [smem:$0x3FAE];
	_ =	sdelay $0x3  }
0x37: {  	[smem:$0x3FAE] =	sst s10  }
0x38: {  	s10 =	sld [smem:$0x3FAF]  }
0x39: {  	_ = 	snop;
	(pc) =	sbr.ind lr, $3  }
0x3a: {  	_ = 	snop  }
0x3b: {  	_ = 	snop  }
0x3c: {  	p2 =	seq.s32 s10, $0x1;
	s10 =	sld [smem:$0x3FAE]  }
0x3d: {  	_ =	shalt  }
0x3e: {  	_ =	shalt  }
0x3f: {  	_ =	shalt  }
0x40: {  	_ =	shalt  }
0x41: {  	_ =	shalt  }
0x42: {  	_ =	shalt  }
0x43: {  	_ =	shalt  }
0x44: {  	_ =	shalt  }
0x45: {  	_ =	shalt  }
0x46: {  	_ =	shalt  }
0x47: {  	_ =	shalt  }
0x48: {  	_ =	shalt  }
0x49: {  	_ =	shalt  }
0x4a: {  	_ =	shalt  }
0x4b: {  	_ =	shalt  }
0x4c: {  	_ =	shalt  }
0x4d: {  	_ =	shalt  }
0x4e: {  	_ =	shalt  }
0x4f: {  	_ =	shalt  }
0x50: {  	_ =	shalt  }
0x51: {  	_ =	shalt  }
0x52: {  	_ =	shalt  }
0x53: {  	_ =	shalt  }
0x54: {  	_ =	shalt  }
0x55: {  	_ =	shalt  }
0x56: {  	_ =	shalt  }
0x57: {  	_ =	shalt  }
0x58: {  	_ =	shalt  }
0x59: {  	_ =	shalt  }
0x5a: {  	_ =	shalt  }
0x5b: {  	_ =	shalt  }
0x5c: {  	_ =	shalt  }
0x5d: {  	_ =	shalt  }
0x5e: {  	_ =	shalt  }
0x5f: {  	_ =	shalt  }
0x60: {  	_ =	shalt  }
0x61: {  	_ =	shalt  }
0x62: {  	_ =	shalt  }
0x63: {  	_ =	shalt  }
0x64: {  	_ =	shalt  }
0x65: {  	_ =	shalt  }
0x66: {  	_ =	shalt  }
0x67: {  	_ =	shalt  }
0x68: {  	_ =	shalt  }
0x69: {  	_ =	shalt  }
0x6a: {  	_ =	shalt  }
0x6b: {  	_ =	shalt  }
0x6c: {  	_ =	shalt  }
0x6d: {  	_ =	shalt  }
0x6e: {  	_ =	shalt  }
0x6f: {  	_ =	shalt  }
0x70: {  	_ =	shalt  }
0x71: {  	_ =	shalt  }
0x72: {  	_ =	shalt  }
0x73: {  	_ =	shalt  }
0x74: {  	_ =	shalt  }
0x75: {  	_ =	shalt  }
0x76: {  	_ =	shalt  }
0x77: {  	_ =	shalt  }
0x78: {  	_ =	shalt  }
0x79: {  	_ =	shalt  }
0x7a: {  	_ =	shalt  }
0x7b: {  	_ =	shalt  }
0x7c: {  	_ =	shalt  }
0x7d: {  	_ =	shalt  }
0x7e: {  	_ =	shalt  }
0x7f: {  	_ =	shalt  }
0x80: {  	_ =	shalt  }
0x81: {  	_ =	shalt  }
0x82: {  	_ =	shalt  }
0x83: {  	_ =	shalt  }
0x84: {  	_ =	shalt  }
0x85: {  	_ =	shalt  }
0x86: {  	_ =	shalt  }
0x87: {  	_ =	shalt  }
.Lfunc_end0:
.L_simem_size_0:
called_computation_lowered:
.L_overlay_start_0:
0x88: {  	s2 =	sld [smem:$0x3FD9]  }
0x89: {  	s3 =	sld [smem:$0x3FFE];
	_ =	sdelay $0x1  }
0x8a: {  	s1 =	srdreg.scid  }
0x8b: {  	s0 =	sand.u32 $0x1, s1  }
0x8c: {  	s17 =	sshll.u32 s0, $0xA;
	s2 =	sadd.s32 s3, s2  }
0x8d: {  	s2 =	sadd.s32 s2, s17  }
0x8e: {  	[smem:$0x3FBA] =	sst s2  }
0x8f: {  	_ = 	snop  }
0x90: {  	s2 =	sld [smem:$0x3FC9]  }
0x91: {  	s18 =	sld [smem:$0x3FC8]  }
0x92: {  	s4 =	sld [smem:$0x3FC7]  }
0x93: {  	s5 =	sld [smem:$0x3FC6]  }
0x94: {  	s6 =	sld [smem:$0x3FC5]  }
0x95: {  	s7 =	sld [smem:$0x3FC4];
	(tm) =	ssettm $0x1  }
0x96: {  	s8 =	sld [smem:$0x3FFB];
	_ =	sdelay $0x3  }
0x97: {  	_ =	strace s8  }
0x98: {  	s8 =	sld [smem:$0x3FFC];
	_ =	sdelay $0x3  }
0x99: {  	_ =	strace s8  }
0x9a: {  	s8 =	sld [smem:$0x3FFD];
	_ =	sdelay $0x3  }
0x9b: {  	_ =	strace s8  }
0x9c: {  	_ =	strace $0x8FFFFFFF  }
0x9d: {  	s19 =	sld [smem:$0x3FDB];
	_ =	sdelay $0x1  }
0x9e: {  	s9 =	simm.s32 $_scs_section_size  }
0x9f: {  	s10 =	simm.s32 $_size__tile_overlayer_lowered;
	s11 =	simm.s32 $_tile_overlayer_lowered  }
0xa0: {  	s22 =	simm.s32 $0x1BFF;
	s21 =	sshll.u32 s11, $0x1;
	s8 =	sadd.s32 s9, s19  }
0xa1: {  	s12 =	simm.s32 $0x0;
	s20 =	sshll.u32 s10, $0x1;
	s10 =	sadd.s32 s21, s8  }
0xa2: {  	[timem:s12], [sflag:s22] =	dma.local [hbm:s10], s20  }
0xa3: {  	_ =	swait.ge [sflag:s22], s20  }
0xa4: {  	s9 =	ssub.s32 $0x0, s20;
	[sflag:s22] =	ssyncset.done $0x0  }
0xa5: {  	[sflag:s22] =	ssyncadd.s32 s9;
	_ =	sdelay $0x1  }
0xa6: {  	s23 =	simm.s32 $0x1B8B  }
0xa7: {  	_ =	swait.ge [sflag:s23], $0x1  }
0xa8: {  	[sflag:s23] =	ssyncset.done $0x0  }
0xa9: {  	s25 =	simm.s32 $0x1B8E;
	s24 =	sld [smem:$0x3FFE];
	[sflag:s23] =	ssyncadd.s32 $0xFFFFFFFF  }
0xaa: {  	s26 =	simm.s32 $execute0_lowered;
	[smem:$0x3FD2] =	sst s25  }
0xab: {  	s10 =	sshll.u32 s26, $0x1;
	_ =	strace $0x80000046;
	[dreg:$0x1] =	wrdreg $0xFFFFFFFF  }
0xac: {  	s28 =	simm.s32 $_size_execute0_lowered;
	s8 =	sadd.s32 s8, s10;
	[dreg:$0x0] =	wrdreg $0x0  }
0xad: {  	s10 =	sshll.u32 s28, $0x1;
	[dreg:$0x2] =	wrdreg s8  }
0xae: {  	[dreg:$0x3] =	wrdreg s10  }
0xaf: {  	[dreg:$0x4] =	wrdreg $0xC0  }
0xb0: {  	_ =	task [dreg:s12], $0x5FFFF  }
0xb1: {  	[dreg:$0x1] =	wrdreg $0xFFFFFFFF  }
0xb2: {  	[dreg:$0x0] =	wrdreg $0x60  }
0xb3: {  	[dreg:$0x2] =	wrdreg s2  }
0xb4: {  	[dreg:$0x3] =	wrdreg s18  }
0xb5: {  	[dreg:$0x4] =	wrdreg s4  }
0xb6: {  	[dreg:$0x5] =	wrdreg s5  }
0xb7: {  	[dreg:$0x6] =	wrdreg s6  }
0xb8: {  	[dreg:$0x7] =	wrdreg s7  }
0xb9: {  	[dreg:$0x8] =	wrdreg s24  }
0xba: {  	[dreg:$0x9] =	wrdreg $0x9  }
0xbb: {  	_ =	task.clear_ibuf [dreg:s12], $0xAFFFF;
	_ =	strace $0x90000046  }
0xbc: {  	s29 =	simm.s32 $0x9;
	_ =	strace $0x80000048  }
0xbd: {  	_ =	swait.ge [sflag:s29], $0x1  }
0xbe: {  	[sflag:s29] =	ssyncadd.s32 $0xFFFFFFFF  }
0xbf: {  	_ =	strace $0x90000048  }
0xc0: {  	_ =	sfence  }
0xc1: {  	s30 =	sld [smem:$0x0];
	_ =	sdelay $0x2  }
0xc2: {  	s31 =	sshll.u32 s1, $0xD;
	s1 =	sshrl.u32 s1, $0x2  }
0xc3: {  	s3 =	sand.u32 $0x4000, s31;
	s1 =	sadd.s32 s1, s30  }
0xc4: {  	s0 =	sor.u32 s3, s0;
	s1 =	sshll.u32 s1, $0x11  }
0xc5: {  	s0 =	sor.u32 s1, s0  }
0xc6: {  	s0 =	sadd.s32 $0x8F2B, s0  }
0xc7: {  	[sflag:s0] =	ssyncadd.remote.s32 $0x1  }
0xc8: {  	_ =	sfence.sel $0xFFFF  }
0xc9: {  	[dreg:$0x0] =	wrdreg $0xFFFFFFFF;
	(pc) =	sbr.abs _section_cstart, $3  }
0xca: {  	[dreg:$0x1] =	wrdreg $0xFFFFFFFF  }
0xcb: {  	_ =	task.clear_ibuf [dreg:s12], $0x2FFFF;
	_ =	strace $0x9FFFFFFF  }
0xcc: {  	(tm) =	ssettm $0x7FFFFFFF  }
0xcd: {  	_ =	shalt  }
tec
execute0_lowered:
.L_overlay_start_1:
0x0: {  	(tag) =	ssettag $0x1  }
0x1: {  	s0 =	rddreg [dreg:$0x0];
	vm0 =	vmmov $0x1;
	vm1 =	vcmask $0x308  }
0x2: {  	s1 =	rddreg [dreg:$0x1];
	vm2 =	vcmask $0x70C;
	vm3 =	vcmask $0xB10;
	v0 =	vlaneseq.u32  }
0x3: {  	s20 =	rddreg [dreg:$0x2];
	v1 =	vimm.s32 $0x1380;
	vm4 =	vcmask $0x300;
	vm5 =	vcmask $0x704  }
0x4: {  	s21 =	rddreg [dreg:$0x3];
	v2 =	vimm.s32 $0x3380;
	vm6 =	vcmask $0xB08;
	vm7 =	vcmask $0x1B20  }
0x5: {  	s7 =	rddreg [dreg:$0x4];
	vm8 =	vcmask $0x2B30;
	v0 =	vmul.u32 $0x80, v0;
	v1 =	vsel vm4, $0x0, v1  }
0x6: {  	s11 =	rddreg [dreg:$0x5];
	v2 =	vsel vm4, $0x2000, v2;
	vm4 =	vcmask $0xF0C;
	v1 =	vsel vm5, $0x80, v1  }
0x7: {  	s2 =	rddreg [dreg:$0x6];
	s4 =	simm.s32 $0x0;
	s3 =	srdreg.scid;
	v2 =	vsel vm5, $0x2080, v2;
	vm5 =	vcmask $0x1310;
	v1 =	vsel vm6, $0x100, v1  }
0x8: {  	s23 =	stileid.u32;
	s16 =	simm.s32 $0x7A1400;
	s22 =	simm.s32 $0x400;
	v2 =	vsel vm6, $0x2100, v2;
	vm6 =	vcmask $0x1714;
	v1 =	vsel vm4, $0x180, v1  }
0x9: {  	s12 =	simm.s32 $0x2500;
	s19 =	simm.s32 $0x6500;
	s3 =	sand.u32 $0x1, s3;
	v2 =	vsel vm4, $0x2180, v2;
	vm4 =	vcmask $0x1B18;
	v1 =	vsel vm5, $0x200, v1  }
0xa: {  	[smem:$0x7FF] =	sst s4;
	s4 =	sshll.u32 s23, $0xA;
	s5 =	sshll.u32 s3, $0x9;
	v2 =	vsel vm5, $0x2200, v2;
	vm5 =	vcmask $0x1F1C;
	v1 =	vsel vm6, $0x280, v1  }
0xb: {  	s10 =	simm.s32 $0x3500;
	s8 =	simm.s32 $0x7500;
	s4 =	sor.u32 s5, s4;
	v2 =	vsel vm6, $0x2280, v2;
	vm6 =	vcmask $0x2320;
	v1 =	vsel vm4, $0x300, v1  }
0xc: {  	s14 =	simm.s32 $0x9500;
	s2 =	sadd.s32 s4, s2;
	s4 =	sshrl.u32 s4, $0x3;
	v2 =	vsel vm4, $0x2300, v2;
	vm4 =	vcmask $0x2724;
	v1 =	vsel vm5, $0x380, v1  }
0xd: {  	s13 =	simm.s32 $0x9D00;
	s15 =	simm.s32 $0x10500;
	s0 =	sadd.s32 s0, s4;
	v2 =	vsel vm5, $0x2380, v2;
	vm5 =	vcmask $0x2B28;
	v1 =	vsel vm6, $0x1000, v1  }
0xe: {  	_ =	strace $0x80000047;
	s25 =	sadd.s32 s1, s4;
	[dreg:$0x8] =	wrdreg s0;
	v2 =	vsel vm6, $0x3000, v2;
	vm6 =	vcmask $0x2F2C;
	v1 =	vsel vm4, $0x1080, v1  }
0xf: {  	s3 =	ssub.s32 $0x2, s3;
	s26 =	sadd.s32 $0x2800, s2;
	[dreg:$0x9] =	wrdreg s25;
	v2 =	vsel vm4, $0x3080, v2;
	vm4 =	vcmask $0x3330;
	v1 =	vsel vm5, $0x1100, v1  }
.Ltmp0:
0x10: {  	s28 =	sadd.s32 $0x12800, s2;
	[dreg:$0xa] =	wrdreg s26;
	v2 =	vsel vm5, $0x3100, v2;
	vm5 =	vcmask $0x3734;
	v1 =	vsel vm6, $0x1180, v1;
	(pc) =	sbr.rel .LBB2_1-.Ltmp0, $4  }
0x11: {  	s24 =	sshrl.u32 s3, $0x1;
	s29 =	sadd.s32 $0x22800, s2;
	[dreg:$0xb] =	wrdreg s28;
	v2 =	vsel vm6, $0x3180, v2;
	vm6 =	vcmask $0x3B38;
	v1 =	vsel vm4, $0x1200, v1  }
0x12: {  	s3 =	ssub.s32 s3, s24;
	s30 =	sadd.s32 $0x2A800, s2;
	[dreg:$0xc] =	wrdreg s29;
	v3 =	vsel vm4, $0x3200, v2;
	v2 =	vor.u32 $0x800, v0;
	vm4 =	vcmask $0xF14  }
0x13: {  	s31 =	smax.u32 s3, $0x1;
	s2 =	simm.s32 $0x0;
	[dreg:$0xd] =	wrdreg s30;
	v1 =	vsel vm5, $0x1280, v1;
	v3 =	vsel vm5, $0x3280, v3;
	vm5 =	vcmask $0x1318  }
0x14: {  	[dreg:$0xe] =	wrdreg s31;
	s26 =	simm.s32 $0xB500;
	s25 =	simm.s32 $0xBD00;
	v1 =	vsel vm6, $0x1300, v1;
	v3 =	vsel vm6, $0x3300, v3;
	vm6 =	vcmask $0x171C  }
.LBB2_4:
0x15: {  	s0 =	rddreg [dreg:$0xa];
	s5 =	simm.s32 $0x1000;
	s6 =	simm.s32 $0x20000  }
0x16: {  	[hbm4b:s0+s5] =	stream.strided.scatter [tilespmem:s1], [sflag:$0x9], $0x4000, s6, s5, $0x38;
	[tilespmem:$0x18500] =	vst v63  }
0x17: {  	s23 =	rddreg [dreg:$0xb]  }
0x18: {  	[hbm4b:s23+s5] =	stream.strided.scatter [tilespmem:s2], [sflag:$0x9], $0x4000, s6, s5, $0x38;
	[tilespmem:$0x18500] =	vst v63  }
0x19: {  	s24 =	rddreg [dreg:$0xc]  }
0x1a: {  	[hbm4b:s24+s5] =	stream.strided.scatter [tilespmem:s3], [sflag:$0x9], $0x2000, s6, s5, $0x38;
	[tilespmem:$0x18500] =	vst v63  }
0x1b: {  	s28 =	rddreg [dreg:$0xd];
	s29 =	simm.s32 $0x9  }
0x1c: {  	[hbm4b:s28+s5] =	stream.strided.scatter [tilespmem:s4], [sflag:$0x9], $0x2000, s6, s5, $0x38;
	[tilespmem:$0x18500] =	vst v63  }
0x1d: {  	_ =	swait.ge [sflag:s29], $0x4000  }
0x1e: {  	[sflag:s29] =	ssyncset.done $0x0  }
0x1f: {  	[sflag:s29] =	ssyncadd.s32 $0xFFFFC000  }
0x20: {  	_ =	swait.ge [sflag:s29], $0x4000  }
0x21: {  	[sflag:s29] =	ssyncset.done $0x0  }
0x22: {  	[sflag:s29] =	ssyncadd.s32 $0xFFFFC000  }
0x23: {  	_ =	swait.ge [sflag:s29], $0x2000  }
0x24: {  	[sflag:s29] =	ssyncset.done $0x0  }
0x25: {  	[sflag:s29] =	ssyncadd.s32 $0xFFFFE000  }
0x26: {  	_ =	swait.ge [sflag:s29], $0x2000  }
0x27: {  	s30 =	rddreg [dreg:$0xf]  }
0x28: {  	s31 =	rddreg [dreg:$0xe];
	s2 =	sadd.s32 $0x1, s30  }
0x29: {  	p0 =	sne.s32 s2, s31  }
.Ltmp1:
0x2a: {  	_ = 	snop;
	(pc) =	sbr.rel @!p0 .LBB2_5-.Ltmp1, $3  }
0x2b: {  	_ =	sdelay $0x1  }
0x2c: {  	[sflag:s29] =	ssyncset.done $0x0  }
0x2d: {  	s16 =	simm.s32 $0x7A1400;
	s22 =	simm.s32 $0x400;
	[sflag:s29] =	ssyncadd.s32 $0xFFFFE000  }
.LBB2_1:
0x2e: {  	[dreg:$0xf] =	wrdreg s2  }
0x2f: {  	s0 =	simm.s32 $0x0;
	s1 =	rddreg [dreg:$0x8];
	s3 =	simm.s32 $0xA  }
0x30: {  	[tilespmem:s0], [sflag:$0xA] =	stream.linear.gather [hbm4b:s1+s0], $0x200, $0x38;
	[tilespmem:$0x18500] =	vst v63  }
0x31: {  	_ =	swait.ge [sflag:s3], $0x200  }
0x32: {  	[sflag:s3] =	ssyncset.done $0x0  }
0x33: {  	s9 =	simm.s32 $0x280;
	s4 =	rddreg [dreg:$0x9];
	[sflag:s3] =	ssyncadd.s32 $0xFFFFFE00  }
0x34: {  	[tilespmem:s9], [sflag:$0xA] =	stream.linear.gather [hbm4b:s4+s0], $0x200, $0x38;
	[tilespmem:$0x18500] =	vst v63  }
0x35: {  	_ =	swait.ge [sflag:s3], $0x200  }
0x36: {  	[sflag:s3] =	ssyncset.done $0x0  }
0x37: {  	[sflag:s3] =	ssyncadd.s32 $0xFFFFFE00  }
0x38: {  	v4 =	vld [tilespmem:$0x0]  }
0x39: {  	v5 =	vld [tilespmem:$0x280];
	_ =	sdelay $0x3  }
0x3a: {  	v6 =	vnsel vm0, $0x0, v4  }
0x3b: {  	v55 =	vnsel vm0, $0x0, v5;
	(xrf0) =	vadd.scan.msk.s32 $0xffff, v6  }
0x3c: {  	(xrf0) =	vadd.scan.msk.s32 $0xffff, v55;
	_ =	sdelay $0x3  }
0x3d: {  	v7 =	vsel vm1, $0x0, v4  }
0x3e: {  	v56, _, _ =	vpop (xrf0);
	(xrf0) =	vadd.scan.msk.s32 $0xffff, v7  }
0x3f: {  	v58 =	vsel vm1, $0x0, v5;
	(v2sf) =	vpush v56, $0xF;
	v57, _, _ =	vpop (xrf0)  }
0x40: {  	(xrf0) =	vadd.scan.msk.s32 $0xffff, v58;
	(v2sf) =	vpush v57, $0xF;
	_ =	sdelay $0x3  }
0x41: {  	v59, _, _ =	vpop (xrf0)  }
0x42: {  	(v2sf) =	vpush v59, $0xF  }
0x43: {  	v60 =	vsel vm2, $0x0, v4;
	v61, _, _ =	vpop (xrf0)  }
0x44: {  	v62 =	vsel vm2, $0x0, v5;
	(xrf0) =	vadd.scan.msk.s32 $0xffff, v60;
	(v2sf) =	vpush v61, $0xF  }
0x45: {  	(xrf0) =	vadd.scan.msk.s32 $0xffff, v62;
	_ =	sdelay $0x2  }
0x46: {  	v4 =	vsel vm3, $0x0, v4;
	_ =	sdelay $0x1  }
0x47: {  	v63, _, _ =	vpop (xrf0);
	(xrf0) =	vadd.scan.msk.s32 $0xffff, v4  }
0x48: {  	v4, _, _ =	vpop (xrf0);
	s5 =	spop (v2sf);
	(v2sf) =	vpush v63, $0xF  }
0x49: {  	s0 =	sshrl.u32 s5, $0x7;
	s6 =	spop (v2sf);
	(v2sf) =	vpush v4, $0xF;
	v4 =	vsel vm3, $0x0, v5  }
0x4a: {  	s0 =	smin.u32 s0, $0x1E83;
	s1 =	sshrl.u32 s6, $0x7;
	(xrf0) =	vadd.scan.msk.s32 $0xffff, v4  }
0x4b: {  	s0 =	sshll.u32 s0, $0x7;
	s1 =	smin.u32 s1, $0x1E83  }
0x4c: {  	s3 =	simm.s32 $0x500;
	s17 =	sadd.s32 s20, s0;
	s1 =	sshll.u32 s1, $0x7  }
0x4d: {  	v4, _, _ =	vpop (xrf0);
	[tilespmem:s3], [sflag:$0x1] =	stream.strided.gather [hbm4b:s17+s22], $0x1000, s16, s22, $0x38;
	[tilespmem:$0x18500] =	vst v63  }
0x4e: {  	s23 =	simm.s32 $0x4500;
	s18 =	sadd.s32 s21, s1;
	s24 =	spop (v2sf);
	(v2sf) =	vpush v4, $0xF  }
0x4f: {  	[tilespmem:s23], [sflag:$0x1] =	stream.strided.gather [hbm4b:s18+s22], $0x1000, s16, s22, $0x38;
	[tilespmem:$0x18500] =	vst v63  }
0x50: {  	s2 =	sshrl.u32 s24, $0x7;
	s28 =	spop (v2sf);
	v4, _, _ =	vpop (xrf0)  }
0x51: {  	s2 =	smin.u32 s2, $0x1E83;
	s3 =	sshrl.u32 s28, $0x7;
	(v2sf) =	vpush v4, $0xF  }
0x52: {  	s2 =	sshll.u32 s2, $0x7;
	s3 =	smin.u32 s3, $0x1E83  }
0x53: {  	s5 =	simm.s32 $0x1500;
	s4 =	sadd.s32 s20, s2;
	s3 =	sshll.u32 s3, $0x7  }
0x54: {  	[tilespmem:s5], [sflag:$0x2] =	stream.strided.gather [hbm4b:s4+s22], $0x1000, s16, s22, $0x38;
	[tilespmem:$0x18500] =	vst v63  }
0x55: {  	s30 =	simm.s32 $0x5500;
	s6 =	sadd.s32 s21, s3  }
0x56: {  	[tilespmem:s30], [sflag:$0x2] =	stream.strided.gather [hbm4b:s6+s22], $0x1000, s16, s22, $0x38;
	[tilespmem:$0x18500] =	vst v63  }
0x57: {  	s29 =	spop (v2sf)  }
0x58: {  	s4 =	sshrl.u32 s29, $0x7;
	s5 =	spop (v2sf)  }
0x59: {  	s4 =	smin.u32 s4, $0x1E83;
	s6 =	sshrl.u32 s5, $0x7  }
0x5a: {  	s4 =	sshll.u32 s4, $0x7;
	s6 =	smin.u32 s6, $0x1E83  }
0x5b: {  	s17 =	sadd.s32 s20, s4;
	s6 =	sshll.u32 s6, $0x7  }
0x5c: {  	[tilespmem:s12], [sflag:$0x3] =	stream.strided.gather [hbm4b:s17+s22], $0x1000, s16, s22, $0x38;
	[tilespmem:$0x18500] =	vst v63  }
0x5d: {  	s18 =	sadd.s32 s21, s6;
	s12 =	spop (v2sf)  }
0x5e: {  	[tilespmem:s19], [sflag:$0x3] =	stream.strided.gather [hbm4b:s18+s22], $0x1000, s16, s22, $0x38;
	[tilespmem:$0x18500] =	vst v63  }
0x5f: {  	s17 =	sshrl.u32 s12, $0x7  }
0x60: {  	s17 =	smin.u32 s17, $0x1E83;
	s19 =	spop (v2sf)  }
0x61: {  	s17 =	sshll.u32 s17, $0x7;
	s18 =	sshrl.u32 s19, $0x7  }
0x62: {  	s23 =	sadd.s32 s20, s17;
	s18 =	smin.u32 s18, $0x1E83  }
0x63: {  	[tilespmem:s10], [sflag:$0x4] =	stream.strided.gather [hbm4b:s23+s22], $0x1000, s16, s22, $0x38;
	[tilespmem:$0x18500] =	vst v63  }
0x64: {  	s18 =	sshll.u32 s18, $0x7  }
0x65: {  	s24 =	sadd.s32 s21, s18  }
0x66: {  	[tilespmem:s8], [sflag:$0x4] =	stream.strided.gather [hbm4b:s24+s22], $0x1000, s16, s22, $0x38;
	[tilespmem:$0x18500] =	vst v63  }
0x67: {  	s0 =	sadd.s32 s7, s0;
	s28 =	simm.s32 $0x8500  }
0x68: {  	[tilespmem:s28], [sflag:$0x5] =	stream.strided.gather [hbm4b:s0+s22], $0x800, s16, s22, $0x38;
	[tilespmem:$0x18500] =	vst v63  }
0x69: {  	s30 =	simm.s32 $0xA500;
	s29 =	sadd.s32 s11, s1  }
0x6a: {  	[tilespmem:s30], [sflag:$0x5] =	stream.strided.gather [hbm4b:s29+s22], $0x800, s16, s22, $0x38;
	[tilespmem:$0x18500] =	vst v63  }
0x6b: {  	s5 =	sadd.s32 s7, s2;
	s12 =	simm.s32 $0x8D00  }
0x6c: {  	[tilespmem:s12], [sflag:$0x6] =	stream.strided.gather [hbm4b:s5+s22], $0x800, s16, s22, $0x38;
	[tilespmem:$0x18500] =	vst v63  }
0x6d: {  	s19 =	sadd.s32 s11, s3;
	s23 =	simm.s32 $0xAD00  }
0x6e: {  	[tilespmem:s23], [sflag:$0x6] =	stream.strided.gather [hbm4b:s19+s22], $0x800, s16, s22, $0x38;
	[tilespmem:$0x18500] =	vst v63  }
0x6f: {  	s24 =	sadd.s32 s7, s4  }
0x70: {  	[tilespmem:s14], [sflag:$0x7] =	stream.strided.gather [hbm4b:s24+s22], $0x800, s16, s22, $0x38;
	[tilespmem:$0x18500] =	vst v63  }
0x71: {  	s28 =	sadd.s32 s11, s6  }
0x72: {  	[tilespmem:s26], [sflag:$0x7] =	stream.strided.gather [hbm4b:s28+s22], $0x800, s16, s22, $0x38;
	[tilespmem:$0x18500] =	vst v63  }
0x73: {  	s29 =	sadd.s32 s7, s17  }
0x74: {  	[tilespmem:s13], [sflag:$0x8] =	stream.strided.gather [hbm4b:s29+s22], $0x800, s16, s22, $0x38;
	[tilespmem:$0x18500] =	vst v63  }
0x75: {  	s31 =	simm.s32 $0x7;
	s0 =	simm.s32 $0x0;
	s30 =	sadd.s32 s11, s18  }
0x76: {  	[tilespmem:s25], [sflag:$0x8] =	stream.strided.gather [hbm4b:s30+s22], $0x800, s16, s22, $0x38;
	[tilespmem:$0x18500] =	vst v63  }
.LBB2_2:
0x77: {  	[dreg:$0x11] =	wrdreg s0  }
0x78: {  	v5 =	vld [tilespmem:s0+$0x0];
	[dreg:$0x10] =	wrdreg s9;
	s26 =	simm.s32 $0x1  }
0x79: {  	v4 =	vld [tilespmem:s9+$0x0];
	_ =	swait.ge [sflag:s26], $0x1000  }
0x7a: {  	[sflag:s26] =	ssyncset.done $0x0  }
0x7b: {  	[sflag:s26] =	ssyncadd.s32 $0xFFFFF000  }
0x7c: {  	_ =	swait.ge [sflag:s26], $0x1000  }
0x7d: {  	[sflag:s26] =	ssyncset.done $0x0  }
0x7e: {  	s28 =	simm.s32 $0x5;
	[sflag:s26] =	ssyncadd.s32 $0xFFFFF000  }
0x7f: {  	_ =	swait.ge [sflag:s28], $0x800  }
0x80: {  	[sflag:s28] =	ssyncset.done $0x0  }
0x81: {  	[sflag:s28] =	ssyncadd.s32 $0xFFFFF800  }
0x82: {  	v6 =	vnsel vm0, $0x0, v5;
	_ =	swait.ge [sflag:s28], $0x800  }
0x83: {  	(xrf0) =	vadd.scan.msk.s32 $0xffff, v6;
	_ =	sdelay $0x4  }
0x84: {  	v6 =	vnsel vm0, $0x0, v4  }
0x85: {  	(xrf0) =	vadd.scan.msk.s32 $0xffff, v6;
	v7, _, _ =	vpop (xrf0)  }
0x86: {  	(v2sf) =	vpush v7, $0xF;
	_ =	sdelay $0x4  }
0x87: {  	v6, _, _ =	vpop (xrf0)  }
0x88: {  	(v2sf) =	vpush v6, $0xF;
	_ =	sdelay $0x8  }
0x89: {  	s5 =	spop (v2sf)  }
0x8a: {  	s1 =	sshrl.u32 s5, $0x7  }
0x8b: {  	s1 =	smin.u32 s1, $0x1E83  }
0x8c: {  	s1 =	sshll.u32 s1, $0x7  }
0x8d: {  	s0 =	ssub.s32 s5, s1  }
0x8e: {  	p0 =	slt.s32 s0, $0x7F  }
0x8f: {  	s6 =	spop (v2sf);
	s0 =	simm.s32 @!p0 $0x7F  }
0x90: {  	s2 =	sadd.s32 $0xFFFFFFF9, s31;
	s3 =	sshrl.u32 s6, $0x7;
	v6 =	vadd.s32 s0, v0  }
0x91: {  	v7 =	vmov s2;
	s3 =	smin.u32 s3, $0x1E83  }
0x92: {  	v8 =	vshll.u32 v7, $0x3;
	s9 =	sshll.u32 s3, $0x7  }
0x93: {  	[sflag:s28] =	ssyncset.done $0x0;
	v7 =	vand.u32 $0x78, v7;
	v8 =	vand.u32 $0xC00, v8;
	s1 =	ssub.s32 s6, s9  }
0x94: {  	s12 =	simm.s32 $0x500;
	[sflag:s28] =	ssyncadd.s32 $0xFFFFF800;
	v7 =	vor.u32 v7, v8;
	p0 =	slt.s32 s1, $0x7F  }
0x95: {  	v9 =	vor.u32 v1, v7;
	s1 =	simm.s32 @!p0 $0x7F;
	v53 =	vld.idx.msk [tilespmem:v6+s12+$0x0], $0xffff  }
0x96: {  	v10 =	vadd.s32 s1, v0;
	_ =	sdelay $0x2  }
0x97: {  	s25 =	simm.s32 $0xC500  }
0x98: {  	s14 =	simm.s32 $0x4500;
	[tilespmem:v9+s25+$0x0] =	vst.idx.msk $0xffff, v53  }
0x99: {  	v8 =	vld.idx.msk [tilespmem:v10+s14+$0x0], $0xffff  }
0x9a: {  	v11 =	vadd.s32 s0, v2  }
0x9b: {  	v12 =	vsel vm4, $0x0, v5  }
0x9c: {  	v54 =	vsel vm4, $0x0, v4;
	(xrf0) =	vadd.scan.msk.s32 $0xffff, v12  }
0x9d: {  	(xrf0) =	vadd.scan.msk.s32 $0xffff, v54  }
0x9e: {  	s13 =	simm.s32 $0x500;
	[tilespmem:v9+s15+$0x0] =	vst.idx.msk $0xffff, v8  }
0x9f: {  	v7 =	vor.u32 v3, v7;
	v8 =	vld.idx.msk [tilespmem:v11+s13+$0x0], $0xffff  }
0xa0: {  	v55 =	vadd.s32 s1, v2;
	_ =	sdelay $0x1  }
0xa1: {  	v56, _, _ =	vpop (xrf0)  }
0xa2: {  	v57, _, _ =	vpop (xrf0);
	(v2sf) =	vpush v56, $0xF  }
0xa3: {  	s17 =	simm.s32 $0x4500;
	(v2sf) =	vpush v57, $0xF;
	[tilespmem:v7+s25+$0x0] =	vst.idx.msk $0xffff, v8  }
0xa4: {  	v11 =	vld.idx.msk [tilespmem:v55+s17+$0x0], $0xffff;
	_ =	sdelay $0x4  }
0xa5: {  	s24 =	simm.s32 $0x8500;
	[tilespmem:v7+s15+$0x0] =	vst.idx.msk $0xffff, v11  }
0xa6: {  	v6 =	vld.idx.msk [tilespmem:v6+s24+$0x0], $0xffff;
	_ =	sdelay $0x3  }
0xa7: {  	s29 =	simm.s32 $0x14500  }
0xa8: {  	s30 =	simm.s32 $0xA500;
	[tilespmem:v9+s29+$0x0] =	vst.idx.msk $0xffff, v6  }
0xa9: {  	v6 =	vld.idx.msk [tilespmem:v10+s30+$0x0], $0xffff  }
0xaa: {  	s18 =	spop (v2sf)  }
0xab: {  	s1 =	sshrl.u32 s18, $0x7;
	s2 =	spop (v2sf)  }
0xac: {  	s0 =	smin.u32 s1, $0x1E83;
	s6 =	sshrl.u32 s2, $0x7  }
0xad: {  	s9 =	simm.s32 $0x16500;
	s19 =	sshll.u32 s0, $0x7;
	s0 =	smin.u32 s6, $0x1E83  }
0xae: {  	s5 =	simm.s32 $0x500;
	s6 =	sshll.u32 s0, $0x7;
	s13 =	sadd.s32 s20, s19;
	[tilespmem:v9+s9+$0x0] =	vst.idx.msk $0xffff, v6  }
0xaf: {  	[tilespmem:s5], [sflag:$0x1] =	stream.strided.gather [hbm4b:s13+s22], $0x1000, s16, s22, $0x38;
	[tilespmem:$0x18500] =	vst v63  }
0xb0: {  	s0 =	sadd.s32 s21, s6  }
0xb1: {  	[tilespmem:s17], [sflag:$0x1] =	stream.strided.gather [hbm4b:s0+s22], $0x1000, s16, s22, $0x38;
	[tilespmem:$0x18500] =	vst v63  }
0xb2: {  	s4 =	simm.s32 $0x8500;
	s14 =	sadd.s32 s7, s19  }
0xb3: {  	[tilespmem:s4], [sflag:$0x5] =	stream.strided.gather [hbm4b:s14+s22], $0x800, s16, s22, $0x38;
	[tilespmem:$0x18500] =	vst v63  }
0xb4: {  	s12 =	simm.s32 $0xA500;
	s17 =	sadd.s32 s11, s6  }
0xb5: {  	[tilespmem:s12], [sflag:$0x5] =	stream.strided.gather [hbm4b:s17+s22], $0x800, s16, s22, $0x38;
	[tilespmem:$0x18500] =	vst v63  }
0xb6: {  	[dreg:$0x12] =	wrdreg s2;
	s12 =	simm.s32 $0x2  }
0xb7: {  	_ =	swait.ge [sflag:s12], $0x1000  }
0xb8: {  	[sflag:s12] =	ssyncset.done $0x0  }
0xb9: {  	[sflag:s12] =	ssyncadd.s32 $0xFFFFF000  }
0xba: {  	_ =	swait.ge [sflag:s12], $0x1000  }
0xbb: {  	[sflag:s12] =	ssyncset.done $0x0  }
0xbc: {  	s29 =	simm.s32 $0x6;
	[sflag:s12] =	ssyncadd.s32 $0xFFFFF000  }
0xbd: {  	_ =	swait.ge [sflag:s29], $0x800  }
0xbe: {  	[sflag:s29] =	ssyncset.done $0x0  }
0xbf: {  	[sflag:s29] =	ssyncadd.s32 $0xFFFFF800  }
0xc0: {  	v6 =	vsel vm1, $0x0, v5;
	_ =	swait.ge [sflag:s29], $0x800  }
0xc1: {  	(xrf0) =	vadd.scan.msk.s32 $0xffff, v6;
	_ =	sdelay $0x4  }
0xc2: {  	v6 =	vsel vm1, $0x0, v4  }
0xc3: {  	v7, _, _ =	vpop (xrf0);
	(xrf0) =	vadd.scan.msk.s32 $0xffff, v6  }
0xc4: {  	(v2sf) =	vpush v7, $0xF;
	_ =	sdelay $0x4  }
0xc5: {  	v6, _, _ =	vpop (xrf0)  }
0xc6: {  	(v2sf) =	vpush v6, $0xF;
	_ =	sdelay $0x8  }
0xc7: {  	s24 =	spop (v2sf)  }
0xc8: {  	s30 =	sshrl.u32 s24, $0x7  }
0xc9: {  	s2 =	smin.u32 s30, $0x1E83  }
0xca: {  	s2 =	sshll.u32 s2, $0x7  }
0xcb: {  	s0 =	ssub.s32 s24, s2  }
0xcc: {  	p0 =	slt.s32 s0, $0x7F  }
0xcd: {  	s1 =	spop (v2sf);
	s0 =	simm.s32 @!p0 $0x7F  }
0xce: {  	s13 =	smov.u32 s11;
	s5 =	sadd.s32 $0xFFFFFFFA, s31;
	s11 =	sshrl.u32 s1, $0x7;
	v6 =	vadd.s32 s0, v0  }
0xcf: {  	v7 =	vmov s5;
	s4 =	smin.u32 s11, $0x1E83  }
0xd0: {  	v58 =	vshll.u32 v7, $0x3;
	s14 =	sshll.u32 s4, $0x7  }
0xd1: {  	[sflag:s29] =	ssyncset.done $0x0;
	v7 =	vand.u32 $0x79, v7;
	v8 =	vand.u32 $0xC00, v58;
	s2 =	ssub.s32 s1, s14  }
0xd2: {  	s17 =	simm.s32 $0x1500;
	[sflag:s29] =	ssyncadd.s32 $0xFFFFF800;
	v7 =	vor.u32 v7, v8;
	p0 =	slt.s32 s2, $0x7F  }
0xd3: {  	v60 =	vor.u32 v1, v7;
	s2 =	simm.s32 @!p0 $0x7F;
	v59 =	vld.idx.msk [tilespmem:v6+s17+$0x0], $0xffff  }
0xd4: {  	v61 =	vadd.s32 s2, v0;
	_ =	sdelay $0x3  }
0xd5: {  	s30 =	simm.s32 $0x5500;
	[tilespmem:v60+s25+$0x0] =	vst.idx.msk $0xffff, v59  }
0xd6: {  	v8 =	vld.idx.msk [tilespmem:v61+s30+$0x0], $0xffff  }
0xd7: {  	v62 =	vadd.s32 s0, v2  }
0xd8: {  	v63 =	vsel vm5, $0x0, v5  }
0xd9: {  	v16 =	vsel vm5, $0x0, v4;
	(xrf0) =	vadd.scan.msk.s32 $0xffff, v63  }
0xda: {  	(xrf0) =	vadd.scan.msk.s32 $0xffff, v16  }
0xdb: {  	s24 =	simm.s32 $0x1500;
	[tilespmem:v60+s15+$0x0] =	vst.idx.msk $0xffff, v8  }
0xdc: {  	v7 =	vor.u32 v3, v7;
	v8 =	vld.idx.msk [tilespmem:v62+s24+$0x0], $0xffff  }
0xdd: {  	v17 =	vadd.s32 s2, v2;
	_ =	sdelay $0x1  }
0xde: {  	v18, _, _ =	vpop (xrf0)  }
0xdf: {  	v19, _, _ =	vpop (xrf0);
	(v2sf) =	vpush v18, $0xF  }
0xe0: {  	(v2sf) =	vpush v19, $0xF;
	s1 =	simm.s32 $0x5500;
	[tilespmem:v7+s25+$0x0] =	vst.idx.msk $0xffff, v8  }
0xe1: {  	v11 =	vld.idx.msk [tilespmem:v17+s1+$0x0], $0xffff;
	_ =	sdelay $0x4  }
0xe2: {  	s2 =	simm.s32 $0x8D00;
	[tilespmem:v7+s15+$0x0] =	vst.idx.msk $0xffff, v11  }
0xe3: {  	v6 =	vld.idx.msk [tilespmem:v6+s2+$0x0], $0xffff;
	_ =	sdelay $0x3  }
0xe4: {  	s23 =	simm.s32 $0x14500  }
0xe5: {  	s3 =	simm.s32 $0xAD00;
	[tilespmem:v60+s23+$0x0] =	vst.idx.msk $0xffff, v6  }
0xe6: {  	v6 =	vld.idx.msk [tilespmem:v61+s3+$0x0], $0xffff  }
0xe7: {  	s17 =	spop (v2sf)  }
0xe8: {  	s0 =	sshrl.u32 s17, $0x7;
	s24 =	spop (v2sf)  }
0xe9: {  	s9 =	simm.s32 $0x16500;
	s0 =	smin.u32 s0, $0x1E83;
	s30 =	sshrl.u32 s24, $0x7  }
0xea: {  	[dreg:$0x14] =	wrdreg s17;
	s17 =	sshll.u32 s0, $0x7;
	s0 =	smin.u32 s30, $0x1E83  }
0xeb: {  	s5 =	simm.s32 $0x1500;
	s1 =	sadd.s32 s20, s17;
	s2 =	sshll.u32 s0, $0x7;
	[tilespmem:v60+s9+$0x0] =	vst.idx.msk $0xffff, v6  }
0xec: {  	[tilespmem:s5], [sflag:$0x2] =	stream.strided.gather [hbm4b:s1+s22], $0x1000, s16, s22, $0x38;
	[tilespmem:$0x18500] =	vst v63  }
0xed: {  	s4 =	simm.s32 $0x5500;
	s0 =	sadd.s32 s21, s2  }
0xee: {  	[tilespmem:s4], [sflag:$0x2] =	stream.strided.gather [hbm4b:s0+s22], $0x1000, s16, s22, $0x38;
	[tilespmem:$0x18500] =	vst v63  }
0xef: {  	s11 =	simm.s32 $0x8D00;
	s5 =	sadd.s32 s7, s17  }
0xf0: {  	[tilespmem:s11], [sflag:$0x6] =	stream.strided.gather [hbm4b:s5+s22], $0x800, s16, s22, $0x38;
	[tilespmem:$0x18500] =	vst v63  }
0xf1: {  	s14 =	simm.s32 $0xAD00;
	[dreg:$0x13] =	wrdreg s24;
	s9 =	sadd.s32 s13, s2  }
0xf2: {  	[tilespmem:s14], [sflag:$0x6] =	stream.strided.gather [hbm4b:s9+s22], $0x800, s16, s22, $0x38;
	[tilespmem:$0x18500] =	vst v63  }
0xf3: {  	[dreg:$0x15] =	wrdreg s2;
	s14 =	simm.s32 $0x3  }
0xf4: {  	_ =	swait.ge [sflag:s14], $0x1000  }
0xf5: {  	[sflag:s14] =	ssyncset.done $0x0  }
0xf6: {  	[sflag:s14] =	ssyncadd.s32 $0xFFFFF000  }
0xf7: {  	_ =	swait.ge [sflag:s14], $0x1000  }
0xf8: {  	[sflag:s14] =	ssyncset.done $0x0  }
0xf9: {  	s22 =	simm.s32 $0x7;
	[sflag:s14] =	ssyncadd.s32 $0xFFFFF000  }
0xfa: {  	_ =	swait.ge [sflag:s22], $0x800  }
0xfb: {  	[sflag:s22] =	ssyncset.done $0x0  }
0xfc: {  	[sflag:s22] =	ssyncadd.s32 $0xFFFFF800  }
0xfd: {  	v6 =	vsel vm2, $0x0, v5;
	_ =	swait.ge [sflag:s22], $0x800  }
0xfe: {  	(xrf0) =	vadd.scan.msk.s32 $0xffff, v6;
	_ =	sdelay $0x4  }
0xff: {  	v6 =	vsel vm2, $0x0, v4  }
0x100: {  	v7, _, _ =	vpop (xrf0);
	(xrf0) =	vadd.scan.msk.s32 $0xffff, v6  }
0x101: {  	(v2sf) =	vpush v7, $0xF;
	_ =	sdelay $0x4  }
0x102: {  	v6, _, _ =	vpop (xrf0)  }
0x103: {  	(v2sf) =	vpush v6, $0xF;
	_ =	sdelay $0x8  }
0x104: {  	s11 =	spop (v2sf)  }
0x105: {  	s16 =	sshrl.u32 s11, $0x7  }
0x106: {  	s2 =	smin.u32 s16, $0x1E83  }
0x107: {  	s2 =	sshll.u32 s2, $0x7  }
0x108: {  	s0 =	ssub.s32 s11, s2  }
0x109: {  	p0 =	slt.s32 s0, $0x7F  }
0x10a: {  	s30 =	spop (v2sf);
	s0 =	simm.s32 @!p0 $0x7F  }
0x10b: {  	s1 =	sadd.s32 $0xFFFFFFFB, s31;
	s11 =	sshrl.u32 s30, $0x7;
	v6 =	vadd.s32 s0, v0  }
0x10c: {  	v7 =	vmov s1;
	s4 =	smin.u32 s11, $0x1E83  }
0x10d: {  	v20 =	vshll.u32 v7, $0x3;
	s16 =	sshll.u32 s4, $0x7  }
0x10e: {  	[sflag:s22] =	ssyncset.done $0x0;
	v7 =	vand.u32 $0x7A, v7;
	v8 =	vand.u32 $0xC00, v20;
	s2 =	ssub.s32 s30, s16  }
0x10f: {  	[sflag:s22] =	ssyncadd.s32 $0xFFFFF800;
	v7 =	vor.u32 v7, v8;
	s30 =	simm.s32 $0x2500;
	p0 =	slt.s32 s2, $0x7F  }
0x110: {  	v22 =	vor.u32 v1, v7;
	s2 =	simm.s32 @!p0 $0x7F;
	v21 =	vld.idx.msk [tilespmem:v6+s30+$0x0], $0xffff  }
0x111: {  	v23 =	vadd.s32 s2, v0;
	_ =	sdelay $0x3  }
0x112: {  	s11 =	simm.s32 $0x6500;
	[tilespmem:v22+s25+$0x0] =	vst.idx.msk $0xffff, v21  }
0x113: {  	v8 =	vld.idx.msk [tilespmem:v23+s11+$0x0], $0xffff  }
0x114: {  	v24 =	vadd.s32 s0, v2  }
0x115: {  	v25 =	vsel vm6, $0x0, v5  }
0x116: {  	v26 =	vsel vm6, $0x0, v4;
	(xrf0) =	vadd.scan.msk.s32 $0xffff, v25  }
0x117: {  	(xrf0) =	vadd.scan.msk.s32 $0xffff, v26  }
0x118: {  	s1 =	simm.s32 $0x2500;
	[tilespmem:v22+s15+$0x0] =	vst.idx.msk $0xffff, v8  }
0x119: {  	v7 =	vor.u32 v3, v7;
	v8 =	vld.idx.msk [tilespmem:v24+s1+$0x0], $0xffff  }
0x11a: {  	v27 =	vadd.s32 s2, v2;
	_ =	sdelay $0x1  }
0x11b: {  	v28, _, _ =	vpop (xrf0)  }
0x11c: {  	v29, _, _ =	vpop (xrf0);
	(v2sf) =	vpush v28, $0xF  }
0x11d: {  	(v2sf) =	vpush v29, $0xF;
	s16 =	simm.s32 $0x6500;
	[tilespmem:v7+s25+$0x0] =	vst.idx.msk $0xffff, v8  }
0x11e: {  	v11 =	vld.idx.msk [tilespmem:v27+s16+$0x0], $0xffff;
	_ =	sdelay $0x4  }
0x11f: {  	s30 =	simm.s32 $0x9500;
	[tilespmem:v7+s15+$0x0] =	vst.idx.msk $0xffff, v11  }
0x120: {  	v6 =	vld.idx.msk [tilespmem:v6+s30+$0x0], $0xffff;
	_ =	sdelay $0x4  }
0x121: {  	s1 =	simm.s32 $0xB500;
	[tilespmem:v22+s23+$0x0] =	vst.idx.msk $0xffff, v6  }
0x122: {  	v6 =	vld.idx.msk [tilespmem:v23+s1+$0x0], $0xffff  }
0x123: {  	s24 =	simm.s32 $0x16500;
	s2 =	spop (v2sf)  }
0x124: {  	s5 =	simm.s32 $0x400;
	s0 =	sshrl.u32 s2, $0x7;
	s3 =	spop (v2sf)  }
0x125: {  	s9 =	simm.s32 $0x7A1400;
	s0 =	smin.u32 s0, $0x1E83;
	s30 =	sshrl.u32 s3, $0x7  }
0x126: {  	[dreg:$0x17] =	wrdreg s2;
	s2 =	sshll.u32 s0, $0x7;
	s0 =	smin.u32 s30, $0x1E83  }
0x127: {  	s11 =	simm.s32 $0x2500;
	s1 =	sadd.s32 s20, s2;
	[tilespmem:v22+s24+$0x0] =	vst.idx.msk $0xffff, v6;
	s24 =	sshll.u32 s0, $0x7  }
0x128: {  	[tilespmem:s11], [sflag:$0x3] =	stream.strided.gather [hbm4b:s1+s5], $0x1000, s9, s5, $0x38;
	[tilespmem:$0x18500] =	vst v63  }
0x129: {  	s4 =	simm.s32 $0x6500;
	[dreg:$0x16] =	wrdreg s3;
	s0 =	sadd.s32 s21, s24  }
0x12a: {  	[tilespmem:s4], [sflag:$0x3] =	stream.strided.gather [hbm4b:s0+s5], $0x1000, s9, s5, $0x38;
	[tilespmem:$0x18500] =	vst v63  }
0x12b: {  	s16 =	simm.s32 $0x9500;
	s30 =	sadd.s32 s7, s2;
	s23 =	simm.s32 $0xB500  }
0x12c: {  	[tilespmem:s16], [sflag:$0x7] =	stream.strided.gather [hbm4b:s30+s5], $0x800, s9, s5, $0x38;
	[tilespmem:$0x18500] =	vst v63  }
0x12d: {  	[dreg:$0x18] =	wrdreg s24;
	s3 =	sadd.s32 s13, s24;
	s16 =	simm.s32 $0x4  }
0x12e: {  	[tilespmem:s23], [sflag:$0x7] =	stream.strided.gather [hbm4b:s3+s5], $0x800, s9, s5, $0x38;
	[tilespmem:$0x18500] =	vst v63  }
0x12f: {  	_ =	swait.ge [sflag:s16], $0x1000  }
0x130: {  	[sflag:s16] =	ssyncset.done $0x0  }
0x131: {  	[sflag:s16] =	ssyncadd.s32 $0xFFFFF000  }
0x132: {  	_ =	swait.ge [sflag:s16], $0x1000  }
0x133: {  	[sflag:s16] =	ssyncset.done $0x0  }
0x134: {  	s23 =	simm.s32 $0x8;
	[sflag:s16] =	ssyncadd.s32 $0xFFFFF000  }
0x135: {  	_ =	swait.ge [sflag:s23], $0x800  }
0x136: {  	[sflag:s23] =	ssyncset.done $0x0  }
0x137: {  	[sflag:s23] =	ssyncadd.s32 $0xFFFFF800  }
0x138: {  	v6 =	vsel vm3, $0x0, v5;
	_ =	swait.ge [sflag:s23], $0x800  }
0x139: {  	(xrf0) =	vadd.scan.msk.s32 $0xffff, v6;
	_ =	sdelay $0x4  }
0x13a: {  	v6 =	vsel vm3, $0x0, v4  }
0x13b: {  	v7, _, _ =	vpop (xrf0);
	(xrf0) =	vadd.scan.msk.s32 $0xffff, v6  }
0x13c: {  	(v2sf) =	vpush v7, $0xF;
	_ =	sdelay $0x4  }
0x13d: {  	v6, _, _ =	vpop (xrf0)  }
0x13e: {  	(v2sf) =	vpush v6, $0xF;
	_ =	sdelay $0x8  }
0x13f: {  	s4 =	spop (v2sf)  }
0x140: {  	s11 =	sshrl.u32 s4, $0x7  }
0x141: {  	s3 =	smin.u32 s11, $0x1E83  }
0x142: {  	s3 =	sshll.u32 s3, $0x7  }
0x143: {  	s0 =	ssub.s32 s4, s3  }
0x144: {  	p0 =	slt.s32 s0, $0x7F  }
0x145: {  	s24 =	spop (v2sf);
	s0 =	simm.s32 @!p0 $0x7F  }
0x146: {  	s1 =	sadd.s32 $0xFFFFFFFC, s31;
	s30 =	sshrl.u32 s24, $0x7;
	v6 =	vadd.s32 s0, v0  }
0x147: {  	v7 =	vmov s1;
	s30 =	smin.u32 s30, $0x1E83  }
0x148: {  	v30 =	vshll.u32 v7, $0x3;
	s11 =	sshll.u32 s30, $0x7  }
0x149: {  	[sflag:s23] =	ssyncset.done $0x0;
	v7 =	vand.u32 $0x7B, v7;
	v8 =	vand.u32 $0xC00, v30;
	s3 =	ssub.s32 s24, s11  }
0x14a: {  	[sflag:s23] =	ssyncadd.s32 $0xFFFFF800;
	v7 =	vor.u32 v7, v8;
	p0 =	slt.s32 s3, $0x7F  }
0x14b: {  	v32 =	vor.u32 v1, v7;
	s3 =	simm.s32 @!p0 $0x7F;
	v31 =	vld.idx.msk [tilespmem:v6+s10+$0x0], $0xffff  }
0x14c: {  	v33 =	vadd.s32 s3, v0;
	_ =	sdelay $0x3  }
0x14d: {  	[tilespmem:v32+s25+$0x0] =	vst.idx.msk $0xffff, v31  }
0x14e: {  	v8 =	vld.idx.msk [tilespmem:v33+s8+$0x0], $0xffff  }
0x14f: {  	v34 =	vadd.s32 s0, v2  }
0x150: {  	v35 =	vsel vm7, $0x0, v5  }
0x151: {  	v36 =	vsel vm7, $0x0, v4;
	(xrf0) =	vadd.scan.msk.s32 $0xffff, v35  }
0x152: {  	(xrf0) =	vadd.scan.msk.s32 $0xffff, v36  }
0x153: {  	[tilespmem:v32+s15+$0x0] =	vst.idx.msk $0xffff, v8  }
0x154: {  	v7 =	vor.u32 v3, v7;
	v8 =	vld.idx.msk [tilespmem:v34+s10+$0x0], $0xffff  }
0x155: {  	v37 =	vadd.s32 s3, v2;
	_ =	sdelay $0x1  }
0x156: {  	v38, _, _ =	vpop (xrf0)  }
0x157: {  	v39, _, _ =	vpop (xrf0);
	(v2sf) =	vpush v38, $0xF  }
0x158: {  	(v2sf) =	vpush v39, $0xF;
	[tilespmem:v7+s25+$0x0] =	vst.idx.msk $0xffff, v8  }
0x159: {  	v11 =	vld.idx.msk [tilespmem:v37+s8+$0x0], $0xffff;
	_ =	sdelay $0x4  }
0x15a: {  	s24 =	simm.s32 $0x9D00;
	[tilespmem:v7+s15+$0x0] =	vst.idx.msk $0xffff, v11  }
0x15b: {  	v6 =	vld.idx.msk [tilespmem:v6+s24+$0x0], $0xffff;
	_ =	sdelay $0x3  }
0x15c: {  	s11 =	simm.s32 $0x14500  }
0x15d: {  	s30 =	simm.s32 $0xBD00;
	[tilespmem:v32+s11+$0x0] =	vst.idx.msk $0xffff, v6  }
0x15e: {  	v6 =	vld.idx.msk [tilespmem:v33+s30+$0x0], $0xffff  }
0x15f: {  	s4 =	spop (v2sf)  }
0x160: {  	s3 =	sshrl.u32 s4, $0x7;
	s0 =	spop (v2sf)  }
0x161: {  	s8 =	smin.u32 s3, $0x1E83;
	s3 =	sshrl.u32 s0, $0x7  }
0x162: {  	s10 =	simm.s32 $0x16500;
	s3 =	smin.u32 s3, $0x1E83;
	s30 =	sshll.u32 s8, $0x7  }
0x163: {  	s3 =	sshll.u32 s3, $0x7;
	s8 =	simm.s32 $0x3500;
	[tilespmem:v32+s10+$0x0] =	vst.idx.msk $0xffff, v6;
	s10 =	sadd.s32 s20, s30  }
0x164: {  	[tilespmem:s8], [sflag:$0x4] =	stream.strided.gather [hbm4b:s10+s5], $0x1000, s9, s5, $0x38;
	[tilespmem:$0x18500] =	vst v63  }
0x165: {  	s8 =	simm.s32 $0x7500;
	s10 =	sadd.s32 s21, s3  }
0x166: {  	[tilespmem:s8], [sflag:$0x4] =	stream.strided.gather [hbm4b:s10+s5], $0x1000, s9, s5, $0x38;
	[tilespmem:$0x18500] =	vst v63  }
0x167: {  	s1 =	simm.s32 $0x9D00;
	s10 =	sadd.s32 s7, s30  }
0x168: {  	[tilespmem:s1], [sflag:$0x8] =	stream.strided.gather [hbm4b:s10+s5], $0x800, s9, s5, $0x38;
	[tilespmem:$0x18500] =	vst v63  }
0x169: {  	s24 =	simm.s32 $0xBD00;
	s1 =	sadd.s32 s13, s3  }
0x16a: {  	[tilespmem:s24], [sflag:$0x8] =	stream.strided.gather [hbm4b:s1+s5], $0x800, s9, s5, $0x38;
	[tilespmem:$0x18500] =	vst v63  }
0x16b: {  	_ =	swait.ge [sflag:s26], $0x1000  }
0x16c: {  	[sflag:s26] =	ssyncset.done $0x0  }
0x16d: {  	[sflag:s26] =	ssyncadd.s32 $0xFFFFF000  }
0x16e: {  	_ =	swait.ge [sflag:s26], $0x1000  }
0x16f: {  	[sflag:s26] =	ssyncset.done $0x0  }
0x170: {  	s10 =	ssub.s32 s18, s19;
	[sflag:s26] =	ssyncadd.s32 $0xFFFFF000  }
0x171: {  	p0 =	slt.s32 s10, $0x7F;
	_ =	swait.ge [sflag:s28], $0x800  }
0x172: {  	s10 =	simm.s32 @!p0 $0x7F;
	[sflag:s28] =	ssyncset.done $0x0  }
0x173: {  	s1 =	sadd.s32 $0xFFFFFFFD, s31;
	v6 =	vadd.s32 s10, v0;
	[sflag:s28] =	ssyncadd.s32 $0xFFFFF800  }
0x174: {  	v7 =	vmov s1;
	_ =	swait.ge [sflag:s28], $0x800  }
0x175: {  	v40 =	vshll.u32 v7, $0x3;
	s19 =	rddreg [dreg:$0x12]  }
0x176: {  	v7 =	vand.u32 $0x7C, v7;
	v8 =	vand.u32 $0xC00, v40;
	[sflag:s28] =	ssyncset.done $0x0;
	s1 =	ssub.s32 s19, s6  }
0x177: {  	v7 =	vor.u32 v7, v8;
	s26 =	simm.s32 $0x500;
	[sflag:s28] =	ssyncadd.s32 $0xFFFFF800;
	p0 =	slt.s32 s1, $0x7F  }
0x178: {  	v42 =	vor.u32 v1, v7;
	v41 =	vld.idx.msk [tilespmem:v6+s26+$0x0], $0xffff;
	s1 =	simm.s32 @!p0 $0x7F  }
0x179: {  	v43 =	vadd.s32 s1, v0;
	_ =	sdelay $0x3  }
0x17a: {  	s28 =	simm.s32 $0x4500;
	[tilespmem:v42+s25+$0x0] =	vst.idx.msk $0xffff, v41  }
0x17b: {  	p0 =	seq.s32 s31, $0x1FF;
	v8 =	vld.idx.msk [tilespmem:v43+s28+$0x0], $0xffff  }
0x17c: {  	v44 =	vadd.s32 s10, v2;
	vm9 =	vcmask @!p0 $0x1F24  }
0x17d: {  	v12 =	vsel @!p0 vm9, $0x0, v5  }
0x17e: {  	(xrf0) =	vadd.scan.msk.s32 @!p0 $0xffff, v12  }
0x17f: {  	v12 =	vsel @!p0 vm9, $0x0, v4  }
0x180: {  	(xrf0) =	vadd.scan.msk.s32 @!p0 $0xffff, v12;
	[tilespmem:v42+s15+$0x0] =	vst.idx.msk $0xffff, v8  }
0x181: {  	v7 =	vor.u32 v3, v7;
	v8 =	vld.idx.msk [tilespmem:v44+s26+$0x0], $0xffff  }
0x182: {  	v45 =	vadd.s32 s1, v2;
	_ =	sdelay $0x1  }
0x183: {  	v12, _, _ =	vpop @!p0 (xrf0)  }
0x184: {  	(v2sf) =	vpush @!p0 v12, $0xF  }
0x185: {  	v12, _, _ =	vpop @!p0 (xrf0);
	[tilespmem:v7+s25+$0x0] =	vst.idx.msk $0xffff, v8  }
0x186: {  	(v2sf) =	vpush @!p0 v12, $0xF;
	v8 =	vld.idx.msk [tilespmem:v45+s28+$0x0], $0xffff;
	_ =	sdelay $0x4  }
0x187: {  	s6 =	simm.s32 $0x8500;
	[tilespmem:v7+s15+$0x0] =	vst.idx.msk $0xffff, v8  }
0x188: {  	v6 =	vld.idx.msk [tilespmem:v6+s6+$0x0], $0xffff;
	_ =	sdelay $0x4  }
0x189: {  	s10 =	simm.s32 $0xA500;
	[tilespmem:v42+s11+$0x0] =	vst.idx.msk $0xffff, v6  }
0x18a: {  	v6 =	vld.idx.msk [tilespmem:v43+s10+$0x0], $0xffff  }
0x18b: {  	s1 =	spop @!p0 (v2sf)  }
0x18c: {  	s26 =	simm.s32 $0x16500;
	s1 =	sshrl.u32 @!p0 s1, $0x7  }
0x18d: {  	s6 =	spop @!p0 (v2sf);
	s1 =	smin.u32 @!p0 s1, $0x1E83;
	s11 =	simm.s32 @!p0 $0x500  }
0x18e: {  	s10 =	sshll.u32 @!p0 s1, $0x7;
	s1 =	sshrl.u32 @!p0 s6, $0x7;
	s6 =	simm.s32 @!p0 $0x7A1400  }
0x18f: {  	s18 =	smin.u32 @!p0 s1, $0x1E83;
	s19 =	sadd.s32 @!p0 s20, s10;
	s1 =	simm.s32 @!p0 $0x400;
	[tilespmem:v42+s26+$0x0] =	vst.idx.msk $0xffff, v6  }
0x190: {  	[tilespmem:s11], [sflag:$0x1] =	stream.strided.gather @!p0 [hbm4b:s19+s1], $0x1000, s6, s1, $0x38;
	[tilespmem:$0x18500] =	vst v63  }
0x191: {  	s11 =	sshll.u32 @!p0 s18, $0x7  }
0x192: {  	s19 =	simm.s32 @!p0 $0x4500;
	s18 =	sadd.s32 @!p0 s21, s11  }
0x193: {  	[tilespmem:s19], [sflag:$0x1] =	stream.strided.gather @!p0 [hbm4b:s18+s1], $0x1000, s6, s1, $0x38;
	[tilespmem:$0x18500] =	vst v63  }
0x194: {  	s10 =	sadd.s32 @!p0 s7, s10;
	s18 =	simm.s32 @!p0 $0x8500  }
0x195: {  	[tilespmem:s18], [sflag:$0x5] =	stream.strided.gather @!p0 [hbm4b:s10+s1], $0x800, s6, s1, $0x38;
	[tilespmem:$0x18500] =	vst v63  }
0x196: {  	s10 =	sadd.s32 @!p0 s13, s11;
	s11 =	simm.s32 @!p0 $0xA500  }
0x197: {  	[tilespmem:s11], [sflag:$0x5] =	stream.strided.gather @!p0 [hbm4b:s10+s1], $0x800, s6, s1, $0x38;
	[tilespmem:$0x18500] =	vst v63  }
0x198: {  	_ =	swait.ge [sflag:s12], $0x1000  }
0x199: {  	[sflag:s12] =	ssyncset.done $0x0  }
0x19a: {  	[sflag:s12] =	ssyncadd.s32 $0xFFFFF000  }
0x19b: {  	_ =	swait.ge [sflag:s12], $0x1000  }
0x19c: {  	[sflag:s12] =	ssyncset.done $0x0  }
0x19d: {  	s11 =	rddreg [dreg:$0x14];
	[sflag:s12] =	ssyncadd.s32 $0xFFFFF000  }
0x19e: {  	s10 =	ssub.s32 s11, s17;
	_ =	swait.ge [sflag:s29], $0x800  }
0x19f: {  	p1 =	slt.s32 s10, $0x7F;
	[sflag:s29] =	ssyncset.done $0x0  }
0x1a0: {  	s10 =	simm.s32 @!p1 $0x7F;
	[sflag:s29] =	ssyncadd.s32 $0xFFFFF800  }
0x1a1: {  	s12 =	sadd.s32 $0xFFFFFFFE, s31;
	v6 =	vadd.s32 s10, v0;
	_ =	swait.ge [sflag:s29], $0x800  }
0x1a2: {  	v7 =	vmov s12;
	s17 =	rddreg [dreg:$0x13]  }
0x1a3: {  	v46 =	vshll.u32 v7, $0x3;
	s18 =	rddreg [dreg:$0x15]  }
0x1a4: {  	v7 =	vand.u32 $0x7D, v7;
	v8 =	vand.u32 $0xC00, v46;
	[sflag:s29] =	ssyncset.done $0x0;
	s11 =	ssub.s32 s17, s18  }
0x1a5: {  	s19 =	simm.s32 $0x1500;
	v7 =	vor.u32 v7, v8;
	[sflag:s29] =	ssyncadd.s32 $0xFFFFF800;
	p1 =	slt.s32 s11, $0x7F  }
0x1a6: {  	v48 =	vor.u32 v1, v7;
	s11 =	simm.s32 @!p1 $0x7F;
	v47 =	vld.idx.msk [tilespmem:v6+s19+$0x0], $0xffff  }
0x1a7: {  	v49 =	vadd.s32 s11, v0;
	_ =	sdelay $0x3  }
0x1a8: {  	s29 =	simm.s32 $0x5500;
	[tilespmem:v48+s25+$0x0] =	vst.idx.msk $0xffff, v47  }
0x1a9: {  	v8 =	vld.idx.msk [tilespmem:v49+s29+$0x0], $0xffff  }
0x1aa: {  	vm9 =	vcmask @!p0 $0x2328;
	v50 =	vadd.s32 s10, v2  }
0x1ab: {  	v12 =	vsel @!p0 vm9, $0x0, v5  }
0x1ac: {  	(xrf0) =	vadd.scan.msk.s32 @!p0 $0xffff, v12  }
0x1ad: {  	v12 =	vsel @!p0 vm9, $0x0, v4  }
0x1ae: {  	(xrf0) =	vadd.scan.msk.s32 @!p0 $0xffff, v12;
	[tilespmem:v48+s15+$0x0] =	vst.idx.msk $0xffff, v8  }
0x1af: {  	v7 =	vor.u32 v3, v7;
	v8 =	vld.idx.msk [tilespmem:v50+s19+$0x0], $0xffff  }
0x1b0: {  	v51 =	vadd.s32 s11, v2;
	_ =	sdelay $0x1  }
0x1b1: {  	v12, _, _ =	vpop @!p0 (xrf0)  }
0x1b2: {  	(v2sf) =	vpush @!p0 v12, $0xF  }
0x1b3: {  	[tilespmem:v7+s25+$0x0] =	vst.idx.msk $0xffff, v8;
	v8, _, _ =	vpop @!p0 (xrf0)  }
0x1b4: {  	v11 =	vld.idx.msk [tilespmem:v51+s29+$0x0], $0xffff;
	(v2sf) =	vpush @!p0 v8, $0xF;
	_ =	sdelay $0x4  }
0x1b5: {  	s12 =	simm.s32 $0x8D00;
	[tilespmem:v7+s15+$0x0] =	vst.idx.msk $0xffff, v11  }
0x1b6: {  	v6 =	vld.idx.msk [tilespmem:v6+s12+$0x0], $0xffff;
	_ =	sdelay $0x3  }
0x1b7: {  	s28 =	simm.s32 $0x14500  }
0x1b8: {  	s17 =	simm.s32 $0xAD00;
	[tilespmem:v48+s28+$0x0] =	vst.idx.msk $0xffff, v6  }
0x1b9: {  	v6 =	vld.idx.msk [tilespmem:v49+s17+$0x0], $0xffff  }
0x1ba: {  	s10 =	spop @!p0 (v2sf)  }
0x1bb: {  	s10 =	sshrl.u32 @!p0 s10, $0x7  }
0x1bc: {  	s10 =	smin.u32 @!p0 s10, $0x1E83;
	s11 =	spop @!p0 (v2sf)  }
0x1bd: {  	s10 =	sshll.u32 @!p0 s10, $0x7;
	s11 =	sshrl.u32 @!p0 s11, $0x7  }
0x1be: {  	s18 =	simm.s32 @!p0 $0x1500;
	s17 =	sadd.s32 @!p0 s20, s10;
	[tilespmem:v48+s26+$0x0] =	vst.idx.msk $0xffff, v6;
	s11 =	smin.u32 @!p0 s11, $0x1E83  }
0x1bf: {  	[tilespmem:s18], [sflag:$0x2] =	stream.strided.gather @!p0 [hbm4b:s17+s1], $0x1000, s6, s1, $0x38;
	[tilespmem:$0x18500] =	vst v63  }
0x1c0: {  	s11 =	sshll.u32 @!p0 s11, $0x7  }
0x1c1: {  	s18 =	simm.s32 @!p0 $0x5500;
	s17 =	sadd.s32 @!p0 s21, s11  }
0x1c2: {  	[tilespmem:s18], [sflag:$0x2] =	stream.strided.gather @!p0 [hbm4b:s17+s1], $0x1000, s6, s1, $0x38;
	[tilespmem:$0x18500] =	vst v63  }
0x1c3: {  	s10 =	sadd.s32 @!p0 s7, s10;
	s17 =	simm.s32 @!p0 $0x8D00  }
0x1c4: {  	[tilespmem:s17], [sflag:$0x6] =	stream.strided.gather @!p0 [hbm4b:s10+s1], $0x800, s6, s1, $0x38;
	[tilespmem:$0x18500] =	vst v63  }
0x1c5: {  	s10 =	sadd.s32 @!p0 s13, s11;
	s11 =	simm.s32 @!p0 $0xAD00  }
0x1c6: {  	[tilespmem:s11], [sflag:$0x6] =	stream.strided.gather @!p0 [hbm4b:s10+s1], $0x800, s6, s1, $0x38;
	[tilespmem:$0x18500] =	vst v63  }
0x1c7: {  	_ =	swait.ge [sflag:s14], $0x1000  }
0x1c8: {  	[sflag:s14] =	ssyncset.done $0x0  }
0x1c9: {  	[sflag:s14] =	ssyncadd.s32 $0xFFFFF000  }
0x1ca: {  	_ =	swait.ge [sflag:s14], $0x1000  }
0x1cb: {  	[sflag:s14] =	ssyncset.done $0x0  }
0x1cc: {  	s18 =	rddreg [dreg:$0x17];
	[sflag:s14] =	ssyncadd.s32 $0xFFFFF000  }
0x1cd: {  	s2 =	ssub.s32 s18, s2;
	_ =	swait.ge [sflag:s22], $0x800  }
0x1ce: {  	p1 =	slt.s32 s2, $0x7F;
	[sflag:s22] =	ssyncset.done $0x0  }
0x1cf: {  	s2 =	simm.s32 @!p1 $0x7F;
	[sflag:s22] =	ssyncadd.s32 $0xFFFFF800  }
0x1d0: {  	s19 =	sadd.s32 $0xFFFFFFFF, s31;
	v6 =	vadd.s32 s2, v0;
	_ =	swait.ge [sflag:s22], $0x800  }
0x1d1: {  	v7 =	vmov s19;
	s26 =	rddreg [dreg:$0x16]  }
0x1d2: {  	v52 =	vshll.u32 v7, $0x3;
	s28 =	rddreg [dreg:$0x18]  }
0x1d3: {  	v7 =	vand.u32 $0x7E, v7;
	v8 =	vand.u32 $0xC00, v52;
	[sflag:s22] =	ssyncset.done $0x0;
	s10 =	ssub.s32 s26, s28  }
0x1d4: {  	v7 =	vor.u32 v7, v8;
	s11 =	simm.s32 $0x2500;
	[sflag:s22] =	ssyncadd.s32 $0xFFFFF800;
	p1 =	slt.s32 s10, $0x7F  }
0x1d5: {  	v54 =	vor.u32 v1, v7;
	s10 =	simm.s32 @!p1 $0x7F;
	v53 =	vld.idx.msk [tilespmem:v6+s11+$0x0], $0xffff  }
0x1d6: {  	v55 =	vadd.s32 s10, v0;
	_ =	sdelay $0x3  }
0x1d7: {  	s17 =	simm.s32 $0x6500;
	[tilespmem:v54+s25+$0x0] =	vst.idx.msk $0xffff, v53  }
0x1d8: {  	v8 =	vld.idx.msk [tilespmem:v55+s17+$0x0], $0xffff  }
0x1d9: {  	vm9 =	vcmask @!p0 $0x272C;
	v56 =	vadd.s32 s2, v2  }
0x1da: {  	v12 =	vsel @!p0 vm9, $0x0, v5  }
0x1db: {  	(xrf0) =	vadd.scan.msk.s32 @!p0 $0xffff, v12  }
0x1dc: {  	v12 =	vsel @!p0 vm9, $0x0, v4  }
0x1dd: {  	(xrf0) =	vadd.scan.msk.s32 @!p0 $0xffff, v12;
	[tilespmem:v54+s15+$0x0] =	vst.idx.msk $0xffff, v8  }
0x1de: {  	v7 =	vor.u32 v3, v7;
	v8 =	vld.idx.msk [tilespmem:v56+s11+$0x0], $0xffff  }
0x1df: {  	v57 =	vadd.s32 s10, v2;
	_ =	sdelay $0x1  }
0x1e0: {  	v12, _, _ =	vpop @!p0 (xrf0)  }
0x1e1: {  	(v2sf) =	vpush @!p0 v12, $0xF  }
0x1e2: {  	[tilespmem:v7+s25+$0x0] =	vst.idx.msk $0xffff, v8;
	v8, _, _ =	vpop @!p0 (xrf0)  }
0x1e3: {  	v11 =	vld.idx.msk [tilespmem:v57+s17+$0x0], $0xffff;
	(v2sf) =	vpush @!p0 v8, $0xF;
	_ =	sdelay $0x4  }
0x1e4: {  	s18 =	simm.s32 $0x9500;
	[tilespmem:v7+s15+$0x0] =	vst.idx.msk $0xffff, v11  }
0x1e5: {  	v6 =	vld.idx.msk [tilespmem:v6+s18+$0x0], $0xffff;
	_ =	sdelay $0x3  }
0x1e6: {  	s22 =	simm.s32 $0x14500  }
0x1e7: {  	s28 =	simm.s32 $0xB500;
	[tilespmem:v54+s22+$0x0] =	vst.idx.msk $0xffff, v6  }
0x1e8: {  	v6 =	vld.idx.msk [tilespmem:v55+s28+$0x0], $0xffff  }
0x1e9: {  	s2 =	spop @!p0 (v2sf)  }
0x1ea: {  	s2 =	sshrl.u32 @!p0 s2, $0x7  }
0x1eb: {  	s2 =	smin.u32 @!p0 s2, $0x1E83;
	s10 =	spop @!p0 (v2sf)  }
0x1ec: {  	s29 =	simm.s32 $0x16500;
	s2 =	sshll.u32 @!p0 s2, $0x7;
	s10 =	sshrl.u32 @!p0 s10, $0x7  }
0x1ed: {  	s17 =	simm.s32 @!p0 $0x2500;
	s11 =	sadd.s32 @!p0 s20, s2;
	[tilespmem:v54+s29+$0x0] =	vst.idx.msk $0xffff, v6;
	s10 =	smin.u32 @!p0 s10, $0x1E83  }
0x1ee: {  	[tilespmem:s17], [sflag:$0x3] =	stream.strided.gather @!p0 [hbm4b:s11+s1], $0x1000, s6, s1, $0x38;
	[tilespmem:$0x18500] =	vst v63  }
0x1ef: {  	s10 =	sshll.u32 @!p0 s10, $0x7  }
0x1f0: {  	s17 =	simm.s32 @!p0 $0x6500;
	s11 =	sadd.s32 @!p0 s21, s10  }
0x1f1: {  	[tilespmem:s17], [sflag:$0x3] =	stream.strided.gather @!p0 [hbm4b:s11+s1], $0x1000, s6, s1, $0x38;
	[tilespmem:$0x18500] =	vst v63  }
0x1f2: {  	s2 =	sadd.s32 @!p0 s7, s2;
	s11 =	simm.s32 @!p0 $0x9500  }
0x1f3: {  	[tilespmem:s11], [sflag:$0x7] =	stream.strided.gather @!p0 [hbm4b:s2+s1], $0x800, s6, s1, $0x38;
	[tilespmem:$0x18500] =	vst v63  }
0x1f4: {  	s2 =	sadd.s32 @!p0 s13, s10;
	s10 =	simm.s32 @!p0 $0xB500  }
0x1f5: {  	[tilespmem:s10], [sflag:$0x7] =	stream.strided.gather @!p0 [hbm4b:s2+s1], $0x800, s6, s1, $0x38;
	[tilespmem:$0x18500] =	vst v63  }
0x1f6: {  	_ =	swait.ge [sflag:s16], $0x1000  }
0x1f7: {  	[sflag:s16] =	ssyncset.done $0x0  }
0x1f8: {  	[sflag:s16] =	ssyncadd.s32 $0xFFFFF000  }
0x1f9: {  	_ =	swait.ge [sflag:s16], $0x1000  }
0x1fa: {  	s1 =	ssub.s32 s4, s30;
	[sflag:s16] =	ssyncset.done $0x0  }
0x1fb: {  	p1 =	slt.s32 s1, $0x7F;
	[sflag:s16] =	ssyncadd.s32 $0xFFFFF000  }
0x1fc: {  	s1 =	simm.s32 @!p1 $0x7F;
	_ =	swait.ge [sflag:s23], $0x800  }
0x1fd: {  	v6 =	vadd.s32 s1, v0;
	[sflag:s23] =	ssyncset.done $0x0  }
0x1fe: {  	v7 =	vmov s31;
	[sflag:s23] =	ssyncadd.s32 $0xFFFFF800  }
0x1ff: {  	v58 =	vshll.u32 v7, $0x3;
	_ =	swait.ge [sflag:s23], $0x800  }
0x200: {  	s0 =	ssub.s32 s0, s3;
	v7 =	vand.u32 $0x7F, v7;
	v8 =	vand.u32 $0xC00, v58;
	[sflag:s23] =	ssyncset.done $0x0  }
0x201: {  	v7 =	vor.u32 v7, v8;
	s10 =	simm.s32 $0x3500;
	p1 =	slt.s32 s0, $0x7F;
	[sflag:s23] =	ssyncadd.s32 $0xFFFFF800  }
0x202: {  	v60 =	vor.u32 v1, v7;
	s0 =	simm.s32 @!p1 $0x7F;
	v59 =	vld.idx.msk [tilespmem:v6+s10+$0x0], $0xffff  }
0x203: {  	v61 =	vadd.s32 s0, v0;
	_ =	sdelay $0x3  }
0x204: {  	[tilespmem:v60+s25+$0x0] =	vst.idx.msk $0xffff, v59  }
0x205: {  	v8 =	vld.idx.msk [tilespmem:v61+s8+$0x0], $0xffff  }
0x206: {  	v62 =	vadd.s32 s1, v2;
	_ =	sdelay $0x3  }
0x207: {  	[tilespmem:v60+s15+$0x0] =	vst.idx.msk $0xffff, v8  }
0x208: {  	v7 =	vor.u32 v3, v7;
	v8 =	vld.idx.msk [tilespmem:v62+s10+$0x0], $0xffff  }
0x209: {  	v63 =	vadd.s32 s0, v2;
	_ =	sdelay $0x3  }
0x20a: {  	[tilespmem:v7+s25+$0x0] =	vst.idx.msk $0xffff, v8  }
0x20b: {  	v8 =	vld.idx.msk [tilespmem:v63+s8+$0x0], $0xffff;
	_ =	sdelay $0x4  }
0x20c: {  	s30 =	simm.s32 $0x9D00;
	[tilespmem:v7+s15+$0x0] =	vst.idx.msk $0xffff, v8  }
0x20d: {  	v6 =	vld.idx.msk [tilespmem:v6+s30+$0x0], $0xffff;
	_ =	sdelay $0x4  }
0x20e: {  	s24 =	simm.s32 $0xBD00;
	[tilespmem:v60+s22+$0x0] =	vst.idx.msk $0xffff, v6  }
0x20f: {  	v6 =	vld.idx.msk [tilespmem:v61+s24+$0x0], $0xffff  }
.Ltmp2:
0x210: {  	_ = 	snop;
	(pc) =	sbr.rel @p0 .LBB2_4-.Ltmp2, $4  }
0x211: {  	s3 =	simm.s32 $0x14500;
	s19 =	simm.s32 $0x6500  }
0x212: {  	s12 =	simm.s32 $0x2500;
	s14 =	simm.s32 $0x9500;
	s26 =	simm.s32 $0xB500  }
0x213: {  	s11 =	smov.u32 s13;
	s13 =	simm.s32 $0x9D00;
	s2 =	simm.s32 $0x10500  }
0x214: {  	s4 =	simm.s32 $0x16500;
	s1 =	simm.s32 $0xC500;
	s25 =	simm.s32 $0xBD00;
	[tilespmem:v60+s29+$0x0] =	vst.idx.msk $0xffff, v6  }
0x215: {  	v5 =	vsel vm8, $0x0, v5  }
0x216: {  	v4 =	vsel vm8, $0x0, v4;
	(xrf0) =	vadd.scan.msk.s32 $0xffff, v5  }
0x217: {  	(xrf0) =	vadd.scan.msk.s32 $0xffff, v4;
	_ =	sdelay $0x4  }
0x218: {  	v4, _, _ =	vpop (xrf0)  }
0x219: {  	(v2sf) =	vpush v4, $0xF;
	v4, _, _ =	vpop (xrf0)  }
0x21a: {  	(v2sf) =	vpush v4, $0xF;
	_ =	sdelay $0xd  }
0x21b: {  	s0 =	spop (v2sf)  }
0x21c: {  	s0 =	sshrl.u32 s0, $0x7;
	s1 =	spop (v2sf)  }
0x21d: {  	s0 =	smin.u32 s0, $0x1E83;
	s1 =	sshrl.u32 s1, $0x7  }
0x21e: {  	s0 =	sshll.u32 s0, $0x7;
	s1 =	smin.u32 s1, $0x1E83  }
0x21f: {  	s2 =	sadd.s32 s20, s0;
	s1 =	sshll.u32 s1, $0x7  }
0x220: {  	[tilespmem:s10], [sflag:$0x4] =	stream.strided.gather [hbm4b:s2+s5], $0x1000, s9, s5, $0x38;
	[tilespmem:$0x18500] =	vst v63  }
0x221: {  	s31 =	sadd.s32 $0x8, s31;
	s26 =	sadd.s32 s21, s1  }
0x222: {  	[tilespmem:s8], [sflag:$0x4] =	stream.strided.gather [hbm4b:s26+s5], $0x1000, s9, s5, $0x38;
	[tilespmem:$0x18500] =	vst v63  }
.Ltmp3:
0x223: {  	s29 =	rddreg [dreg:$0x11];
	s0 =	sadd.s32 s7, s0;
	(pc) =	sbr.rel .LBB2_2-.Ltmp3, $4  }
0x224: {  	[tilespmem:s13], [sflag:$0x8] =	stream.strided.gather [hbm4b:s0+s5], $0x800, s9, s5, $0x38;
	[tilespmem:$0x18500] =	vst v63  }
0x225: {  	s30 =	rddreg [dreg:$0x10];
	s16 =	simm.s32 $0x7A1400;
	s28 =	sadd.s32 s11, s1  }
0x226: {  	[tilespmem:s25], [sflag:$0x8] =	stream.strided.gather [hbm4b:s28+s5], $0x800, s9, s5, $0x38;
	[tilespmem:$0x18500] =	vst v63  }
0x227: {  	s22 =	simm.s32 $0x400;
	s0 =	sadd.s32 $0x8, s29;
	s9 =	sadd.s32 $0x8, s30  }
.LBB2_5:
0x228: {  	_ =	sfence.sel $0x180000  }
0x229: {  	[bflag:$0x0] =	sbarrier.arrive $0xFFFF  }
0x22a: {  	_ =	strace $0x90000047  }
0x22b: {  	s0 =	stileid.u32;
	[bflag:$0x2] =	sbarrier.arrive $0xFFFF  }
0x22c: {  	p0 =	sne.s32 s0, $0x0;
	s0 =	rddreg [dreg:$0x7]  }
0x22d: {  	s0 =	sadd.s32 @!p0 $0x100000, s0  }
0x22e: {  	[sflag:s0] =	ssyncadd.tile.s32 @!p0 $0x1;
	_ =	shalt  }
.Lfunc_end2:
_tile_overlayer_lowered:
.L_overlay_start_2:
0x22f: {  	(tag) =	ssettag $0x2  }
0x230: {  	s0 =	rddreg [dreg:$0x0];
	s2 =	stileid.u32  }
0x231: {  	s1 =	rddreg [dreg:$0x1];
	p0 =	sne.s32 s2, $0x0  }
0x232: {  	s3 =	rddreg [dreg:$0x2];
	[bflag:$0x3] =	sbarrier.arrive $0xFFFF;
	s2 =	simm.s32 @!p0 $0x1C0A  }
0x233: {  	[timem:s3], [sflag:s2] =	dma.local @!p0 [hbm:s0], s1  }
0x234: {  	s0 =	simm.s32 @!p0 $0xA  }
0x235: {  	_ =	swait.ge @!p0 [sflag:s0], s1  }
0x236: {  	s1 =	ssub.s32 @!p0 $0x0, s1;
	[sflag:s0] =	ssyncset.done @!p0 $0x0  }
0x237: {  	[sflag:s0] =	ssyncadd.s32 @!p0 s1  }
0x238: {  	[bflag:$0x3] =	sbarrier.arrive $0xFFFF  }
0x239: {  	_ =	shalt  }

</sc_bundles>
